<compile_context>
chip_gen: v7x
topology: tpu7x:2x2x1
jax: 0.10.2.dev20260603
libtpu: 0.0.44.dev20260713+nightly
codegen_flags: <defaults>
</compile_context>

<pallas_src>
import functools
import jax
import jax.numpy as jnp
from jax import lax
from jax.experimental import pallas as pl
from jax.experimental.pallas import tpu as pltpu
from jax.experimental.pallas import tpu_sc as plsc

H = 768
NC, NS = 2, 16
NW = NC * NS
K = 32
NBUF = 4
EPS = 1e-12


def _sc_gather_body(ntok, ids_hbm, word_hbm, out_hbm, bufs, idxall, gsem,
                    osem):
    wid = lax.axis_index("c") * NS + lax.axis_index("s")
    tok0 = wid * ntok
    nchunk = ntok // K

    pltpu.sync_copy(ids_hbm.at[pl.ds(tok0, ntok)], idxall)

    def issue_gather(c, s):
        pltpu.async_copy(word_hbm.at[idxall.at[pl.ds(c * K, K)]], bufs.at[s],
                         gsem.at[s])

    def wait_gather(s):
        pltpu.make_async_copy(word_hbm.at[pl.ds(0, K)], bufs.at[s],
                              gsem.at[s]).wait()

    def wait_out(s):
        pltpu.make_async_copy(bufs.at[s], out_hbm.at[pl.ds(0, K)],
                              osem.at[s]).wait()

    issue_gather(0, 0)
    issue_gather(1, 1)

    ngroup = nchunk // NBUF

    def group_body(g, carry):
        for k in range(NBUF):
            c = g * NBUF + k
            if k < 2:
                s2 = k + 2

                @pl.when(g > 0)
                def _():
                    wait_out(s2)

                issue_gather(c + 2, s2)
            else:
                s2 = k - 2

                @pl.when(g < ngroup - 1)
                def _():
                    wait_out(s2)
                    issue_gather(c + 2, s2)

            wait_gather(k)
            pltpu.async_copy(bufs.at[k], out_hbm.at[pl.ds(tok0 + c * K, K)],
                             osem.at[k])
        return carry

    lax.fori_loop(0, ngroup, group_body, 0, unroll=False)

    for s in range(NBUF):
        wait_out(s)


def _sc_gather(ids, word_emb):
    n = ids.shape[0]
    ntok = n // NW
    mesh = plsc.VectorSubcoreMesh(core_axis_name="c", subcore_axis_name="s",
                                  num_cores=NC, num_subcores=NS)
    return pl.kernel(
        functools.partial(_sc_gather_body, ntok),
        out_type=jax.ShapeDtypeStruct((n, H), jnp.float32),
        mesh=mesh,
        compiler_params=pltpu.CompilerParams(needs_layout_passes=False,
                                             use_tc_tiling_on_sc=False),
        scratch_types=[
            pltpu.VMEM((NBUF, K, H), jnp.float32),
            pltpu.VMEM((ntok,), jnp.int32),
            pltpu.SemaphoreType.DMA((NBUF,)),
            pltpu.SemaphoreType.DMA((NBUF,)),
        ],
    )(ids, word_emb)


def _tc_ln_body(g_ref, tt_ref, pos_ref, td_ref, w_ref, b_ref, o_ref):
    x = (g_ref[...] + pos_ref[...][None, :, :]
         + tt_ref[...] * td_ref[...][None, :, :])
    mu = jnp.mean(x, axis=-1, keepdims=True)
    xc = x - mu
    var = jnp.mean(xc * xc, axis=-1, keepdims=True)
    y = (xc * lax.rsqrt(var + EPS) * w_ref[...][None, :, :]
         + b_ref[...][None, :, :])
    o_ref[...] = y


def _tc_ln_piece(prev, gath, ttf, pos2, td, lnw, lnb, b, s, piece, npiece):
    bp = b // npiece
    bb = 4
    pblk = piece * (bp // bb)
    g3 = gath.reshape(bp, s, H)
    args = [g3, ttf, pos2, td, lnw, lnb]
    in_specs = [
        pl.BlockSpec((bb, s, H), lambda i: (i, 0, 0)),
        pl.BlockSpec((bb, s, 1), lambda i: (i, 0, 0)),
        pl.BlockSpec((s, H), lambda i: (0, 0)),
        pl.BlockSpec((1, H), lambda i: (0, 0)),
        pl.BlockSpec((1, H), lambda i: (0, 0)),
        pl.BlockSpec((1, H), lambda i: (0, 0)),
    ]
    kwargs = {}
    body = _tc_ln_body
    if prev is not None:
        args = [prev] + args
        in_specs = [pl.BlockSpec(memory_space=pl.ANY)] + in_specs
        kwargs['input_output_aliases'] = {0: 0}
        body = lambda p_ref, *refs: _tc_ln_body(*refs)
    return pl.pallas_call(
        body,
        grid=(bp // bb,),
        in_specs=in_specs,
        out_specs=pl.BlockSpec((bb, s, H), lambda i: (i + pblk, 0, 0)),
        out_shape=jax.ShapeDtypeStruct((b, s, H), jnp.float32),
        **kwargs,
    )(*args)


def kernel(input_ids, token_type_ids, word_emb, pos_emb, type_emb, ln_w, ln_b):
    b, s = input_ids.shape
    assert word_emb.shape[1] == H
    npiece = 4
    bp = b // npiece
    ids = input_ids.reshape(-1).astype(jnp.int32)
    ttf = token_type_ids.astype(jnp.float32).reshape(b, s, 1)
    pos2 = pos_emb + type_emb[0][None, :]
    td = (type_emb[1] - type_emb[0]).reshape(1, H)
    lnw = ln_w.reshape(1, H)
    lnb = ln_b.reshape(1, H)
    gaths = [_sc_gather(ids[i * bp * s:(i + 1) * bp * s], word_emb)
             for i in range(npiece)]
    out = None
    for i in range(npiece):
        out = _tc_ln_piece(out, gaths[i], ttf[i * bp:(i + 1) * bp], pos2, td,
                           lnw, lnb, b, s, i, npiece)
    return out

# --- scband reference (transcript-rebuilt; emitter-appended) ---
"""Pipeline reference for scband-bert-embeddings-70050916597787 (READ-ONLY COPY).

The authoritative reference and input builder live on the scoring server;
editing this copy changes nothing except your own understanding.
"""

import jax, jax.numpy as jnp
import numpy as np

B, S, V, H, P, T = 128, 512, 30522, 768, 512, 2
EPS = 1e-12

def setup_inputs(seed: int = 0) -> dict:
    key = jax.random.key(seed)
    k1, k2, k3, k4, k5 = jax.random.split(key, 5)
    input_ids = jax.random.randint(k1, (B, S), 0, V)
    token_type_ids = jax.random.randint(k2, (B, S), 0, T)
    word_emb = jax.random.normal(k3, (V, H), dtype=jnp.float32) * 0.02
    word_emb = word_emb.at[0].set(0.0)  # padding_idx=0
    pos_emb = jax.random.normal(k4, (P, H), dtype=jnp.float32) * 0.02
    type_emb = jax.random.normal(k5, (T, H), dtype=jnp.float32) * 0.02
    ln_w = jnp.ones((H,), dtype=jnp.float32)
    ln_b = jnp.zeros((H,), dtype=jnp.float32)
    return {
        'input_ids': input_ids,
        'token_type_ids': token_type_ids,
        'word_emb': word_emb,
        'pos_emb': pos_emb,
        'type_emb': type_emb,
        'ln_w': ln_w,
        'ln_b': ln_b,
    }

def reference(input_ids, token_type_ids, word_emb, pos_emb, type_emb, ln_w, ln_b):
    seq_len = input_ids.shape[1]
    # padding_idx=0: row 0 of the word table is forced to zero
    we = word_emb.at[0].set(0.0)
    position_ids = jnp.arange(seq_len)[None, :]
    inputs_embeds = jnp.take(we, input_ids, axis=0)
    position_embeds = jnp.take(pos_emb, position_ids, axis=0)
    token_type_embeds = jnp.take(type_emb, token_type_ids, axis=0)
    embeddings = inputs_embeds + position_embeds + token_type_embeds
    mu = jnp.mean(embeddings, axis=-1, keepdims=True)
    var = jnp.mean((embeddings - mu) ** 2, axis=-1, keepdims=True)
    embeddings = (embeddings - mu) / jnp.sqrt(var + EPS)
    embeddings = embeddings * ln_w + ln_b
    # dropout is identity in eval mode
    return embeddings

if __name__ == "__main__":
    import jax
    _d = setup_inputs()
    print(jax.jit(kernel)(*tuple(_d.values())))

</pallas_src>

<mosaic_0001>
#map = affine_map<(d0, d1) -> (0)>
#map1 = affine_map<(d0, d1) -> (0, 0)>
module attributes {stable_mosaic.version = 14 : i64} {
  func.func @_sc_gather_body(%arg0: i32, %arg1: i32, %arg2: memref<16384xi32, #tpu.memory_space<hbm>>, %arg3: memref<30522x768xf32, #tpu.memory_space<hbm>>, %arg4: memref<16384x768xf32, #tpu.memory_space<hbm>>, %arg5: memref<4x32x768xf32, #tpu.memory_space<vmem>>, %arg6: memref<512xi32, #tpu.memory_space<vmem>>, %arg7: memref<4x!tpu.dma_semaphore, #tpu.memory_space<semaphore_mem>>, %arg8: memref<4x!tpu.dma_semaphore, #tpu.memory_space<semaphore_mem>>) attributes {dimension_semantics = [#tpu.dimension_semantics<core_parallel>, #tpu.dimension_semantics<subcore_parallel>], iteration_bounds = array<i64: 2, 16>, scalar_prefetch = 0 : i64, scratch_operands = 4 : i64, tpu.core_type = #tpu.core_type<sc_vector_subcore>, window_params = [{transform_indices = #map}, {transform_indices = #map1}, {transform_indices = #map1}]} {
    %mul3A = arith.constant 16 : i32
    %mul3A_0 = arith.muli %arg0, %mul3A : i32
    %add3A = arith.addi %mul3A_0, %arg1 : i32
    %mul3A_1 = arith.constant 512 : i32
    %mul3A_2 = arith.muli %add3A, %mul3A_1 : i32
    "tpu.region"() ({
      %run_scoped3A = tpu.sem_alloc : memref<!tpu.dma_semaphore, #tpu.memory_space<semaphore_mem>>
      %dma_start3A_104 = tpu.memref_slice %arg2[%mul3A_2] : memref<16384xi32, #tpu.memory_space<hbm>> -> memref<512xi32, #tpu.memory_space<hbm>>
      %dma_start3A_105 = tpu.memref_slice %arg2[%mul3A_2] : memref<16384xi32, #tpu.memory_space<hbm>> -> memref<512xi32, #tpu.memory_space<hbm>>
      tpu.enqueue_dma source(%dma_start3A_105 : memref<512xi32, #tpu.memory_space<hbm>>) target(%arg6 : memref<512xi32, #tpu.memory_space<vmem>>) target_semaphore(%run_scoped3A : memref<!tpu.dma_semaphore, #tpu.memory_space<semaphore_mem>>)
      %dma_wait3A_106 = tpu.memref_slice %arg2[%mul3A_2] : memref<16384xi32, #tpu.memory_space<hbm>> -> memref<512xi32, #tpu.memory_space<hbm>>
      %dma_wait3A_107 = tpu.memref_slice %arg2[%mul3A_2] : memref<16384xi32, #tpu.memory_space<hbm>> -> memref<512xi32, #tpu.memory_space<hbm>>
      tpu.wait_dma2 semaphore(%run_scoped3A : memref<!tpu.dma_semaphore, #tpu.memory_space<semaphore_mem>>) src(%dma_wait3A_107 : memref<512xi32, #tpu.memory_space<hbm>>) dst(%arg6 : memref<512xi32, #tpu.memory_space<vmem>>)
      tpu.yield
    }) : () -> ()
    %dma_start3A = arith.constant 0 : i32
    %dma_start3A_3 = arith.constant 0 : i32
    %dma_start3A_4 = arith.constant 0 : i32
    %dma_start3A_5 = arith.constant 0 : i32
    %dma_start3A_6 = tpu.memref_slice %arg5[%dma_start3A, %dma_start3A_4, %dma_start3A_5] : memref<4x32x768xf32, #tpu.memory_space<vmem>> -> memref<1x32x768xf32, #tpu.memory_space<vmem>>
    %dma_start3A_7 = tpu.memref_squeeze %dma_start3A_6 : memref<1x32x768xf32, #tpu.memory_space<vmem>> -> memref<32x768xf32, #tpu.memory_space<vmem>>
    %dma_start3A_8 = arith.constant 0 : i32
    %dma_start3A_9 = tpu.memref_slice %arg6[%dma_start3A_8] : memref<512xi32, #tpu.memory_space<vmem>> -> memref<32xi32, #tpu.memory_space<vmem>>
    %dma_start3A_10 = arith.constant 0 : i32
    %dma_start3A_11 = arith.constant 0 : i32
    %dma_start3A_12 = tpu.memref_slice %arg3[%dma_start3A_10, %dma_start3A_11] : memref<30522x768xf32, #tpu.memory_space<hbm>> -> memref<30522x768xf32, #tpu.memory_space<hbm>>
    %dma_start3A_13 = tpu.memref_slice %arg7[%dma_start3A_3] : memref<4x!tpu.dma_semaphore, #tpu.memory_space<semaphore_mem>> -> memref<1x!tpu.dma_semaphore, #tpu.memory_space<semaphore_mem>>
    %dma_start3A_14 = tpu.memref_squeeze %dma_start3A_13 : memref<1x!tpu.dma_semaphore, #tpu.memory_space<semaphore_mem>> -> memref<!tpu.dma_semaphore, #tpu.memory_space<semaphore_mem>>
    tpu.enqueue_indirect_dma source(%dma_start3A_12 : memref<30522x768xf32, #tpu.memory_space<hbm>>) target(%dma_start3A_7 : memref<32x768xf32, #tpu.memory_space<vmem>>) offsets(%dma_start3A_9 : memref<32xi32, #tpu.memory_space<vmem>>) semaphore(%dma_start3A_14 : memref<!tpu.dma_semaphore, #tpu.memory_space<semaphore_mem>>)
    %dma_start3A_15 = arith.constant 1 : i32
    %dma_start3A_16 = arith.constant 1 : i32
    %dma_start3A_17 = arith.constant 0 : i32
    %dma_start3A_18 = arith.constant 0 : i32
    %dma_start3A_19 = tpu.memref_slice %arg5[%dma_start3A_15, %dma_start3A_17, %dma_start3A_18] : memref<4x32x768xf32, #tpu.memory_space<vmem>> -> memref<1x32x768xf32, #tpu.memory_space<vmem>>
    %dma_start3A_20 = tpu.memref_squeeze %dma_start3A_19 : memref<1x32x768xf32, #tpu.memory_space<vmem>> -> memref<32x768xf32, #tpu.memory_space<vmem>>
    %dma_start3A_21 = arith.constant 32 : i32
    %dma_start3A_22 = tpu.memref_slice %arg6[%dma_start3A_21] : memref<512xi32, #tpu.memory_space<vmem>> -> memref<32xi32, #tpu.memory_space<vmem>>
    %dma_start3A_23 = arith.constant 0 : i32
    %dma_start3A_24 = arith.constant 0 : i32
    %dma_start3A_25 = tpu.memref_slice %arg3[%dma_start3A_23, %dma_start3A_24] : memref<30522x768xf32, #tpu.memory_space<hbm>> -> memref<30522x768xf32, #tpu.memory_space<hbm>>
    %dma_start3A_26 = tpu.memref_slice %arg7[%dma_start3A_16] : memref<4x!tpu.dma_semaphore, #tpu.memory_space<semaphore_mem>> -> memref<1x!tpu.dma_semaphore, #tpu.memory_space<semaphore_mem>>
    %dma_start3A_27 = tpu.memref_squeeze %dma_start3A_26 : memref<1x!tpu.dma_semaphore, #tpu.memory_space<semaphore_mem>> -> memref<!tpu.dma_semaphore, #tpu.memory_space<semaphore_mem>>
    tpu.enqueue_indirect_dma source(%dma_start3A_25 : memref<30522x768xf32, #tpu.memory_space<hbm>>) target(%dma_start3A_20 : memref<32x768xf32, #tpu.memory_space<vmem>>) offsets(%dma_start3A_22 : memref<32xi32, #tpu.memory_space<vmem>>) semaphore(%dma_start3A_27 : memref<!tpu.dma_semaphore, #tpu.memory_space<semaphore_mem>>)
    %scan3A = arith.constant 0 : i32
    %scan3A_28 = arith.constant 0 : i32
    %scan3A_29 = arith.constant 4 : i32
    %scan3A_30 = arith.addi %scan3A_28, %scan3A_29 : i32
    %scan3A_31 = arith.constant 1 : i32
    scf.for %scan3A_104 = %scan3A_28 to %scan3A_30 step %scan3A_31  : i32 {
      %mul3A_105 = arith.constant 4 : i32
      %mul3A_106 = arith.muli %scan3A_104, %mul3A_105 : i32
      %add3A_107 = arith.constant 0 : i32
      %add3A_108 = arith.addi %mul3A_106, %add3A_107 : i32
      %gt3A = arith.constant 0 : i32
      %gt3A_109 = arith.cmpi sgt, %scan3A_104, %gt3A : i32
      %convert_element_type3A = arith.extui %gt3A_109 : i1 to i32
      %cond3A = arith.constant 0 : i32
      %cond3A_110 = arith.cmpi ne, %convert_element_type3A, %cond3A : i32
      scf.if %cond3A_110 {
        %dma_wait3A_317 = arith.constant 2 : i32
        %dma_wait3A_318 = arith.constant 2 : i32
        %dma_wait3A_319 = arith.constant 0 : i32
        %dma_wait3A_320 = arith.constant 0 : i32
        %dma_wait3A_321 = tpu.memref_slice %arg5[%dma_wait3A_317, %dma_wait3A_319, %dma_wait3A_320] : memref<4x32x768xf32, #tpu.memory_space<vmem>> -> memref<1x32x768xf32, #tpu.memory_space<vmem>>
        %dma_wait3A_322 = tpu.memref_squeeze %dma_wait3A_321 : memref<1x32x768xf32, #tpu.memory_space<vmem>> -> memref<32x768xf32, #tpu.memory_space<vmem>>
        %dma_wait3A_323 = arith.constant 0 : i32
        %dma_wait3A_324 = arith.constant 0 : i32
        %dma_wait3A_325 = tpu.memref_slice %arg4[%dma_wait3A_323, %dma_wait3A_324] : memref<16384x768xf32, #tpu.memory_space<hbm>> -> memref<32x768xf32, #tpu.memory_space<hbm>>
        %dma_wait3A_326 = tpu.memref_slice %arg8[%dma_wait3A_318] : memref<4x!tpu.dma_semaphore, #tpu.memory_space<semaphore_mem>> -> memref<1x!tpu.dma_semaphore, #tpu.memory_space<semaphore_mem>>
        %dma_wait3A_327 = tpu.memref_squeeze %dma_wait3A_326 : memref<1x!tpu.dma_semaphore, #tpu.memory_space<semaphore_mem>> -> memref<!tpu.dma_semaphore, #tpu.memory_space<semaphore_mem>>
        %dma_wait3A_328 = arith.constant 0 : i32
        %dma_wait3A_329 = arith.constant 0 : i32
        %dma_wait3A_330 = tpu.memref_slice %arg4[%dma_wait3A_328, %dma_wait3A_329] : memref<16384x768xf32, #tpu.memory_space<hbm>> -> memref<32x768xf32, #tpu.memory_space<hbm>>
        %dma_wait3A_331 = arith.constant 0 : i32
        %dma_wait3A_332 = arith.constant 0 : i32
        %dma_wait3A_333 = tpu.memref_slice %arg5[%dma_wait3A_317, %dma_wait3A_331, %dma_wait3A_332] : memref<4x32x768xf32, #tpu.memory_space<vmem>> -> memref<1x32x768xf32, #tpu.memory_space<vmem>>
        %dma_wait3A_334 = tpu.memref_squeeze %dma_wait3A_333 : memref<1x32x768xf32, #tpu.memory_space<vmem>> -> memref<32x768xf32, #tpu.memory_space<vmem>>
        tpu.wait_dma2 semaphore(%dma_wait3A_327 : memref<!tpu.dma_semaphore, #tpu.memory_space<semaphore_mem>>) src(%dma_wait3A_334 : memref<32x768xf32, #tpu.memory_space<vmem>>) dst(%dma_wait3A_330 : memref<32x768xf32, #tpu.memory_space<hbm>>)
      } else {
      }
      %add3A_111 = arith.constant 2 : i32
      %add3A_112 = arith.addi %add3A_108, %add3A_111 : i32
      %mul3A_113 = arith.constant 32 : i32
      %mul3A_114 = arith.muli %add3A_112, %mul3A_113 : i32
      %dma_start3A_115 = arith.constant 2 : i32
      %dma_start3A_116 = arith.constant 2 : i32
      %dma_start3A_117 = arith.constant 0 : i32
      %dma_start3A_118 = arith.constant 0 : i32
      %dma_start3A_119 = tpu.memref_slice %arg5[%dma_start3A_115, %dma_start3A_117, %dma_start3A_118] : memref<4x32x768xf32, #tpu.memory_space<vmem>> -> memref<1x32x768xf32, #tpu.memory_space<vmem>>
      %dma_start3A_120 = tpu.memref_squeeze %dma_start3A_119 : memref<1x32x768xf32, #tpu.memory_space<vmem>> -> memref<32x768xf32, #tpu.memory_space<vmem>>
      %dma_start3A_121 = tpu.memref_slice %arg6[%mul3A_114] : memref<512xi32, #tpu.memory_space<vmem>> -> memref<32xi32, #tpu.memory_space<vmem>>
      %dma_start3A_122 = arith.constant 0 : i32
      %dma_start3A_123 = arith.constant 0 : i32
      %dma_start3A_124 = tpu.memref_slice %arg3[%dma_start3A_122, %dma_start3A_123] : memref<30522x768xf32, #tpu.memory_space<hbm>> -> memref<30522x768xf32, #tpu.memory_space<hbm>>
      %dma_start3A_125 = tpu.memref_slice %arg7[%dma_start3A_116] : memref<4x!tpu.dma_semaphore, #tpu.memory_space<semaphore_mem>> -> memref<1x!tpu.dma_semaphore, #tpu.memory_space<semaphore_mem>>
      %dma_start3A_126 = tpu.memref_squeeze %dma_start3A_125 : memref<1x!tpu.dma_semaphore, #tpu.memory_space<semaphore_mem>> -> memref<!tpu.dma_semaphore, #tpu.memory_space<semaphore_mem>>
      tpu.enqueue_indirect_dma source(%dma_start3A_124 : memref<30522x768xf32, #tpu.memory_space<hbm>>) target(%dma_start3A_120 : memref<32x768xf32, #tpu.memory_space<vmem>>) offsets(%dma_start3A_121 : memref<32xi32, #tpu.memory_space<vmem>>) semaphore(%dma_start3A_126 : memref<!tpu.dma_semaphore, #tpu.memory_space<semaphore_mem>>)
      %dma_wait3A_127 = arith.constant 0 : i32
      %dma_wait3A_128 = arith.constant 0 : i32
      %dma_wait3A_129 = arith.constant 0 : i32
      %dma_wait3A_130 = arith.constant 0 : i32
      %dma_wait3A_131 = tpu.memref_slice %arg5[%dma_wait3A_127, %dma_wait3A_129, %dma_wait3A_130] : memref<4x32x768xf32, #tpu.memory_space<vmem>> -> memref<1x32x768xf32, #tpu.memory_space<vmem>>
      %dma_wait3A_132 = tpu.memref_squeeze %dma_wait3A_131 : memref<1x32x768xf32, #tpu.memory_space<vmem>> -> memref<32x768xf32, #tpu.memory_space<vmem>>
      %dma_wait3A_133 = arith.constant 0 : i32
      %dma_wait3A_134 = arith.constant 0 : i32
      %dma_wait3A_135 = tpu.memref_slice %arg3[%dma_wait3A_133, %dma_wait3A_134] : memref<30522x768xf32, #tpu.memory_space<hbm>> -> memref<32x768xf32, #tpu.memory_space<hbm>>
      %dma_wait3A_136 = tpu.memref_slice %arg7[%dma_wait3A_128] : memref<4x!tpu.dma_semaphore, #tpu.memory_space<semaphore_mem>> -> memref<1x!tpu.dma_semaphore, #tpu.memory_space<semaphore_mem>>
      %dma_wait3A_137 = tpu.memref_squeeze %dma_wait3A_136 : memref<1x!tpu.dma_semaphore, #tpu.memory_space<semaphore_mem>> -> memref<!tpu.dma_semaphore, #tpu.memory_space<semaphore_mem>>
      %dma_wait3A_138 = arith.constant 0 : i32
      %dma_wait3A_139 = arith.constant 0 : i32
      %dma_wait3A_140 = tpu.memref_slice %arg5[%dma_wait3A_127, %dma_wait3A_138, %dma_wait3A_139] : memref<4x32x768xf32, #tpu.memory_space<vmem>> -> memref<1x32x768xf32, #tpu.memory_space<vmem>>
      %dma_wait3A_141 = tpu.memref_squeeze %dma_wait3A_140 : memref<1x32x768xf32, #tpu.memory_space<vmem>> -> memref<32x768xf32, #tpu.memory_space<vmem>>
      %dma_wait3A_142 = arith.constant 0 : i32
      %dma_wait3A_143 = arith.constant 0 : i32
      %dma_wait3A_144 = tpu.memref_slice %arg3[%dma_wait3A_142, %dma_wait3A_143] : memref<30522x768xf32, #tpu.memory_space<hbm>> -> memref<32x768xf32, #tpu.memory_space<hbm>>
      tpu.wait_dma2 semaphore(%dma_wait3A_137 : memref<!tpu.dma_semaphore, #tpu.memory_space<semaphore_mem>>) src(%dma_wait3A_144 : memref<32x768xf32, #tpu.memory_space<hbm>>) dst(%dma_wait3A_141 : memref<32x768xf32, #tpu.memory_space<vmem>>)
      %mul3A_145 = arith.constant 32 : i32
      %mul3A_146 = arith.muli %add3A_108, %mul3A_145 : i32
      %add3A_147 = arith.addi %mul3A_2, %mul3A_146 : i32
      %dma_start3A_148 = arith.constant 0 : i32
      %dma_start3A_149 = arith.constant 0 : i32
      %dma_start3A_150 = arith.constant 0 : i32
      %dma_start3A_151 = arith.constant 0 : i32
      %dma_start3A_152 = tpu.memref_slice %arg5[%dma_start3A_148, %dma_start3A_150, %dma_start3A_151] : memref<4x32x768xf32, #tpu.memory_space<vmem>> -> memref<1x32x768xf32, #tpu.memory_space<vmem>>
      %dma_start3A_153 = tpu.memref_squeeze %dma_start3A_152 : memref<1x32x768xf32, #tpu.memory_space<vmem>> -> memref<32x768xf32, #tpu.memory_space<vmem>>
      %dma_start3A_154 = arith.constant 0 : i32
      %dma_start3A_155 = tpu.memref_slice %arg4[%add3A_147, %dma_start3A_154] : memref<16384x768xf32, #tpu.memory_space<hbm>> -> memref<32x768xf32, #tpu.memory_space<hbm>>
      %dma_start3A_156 = tpu.memref_slice %arg8[%dma_start3A_149] : memref<4x!tpu.dma_semaphore, #tpu.memory_space<semaphore_mem>> -> memref<1x!tpu.dma_semaphore, #tpu.memory_space<semaphore_mem>>
      %dma_start3A_157 = tpu.memref_squeeze %dma_start3A_156 : memref<1x!tpu.dma_semaphore, #tpu.memory_space<semaphore_mem>> -> memref<!tpu.dma_semaphore, #tpu.memory_space<semaphore_mem>>
      %dma_start3A_158 = arith.constant 0 : i32
      %dma_start3A_159 = tpu.memref_slice %arg4[%add3A_147, %dma_start3A_158] : memref<16384x768xf32, #tpu.memory_space<hbm>> -> memref<32x768xf32, #tpu.memory_space<hbm>>
      %dma_start3A_160 = arith.constant 0 : i32
      %dma_start3A_161 = arith.constant 0 : i32
      %dma_start3A_162 = tpu.memref_slice %arg5[%dma_start3A_148, %dma_start3A_160, %dma_start3A_161] : memref<4x32x768xf32, #tpu.memory_space<vmem>> -> memref<1x32x768xf32, #tpu.memory_space<vmem>>
      %dma_start3A_163 = tpu.memref_squeeze %dma_start3A_162 : memref<1x32x768xf32, #tpu.memory_space<vmem>> -> memref<32x768xf32, #tpu.memory_space<vmem>>
      tpu.enqueue_dma source(%dma_start3A_163 : memref<32x768xf32, #tpu.memory_space<vmem>>) target(%dma_start3A_159 : memref<32x768xf32, #tpu.memory_space<hbm>>) target_semaphore(%dma_start3A_157 : memref<!tpu.dma_semaphore, #tpu.memory_space<semaphore_mem>>)
      %mul3A_164 = arith.constant 4 : i32
      %mul3A_165 = arith.muli %scan3A_104, %mul3A_164 : i32
      %add3A_166 = arith.constant 1 : i32
      %add3A_167 = arith.addi %mul3A_165, %add3A_166 : i32
      %gt3A_168 = arith.constant 0 : i32
      %gt3A_169 = arith.cmpi sgt, %scan3A_104, %gt3A_168 : i32
      %convert_element_type3A_170 = arith.extui %gt3A_169 : i1 to i32
      %cond3A_171 = arith.constant 0 : i32
      %cond3A_172 = arith.cmpi ne, %convert_element_type3A_170, %cond3A_171 : i32
      scf.if %cond3A_172 {
        %dma_wait3A_317 = arith.constant 3 : i32
        %dma_wait3A_318 = arith.constant 3 : i32
        %dma_wait3A_319 = arith.constant 0 : i32
        %dma_wait3A_320 = arith.constant 0 : i32
        %dma_wait3A_321 = tpu.memref_slice %arg5[%dma_wait3A_317, %dma_wait3A_319, %dma_wait3A_320] : memref<4x32x768xf32, #tpu.memory_space<vmem>> -> memref<1x32x768xf32, #tpu.memory_space<vmem>>
        %dma_wait3A_322 = tpu.memref_squeeze %dma_wait3A_321 : memref<1x32x768xf32, #tpu.memory_space<vmem>> -> memref<32x768xf32, #tpu.memory_space<vmem>>
        %dma_wait3A_323 = arith.constant 0 : i32
        %dma_wait3A_324 = arith.constant 0 : i32
        %dma_wait3A_325 = tpu.memref_slice %arg4[%dma_wait3A_323, %dma_wait3A_324] : memref<16384x768xf32, #tpu.memory_space<hbm>> -> memref<32x768xf32, #tpu.memory_space<hbm>>
        %dma_wait3A_326 = tpu.memref_slice %arg8[%dma_wait3A_318] : memref<4x!tpu.dma_semaphore, #tpu.memory_space<semaphore_mem>> -> memref<1x!tpu.dma_semaphore, #tpu.memory_space<semaphore_mem>>
        %dma_wait3A_327 = tpu.memref_squeeze %dma_wait3A_326 : memref<1x!tpu.dma_semaphore, #tpu.memory_space<semaphore_mem>> -> memref<!tpu.dma_semaphore, #tpu.memory_space<semaphore_mem>>
        %dma_wait3A_328 = arith.constant 0 : i32
        %dma_wait3A_329 = arith.constant 0 : i32
        %dma_wait3A_330 = tpu.memref_slice %arg4[%dma_wait3A_328, %dma_wait3A_329] : memref<16384x768xf32, #tpu.memory_space<hbm>> -> memref<32x768xf32, #tpu.memory_space<hbm>>
        %dma_wait3A_331 = arith.constant 0 : i32
        %dma_wait3A_332 = arith.constant 0 : i32
        %dma_wait3A_333 = tpu.memref_slice %arg5[%dma_wait3A_317, %dma_wait3A_331, %dma_wait3A_332] : memref<4x32x768xf32, #tpu.memory_space<vmem>> -> memref<1x32x768xf32, #tpu.memory_space<vmem>>
        %dma_wait3A_334 = tpu.memref_squeeze %dma_wait3A_333 : memref<1x32x768xf32, #tpu.memory_space<vmem>> -> memref<32x768xf32, #tpu.memory_space<vmem>>
        tpu.wait_dma2 semaphore(%dma_wait3A_327 : memref<!tpu.dma_semaphore, #tpu.memory_space<semaphore_mem>>) src(%dma_wait3A_334 : memref<32x768xf32, #tpu.memory_space<vmem>>) dst(%dma_wait3A_330 : memref<32x768xf32, #tpu.memory_space<hbm>>)
      } else {
      }
      %add3A_173 = arith.constant 2 : i32
      %add3A_174 = arith.addi %add3A_167, %add3A_173 : i32
      %mul3A_175 = arith.constant 32 : i32
      %mul3A_176 = arith.muli %add3A_174, %mul3A_175 : i32
      %dma_start3A_177 = arith.constant 3 : i32
      %dma_start3A_178 = arith.constant 3 : i32
      %dma_start3A_179 = arith.constant 0 : i32
      %dma_start3A_180 = arith.constant 0 : i32
      %dma_start3A_181 = tpu.memref_slice %arg5[%dma_start3A_177, %dma_start3A_179, %dma_start3A_180] : memref<4x32x768xf32, #tpu.memory_space<vmem>> -> memref<1x32x768xf32, #tpu.memory_space<vmem>>
      %dma_start3A_182 = tpu.memref_squeeze %dma_start3A_181 : memref<1x32x768xf32, #tpu.memory_space<vmem>> -> memref<32x768xf32, #tpu.memory_space<vmem>>
      %dma_start3A_183 = tpu.memref_slice %arg6[%mul3A_176] : memref<512xi32, #tpu.memory_space<vmem>> -> memref<32xi32, #tpu.memory_space<vmem>>
      %dma_start3A_184 = arith.constant 0 : i32
      %dma_start3A_185 = arith.constant 0 : i32
      %dma_start3A_186 = tpu.memref_slice %arg3[%dma_start3A_184, %dma_start3A_185] : memref<30522x768xf32, #tpu.memory_space<hbm>> -> memref<30522x768xf32, #tpu.memory_space<hbm>>
      %dma_start3A_187 = tpu.memref_slice %arg7[%dma_start3A_178] : memref<4x!tpu.dma_semaphore, #tpu.memory_space<semaphore_mem>> -> memref<1x!tpu.dma_semaphore, #tpu.memory_space<semaphore_mem>>
      %dma_start3A_188 = tpu.memref_squeeze %dma_start3A_187 : memref<1x!tpu.dma_semaphore, #tpu.memory_space<semaphore_mem>> -> memref<!tpu.dma_semaphore, #tpu.memory_space<semaphore_mem>>
      tpu.enqueue_indirect_dma source(%dma_start3A_186 : memref<30522x768xf32, #tpu.memory_space<hbm>>) target(%dma_start3A_182 : memref<32x768xf32, #tpu.memory_space<vmem>>) offsets(%dma_start3A_183 : memref<32xi32, #tpu.memory_space<vmem>>) semaphore(%dma_start3A_188 : memref<!tpu.dma_semaphore, #tpu.memory_space<semaphore_mem>>)
      %dma_wait3A_189 = arith.constant 1 : i32
      %dma_wait3A_190 = arith.constant 1 : i32
      %dma_wait3A_191 = arith.constant 0 : i32
      %dma_wait3A_192 = arith.constant 0 : i32
      %dma_wait3A_193 = tpu.memref_slice %arg5[%dma_wait3A_189, %dma_wait3A_191, %dma_wait3A_192] : memref<4x32x768xf32, #tpu.memory_space<vmem>> -> memref<1x32x768xf32, #tpu.memory_space<vmem>>
      %dma_wait3A_194 = tpu.memref_squeeze %dma_wait3A_193 : memref<1x32x768xf32, #tpu.memory_space<vmem>> -> memref<32x768xf32, #tpu.memory_space<vmem>>
      %dma_wait3A_195 = arith.constant 0 : i32
      %dma_wait3A_196 = arith.constant 0 : i32
      %dma_wait3A_197 = tpu.memref_slice %arg3[%dma_wait3A_195, %dma_wait3A_196] : memref<30522x768xf32, #tpu.memory_space<hbm>> -> memref<32x768xf32, #tpu.memory_space<hbm>>
      %dma_wait3A_198 = tpu.memref_slice %arg7[%dma_wait3A_190] : memref<4x!tpu.dma_semaphore, #tpu.memory_space<semaphore_mem>> -> memref<1x!tpu.dma_semaphore, #tpu.memory_space<semaphore_mem>>
      %dma_wait3A_199 = tpu.memref_squeeze %dma_wait3A_198 : memref<1x!tpu.dma_semaphore, #tpu.memory_space<semaphore_mem>> -> memref<!tpu.dma_semaphore, #tpu.memory_space<semaphore_mem>>
      %dma_wait3A_200 = arith.constant 0 : i32
      %dma_wait3A_201 = arith.constant 0 : i32
      %dma_wait3A_202 = tpu.memref_slice %arg5[%dma_wait3A_189, %dma_wait3A_200, %dma_wait3A_201] : memref<4x32x768xf32, #tpu.memory_space<vmem>> -> memref<1x32x768xf32, #tpu.memory_space<vmem>>
      %dma_wait3A_203 = tpu.memref_squeeze %dma_wait3A_202 : memref<1x32x768xf32, #tpu.memory_space<vmem>> -> memref<32x768xf32, #tpu.memory_space<vmem>>
      %dma_wait3A_204 = arith.constant 0 : i32
      %dma_wait3A_205 = arith.constant 0 : i32
      %dma_wait3A_206 = tpu.memref_slice %arg3[%dma_wait3A_204, %dma_wait3A_205] : memref<30522x768xf32, #tpu.memory_space<hbm>> -> memref<32x768xf32, #tpu.memory_space<hbm>>
      tpu.wait_dma2 semaphore(%dma_wait3A_199 : memref<!tpu.dma_semaphore, #tpu.memory_space<semaphore_mem>>) src(%dma_wait3A_206 : memref<32x768xf32, #tpu.memory_space<hbm>>) dst(%dma_wait3A_203 : memref<32x768xf32, #tpu.memory_space<vmem>>)
      %mul3A_207 = arith.constant 32 : i32
      %mul3A_208 = arith.muli %add3A_167, %mul3A_207 : i32
      %add3A_209 = arith.addi %mul3A_2, %mul3A_208 : i32
      %dma_start3A_210 = arith.constant 1 : i32
      %dma_start3A_211 = arith.constant 1 : i32
      %dma_start3A_212 = arith.constant 0 : i32
      %dma_start3A_213 = arith.constant 0 : i32
      %dma_start3A_214 = tpu.memref_slice %arg5[%dma_start3A_210, %dma_start3A_212, %dma_start3A_213] : memref<4x32x768xf32, #tpu.memory_space<vmem>> -> memref<1x32x768xf32, #tpu.memory_space<vmem>>
      %dma_start3A_215 = tpu.memref_squeeze %dma_start3A_214 : memref<1x32x768xf32, #tpu.memory_space<vmem>> -> memref<32x768xf32, #tpu.memory_space<vmem>>
      %dma_start3A_216 = arith.constant 0 : i32
      %dma_start3A_217 = tpu.memref_slice %arg4[%add3A_209, %dma_start3A_216] : memref<16384x768xf32, #tpu.memory_space<hbm>> -> memref<32x768xf32, #tpu.memory_space<hbm>>
      %dma_start3A_218 = tpu.memref_slice %arg8[%dma_start3A_211] : memref<4x!tpu.dma_semaphore, #tpu.memory_space<semaphore_mem>> -> memref<1x!tpu.dma_semaphore, #tpu.memory_space<semaphore_mem>>
      %dma_start3A_219 = tpu.memref_squeeze %dma_start3A_218 : memref<1x!tpu.dma_semaphore, #tpu.memory_space<semaphore_mem>> -> memref<!tpu.dma_semaphore, #tpu.memory_space<semaphore_mem>>
      %dma_start3A_220 = arith.constant 0 : i32
      %dma_start3A_221 = tpu.memref_slice %arg4[%add3A_209, %dma_start3A_220] : memref<16384x768xf32, #tpu.memory_space<hbm>> -> memref<32x768xf32, #tpu.memory_space<hbm>>
      %dma_start3A_222 = arith.constant 0 : i32
      %dma_start3A_223 = arith.constant 0 : i32
      %dma_start3A_224 = tpu.memref_slice %arg5[%dma_start3A_210, %dma_start3A_222, %dma_start3A_223] : memref<4x32x768xf32, #tpu.memory_space<vmem>> -> memref<1x32x768xf32, #tpu.memory_space<vmem>>
      %dma_start3A_225 = tpu.memref_squeeze %dma_start3A_224 : memref<1x32x768xf32, #tpu.memory_space<vmem>> -> memref<32x768xf32, #tpu.memory_space<vmem>>
      tpu.enqueue_dma source(%dma_start3A_225 : memref<32x768xf32, #tpu.memory_space<vmem>>) target(%dma_start3A_221 : memref<32x768xf32, #tpu.memory_space<hbm>>) target_semaphore(%dma_start3A_219 : memref<!tpu.dma_semaphore, #tpu.memory_space<semaphore_mem>>)
      %mul3A_226 = arith.constant 4 : i32
      %mul3A_227 = arith.muli %scan3A_104, %mul3A_226 : i32
      %add3A_228 = arith.constant 2 : i32
      %add3A_229 = arith.addi %mul3A_227, %add3A_228 : i32
      %lt3A = arith.constant 3 : i32
      %lt3A_230 = arith.cmpi slt, %scan3A_104, %lt3A : i32
      %convert_element_type3A_231 = arith.extui %lt3A_230 : i1 to i32
      %cond3A_232 = arith.constant 0 : i32
      %cond3A_233 = arith.cmpi ne, %convert_element_type3A_231, %cond3A_232 : i32
      scf.if %cond3A_233 {
        %dma_wait3A_317 = arith.constant 0 : i32
        %dma_wait3A_318 = arith.constant 0 : i32
        %dma_wait3A_319 = arith.constant 0 : i32
        %dma_wait3A_320 = arith.constant 0 : i32
        %dma_wait3A_321 = tpu.memref_slice %arg5[%dma_wait3A_317, %dma_wait3A_319, %dma_wait3A_320] : memref<4x32x768xf32, #tpu.memory_space<vmem>> -> memref<1x32x768xf32, #tpu.memory_space<vmem>>
        %dma_wait3A_322 = tpu.memref_squeeze %dma_wait3A_321 : memref<1x32x768xf32, #tpu.memory_space<vmem>> -> memref<32x768xf32, #tpu.memory_space<vmem>>
        %dma_wait3A_323 = arith.constant 0 : i32
        %dma_wait3A_324 = arith.constant 0 : i32
        %dma_wait3A_325 = tpu.memref_slice %arg4[%dma_wait3A_323, %dma_wait3A_324] : memref<16384x768xf32, #tpu.memory_space<hbm>> -> memref<32x768xf32, #tpu.memory_space<hbm>>
        %dma_wait3A_326 = tpu.memref_slice %arg8[%dma_wait3A_318] : memref<4x!tpu.dma_semaphore, #tpu.memory_space<semaphore_mem>> -> memref<1x!tpu.dma_semaphore, #tpu.memory_space<semaphore_mem>>
        %dma_wait3A_327 = tpu.memref_squeeze %dma_wait3A_326 : memref<1x!tpu.dma_semaphore, #tpu.memory_space<semaphore_mem>> -> memref<!tpu.dma_semaphore, #tpu.memory_space<semaphore_mem>>
        %dma_wait3A_328 = arith.constant 0 : i32
        %dma_wait3A_329 = arith.constant 0 : i32
        %dma_wait3A_330 = tpu.memref_slice %arg4[%dma_wait3A_328, %dma_wait3A_329] : memref<16384x768xf32, #tpu.memory_space<hbm>> -> memref<32x768xf32, #tpu.memory_space<hbm>>
        %dma_wait3A_331 = arith.constant 0 : i32
        %dma_wait3A_332 = arith.constant 0 : i32
        %dma_wait3A_333 = tpu.memref_slice %arg5[%dma_wait3A_317, %dma_wait3A_331, %dma_wait3A_332] : memref<4x32x768xf32, #tpu.memory_space<vmem>> -> memref<1x32x768xf32, #tpu.memory_space<vmem>>
        %dma_wait3A_334 = tpu.memref_squeeze %dma_wait3A_333 : memref<1x32x768xf32, #tpu.memory_space<vmem>> -> memref<32x768xf32, #tpu.memory_space<vmem>>
        tpu.wait_dma2 semaphore(%dma_wait3A_327 : memref<!tpu.dma_semaphore, #tpu.memory_space<semaphore_mem>>) src(%dma_wait3A_334 : memref<32x768xf32, #tpu.memory_space<vmem>>) dst(%dma_wait3A_330 : memref<32x768xf32, #tpu.memory_space<hbm>>)
        %add3A_335 = arith.constant 2 : i32
        %add3A_336 = arith.addi %add3A_229, %add3A_335 : i32
        %mul3A_337 = arith.constant 32 : i32
        %mul3A_338 = arith.muli %add3A_336, %mul3A_337 : i32
        %dma_start3A_339 = arith.constant 0 : i32
        %dma_start3A_340 = arith.constant 0 : i32
        %dma_start3A_341 = arith.constant 0 : i32
        %dma_start3A_342 = arith.constant 0 : i32
        %dma_start3A_343 = tpu.memref_slice %arg5[%dma_start3A_339, %dma_start3A_341, %dma_start3A_342] : memref<4x32x768xf32, #tpu.memory_space<vmem>> -> memref<1x32x768xf32, #tpu.memory_space<vmem>>
        %dma_start3A_344 = tpu.memref_squeeze %dma_start3A_343 : memref<1x32x768xf32, #tpu.memory_space<vmem>> -> memref<32x768xf32, #tpu.memory_space<vmem>>
        %dma_start3A_345 = tpu.memref_slice %arg6[%mul3A_338] : memref<512xi32, #tpu.memory_space<vmem>> -> memref<32xi32, #tpu.memory_space<vmem>>
        %dma_start3A_346 = arith.constant 0 : i32
        %dma_start3A_347 = arith.constant 0 : i32
        %dma_start3A_348 = tpu.memref_slice %arg3[%dma_start3A_346, %dma_start3A_347] : memref<30522x768xf32, #tpu.memory_space<hbm>> -> memref<30522x768xf32, #tpu.memory_space<hbm>>
        %dma_start3A_349 = tpu.memref_slice %arg7[%dma_start3A_340] : memref<4x!tpu.dma_semaphore, #tpu.memory_space<semaphore_mem>> -> memref<1x!tpu.dma_semaphore, #tpu.memory_space<semaphore_mem>>
        %dma_start3A_350 = tpu.memref_squeeze %dma_start3A_349 : memref<1x!tpu.dma_semaphore, #tpu.memory_space<semaphore_mem>> -> memref<!tpu.dma_semaphore, #tpu.memory_space<semaphore_mem>>
        tpu.enqueue_indirect_dma source(%dma_start3A_348 : memref<30522x768xf32, #tpu.memory_space<hbm>>) target(%dma_start3A_344 : memref<32x768xf32, #tpu.memory_space<vmem>>) offsets(%dma_start3A_345 : memref<32xi32, #tpu.memory_space<vmem>>) semaphore(%dma_start3A_350 : memref<!tpu.dma_semaphore, #tpu.memory_space<semaphore_mem>>)
      } else {
      }
      %dma_wait3A_234 = arith.constant 2 : i32
      %dma_wait3A_235 = arith.constant 2 : i32
      %dma_wait3A_236 = arith.constant 0 : i32
      %dma_wait3A_237 = arith.constant 0 : i32
      %dma_wait3A_238 = tpu.memref_slice %arg5[%dma_wait3A_234, %dma_wait3A_236, %dma_wait3A_237] : memref<4x32x768xf32, #tpu.memory_space<vmem>> -> memref<1x32x768xf32, #tpu.memory_space<vmem>>
      %dma_wait3A_239 = tpu.memref_squeeze %dma_wait3A_238 : memref<1x32x768xf32, #tpu.memory_space<vmem>> -> memref<32x768xf32, #tpu.memory_space<vmem>>
      %dma_wait3A_240 = arith.constant 0 : i32
      %dma_wait3A_241 = arith.constant 0 : i32
      %dma_wait3A_242 = tpu.memref_slice %arg3[%dma_wait3A_240, %dma_wait3A_241] : memref<30522x768xf32, #tpu.memory_space<hbm>> -> memref<32x768xf32, #tpu.memory_space<hbm>>
      %dma_wait3A_243 = tpu.memref_slice %arg7[%dma_wait3A_235] : memref<4x!tpu.dma_semaphore, #tpu.memory_space<semaphore_mem>> -> memref<1x!tpu.dma_semaphore, #tpu.memory_space<semaphore_mem>>
      %dma_wait3A_244 = tpu.memref_squeeze %dma_wait3A_243 : memref<1x!tpu.dma_semaphore, #tpu.memory_space<semaphore_mem>> -> memref<!tpu.dma_semaphore, #tpu.memory_space<semaphore_mem>>
      %dma_wait3A_245 = arith.constant 0 : i32
      %dma_wait3A_246 = arith.constant 0 : i32
      %dma_wait3A_247 = tpu.memref_slice %arg5[%dma_wait3A_234, %dma_wait3A_245, %dma_wait3A_246] : memref<4x32x768xf32, #tpu.memory_space<vmem>> -> memref<1x32x768xf32, #tpu.memory_space<vmem>>
      %dma_wait3A_248 = tpu.memref_squeeze %dma_wait3A_247 : memref<1x32x768xf32, #tpu.memory_space<vmem>> -> memref<32x768xf32, #tpu.memory_space<vmem>>
      %dma_wait3A_249 = arith.constant 0 : i32
      %dma_wait3A_250 = arith.constant 0 : i32
      %dma_wait3A_251 = tpu.memref_slice %arg3[%dma_wait3A_249, %dma_wait3A_250] : memref<30522x768xf32, #tpu.memory_space<hbm>> -> memref<32x768xf32, #tpu.memory_space<hbm>>
      tpu.wait_dma2 semaphore(%dma_wait3A_244 : memref<!tpu.dma_semaphore, #tpu.memory_space<semaphore_mem>>) src(%dma_wait3A_251 : memref<32x768xf32, #tpu.memory_space<hbm>>) dst(%dma_wait3A_248 : memref<32x768xf32, #tpu.memory_space<vmem>>)
      %mul3A_252 = arith.constant 32 : i32
      %mul3A_253 = arith.muli %add3A_229, %mul3A_252 : i32
      %add3A_254 = arith.addi %mul3A_2, %mul3A_253 : i32
      %dma_start3A_255 = arith.constant 2 : i32
      %dma_start3A_256 = arith.constant 2 : i32
      %dma_start3A_257 = arith.constant 0 : i32
      %dma_start3A_258 = arith.constant 0 : i32
      %dma_start3A_259 = tpu.memref_slice %arg5[%dma_start3A_255, %dma_start3A_257, %dma_start3A_258] : memref<4x32x768xf32, #tpu.memory_space<vmem>> -> memref<1x32x768xf32, #tpu.memory_space<vmem>>
      %dma_start3A_260 = tpu.memref_squeeze %dma_start3A_259 : memref<1x32x768xf32, #tpu.memory_space<vmem>> -> memref<32x768xf32, #tpu.memory_space<vmem>>
      %dma_start3A_261 = arith.constant 0 : i32
      %dma_start3A_262 = tpu.memref_slice %arg4[%add3A_254, %dma_start3A_261] : memref<16384x768xf32, #tpu.memory_space<hbm>> -> memref<32x768xf32, #tpu.memory_space<hbm>>
      %dma_start3A_263 = tpu.memref_slice %arg8[%dma_start3A_256] : memref<4x!tpu.dma_semaphore, #tpu.memory_space<semaphore_mem>> -> memref<1x!tpu.dma_semaphore, #tpu.memory_space<semaphore_mem>>
      %dma_start3A_264 = tpu.memref_squeeze %dma_start3A_263 : memref<1x!tpu.dma_semaphore, #tpu.memory_space<semaphore_mem>> -> memref<!tpu.dma_semaphore, #tpu.memory_space<semaphore_mem>>
      %dma_start3A_265 = arith.constant 0 : i32
      %dma_start3A_266 = tpu.memref_slice %arg4[%add3A_254, %dma_start3A_265] : memref<16384x768xf32, #tpu.memory_space<hbm>> -> memref<32x768xf32, #tpu.memory_space<hbm>>
      %dma_start3A_267 = arith.constant 0 : i32
      %dma_start3A_268 = arith.constant 0 : i32
      %dma_start3A_269 = tpu.memref_slice %arg5[%dma_start3A_255, %dma_start3A_267, %dma_start3A_268] : memref<4x32x768xf32, #tpu.memory_space<vmem>> -> memref<1x32x768xf32, #tpu.memory_space<vmem>>
      %dma_start3A_270 = tpu.memref_squeeze %dma_start3A_269 : memref<1x32x768xf32, #tpu.memory_space<vmem>> -> memref<32x768xf32, #tpu.memory_space<vmem>>
      tpu.enqueue_dma source(%dma_start3A_270 : memref<32x768xf32, #tpu.memory_space<vmem>>) target(%dma_start3A_266 : memref<32x768xf32, #tpu.memory_space<hbm>>) target_semaphore(%dma_start3A_264 : memref<!tpu.dma_semaphore, #tpu.memory_space<semaphore_mem>>)
      %mul3A_271 = arith.constant 4 : i32
      %mul3A_272 = arith.muli %scan3A_104, %mul3A_271 : i32
      %add3A_273 = arith.constant 3 : i32
      %add3A_274 = arith.addi %mul3A_272, %add3A_273 : i32
      %lt3A_275 = arith.constant 3 : i32
      %lt3A_276 = arith.cmpi slt, %scan3A_104, %lt3A_275 : i32
      %convert_element_type3A_277 = arith.extui %lt3A_276 : i1 to i32
      %cond3A_278 = arith.constant 0 : i32
      %cond3A_279 = arith.cmpi ne, %convert_element_type3A_277, %cond3A_278 : i32
      scf.if %cond3A_279 {
        %dma_wait3A_317 = arith.constant 1 : i32
        %dma_wait3A_318 = arith.constant 1 : i32
        %dma_wait3A_319 = arith.constant 0 : i32
        %dma_wait3A_320 = arith.constant 0 : i32
        %dma_wait3A_321 = tpu.memref_slice %arg5[%dma_wait3A_317, %dma_wait3A_319, %dma_wait3A_320] : memref<4x32x768xf32, #tpu.memory_space<vmem>> -> memref<1x32x768xf32, #tpu.memory_space<vmem>>
        %dma_wait3A_322 = tpu.memref_squeeze %dma_wait3A_321 : memref<1x32x768xf32, #tpu.memory_space<vmem>> -> memref<32x768xf32, #tpu.memory_space<vmem>>
        %dma_wait3A_323 = arith.constant 0 : i32
        %dma_wait3A_324 = arith.constant 0 : i32
        %dma_wait3A_325 = tpu.memref_slice %arg4[%dma_wait3A_323, %dma_wait3A_324] : memref<16384x768xf32, #tpu.memory_space<hbm>> -> memref<32x768xf32, #tpu.memory_space<hbm>>
        %dma_wait3A_326 = tpu.memref_slice %arg8[%dma_wait3A_318] : memref<4x!tpu.dma_semaphore, #tpu.memory_space<semaphore_mem>> -> memref<1x!tpu.dma_semaphore, #tpu.memory_space<semaphore_mem>>
        %dma_wait3A_327 = tpu.memref_squeeze %dma_wait3A_326 : memref<1x!tpu.dma_semaphore, #tpu.memory_space<semaphore_mem>> -> memref<!tpu.dma_semaphore, #tpu.memory_space<semaphore_mem>>
        %dma_wait3A_328 = arith.constant 0 : i32
        %dma_wait3A_329 = arith.constant 0 : i32
        %dma_wait3A_330 = tpu.memref_slice %arg4[%dma_wait3A_328, %dma_wait3A_329] : memref<16384x768xf32, #tpu.memory_space<hbm>> -> memref<32x768xf32, #tpu.memory_space<hbm>>
        %dma_wait3A_331 = arith.constant 0 : i32
        %dma_wait3A_332 = arith.constant 0 : i32
        %dma_wait3A_333 = tpu.memref_slice %arg5[%dma_wait3A_317, %dma_wait3A_331, %dma_wait3A_332] : memref<4x32x768xf32, #tpu.memory_space<vmem>> -> memref<1x32x768xf32, #tpu.memory_space<vmem>>
        %dma_wait3A_334 = tpu.memref_squeeze %dma_wait3A_333 : memref<1x32x768xf32, #tpu.memory_space<vmem>> -> memref<32x768xf32, #tpu.memory_space<vmem>>
        tpu.wait_dma2 semaphore(%dma_wait3A_327 : memref<!tpu.dma_semaphore, #tpu.memory_space<semaphore_mem>>) src(%dma_wait3A_334 : memref<32x768xf32, #tpu.memory_space<vmem>>) dst(%dma_wait3A_330 : memref<32x768xf32, #tpu.memory_space<hbm>>)
        %add3A_335 = arith.constant 2 : i32
        %add3A_336 = arith.addi %add3A_274, %add3A_335 : i32
        %mul3A_337 = arith.constant 32 : i32
        %mul3A_338 = arith.muli %add3A_336, %mul3A_337 : i32
        %dma_start3A_339 = arith.constant 1 : i32
        %dma_start3A_340 = arith.constant 1 : i32
        %dma_start3A_341 = arith.constant 0 : i32
        %dma_start3A_342 = arith.constant 0 : i32
        %dma_start3A_343 = tpu.memref_slice %arg5[%dma_start3A_339, %dma_start3A_341, %dma_start3A_342] : memref<4x32x768xf32, #tpu.memory_space<vmem>> -> memref<1x32x768xf32, #tpu.memory_space<vmem>>
        %dma_start3A_344 = tpu.memref_squeeze %dma_start3A_343 : memref<1x32x768xf32, #tpu.memory_space<vmem>> -> memref<32x768xf32, #tpu.memory_space<vmem>>
        %dma_start3A_345 = tpu.memref_slice %arg6[%mul3A_338] : memref<512xi32, #tpu.memory_space<vmem>> -> memref<32xi32, #tpu.memory_space<vmem>>
        %dma_start3A_346 = arith.constant 0 : i32
        %dma_start3A_347 = arith.constant 0 : i32
        %dma_start3A_348 = tpu.memref_slice %arg3[%dma_start3A_346, %dma_start3A_347] : memref<30522x768xf32, #tpu.memory_space<hbm>> -> memref<30522x768xf32, #tpu.memory_space<hbm>>
        %dma_start3A_349 = tpu.memref_slice %arg7[%dma_start3A_340] : memref<4x!tpu.dma_semaphore, #tpu.memory_space<semaphore_mem>> -> memref<1x!tpu.dma_semaphore, #tpu.memory_space<semaphore_mem>>
        %dma_start3A_350 = tpu.memref_squeeze %dma_start3A_349 : memref<1x!tpu.dma_semaphore, #tpu.memory_space<semaphore_mem>> -> memref<!tpu.dma_semaphore, #tpu.memory_space<semaphore_mem>>
        tpu.enqueue_indirect_dma source(%dma_start3A_348 : memref<30522x768xf32, #tpu.memory_space<hbm>>) target(%dma_start3A_344 : memref<32x768xf32, #tpu.memory_space<vmem>>) offsets(%dma_start3A_345 : memref<32xi32, #tpu.memory_space<vmem>>) semaphore(%dma_start3A_350 : memref<!tpu.dma_semaphore, #tpu.memory_space<semaphore_mem>>)
      } else {
      }
      %dma_wait3A_280 = arith.constant 3 : i32
      %dma_wait3A_281 = arith.constant 3 : i32
      %dma_wait3A_282 = arith.constant 0 : i32
      %dma_wait3A_283 = arith.constant 0 : i32
      %dma_wait3A_284 = tpu.memref_slice %arg5[%dma_wait3A_280, %dma_wait3A_282, %dma_wait3A_283] : memref<4x32x768xf32, #tpu.memory_space<vmem>> -> memref<1x32x768xf32, #tpu.memory_space<vmem>>
      %dma_wait3A_285 = tpu.memref_squeeze %dma_wait3A_284 : memref<1x32x768xf32, #tpu.memory_space<vmem>> -> memref<32x768xf32, #tpu.memory_space<vmem>>
      %dma_wait3A_286 = arith.constant 0 : i32
      %dma_wait3A_287 = arith.constant 0 : i32
      %dma_wait3A_288 = tpu.memref_slice %arg3[%dma_wait3A_286, %dma_wait3A_287] : memref<30522x768xf32, #tpu.memory_space<hbm>> -> memref<32x768xf32, #tpu.memory_space<hbm>>
      %dma_wait3A_289 = tpu.memref_slice %arg7[%dma_wait3A_281] : memref<4x!tpu.dma_semaphore, #tpu.memory_space<semaphore_mem>> -> memref<1x!tpu.dma_semaphore, #tpu.memory_space<semaphore_mem>>
      %dma_wait3A_290 = tpu.memref_squeeze %dma_wait3A_289 : memref<1x!tpu.dma_semaphore, #tpu.memory_space<semaphore_mem>> -> memref<!tpu.dma_semaphore, #tpu.memory_space<semaphore_mem>>
      %dma_wait3A_291 = arith.constant 0 : i32
      %dma_wait3A_292 = arith.constant 0 : i32
      %dma_wait3A_293 = tpu.memref_slice %arg5[%dma_wait3A_280, %dma_wait3A_291, %dma_wait3A_292] : memref<4x32x768xf32, #tpu.memory_space<vmem>> -> memref<1x32x768xf32, #tpu.memory_space<vmem>>
      %dma_wait3A_294 = tpu.memref_squeeze %dma_wait3A_293 : memref<1x32x768xf32, #tpu.memory_space<vmem>> -> memref<32x768xf32, #tpu.memory_space<vmem>>
      %dma_wait3A_295 = arith.constant 0 : i32
      %dma_wait3A_296 = arith.constant 0 : i32
      %dma_wait3A_297 = tpu.memref_slice %arg3[%dma_wait3A_295, %dma_wait3A_296] : memref<30522x768xf32, #tpu.memory_space<hbm>> -> memref<32x768xf32, #tpu.memory_space<hbm>>
      tpu.wait_dma2 semaphore(%dma_wait3A_290 : memref<!tpu.dma_semaphore, #tpu.memory_space<semaphore_mem>>) src(%dma_wait3A_297 : memref<32x768xf32, #tpu.memory_space<hbm>>) dst(%dma_wait3A_294 : memref<32x768xf32, #tpu.memory_space<vmem>>)
      %mul3A_298 = arith.constant 32 : i32
      %mul3A_299 = arith.muli %add3A_274, %mul3A_298 : i32
      %add3A_300 = arith.addi %mul3A_2, %mul3A_299 : i32
      %dma_start3A_301 = arith.constant 3 : i32
      %dma_start3A_302 = arith.constant 3 : i32
      %dma_start3A_303 = arith.constant 0 : i32
      %dma_start3A_304 = arith.constant 0 : i32
      %dma_start3A_305 = tpu.memref_slice %arg5[%dma_start3A_301, %dma_start3A_303, %dma_start3A_304] : memref<4x32x768xf32, #tpu.memory_space<vmem>> -> memref<1x32x768xf32, #tpu.memory_space<vmem>>
      %dma_start3A_306 = tpu.memref_squeeze %dma_start3A_305 : memref<1x32x768xf32, #tpu.memory_space<vmem>> -> memref<32x768xf32, #tpu.memory_space<vmem>>
      %dma_start3A_307 = arith.constant 0 : i32
      %dma_start3A_308 = tpu.memref_slice %arg4[%add3A_300, %dma_start3A_307] : memref<16384x768xf32, #tpu.memory_space<hbm>> -> memref<32x768xf32, #tpu.memory_space<hbm>>
      %dma_start3A_309 = tpu.memref_slice %arg8[%dma_start3A_302] : memref<4x!tpu.dma_semaphore, #tpu.memory_space<semaphore_mem>> -> memref<1x!tpu.dma_semaphore, #tpu.memory_space<semaphore_mem>>
      %dma_start3A_310 = tpu.memref_squeeze %dma_start3A_309 : memref<1x!tpu.dma_semaphore, #tpu.memory_space<semaphore_mem>> -> memref<!tpu.dma_semaphore, #tpu.memory_space<semaphore_mem>>
      %dma_start3A_311 = arith.constant 0 : i32
      %dma_start3A_312 = tpu.memref_slice %arg4[%add3A_300, %dma_start3A_311] : memref<16384x768xf32, #tpu.memory_space<hbm>> -> memref<32x768xf32, #tpu.memory_space<hbm>>
      %dma_start3A_313 = arith.constant 0 : i32
      %dma_start3A_314 = arith.constant 0 : i32
      %dma_start3A_315 = tpu.memref_slice %arg5[%dma_start3A_301, %dma_start3A_313, %dma_start3A_314] : memref<4x32x768xf32, #tpu.memory_space<vmem>> -> memref<1x32x768xf32, #tpu.memory_space<vmem>>
      %dma_start3A_316 = tpu.memref_squeeze %dma_start3A_315 : memref<1x32x768xf32, #tpu.memory_space<vmem>> -> memref<32x768xf32, #tpu.memory_space<vmem>>
      tpu.enqueue_dma source(%dma_start3A_316 : memref<32x768xf32, #tpu.memory_space<vmem>>) target(%dma_start3A_312 : memref<32x768xf32, #tpu.memory_space<hbm>>) target_semaphore(%dma_start3A_310 : memref<!tpu.dma_semaphore, #tpu.memory_space<semaphore_mem>>)
    }
    %scan3A_32 = arith.constant 4 : i32
    %dma_wait3A = arith.constant 0 : i32
    %dma_wait3A_33 = arith.constant 0 : i32
    %dma_wait3A_34 = arith.constant 0 : i32
    %dma_wait3A_35 = arith.constant 0 : i32
    %dma_wait3A_36 = tpu.memref_slice %arg5[%dma_wait3A, %dma_wait3A_34, %dma_wait3A_35] : memref<4x32x768xf32, #tpu.memory_space<vmem>> -> memref<1x32x768xf32, #tpu.memory_space<vmem>>
    %dma_wait3A_37 = tpu.memref_squeeze %dma_wait3A_36 : memref<1x32x768xf32, #tpu.memory_space<vmem>> -> memref<32x768xf32, #tpu.memory_space<vmem>>
    %dma_wait3A_38 = arith.constant 0 : i32
    %dma_wait3A_39 = arith.constant 0 : i32
    %dma_wait3A_40 = tpu.memref_slice %arg4[%dma_wait3A_38, %dma_wait3A_39] : memref<16384x768xf32, #tpu.memory_space<hbm>> -> memref<32x768xf32, #tpu.memory_space<hbm>>
    %dma_wait3A_41 = tpu.memref_slice %arg8[%dma_wait3A_33] : memref<4x!tpu.dma_semaphore, #tpu.memory_space<semaphore_mem>> -> memref<1x!tpu.dma_semaphore, #tpu.memory_space<semaphore_mem>>
    %dma_wait3A_42 = tpu.memref_squeeze %dma_wait3A_41 : memref<1x!tpu.dma_semaphore, #tpu.memory_space<semaphore_mem>> -> memref<!tpu.dma_semaphore, #tpu.memory_space<semaphore_mem>>
    %dma_wait3A_43 = arith.constant 0 : i32
    %dma_wait3A_44 = arith.constant 0 : i32
    %dma_wait3A_45 = tpu.memref_slice %arg4[%dma_wait3A_43, %dma_wait3A_44] : memref<16384x768xf32, #tpu.memory_space<hbm>> -> memref<32x768xf32, #tpu.memory_space<hbm>>
    %dma_wait3A_46 = arith.constant 0 : i32
    %dma_wait3A_47 = arith.constant 0 : i32
    %dma_wait3A_48 = tpu.memref_slice %arg5[%dma_wait3A, %dma_wait3A_46, %dma_wait3A_47] : memref<4x32x768xf32, #tpu.memory_space<vmem>> -> memref<1x32x768xf32, #tpu.memory_space<vmem>>
    %dma_wait3A_49 = tpu.memref_squeeze %dma_wait3A_48 : memref<1x32x768xf32, #tpu.memory_space<vmem>> -> memref<32x768xf32, #tpu.memory_space<vmem>>
    tpu.wait_dma2 semaphore(%dma_wait3A_42 : memref<!tpu.dma_semaphore, #tpu.memory_space<semaphore_mem>>) src(%dma_wait3A_49 : memref<32x768xf32, #tpu.memory_space<vmem>>) dst(%dma_wait3A_45 : memref<32x768xf32, #tpu.memory_space<hbm>>)
    %dma_wait3A_50 = arith.constant 1 : i32
    %dma_wait3A_51 = arith.constant 1 : i32
    %dma_wait3A_52 = arith.constant 0 : i32
    %dma_wait3A_53 = arith.constant 0 : i32
    %dma_wait3A_54 = tpu.memref_slice %arg5[%dma_wait3A_50, %dma_wait3A_52, %dma_wait3A_53] : memref<4x32x768xf32, #tpu.memory_space<vmem>> -> memref<1x32x768xf32, #tpu.memory_space<vmem>>
    %dma_wait3A_55 = tpu.memref_squeeze %dma_wait3A_54 : memref<1x32x768xf32, #tpu.memory_space<vmem>> -> memref<32x768xf32, #tpu.memory_space<vmem>>
    %dma_wait3A_56 = arith.constant 0 : i32
    %dma_wait3A_57 = arith.constant 0 : i32
    %dma_wait3A_58 = tpu.memref_slice %arg4[%dma_wait3A_56, %dma_wait3A_57] : memref<16384x768xf32, #tpu.memory_space<hbm>> -> memref<32x768xf32, #tpu.memory_space<hbm>>
    %dma_wait3A_59 = tpu.memref_slice %arg8[%dma_wait3A_51] : memref<4x!tpu.dma_semaphore, #tpu.memory_space<semaphore_mem>> -> memref<1x!tpu.dma_semaphore, #tpu.memory_space<semaphore_mem>>
    %dma_wait3A_60 = tpu.memref_squeeze %dma_wait3A_59 : memref<1x!tpu.dma_semaphore, #tpu.memory_space<semaphore_mem>> -> memref<!tpu.dma_semaphore, #tpu.memory_space<semaphore_mem>>
    %dma_wait3A_61 = arith.constant 0 : i32
    %dma_wait3A_62 = arith.constant 0 : i32
    %dma_wait3A_63 = tpu.memref_slice %arg4[%dma_wait3A_61, %dma_wait3A_62] : memref<16384x768xf32, #tpu.memory_space<hbm>> -> memref<32x768xf32, #tpu.memory_space<hbm>>
    %dma_wait3A_64 = arith.constant 0 : i32
    %dma_wait3A_65 = arith.constant 0 : i32
    %dma_wait3A_66 = tpu.memref_slice %arg5[%dma_wait3A_50, %dma_wait3A_64, %dma_wait3A_65] : memref<4x32x768xf32, #tpu.memory_space<vmem>> -> memref<1x32x768xf32, #tpu.memory_space<vmem>>
    %dma_wait3A_67 = tpu.memref_squeeze %dma_wait3A_66 : memref<1x32x768xf32, #tpu.memory_space<vmem>> -> memref<32x768xf32, #tpu.memory_space<vmem>>
    tpu.wait_dma2 semaphore(%dma_wait3A_60 : memref<!tpu.dma_semaphore, #tpu.memory_space<semaphore_mem>>) src(%dma_wait3A_67 : memref<32x768xf32, #tpu.memory_space<vmem>>) dst(%dma_wait3A_63 : memref<32x768xf32, #tpu.memory_space<hbm>>)
    %dma_wait3A_68 = arith.constant 2 : i32
    %dma_wait3A_69 = arith.constant 2 : i32
    %dma_wait3A_70 = arith.constant 0 : i32
    %dma_wait3A_71 = arith.constant 0 : i32
    %dma_wait3A_72 = tpu.memref_slice %arg5[%dma_wait3A_68, %dma_wait3A_70, %dma_wait3A_71] : memref<4x32x768xf32, #tpu.memory_space<vmem>> -> memref<1x32x768xf32, #tpu.memory_space<vmem>>
    %dma_wait3A_73 = tpu.memref_squeeze %dma_wait3A_72 : memref<1x32x768xf32, #tpu.memory_space<vmem>> -> memref<32x768xf32, #tpu.memory_space<vmem>>
    %dma_wait3A_74 = arith.constant 0 : i32
    %dma_wait3A_75 = arith.constant 0 : i32
    %dma_wait3A_76 = tpu.memref_slice %arg4[%dma_wait3A_74, %dma_wait3A_75] : memref<16384x768xf32, #tpu.memory_space<hbm>> -> memref<32x768xf32, #tpu.memory_space<hbm>>
    %dma_wait3A_77 = tpu.memref_slice %arg8[%dma_wait3A_69] : memref<4x!tpu.dma_semaphore, #tpu.memory_space<semaphore_mem>> -> memref<1x!tpu.dma_semaphore, #tpu.memory_space<semaphore_mem>>
    %dma_wait3A_78 = tpu.memref_squeeze %dma_wait3A_77 : memref<1x!tpu.dma_semaphore, #tpu.memory_space<semaphore_mem>> -> memref<!tpu.dma_semaphore, #tpu.memory_space<semaphore_mem>>
    %dma_wait3A_79 = arith.constant 0 : i32
    %dma_wait3A_80 = arith.constant 0 : i32
    %dma_wait3A_81 = tpu.memref_slice %arg4[%dma_wait3A_79, %dma_wait3A_80] : memref<16384x768xf32, #tpu.memory_space<hbm>> -> memref<32x768xf32, #tpu.memory_space<hbm>>
    %dma_wait3A_82 = arith.constant 0 : i32
    %dma_wait3A_83 = arith.constant 0 : i32
    %dma_wait3A_84 = tpu.memref_slice %arg5[%dma_wait3A_68, %dma_wait3A_82, %dma_wait3A_83] : memref<4x32x768xf32, #tpu.memory_space<vmem>> -> memref<1x32x768xf32, #tpu.memory_space<vmem>>
    %dma_wait3A_85 = tpu.memref_squeeze %dma_wait3A_84 : memref<1x32x768xf32, #tpu.memory_space<vmem>> -> memref<32x768xf32, #tpu.memory_space<vmem>>
    tpu.wait_dma2 semaphore(%dma_wait3A_78 : memref<!tpu.dma_semaphore, #tpu.memory_space<semaphore_mem>>) src(%dma_wait3A_85 : memref<32x768xf32, #tpu.memory_space<vmem>>) dst(%dma_wait3A_81 : memref<32x768xf32, #tpu.memory_space<hbm>>)
    %dma_wait3A_86 = arith.constant 3 : i32
    %dma_wait3A_87 = arith.constant 3 : i32
    %dma_wait3A_88 = arith.constant 0 : i32
    %dma_wait3A_89 = arith.constant 0 : i32
    %dma_wait3A_90 = tpu.memref_slice %arg5[%dma_wait3A_86, %dma_wait3A_88, %dma_wait3A_89] : memref<4x32x768xf32, #tpu.memory_space<vmem>> -> memref<1x32x768xf32, #tpu.memory_space<vmem>>
    %dma_wait3A_91 = tpu.memref_squeeze %dma_wait3A_90 : memref<1x32x768xf32, #tpu.memory_space<vmem>> -> memref<32x768xf32, #tpu.memory_space<vmem>>
    %dma_wait3A_92 = arith.constant 0 : i32
    %dma_wait3A_93 = arith.constant 0 : i32
    %dma_wait3A_94 = tpu.memref_slice %arg4[%dma_wait3A_92, %dma_wait3A_93] : memref<16384x768xf32, #tpu.memory_space<hbm>> -> memref<32x768xf32, #tpu.memory_space<hbm>>
    %dma_wait3A_95 = tpu.memref_slice %arg8[%dma_wait3A_87] : memref<4x!tpu.dma_semaphore, #tpu.memory_space<semaphore_mem>> -> memref<1x!tpu.dma_semaphore, #tpu.memory_space<semaphore_mem>>
    %dma_wait3A_96 = tpu.memref_squeeze %dma_wait3A_95 : memref<1x!tpu.dma_semaphore, #tpu.memory_space<semaphore_mem>> -> memref<!tpu.dma_semaphore, #tpu.memory_space<semaphore_mem>>
    %dma_wait3A_97 = arith.constant 0 : i32
    %dma_wait3A_98 = arith.constant 0 : i32
    %dma_wait3A_99 = tpu.memref_slice %arg4[%dma_wait3A_97, %dma_wait3A_98] : memref<16384x768xf32, #tpu.memory_space<hbm>> -> memref<32x768xf32, #tpu.memory_space<hbm>>
    %dma_wait3A_100 = arith.constant 0 : i32
    %dma_wait3A_101 = arith.constant 0 : i32
    %dma_wait3A_102 = tpu.memref_slice %arg5[%dma_wait3A_86, %dma_wait3A_100, %dma_wait3A_101] : memref<4x32x768xf32, #tpu.memory_space<vmem>> -> memref<1x32x768xf32, #tpu.memory_space<vmem>>
    %dma_wait3A_103 = tpu.memref_squeeze %dma_wait3A_102 : memref<1x32x768xf32, #tpu.memory_space<vmem>> -> memref<32x768xf32, #tpu.memory_space<vmem>>
    tpu.wait_dma2 semaphore(%dma_wait3A_96 : memref<!tpu.dma_semaphore, #tpu.memory_space<semaphore_mem>>) src(%dma_wait3A_103 : memref<32x768xf32, #tpu.memory_space<vmem>>) dst(%dma_wait3A_99 : memref<32x768xf32, #tpu.memory_space<hbm>>)
    return
  }
}

#map = affine_map<(d0, d1) -> (0)>
#map1 = affine_map<(d0, d1) -> (0, 0)>
module attributes {stable_mosaic.version = 14 : i64} {
  func.func @_sc_gather_body(%arg0: i32, %arg1: i32, %arg2: memref<16384xi32, #tpu.memory_space<hbm>>, %arg3: memref<30522x768xf32, #tpu.memory_space<hbm>>, %arg4: memref<16384x768xf32, #tpu.memory_space<hbm>>, %arg5: memref<4x32x768xf32, #tpu.memory_space<vmem>>, %arg6: memref<512xi32, #tpu.memory_space<vmem>>, %arg7: memref<4x!tpu.dma_semaphore, #tpu.memory_space<semaphore_mem>>, %arg8: memref<4x!tpu.dma_semaphore, #tpu.memory_space<semaphore_mem>>) attributes {dimension_semantics = [#tpu.dimension_semantics<core_parallel>, #tpu.dimension_semantics<subcore_parallel>], iteration_bounds = array<i64: 2, 16>, scalar_prefetch = 0 : i64, scratch_operands = 4 : i64, tpu.core_type = #tpu.core_type<sc_vector_subcore>, window_params = [{transform_indices = #map}, {transform_indices = #map1}, {transform_indices = #map1}]} {
    %mul3A = arith.constant 16 : i32
    %mul3A_0 = arith.muli %arg0, %mul3A : i32
    %add3A = arith.addi %mul3A_0, %arg1 : i32
    %mul3A_1 = arith.constant 512 : i32
    %mul3A_2 = arith.muli %add3A, %mul3A_1 : i32
    "tpu.region"() ({
      %run_scoped3A = tpu.sem_alloc : memref<!tpu.dma_semaphore, #tpu.memory_space<semaphore_mem>>
      %dma_start3A_104 = tpu.memref_slice %arg2[%mul3A_2] : memref<16384xi32, #tpu.memory_space<hbm>> -> memref<512xi32, #tpu.memory_space<hbm>>
      %dma_start3A_105 = tpu.memref_slice %arg2[%mul3A_2] : memref<16384xi32, #tpu.memory_space<hbm>> -> memref<512xi32, #tpu.memory_space<hbm>>
      tpu.enqueue_dma source(%dma_start3A_105 : memref<512xi32, #tpu.memory_space<hbm>>) target(%arg6 : memref<512xi32, #tpu.memory_space<vmem>>) target_semaphore(%run_scoped3A : memref<!tpu.dma_semaphore, #tpu.memory_space<semaphore_mem>>)
      %dma_wait3A_106 = tpu.memref_slice %arg2[%mul3A_2] : memref<16384xi32, #tpu.memory_space<hbm>> -> memref<512xi32, #tpu.memory_space<hbm>>
      %dma_wait3A_107 = tpu.memref_slice %arg2[%mul3A_2] : memref<16384xi32, #tpu.memory_space<hbm>> -> memref<512xi32, #tpu.memory_space<hbm>>
      tpu.wait_dma2 semaphore(%run_scoped3A : memref<!tpu.dma_semaphore, #tpu.memory_space<semaphore_mem>>) src(%dma_wait3A_107 : memref<512xi32, #tpu.memory_space<hbm>>) dst(%arg6 : memref<512xi32, #tpu.memory_space<vmem>>)
      tpu.yield
    }) : () -> ()
    %dma_start3A = arith.constant 0 : i32
    %dma_start3A_3 = arith.constant 0 : i32
    %dma_start3A_4 = arith.constant 0 : i32
    %dma_start3A_5 = arith.constant 0 : i32
    %dma_start3A_6 = tpu.memref_slice %arg5[%dma_start3A, %dma_start3A_4, %dma_start3A_5] : memref<4x32x768xf32, #tpu.memory_space<vmem>> -> memref<1x32x768xf32, #tpu.memory_space<vmem>>
    %dma_start3A_7 = tpu.memref_squeeze %dma_start3A_6 : memref<1x32x768xf32, #tpu.memory_space<vmem>> -> memref<32x768xf32, #tpu.memory_space<vmem>>
    %dma_start3A_8 = arith.constant 0 : i32
    %dma_start3A_9 = tpu.memref_slice %arg6[%dma_start3A_8] : memref<512xi32, #tpu.memory_space<vmem>> -> memref<32xi32, #tpu.memory_space<vmem>>
    %dma_start3A_10 = arith.constant 0 : i32
    %dma_start3A_11 = arith.constant 0 : i32
    %dma_start3A_12 = tpu.memref_slice %arg3[%dma_start3A_10, %dma_start3A_11] : memref<30522x768xf32, #tpu.memory_space<hbm>> -> memref<30522x768xf32, #tpu.memory_space<hbm>>
    %dma_start3A_13 = tpu.memref_slice %arg7[%dma_start3A_3] : memref<4x!tpu.dma_semaphore, #tpu.memory_space<semaphore_mem>> -> memref<1x!tpu.dma_semaphore, #tpu.memory_space<semaphore_mem>>
    %dma_start3A_14 = tpu.memref_squeeze %dma_start3A_13 : memref<1x!tpu.dma_semaphore, #tpu.memory_space<semaphore_mem>> -> memref<!tpu.dma_semaphore, #tpu.memory_space<semaphore_mem>>
    tpu.enqueue_indirect_dma source(%dma_start3A_12 : memref<30522x768xf32, #tpu.memory_space<hbm>>) target(%dma_start3A_7 : memref<32x768xf32, #tpu.memory_space<vmem>>) offsets(%dma_start3A_9 : memref<32xi32, #tpu.memory_space<vmem>>) semaphore(%dma_start3A_14 : memref<!tpu.dma_semaphore, #tpu.memory_space<semaphore_mem>>)
    %dma_start3A_15 = arith.constant 1 : i32
    %dma_start3A_16 = arith.constant 1 : i32
    %dma_start3A_17 = arith.constant 0 : i32
    %dma_start3A_18 = arith.constant 0 : i32
    %dma_start3A_19 = tpu.memref_slice %arg5[%dma_start3A_15, %dma_start3A_17, %dma_start3A_18] : memref<4x32x768xf32, #tpu.memory_space<vmem>> -> memref<1x32x768xf32, #tpu.memory_space<vmem>>
    %dma_start3A_20 = tpu.memref_squeeze %dma_start3A_19 : memref<1x32x768xf32, #tpu.memory_space<vmem>> -> memref<32x768xf32, #tpu.memory_space<vmem>>
    %dma_start3A_21 = arith.constant 32 : i32
    %dma_start3A_22 = tpu.memref_slice %arg6[%dma_start3A_21] : memref<512xi32, #tpu.memory_space<vmem>> -> memref<32xi32, #tpu.memory_space<vmem>>
    %dma_start3A_23 = arith.constant 0 : i32
    %dma_start3A_24 = arith.constant 0 : i32
    %dma_start3A_25 = tpu.memref_slice %arg3[%dma_start3A_23, %dma_start3A_24] : memref<30522x768xf32, #tpu.memory_space<hbm>> -> memref<30522x768xf32, #tpu.memory_space<hbm>>
    %dma_start3A_26 = tpu.memref_slice %arg7[%dma_start3A_16] : memref<4x!tpu.dma_semaphore, #tpu.memory_space<semaphore_mem>> -> memref<1x!tpu.dma_semaphore, #tpu.memory_space<semaphore_mem>>
    %dma_start3A_27 = tpu.memref_squeeze %dma_start3A_26 : memref<1x!tpu.dma_semaphore, #tpu.memory_space<semaphore_mem>> -> memref<!tpu.dma_semaphore, #tpu.memory_space<semaphore_mem>>
    tpu.enqueue_indirect_dma source(%dma_start3A_25 : memref<30522x768xf32, #tpu.memory_space<hbm>>) target(%dma_start3A_20 : memref<32x768xf32, #tpu.memory_space<vmem>>) offsets(%dma_start3A_22 : memref<32xi32, #tpu.memory_space<vmem>>) semaphore(%dma_start3A_27 : memref<!tpu.dma_semaphore, #tpu.memory_space<semaphore_mem>>)
    %scan3A = arith.constant 0 : i32
    %scan3A_28 = arith.constant 0 : i32
    %scan3A_29 = arith.constant 4 : i32
    %scan3A_30 = arith.addi %scan3A_28, %scan3A_29 : i32
    %scan3A_31 = arith.constant 1 : i32
    scf.for %scan3A_104 = %scan3A_28 to %scan3A_30 step %scan3A_31  : i32 {
      %mul3A_105 = arith.constant 4 : i32
      %mul3A_106 = arith.muli %scan3A_104, %mul3A_105 : i32
      %add3A_107 = arith.constant 0 : i32
      %add3A_108 = arith.addi %mul3A_106, %add3A_107 : i32
      %gt3A = arith.constant 0 : i32
      %gt3A_109 = arith.cmpi sgt, %scan3A_104, %gt3A : i32
      %convert_element_type3A = arith.extui %gt3A_109 : i1 to i32
      %cond3A = arith.constant 0 : i32
      %cond3A_110 = arith.cmpi ne, %convert_element_type3A, %cond3A : i32
      scf.if %cond3A_110 {
        %dma_wait3A_317 = arith.constant 2 : i32
        %dma_wait3A_318 = arith.constant 2 : i32
        %dma_wait3A_319 = arith.constant 0 : i32
        %dma_wait3A_320 = arith.constant 0 : i32
        %dma_wait3A_321 = tpu.memref_slice %arg5[%dma_wait3A_317, %dma_wait3A_319, %dma_wait3A_320] : memref<4x32x768xf32, #tpu.memory_space<vmem>> -> memref<1x32x768xf32, #tpu.memory_space<vmem>>
        %dma_wait3A_322 = tpu.memref_squeeze %dma_wait3A_321 : memref<1x32x768xf32, #tpu.memory_space<vmem>> -> memref<32x768xf32, #tpu.memory_space<vmem>>
        %dma_wait3A_323 = arith.constant 0 : i32
        %dma_wait3A_324 = arith.constant 0 : i32
        %dma_wait3A_325 = tpu.memref_slice %arg4[%dma_wait3A_323, %dma_wait3A_324] : memref<16384x768xf32, #tpu.memory_space<hbm>> -> memref<32x768xf32, #tpu.memory_space<hbm>>
        %dma_wait3A_326 = tpu.memref_slice %arg8[%dma_wait3A_318] : memref<4x!tpu.dma_semaphore, #tpu.memory_space<semaphore_mem>> -> memref<1x!tpu.dma_semaphore, #tpu.memory_space<semaphore_mem>>
        %dma_wait3A_327 = tpu.memref_squeeze %dma_wait3A_326 : memref<1x!tpu.dma_semaphore, #tpu.memory_space<semaphore_mem>> -> memref<!tpu.dma_semaphore, #tpu.memory_space<semaphore_mem>>
        %dma_wait3A_328 = arith.constant 0 : i32
        %dma_wait3A_329 = arith.constant 0 : i32
        %dma_wait3A_330 = tpu.memref_slice %arg4[%dma_wait3A_328, %dma_wait3A_329] : memref<16384x768xf32, #tpu.memory_space<hbm>> -> memref<32x768xf32, #tpu.memory_space<hbm>>
        %dma_wait3A_331 = arith.constant 0 : i32
        %dma_wait3A_332 = arith.constant 0 : i32
        %dma_wait3A_333 = tpu.memref_slice %arg5[%dma_wait3A_317, %dma_wait3A_331, %dma_wait3A_332] : memref<4x32x768xf32, #tpu.memory_space<vmem>> -> memref<1x32x768xf32, #tpu.memory_space<vmem>>
        %dma_wait3A_334 = tpu.memref_squeeze %dma_wait3A_333 : memref<1x32x768xf32, #tpu.memory_space<vmem>> -> memref<32x768xf32, #tpu.memory_space<vmem>>
        tpu.wait_dma2 semaphore(%dma_wait3A_327 : memref<!tpu.dma_semaphore, #tpu.memory_space<semaphore_mem>>) src(%dma_wait3A_334 : memref<32x768xf32, #tpu.memory_space<vmem>>) dst(%dma_wait3A_330 : memref<32x768xf32, #tpu.memory_space<hbm>>)
      } else {
      }
      %add3A_111 = arith.constant 2 : i32
      %add3A_112 = arith.addi %add3A_108, %add3A_111 : i32
      %mul3A_113 = arith.constant 32 : i32
      %mul3A_114 = arith.muli %add3A_112, %mul3A_113 : i32
      %dma_start3A_115 = arith.constant 2 : i32
      %dma_start3A_116 = arith.constant 2 : i32
      %dma_start3A_117 = arith.constant 0 : i32
      %dma_start3A_118 = arith.constant 0 : i32
      %dma_start3A_119 = tpu.memref_slice %arg5[%dma_start3A_115, %dma_start3A_117, %dma_start3A_118] : memref<4x32x768xf32, #tpu.memory_space<vmem>> -> memref<1x32x768xf32, #tpu.memory_space<vmem>>
      %dma_start3A_120 = tpu.memref_squeeze %dma_start3A_119 : memref<1x32x768xf32, #tpu.memory_space<vmem>> -> memref<32x768xf32, #tpu.memory_space<vmem>>
      %dma_start3A_121 = tpu.memref_slice %arg6[%mul3A_114] : memref<512xi32, #tpu.memory_space<vmem>> -> memref<32xi32, #tpu.memory_space<vmem>>
      %dma_start3A_122 = arith.constant 0 : i32
      %dma_start3A_123 = arith.constant 0 : i32
      %dma_start3A_124 = tpu.memref_slice %arg3[%dma_start3A_122, %dma_start3A_123] : memref<30522x768xf32, #tpu.memory_space<hbm>> -> memref<30522x768xf32, #tpu.memory_space<hbm>>
      %dma_start3A_125 = tpu.memref_slice %arg7[%dma_start3A_116] : memref<4x!tpu.dma_semaphore, #tpu.memory_space<semaphore_mem>> -> memref<1x!tpu.dma_semaphore, #tpu.memory_space<semaphore_mem>>
      %dma_start3A_126 = tpu.memref_squeeze %dma_start3A_125 : memref<1x!tpu.dma_semaphore, #tpu.memory_space<semaphore_mem>> -> memref<!tpu.dma_semaphore, #tpu.memory_space<semaphore_mem>>
      tpu.enqueue_indirect_dma source(%dma_start3A_124 : memref<30522x768xf32, #tpu.memory_space<hbm>>) target(%dma_start3A_120 : memref<32x768xf32, #tpu.memory_space<vmem>>) offsets(%dma_start3A_121 : memref<32xi32, #tpu.memory_space<vmem>>) semaphore(%dma_start3A_126 : memref<!tpu.dma_semaphore, #tpu.memory_space<semaphore_mem>>)
      %dma_wait3A_127 = arith.constant 0 : i32
      %dma_wait3A_128 = arith.constant 0 : i32
      %dma_wait3A_129 = arith.constant 0 : i32
      %dma_wait3A_130 = arith.constant 0 : i32
      %dma_wait3A_131 = tpu.memref_slice %arg5[%dma_wait3A_127, %dma_wait3A_129, %dma_wait3A_130] : memref<4x32x768xf32, #tpu.memory_space<vmem>> -> memref<1x32x768xf32, #tpu.memory_space<vmem>>
      %dma_wait3A_132 = tpu.memref_squeeze %dma_wait3A_131 : memref<1x32x768xf32, #tpu.memory_space<vmem>> -> memref<32x768xf32, #tpu.memory_space<vmem>>
      %dma_wait3A_133 = arith.constant 0 : i32
      %dma_wait3A_134 = arith.constant 0 : i32
      %dma_wait3A_135 = tpu.memref_slice %arg3[%dma_wait3A_133, %dma_wait3A_134] : memref<30522x768xf32, #tpu.memory_space<hbm>> -> memref<32x768xf32, #tpu.memory_space<hbm>>
      %dma_wait3A_136 = tpu.memref_slice %arg7[%dma_wait3A_128] : memref<4x!tpu.dma_semaphore, #tpu.memory_space<semaphore_mem>> -> memref<1x!tpu.dma_semaphore, #tpu.memory_space<semaphore_mem>>
      %dma_wait3A_137 = tpu.memref_squeeze %dma_wait3A_136 : memref<1x!tpu.dma_semaphore, #tpu.memory_space<semaphore_mem>> -> memref<!tpu.dma_semaphore, #tpu.memory_space<semaphore_mem>>
      %dma_wait3A_138 = arith.constant 0 : i32
      %dma_wait3A_139 = arith.constant 0 : i32
      %dma_wait3A_140 = tpu.memref_slice %arg5[%dma_wait3A_127, %dma_wait3A_138, %dma_wait3A_139] : memref<4x32x768xf32, #tpu.memory_space<vmem>> -> memref<1x32x768xf32, #tpu.memory_space<vmem>>
      %dma_wait3A_141 = tpu.memref_squeeze %dma_wait3A_140 : memref<1x32x768xf32, #tpu.memory_space<vmem>> -> memref<32x768xf32, #tpu.memory_space<vmem>>
      %dma_wait3A_142 = arith.constant 0 : i32
      %dma_wait3A_143 = arith.constant 0 : i32
      %dma_wait3A_144 = tpu.memref_slice %arg3[%dma_wait3A_142, %dma_wait3A_143] : memref<30522x768xf32, #tpu.memory_space<hbm>> -> memref<32x768xf32, #tpu.memory_space<hbm>>
      tpu.wait_dma2 semaphore(%dma_wait3A_137 : memref<!tpu.dma_semaphore, #tpu.memory_space<semaphore_mem>>) src(%dma_wait3A_144 : memref<32x768xf32, #tpu.memory_space<hbm>>) dst(%dma_wait3A_141 : memref<32x768xf32, #tpu.memory_space<vmem>>)
      %mul3A_145 = arith.constant 32 : i32
      %mul3A_146 = arith.muli %add3A_108, %mul3A_145 : i32
      %add3A_147 = arith.addi %mul3A_2, %mul3A_146 : i32
      %dma_start3A_148 = arith.constant 0 : i32
      %dma_start3A_149 = arith.constant 0 : i32
      %dma_start3A_150 = arith.constant 0 : i32
      %dma_start3A_151 = arith.constant 0 : i32
      %dma_start3A_152 = tpu.memref_slice %arg5[%dma_start3A_148, %dma_start3A_150, %dma_start3A_151] : memref<4x32x768xf32, #tpu.memory_space<vmem>> -> memref<1x32x768xf32, #tpu.memory_space<vmem>>
      %dma_start3A_153 = tpu.memref_squeeze %dma_start3A_152 : memref<1x32x768xf32, #tpu.memory_space<vmem>> -> memref<32x768xf32, #tpu.memory_space<vmem>>
      %dma_start3A_154 = arith.constant 0 : i32
      %dma_start3A_155 = tpu.memref_slice %arg4[%add3A_147, %dma_start3A_154] : memref<16384x768xf32, #tpu.memory_space<hbm>> -> memref<32x768xf32, #tpu.memory_space<hbm>>
      %dma_start3A_156 = tpu.memref_slice %arg8[%dma_start3A_149] : memref<4x!tpu.dma_semaphore, #tpu.memory_space<semaphore_mem>> -> memref<1x!tpu.dma_semaphore, #tpu.memory_space<semaphore_mem>>
      %dma_start3A_157 = tpu.memref_squeeze %dma_start3A_156 : memref<1x!tpu.dma_semaphore, #tpu.memory_space<semaphore_mem>> -> memref<!tpu.dma_semaphore, #tpu.memory_space<semaphore_mem>>
      %dma_start3A_158 = arith.constant 0 : i32
      %dma_start3A_159 = tpu.memref_slice %arg4[%add3A_147, %dma_start3A_158] : memref<16384x768xf32, #tpu.memory_space<hbm>> -> memref<32x768xf32, #tpu.memory_space<hbm>>
      %dma_start3A_160 = arith.constant 0 : i32
      %dma_start3A_161 = arith.constant 0 : i32
      %dma_start3A_162 = tpu.memref_slice %arg5[%dma_start3A_148, %dma_start3A_160, %dma_start3A_161] : memref<4x32x768xf32, #tpu.memory_space<vmem>> -> memref<1x32x768xf32, #tpu.memory_space<vmem>>
      %dma_start3A_163 = tpu.memref_squeeze %dma_start3A_162 : memref<1x32x768xf32, #tpu.memory_space<vmem>> -> memref<32x768xf32, #tpu.memory_space<vmem>>
      tpu.enqueue_dma source(%dma_start3A_163 : memref<32x768xf32, #tpu.memory_space<vmem>>) target(%dma_start3A_159 : memref<32x768xf32, #tpu.memory_space<hbm>>) target_semaphore(%dma_start3A_157 : memref<!tpu.dma_semaphore, #tpu.memory_space<semaphore_mem>>)
      %mul3A_164 = arith.constant 4 : i32
      %mul3A_165 = arith.muli %scan3A_104, %mul3A_164 : i32
      %add3A_166 = arith.constant 1 : i32
      %add3A_167 = arith.addi %mul3A_165, %add3A_166 : i32
      %gt3A_168 = arith.constant 0 : i32
      %gt3A_169 = arith.cmpi sgt, %scan3A_104, %gt3A_168 : i32
      %convert_element_type3A_170 = arith.extui %gt3A_169 : i1 to i32
      %cond3A_171 = arith.constant 0 : i32
      %cond3A_172 = arith.cmpi ne, %convert_element_type3A_170, %cond3A_171 : i32
      scf.if %cond3A_172 {
        %dma_wait3A_317 = arith.constant 3 : i32
        %dma_wait3A_318 = arith.constant 3 : i32
        %dma_wait3A_319 = arith.constant 0 : i32
        %dma_wait3A_320 = arith.constant 0 : i32
        %dma_wait3A_321 = tpu.memref_slice %arg5[%dma_wait3A_317, %dma_wait3A_319, %dma_wait3A_320] : memref<4x32x768xf32, #tpu.memory_space<vmem>> -> memref<1x32x768xf32, #tpu.memory_space<vmem>>
        %dma_wait3A_322 = tpu.memref_squeeze %dma_wait3A_321 : memref<1x32x768xf32, #tpu.memory_space<vmem>> -> memref<32x768xf32, #tpu.memory_space<vmem>>
        %dma_wait3A_323 = arith.constant 0 : i32
        %dma_wait3A_324 = arith.constant 0 : i32
        %dma_wait3A_325 = tpu.memref_slice %arg4[%dma_wait3A_323, %dma_wait3A_324] : memref<16384x768xf32, #tpu.memory_space<hbm>> -> memref<32x768xf32, #tpu.memory_space<hbm>>
        %dma_wait3A_326 = tpu.memref_slice %arg8[%dma_wait3A_318] : memref<4x!tpu.dma_semaphore, #tpu.memory_space<semaphore_mem>> -> memref<1x!tpu.dma_semaphore, #tpu.memory_space<semaphore_mem>>
        %dma_wait3A_327 = tpu.memref_squeeze %dma_wait3A_326 : memref<1x!tpu.dma_semaphore, #tpu.memory_space<semaphore_mem>> -> memref<!tpu.dma_semaphore, #tpu.memory_space<semaphore_mem>>
        %dma_wait3A_328 = arith.constant 0 : i32
        %dma_wait3A_329 = arith.constant 0 : i32
        %dma_wait3A_330 = tpu.memref_slice %arg4[%dma_wait3A_328, %dma_wait3A_329] : memref<16384x768xf32, #tpu.memory_space<hbm>> -> memref<32x768xf32, #tpu.memory_space<hbm>>
        %dma_wait3A_331 = arith.constant 0 : i32
        %dma_wait3A_332 = arith.constant 0 : i32
        %dma_wait3A_333 = tpu.memref_slice %arg5[%dma_wait3A_317, %dma_wait3A_331, %dma_wait3A_332] : memref<4x32x768xf32, #tpu.memory_space<vmem>> -> memref<1x32x768xf32, #tpu.memory_space<vmem>>
        %dma_wait3A_334 = tpu.memref_squeeze %dma_wait3A_333 : memref<1x32x768xf32, #tpu.memory_space<vmem>> -> memref<32x768xf32, #tpu.memory_space<vmem>>
        tpu.wait_dma2 semaphore(%dma_wait3A_327 : memref<!tpu.dma_semaphore, #tpu.memory_space<semaphore_mem>>) src(%dma_wait3A_334 : memref<32x768xf32, #tpu.memory_space<vmem>>) dst(%dma_wait3A_330 : memref<32x768xf32, #tpu.memory_space<hbm>>)
      } else {
      }
      %add3A_173 = arith.constant 2 : i32
      %add3A_174 = arith.addi %add3A_167, %add3A_173 : i32
      %mul3A_175 = arith.constant 32 : i32
      %mul3A_176 = arith.muli %add3A_174, %mul3A_175 : i32
      %dma_start3A_177 = arith.constant 3 : i32
      %dma_start3A_178 = arith.constant 3 : i32
      %dma_start3A_179 = arith.constant 0 : i32
      %dma_start3A_180 = arith.constant 0 : i32
      %dma_start3A_181 = tpu.memref_slice %arg5[%dma_start3A_177, %dma_start3A_179, %dma_start3A_180] : memref<4x32x768xf32, #tpu.memory_space<vmem>> -> memref<1x32x768xf32, #tpu.memory_space<vmem>>
      %dma_start3A_182 = tpu.memref_squeeze %dma_start3A_181 : memref<1x32x768xf32, #tpu.memory_space<vmem>> -> memref<32x768xf32, #tpu.memory_space<vmem>>
      %dma_start3A_183 = tpu.memref_slice %arg6[%mul3A_176] : memref<512xi32, #tpu.memory_space<vmem>> -> memref<32xi32, #tpu.memory_space<vmem>>
      %dma_start3A_184 = arith.constant 0 : i32
      %dma_start3A_185 = arith.constant 0 : i32
      %dma_start3A_186 = tpu.memref_slice %arg3[%dma_start3A_184, %dma_start3A_185] : memref<30522x768xf32, #tpu.memory_space<hbm>> -> memref<30522x768xf32, #tpu.memory_space<hbm>>
      %dma_start3A_187 = tpu.memref_slice %arg7[%dma_start3A_178] : memref<4x!tpu.dma_semaphore, #tpu.memory_space<semaphore_mem>> -> memref<1x!tpu.dma_semaphore, #tpu.memory_space<semaphore_mem>>
      %dma_start3A_188 = tpu.memref_squeeze %dma_start3A_187 : memref<1x!tpu.dma_semaphore, #tpu.memory_space<semaphore_mem>> -> memref<!tpu.dma_semaphore, #tpu.memory_space<semaphore_mem>>
      tpu.enqueue_indirect_dma source(%dma_start3A_186 : memref<30522x768xf32, #tpu.memory_space<hbm>>) target(%dma_start3A_182 : memref<32x768xf32, #tpu.memory_space<vmem>>) offsets(%dma_start3A_183 : memref<32xi32, #tpu.memory_space<vmem>>) semaphore(%dma_start3A_188 : memref<!tpu.dma_semaphore, #tpu.memory_space<semaphore_mem>>)
      %dma_wait3A_189 = arith.constant 1 : i32
      %dma_wait3A_190 = arith.constant 1 : i32
      %dma_wait3A_191 = arith.constant 0 : i32
      %dma_wait3A_192 = arith.constant 0 : i32
      %dma_wait3A_193 = tpu.memref_slice %arg5[%dma_wait3A_189, %dma_wait3A_191, %dma_wait3A_192] : memref<4x32x768xf32, #tpu.memory_space<vmem>> -> memref<1x32x768xf32, #tpu.memory_space<vmem>>
      %dma_wait3A_194 = tpu.memref_squeeze %dma_wait3A_193 : memref<1x32x768xf32, #tpu.memory_space<vmem>> -> memref<32x768xf32, #tpu.memory_space<vmem>>
      %dma_wait3A_195 = arith.constant 0 : i32
      %dma_wait3A_196 = arith.constant 0 : i32
      %dma_wait3A_197 = tpu.memref_slice %arg3[%dma_wait3A_195, %dma_wait3A_196] : memref<30522x768xf32, #tpu.memory_space<hbm>> -> memref<32x768xf32, #tpu.memory_space<hbm>>
      %dma_wait3A_198 = tpu.memref_slice %arg7[%dma_wait3A_190] : memref<4x!tpu.dma_semaphore, #tpu.memory_space<semaphore_mem>> -> memref<1x!tpu.dma_semaphore, #tpu.memory_space<semaphore_mem>>
      %dma_wait3A_199 = tpu.memref_squeeze %dma_wait3A_198 : memref<1x!tpu.dma_semaphore, #tpu.memory_space<semaphore_mem>> -> memref<!tpu.dma_semaphore, #tpu.memory_space<semaphore_mem>>
      %dma_wait3A_200 = arith.constant 0 : i32
      %dma_wait3A_201 = arith.constant 0 : i32
      %dma_wait3A_202 = tpu.memref_slice %arg5[%dma_wait3A_189, %dma_wait3A_200, %dma_wait3A_201] : memref<4x32x768xf32, #tpu.memory_space<vmem>> -> memref<1x32x768xf32, #tpu.memory_space<vmem>>
      %dma_wait3A_203 = tpu.memref_squeeze %dma_wait3A_202 : memref<1x32x768xf32, #tpu.memory_space<vmem>> -> memref<32x768xf32, #tpu.memory_space<vmem>>
      %dma_wait3A_204 = arith.constant 0 : i32
      %dma_wait3A_205 = arith.constant 0 : i32
      %dma_wait3A_206 = tpu.memref_slice %arg3[%dma_wait3A_204, %dma_wait3A_205] : memref<30522x768xf32, #tpu.memory_space<hbm>> -> memref<32x768xf32, #tpu.memory_space<hbm>>
      tpu.wait_dma2 semaphore(%dma_wait3A_199 : memref<!tpu.dma_semaphore, #tpu.memory_space<semaphore_mem>>) src(%dma_wait3A_206 : memref<32x768xf32, #tpu.memory_space<hbm>>) dst(%dma_wait3A_203 : memref<32x768xf32, #tpu.memory_space<vmem>>)
      %mul3A_207 = arith.constant 32 : i32
      %mul3A_208 = arith.muli %add3A_167, %mul3A_207 : i32
      %add3A_209 = arith.addi %mul3A_2, %mul3A_208 : i32
      %dma_start3A_210 = arith.constant 1 : i32
      %dma_start3A_211 = arith.constant 1 : i32
      %dma_start3A_212 = arith.constant 0 : i32
      %dma_start3A_213 = arith.constant 0 : i32
      %dma_start3A_214 = tpu.memref_slice %arg5[%dma_start3A_210, %dma_start3A_212, %dma_start3A_213] : memref<4x32x768xf32, #tpu.memory_space<vmem>> -> memref<1x32x768xf32, #tpu.memory_space<vmem>>
      %dma_start3A_215 = tpu.memref_squeeze %dma_start3A_214 : memref<1x32x768xf32, #tpu.memory_space<vmem>> -> memref<32x768xf32, #tpu.memory_space<vmem>>
      %dma_start3A_216 = arith.constant 0 : i32
      %dma_start3A_217 = tpu.memref_slice %arg4[%add3A_209, %dma_start3A_216] : memref<16384x768xf32, #tpu.memory_space<hbm>> -> memref<32x768xf32, #tpu.memory_space<hbm>>
      %dma_start3A_218 = tpu.memref_slice %arg8[%dma_start3A_211] : memref<4x!tpu.dma_semaphore, #tpu.memory_space<semaphore_mem>> -> memref<1x!tpu.dma_semaphore, #tpu.memory_space<semaphore_mem>>
      %dma_start3A_219 = tpu.memref_squeeze %dma_start3A_218 : memref<1x!tpu.dma_semaphore, #tpu.memory_space<semaphore_mem>> -> memref<!tpu.dma_semaphore, #tpu.memory_space<semaphore_mem>>
      %dma_start3A_220 = arith.constant 0 : i32
      %dma_start3A_221 = tpu.memref_slice %arg4[%add3A_209, %dma_start3A_220] : memref<16384x768xf32, #tpu.memory_space<hbm>> -> memref<32x768xf32, #tpu.memory_space<hbm>>
      %dma_start3A_222 = arith.constant 0 : i32
      %dma_start3A_223 = arith.constant 0 : i32
      %dma_start3A_224 = tpu.memref_slice %arg5[%dma_start3A_210, %dma_start3A_222, %dma_start3A_223] : memref<4x32x768xf32, #tpu.memory_space<vmem>> -> memref<1x32x768xf32, #tpu.memory_space<vmem>>
      %dma_start3A_225 = tpu.memref_squeeze %dma_start3A_224 : memref<1x32x768xf32, #tpu.memory_space<vmem>> -> memref<32x768xf32, #tpu.memory_space<vmem>>
      tpu.enqueue_dma source(%dma_start3A_225 : memref<32x768xf32, #tpu.memory_space<vmem>>) target(%dma_start3A_221 : memref<32x768xf32, #tpu.memory_space<hbm>>) target_semaphore(%dma_start3A_219 : memref<!tpu.dma_semaphore, #tpu.memory_space<semaphore_mem>>)
      %mul3A_226 = arith.constant 4 : i32
      %mul3A_227 = arith.muli %scan3A_104, %mul3A_226 : i32
      %add3A_228 = arith.constant 2 : i32
      %add3A_229 = arith.addi %mul3A_227, %add3A_228 : i32
      %lt3A = arith.constant 3 : i32
      %lt3A_230 = arith.cmpi slt, %scan3A_104, %lt3A : i32
      %convert_element_type3A_231 = arith.extui %lt3A_230 : i1 to i32
      %cond3A_232 = arith.constant 0 : i32
      %cond3A_233 = arith.cmpi ne, %convert_element_type3A_231, %cond3A_232 : i32
      scf.if %cond3A_233 {
        %dma_wait3A_317 = arith.constant 0 : i32
        %dma_wait3A_318 = arith.constant 0 : i32
        %dma_wait3A_319 = arith.constant 0 : i32
        %dma_wait3A_320 = arith.constant 0 : i32
        %dma_wait3A_321 = tpu.memref_slice %arg5[%dma_wait3A_317, %dma_wait3A_319, %dma_wait3A_320] : memref<4x32x768xf32, #tpu.memory_space<vmem>> -> memref<1x32x768xf32, #tpu.memory_space<vmem>>
        %dma_wait3A_322 = tpu.memref_squeeze %dma_wait3A_321 : memref<1x32x768xf32, #tpu.memory_space<vmem>> -> memref<32x768xf32, #tpu.memory_space<vmem>>
        %dma_wait3A_323 = arith.constant 0 : i32
        %dma_wait3A_324 = arith.constant 0 : i32
        %dma_wait3A_325 = tpu.memref_slice %arg4[%dma_wait3A_323, %dma_wait3A_324] : memref<16384x768xf32, #tpu.memory_space<hbm>> -> memref<32x768xf32, #tpu.memory_space<hbm>>
        %dma_wait3A_326 = tpu.memref_slice %arg8[%dma_wait3A_318] : memref<4x!tpu.dma_semaphore, #tpu.memory_space<semaphore_mem>> -> memref<1x!tpu.dma_semaphore, #tpu.memory_space<semaphore_mem>>
        %dma_wait3A_327 = tpu.memref_squeeze %dma_wait3A_326 : memref<1x!tpu.dma_semaphore, #tpu.memory_space<semaphore_mem>> -> memref<!tpu.dma_semaphore, #tpu.memory_space<semaphore_mem>>
        %dma_wait3A_328 = arith.constant 0 : i32
        %dma_wait3A_329 = arith.constant 0 : i32
        %dma_wait3A_330 = tpu.memref_slice %arg4[%dma_wait3A_328, %dma_wait3A_329] : memref<16384x768xf32, #tpu.memory_space<hbm>> -> memref<32x768xf32, #tpu.memory_space<hbm>>
        %dma_wait3A_331 = arith.constant 0 : i32
        %dma_wait3A_332 = arith.constant 0 : i32
        %dma_wait3A_333 = tpu.memref_slice %arg5[%dma_wait3A_317, %dma_wait3A_331, %dma_wait3A_332] : memref<4x32x768xf32, #tpu.memory_space<vmem>> -> memref<1x32x768xf32, #tpu.memory_space<vmem>>
        %dma_wait3A_334 = tpu.memref_squeeze %dma_wait3A_333 : memref<1x32x768xf32, #tpu.memory_space<vmem>> -> memref<32x768xf32, #tpu.memory_space<vmem>>
        tpu.wait_dma2 semaphore(%dma_wait3A_327 : memref<!tpu.dma_semaphore, #tpu.memory_space<semaphore_mem>>) src(%dma_wait3A_334 : memref<32x768xf32, #tpu.memory_space<vmem>>) dst(%dma_wait3A_330 : memref<32x768xf32, #tpu.memory_space<hbm>>)
        %add3A_335 = arith.constant 2 : i32
        %add3A_336 = arith.addi %add3A_229, %add3A_335 : i32
        %mul3A_337 = arith.constant 32 : i32
        %mul3A_338 = arith.muli %add3A_336, %mul3A_337 : i32
        %dma_start3A_339 = arith.constant 0 : i32
        %dma_start3A_340 = arith.constant 0 : i32
        %dma_start3A_341 = arith.constant 0 : i32
        %dma_start3A_342 = arith.constant 0 : i32
        %dma_start3A_343 = tpu.memref_slice %arg5[%dma_start3A_339, %dma_start3A_341, %dma_start3A_342] : memref<4x32x768xf32, #tpu.memory_space<vmem>> -> memref<1x32x768xf32, #tpu.memory_space<vmem>>
        %dma_start3A_344 = tpu.memref_squeeze %dma_start3A_343 : memref<1x32x768xf32, #tpu.memory_space<vmem>> -> memref<32x768xf32, #tpu.memory_space<vmem>>
        %dma_start3A_345 = tpu.memref_slice %arg6[%mul3A_338] : memref<512xi32, #tpu.memory_space<vmem>> -> memref<32xi32, #tpu.memory_space<vmem>>
        %dma_start3A_346 = arith.constant 0 : i32
        %dma_start3A_347 = arith.constant 0 : i32
        %dma_start3A_348 = tpu.memref_slice %arg3[%dma_start3A_346, %dma_start3A_347] : memref<30522x768xf32, #tpu.memory_space<hbm>> -> memref<30522x768xf32, #tpu.memory_space<hbm>>
        %dma_start3A_349 = tpu.memref_slice %arg7[%dma_start3A_340] : memref<4x!tpu.dma_semaphore, #tpu.memory_space<semaphore_mem>> -> memref<1x!tpu.dma_semaphore, #tpu.memory_space<semaphore_mem>>
        %dma_start3A_350 = tpu.memref_squeeze %dma_start3A_349 : memref<1x!tpu.dma_semaphore, #tpu.memory_space<semaphore_mem>> -> memref<!tpu.dma_semaphore, #tpu.memory_space<semaphore_mem>>
        tpu.enqueue_indirect_dma source(%dma_start3A_348 : memref<30522x768xf32, #tpu.memory_space<hbm>>) target(%dma_start3A_344 : memref<32x768xf32, #tpu.memory_space<vmem>>) offsets(%dma_start3A_345 : memref<32xi32, #tpu.memory_space<vmem>>) semaphore(%dma_start3A_350 : memref<!tpu.dma_semaphore, #tpu.memory_space<semaphore_mem>>)
      } else {
      }
      %dma_wait3A_234 = arith.constant 2 : i32
      %dma_wait3A_235 = arith.constant 2 : i32
      %dma_wait3A_236 = arith.constant 0 : i32
      %dma_wait3A_237 = arith.constant 0 : i32
      %dma_wait3A_238 = tpu.memref_slice %arg5[%dma_wait3A_234, %dma_wait3A_236, %dma_wait3A_237] : memref<4x32x768xf32, #tpu.memory_space<vmem>> -> memref<1x32x768xf32, #tpu.memory_space<vmem>>
      %dma_wait3A_239 = tpu.memref_squeeze %dma_wait3A_238 : memref<1x32x768xf32, #tpu.memory_space<vmem>> -> memref<32x768xf32, #tpu.memory_space<vmem>>
      %dma_wait3A_240 = arith.constant 0 : i32
      %dma_wait3A_241 = arith.constant 0 : i32
      %dma_wait3A_242 = tpu.memref_slice %arg3[%dma_wait3A_240, %dma_wait3A_241] : memref<30522x768xf32, #tpu.memory_space<hbm>> -> memref<32x768xf32, #tpu.memory_space<hbm>>
      %dma_wait3A_243 = tpu.memref_slice %arg7[%dma_wait3A_235] : memref<4x!tpu.dma_semaphore, #tpu.memory_space<semaphore_mem>> -> memref<1x!tpu.dma_semaphore, #tpu.memory_space<semaphore_mem>>
      %dma_wait3A_244 = tpu.memref_squeeze %dma_wait3A_243 : memref<1x!tpu.dma_semaphore, #tpu.memory_space<semaphore_mem>> -> memref<!tpu.dma_semaphore, #tpu.memory_space<semaphore_mem>>
      %dma_wait3A_245 = arith.constant 0 : i32
      %dma_wait3A_246 = arith.constant 0 : i32
      %dma_wait3A_247 = tpu.memref_slice %arg5[%dma_wait3A_234, %dma_wait3A_245, %dma_wait3A_246] : memref<4x32x768xf32, #tpu.memory_space<vmem>> -> memref<1x32x768xf32, #tpu.memory_space<vmem>>
      %dma_wait3A_248 = tpu.memref_squeeze %dma_wait3A_247 : memref<1x32x768xf32, #tpu.memory_space<vmem>> -> memref<32x768xf32, #tpu.memory_space<vmem>>
      %dma_wait3A_249 = arith.constant 0 : i32
      %dma_wait3A_250 = arith.constant 0 : i32
      %dma_wait3A_251 = tpu.memref_slice %arg3[%dma_wait3A_249, %dma_wait3A_250] : memref<30522x768xf32, #tpu.memory_space<hbm>> -> memref<32x768xf32, #tpu.memory_space<hbm>>
      tpu.wait_dma2 semaphore(%dma_wait3A_244 : memref<!tpu.dma_semaphore, #tpu.memory_space<semaphore_mem>>) src(%dma_wait3A_251 : memref<32x768xf32, #tpu.memory_space<hbm>>) dst(%dma_wait3A_248 : memref<32x768xf32, #tpu.memory_space<vmem>>)
      %mul3A_252 = arith.constant 32 : i32
      %mul3A_253 = arith.muli %add3A_229, %mul3A_252 : i32
      %add3A_254 = arith.addi %mul3A_2, %mul3A_253 : i32
      %dma_start3A_255 = arith.constant 2 : i32
      %dma_start3A_256 = arith.constant 2 : i32
      %dma_start3A_257 = arith.constant 0 : i32
      %dma_start3A_258 = arith.constant 0 : i32
      %dma_start3A_259 = tpu.memref_slice %arg5[%dma_start3A_255, %dma_start3A_257, %dma_start3A_258] : memref<4x32x768xf32, #tpu.memory_space<vmem>> -> memref<1x32x768xf32, #tpu.memory_space<vmem>>
      %dma_start3A_260 = tpu.memref_squeeze %dma_start3A_259 : memref<1x32x768xf32, #tpu.memory_space<vmem>> -> memref<32x768xf32, #tpu.memory_space<vmem>>
      %dma_start3A_261 = arith.constant 0 : i32
      %dma_start3A_262 = tpu.memref_slice %arg4[%add3A_254, %dma_start3A_261] : memref<16384x768xf32, #tpu.memory_space<hbm>> -> memref<32x768xf32, #tpu.memory_space<hbm>>
      %dma_start3A_263 = tpu.memref_slice %arg8[%dma_start3A_256] : memref<4x!tpu.dma_semaphore, #tpu.memory_space<semaphore_mem>> -> memref<1x!tpu.dma_semaphore, #tpu.memory_space<semaphore_mem>>
      %dma_start3A_264 = tpu.memref_squeeze %dma_start3A_263 : memref<1x!tpu.dma_semaphore, #tpu.memory_space<semaphore_mem>> -> memref<!tpu.dma_semaphore, #tpu.memory_space<semaphore_mem>>
      %dma_start3A_265 = arith.constant 0 : i32
      %dma_start3A_266 = tpu.memref_slice %arg4[%add3A_254, %dma_start3A_265] : memref<16384x768xf32, #tpu.memory_space<hbm>> -> memref<32x768xf32, #tpu.memory_space<hbm>>
      %dma_start3A_267 = arith.constant 0 : i32
      %dma_start3A_268 = arith.constant 0 : i32
      %dma_start3A_269 = tpu.memref_slice %arg5[%dma_start3A_255, %dma_start3A_267, %dma_start3A_268] : memref<4x32x768xf32, #tpu.memory_space<vmem>> -> memref<1x32x768xf32, #tpu.memory_space<vmem>>
      %dma_start3A_270 = tpu.memref_squeeze %dma_start3A_269 : memref<1x32x768xf32, #tpu.memory_space<vmem>> -> memref<32x768xf32, #tpu.memory_space<vmem>>
      tpu.enqueue_dma source(%dma_start3A_270 : memref<32x768xf32, #tpu.memory_space<vmem>>) target(%dma_start3A_266 : memref<32x768xf32, #tpu.memory_space<hbm>>) target_semaphore(%dma_start3A_264 : memref<!tpu.dma_semaphore, #tpu.memory_space<semaphore_mem>>)
      %mul3A_271 = arith.constant 4 : i32
      %mul3A_272 = arith.muli %scan3A_104, %mul3A_271 : i32
      %add3A_273 = arith.constant 3 : i32
      %add3A_274 = arith.addi %mul3A_272, %add3A_273 : i32
      %lt3A_275 = arith.constant 3 : i32
      %lt3A_276 = arith.cmpi slt, %scan3A_104, %lt3A_275 : i32
      %convert_element_type3A_277 = arith.extui %lt3A_276 : i1 to i32
      %cond3A_278 = arith.constant 0 : i32
      %cond3A_279 = arith.cmpi ne, %convert_element_type3A_277, %cond3A_278 : i32
      scf.if %cond3A_279 {
        %dma_wait3A_317 = arith.constant 1 : i32
        %dma_wait3A_318 = arith.constant 1 : i32
        %dma_wait3A_319 = arith.constant 0 : i32
        %dma_wait3A_320 = arith.constant 0 : i32
        %dma_wait3A_321 = tpu.memref_slice %arg5[%dma_wait3A_317, %dma_wait3A_319, %dma_wait3A_320] : memref<4x32x768xf32, #tpu.memory_space<vmem>> -> memref<1x32x768xf32, #tpu.memory_space<vmem>>
        %dma_wait3A_322 = tpu.memref_squeeze %dma_wait3A_321 : memref<1x32x768xf32, #tpu.memory_space<vmem>> -> memref<32x768xf32, #tpu.memory_space<vmem>>
        %dma_wait3A_323 = arith.constant 0 : i32
        %dma_wait3A_324 = arith.constant 0 : i32
        %dma_wait3A_325 = tpu.memref_slice %arg4[%dma_wait3A_323, %dma_wait3A_324] : memref<16384x768xf32, #tpu.memory_space<hbm>> -> memref<32x768xf32, #tpu.memory_space<hbm>>
        %dma_wait3A_326 = tpu.memref_slice %arg8[%dma_wait3A_318] : memref<4x!tpu.dma_semaphore, #tpu.memory_space<semaphore_mem>> -> memref<1x!tpu.dma_semaphore, #tpu.memory_space<semaphore_mem>>
        %dma_wait3A_327 = tpu.memref_squeeze %dma_wait3A_326 : memref<1x!tpu.dma_semaphore, #tpu.memory_space<semaphore_mem>> -> memref<!tpu.dma_semaphore, #tpu.memory_space<semaphore_mem>>
        %dma_wait3A_328 = arith.constant 0 : i32
        %dma_wait3A_329 = arith.constant 0 : i32
        %dma_wait3A_330 = tpu.memref_slice %arg4[%dma_wait3A_328, %dma_wait3A_329] : memref<16384x768xf32, #tpu.memory_space<hbm>> -> memref<32x768xf32, #tpu.memory_space<hbm>>
        %dma_wait3A_331 = arith.constant 0 : i32
        %dma_wait3A_332 = arith.constant 0 : i32
        %dma_wait3A_333 = tpu.memref_slice %arg5[%dma_wait3A_317, %dma_wait3A_331, %dma_wait3A_332] : memref<4x32x768xf32, #tpu.memory_space<vmem>> -> memref<1x32x768xf32, #tpu.memory_space<vmem>>
        %dma_wait3A_334 = tpu.memref_squeeze %dma_wait3A_333 : memref<1x32x768xf32, #tpu.memory_space<vmem>> -> memref<32x768xf32, #tpu.memory_space<vmem>>
        tpu.wait_dma2 semaphore(%dma_wait3A_327 : memref<!tpu.dma_semaphore, #tpu.memory_space<semaphore_mem>>) src(%dma_wait3A_334 : memref<32x768xf32, #tpu.memory_space<vmem>>) dst(%dma_wait3A_330 : memref<32x768xf32, #tpu.memory_space<hbm>>)
        %add3A_335 = arith.constant 2 : i32
        %add3A_336 = arith.addi %add3A_274, %add3A_335 : i32
        %mul3A_337 = arith.constant 32 : i32
        %mul3A_338 = arith.muli %add3A_336, %mul3A_337 : i32
        %dma_start3A_339 = arith.constant 1 : i32
        %dma_start3A_340 = arith.constant 1 : i32
        %dma_start3A_341 = arith.constant 0 : i32
        %dma_start3A_342 = arith.constant 0 : i32
        %dma_start3A_343 = tpu.memref_slice %arg5[%dma_start3A_339, %dma_start3A_341, %dma_start3A_342] : memref<4x32x768xf32, #tpu.memory_space<vmem>> -> memref<1x32x768xf32, #tpu.memory_space<vmem>>
        %dma_start3A_344 = tpu.memref_squeeze %dma_start3A_343 : memref<1x32x768xf32, #tpu.memory_space<vmem>> -> memref<32x768xf32, #tpu.memory_space<vmem>>
        %dma_start3A_345 = tpu.memref_slice %arg6[%mul3A_338] : memref<512xi32, #tpu.memory_space<vmem>> -> memref<32xi32, #tpu.memory_space<vmem>>
        %dma_start3A_346 = arith.constant 0 : i32
        %dma_start3A_347 = arith.constant 0 : i32
        %dma_start3A_348 = tpu.memref_slice %arg3[%dma_start3A_346, %dma_start3A_347] : memref<30522x768xf32, #tpu.memory_space<hbm>> -> memref<30522x768xf32, #tpu.memory_space<hbm>>
        %dma_start3A_349 = tpu.memref_slice %arg7[%dma_start3A_340] : memref<4x!tpu.dma_semaphore, #tpu.memory_space<semaphore_mem>> -> memref<1x!tpu.dma_semaphore, #tpu.memory_space<semaphore_mem>>
        %dma_start3A_350 = tpu.memref_squeeze %dma_start3A_349 : memref<1x!tpu.dma_semaphore, #tpu.memory_space<semaphore_mem>> -> memref<!tpu.dma_semaphore, #tpu.memory_space<semaphore_mem>>
        tpu.enqueue_indirect_dma source(%dma_start3A_348 : memref<30522x768xf32, #tpu.memory_space<hbm>>) target(%dma_start3A_344 : memref<32x768xf32, #tpu.memory_space<vmem>>) offsets(%dma_start3A_345 : memref<32xi32, #tpu.memory_space<vmem>>) semaphore(%dma_start3A_350 : memref<!tpu.dma_semaphore, #tpu.memory_space<semaphore_mem>>)
      } else {
      }
      %dma_wait3A_280 = arith.constant 3 : i32
      %dma_wait3A_281 = arith.constant 3 : i32
      %dma_wait3A_282 = arith.constant 0 : i32
      %dma_wait3A_283 = arith.constant 0 : i32
      %dma_wait3A_284 = tpu.memref_slice %arg5[%dma_wait3A_280, %dma_wait3A_282, %dma_wait3A_283] : memref<4x32x768xf32, #tpu.memory_space<vmem>> -> memref<1x32x768xf32, #tpu.memory_space<vmem>>
      %dma_wait3A_285 = tpu.memref_squeeze %dma_wait3A_284 : memref<1x32x768xf32, #tpu.memory_space<vmem>> -> memref<32x768xf32, #tpu.memory_space<vmem>>
      %dma_wait3A_286 = arith.constant 0 : i32
      %dma_wait3A_287 = arith.constant 0 : i32
      %dma_wait3A_288 = tpu.memref_slice %arg3[%dma_wait3A_286, %dma_wait3A_287] : memref<30522x768xf32, #tpu.memory_space<hbm>> -> memref<32x768xf32, #tpu.memory_space<hbm>>
      %dma_wait3A_289 = tpu.memref_slice %arg7[%dma_wait3A_281] : memref<4x!tpu.dma_semaphore, #tpu.memory_space<semaphore_mem>> -> memref<1x!tpu.dma_semaphore, #tpu.memory_space<semaphore_mem>>
      %dma_wait3A_290 = tpu.memref_squeeze %dma_wait3A_289 : memref<1x!tpu.dma_semaphore, #tpu.memory_space<semaphore_mem>> -> memref<!tpu.dma_semaphore, #tpu.memory_space<semaphore_mem>>
      %dma_wait3A_291 = arith.constant 0 : i32
      %dma_wait3A_292 = arith.constant 0 : i32
      %dma_wait3A_293 = tpu.memref_slice %arg5[%dma_wait3A_280, %dma_wait3A_291, %dma_wait3A_292] : memref<4x32x768xf32, #tpu.memory_space<vmem>> -> memref<1x32x768xf32, #tpu.memory_space<vmem>>
      %dma_wait3A_294 = tpu.memref_squeeze %dma_wait3A_293 : memref<1x32x768xf32, #tpu.memory_space<vmem>> -> memref<32x768xf32, #tpu.memory_space<vmem>>
      %dma_wait3A_295 = arith.constant 0 : i32
      %dma_wait3A_296 = arith.constant 0 : i32
      %dma_wait3A_297 = tpu.memref_slice %arg3[%dma_wait3A_295, %dma_wait3A_296] : memref<30522x768xf32, #tpu.memory_space<hbm>> -> memref<32x768xf32, #tpu.memory_space<hbm>>
      tpu.wait_dma2 semaphore(%dma_wait3A_290 : memref<!tpu.dma_semaphore, #tpu.memory_space<semaphore_mem>>) src(%dma_wait3A_297 : memref<32x768xf32, #tpu.memory_space<hbm>>) dst(%dma_wait3A_294 : memref<32x768xf32, #tpu.memory_space<vmem>>)
      %mul3A_298 = arith.constant 32 : i32
      %mul3A_299 = arith.muli %add3A_274, %mul3A_298 : i32
      %add3A_300 = arith.addi %mul3A_2, %mul3A_299 : i32
      %dma_start3A_301 = arith.constant 3 : i32
      %dma_start3A_302 = arith.constant 3 : i32
      %dma_start3A_303 = arith.constant 0 : i32
      %dma_start3A_304 = arith.constant 0 : i32
      %dma_start3A_305 = tpu.memref_slice %arg5[%dma_start3A_301, %dma_start3A_303, %dma_start3A_304] : memref<4x32x768xf32, #tpu.memory_space<vmem>> -> memref<1x32x768xf32, #tpu.memory_space<vmem>>
      %dma_start3A_306 = tpu.memref_squeeze %dma_start3A_305 : memref<1x32x768xf32, #tpu.memory_space<vmem>> -> memref<32x768xf32, #tpu.memory_space<vmem>>
      %dma_start3A_307 = arith.constant 0 : i32
      %dma_start3A_308 = tpu.memref_slice %arg4[%add3A_300, %dma_start3A_307] : memref<16384x768xf32, #tpu.memory_space<hbm>> -> memref<32x768xf32, #tpu.memory_space<hbm>>
      %dma_start3A_309 = tpu.memref_slice %arg8[%dma_start3A_302] : memref<4x!tpu.dma_semaphore, #tpu.memory_space<semaphore_mem>> -> memref<1x!tpu.dma_semaphore, #tpu.memory_space<semaphore_mem>>
      %dma_start3A_310 = tpu.memref_squeeze %dma_start3A_309 : memref<1x!tpu.dma_semaphore, #tpu.memory_space<semaphore_mem>> -> memref<!tpu.dma_semaphore, #tpu.memory_space<semaphore_mem>>
      %dma_start3A_311 = arith.constant 0 : i32
      %dma_start3A_312 = tpu.memref_slice %arg4[%add3A_300, %dma_start3A_311] : memref<16384x768xf32, #tpu.memory_space<hbm>> -> memref<32x768xf32, #tpu.memory_space<hbm>>
      %dma_start3A_313 = arith.constant 0 : i32
      %dma_start3A_314 = arith.constant 0 : i32
      %dma_start3A_315 = tpu.memref_slice %arg5[%dma_start3A_301, %dma_start3A_313, %dma_start3A_314] : memref<4x32x768xf32, #tpu.memory_space<vmem>> -> memref<1x32x768xf32, #tpu.memory_space<vmem>>
      %dma_start3A_316 = tpu.memref_squeeze %dma_start3A_315 : memref<1x32x768xf32, #tpu.memory_space<vmem>> -> memref<32x768xf32, #tpu.memory_space<vmem>>
      tpu.enqueue_dma source(%dma_start3A_316 : memref<32x768xf32, #tpu.memory_space<vmem>>) target(%dma_start3A_312 : memref<32x768xf32, #tpu.memory_space<hbm>>) target_semaphore(%dma_start3A_310 : memref<!tpu.dma_semaphore, #tpu.memory_space<semaphore_mem>>)
    }
    %scan3A_32 = arith.constant 4 : i32
    %dma_wait3A = arith.constant 0 : i32
    %dma_wait3A_33 = arith.constant 0 : i32
    %dma_wait3A_34 = arith.constant 0 : i32
    %dma_wait3A_35 = arith.constant 0 : i32
    %dma_wait3A_36 = tpu.memref_slice %arg5[%dma_wait3A, %dma_wait3A_34, %dma_wait3A_35] : memref<4x32x768xf32, #tpu.memory_space<vmem>> -> memref<1x32x768xf32, #tpu.memory_space<vmem>>
    %dma_wait3A_37 = tpu.memref_squeeze %dma_wait3A_36 : memref<1x32x768xf32, #tpu.memory_space<vmem>> -> memref<32x768xf32, #tpu.memory_space<vmem>>
    %dma_wait3A_38 = arith.constant 0 : i32
    %dma_wait3A_39 = arith.constant 0 : i32
    %dma_wait3A_40 = tpu.memref_slice %arg4[%dma_wait3A_38, %dma_wait3A_39] : memref<16384x768xf32, #tpu.memory_space<hbm>> -> memref<32x768xf32, #tpu.memory_space<hbm>>
    %dma_wait3A_41 = tpu.memref_slice %arg8[%dma_wait3A_33] : memref<4x!tpu.dma_semaphore, #tpu.memory_space<semaphore_mem>> -> memref<1x!tpu.dma_semaphore, #tpu.memory_space<semaphore_mem>>
    %dma_wait3A_42 = tpu.memref_squeeze %dma_wait3A_41 : memref<1x!tpu.dma_semaphore, #tpu.memory_space<semaphore_mem>> -> memref<!tpu.dma_semaphore, #tpu.memory_space<semaphore_mem>>
    %dma_wait3A_43 = arith.constant 0 : i32
    %dma_wait3A_44 = arith.constant 0 : i32
    %dma_wait3A_45 = tpu.memref_slice %arg4[%dma_wait3A_43, %dma_wait3A_44] : memref<16384x768xf32, #tpu.memory_space<hbm>> -> memref<32x768xf32, #tpu.memory_space<hbm>>
    %dma_wait3A_46 = arith.constant 0 : i32
    %dma_wait3A_47 = arith.constant 0 : i32
    %dma_wait3A_48 = tpu.memref_slice %arg5[%dma_wait3A, %dma_wait3A_46, %dma_wait3A_47] : memref<4x32x768xf32, #tpu.memory_space<vmem>> -> memref<1x32x768xf32, #tpu.memory_space<vmem>>
    %dma_wait3A_49 = tpu.memref_squeeze %dma_wait3A_48 : memref<1x32x768xf32, #tpu.memory_space<vmem>> -> memref<32x768xf32, #tpu.memory_space<vmem>>
    tpu.wait_dma2 semaphore(%dma_wait3A_42 : memref<!tpu.dma_semaphore, #tpu.memory_space<semaphore_mem>>) src(%dma_wait3A_49 : memref<32x768xf32, #tpu.memory_space<vmem>>) dst(%dma_wait3A_45 : memref<32x768xf32, #tpu.memory_space<hbm>>)
    %dma_wait3A_50 = arith.constant 1 : i32
    %dma_wait3A_51 = arith.constant 1 : i32
    %dma_wait3A_52 = arith.constant 0 : i32
    %dma_wait3A_53 = arith.constant 0 : i32
    %dma_wait3A_54 = tpu.memref_slice %arg5[%dma_wait3A_50, %dma_wait3A_52, %dma_wait3A_53] : memref<4x32x768xf32, #tpu.memory_space<vmem>> -> memref<1x32x768xf32, #tpu.memory_space<vmem>>
    %dma_wait3A_55 = tpu.memref_squeeze %dma_wait3A_54 : memref<1x32x768xf32, #tpu.memory_space<vmem>> -> memref<32x768xf32, #tpu.memory_space<vmem>>
    %dma_wait3A_56 = arith.constant 0 : i32
    %dma_wait3A_57 = arith.constant 0 : i32
    %dma_wait3A_58 = tpu.memref_slice %arg4[%dma_wait3A_56, %dma_wait3A_57] : memref<16384x768xf32, #tpu.memory_space<hbm>> -> memref<32x768xf32, #tpu.memory_space<hbm>>
    %dma_wait3A_59 = tpu.memref_slice %arg8[%dma_wait3A_51] : memref<4x!tpu.dma_semaphore, #tpu.memory_space<semaphore_mem>> -> memref<1x!tpu.dma_semaphore, #tpu.memory_space<semaphore_mem>>
    %dma_wait3A_60 = tpu.memref_squeeze %dma_wait3A_59 : memref<1x!tpu.dma_semaphore, #tpu.memory_space<semaphore_mem>> -> memref<!tpu.dma_semaphore, #tpu.memory_space<semaphore_mem>>
    %dma_wait3A_61 = arith.constant 0 : i32
    %dma_wait3A_62 = arith.constant 0 : i32
    %dma_wait3A_63 = tpu.memref_slice %arg4[%dma_wait3A_61, %dma_wait3A_62] : memref<16384x768xf32, #tpu.memory_space<hbm>> -> memref<32x768xf32, #tpu.memory_space<hbm>>
    %dma_wait3A_64 = arith.constant 0 : i32
    %dma_wait3A_65 = arith.constant 0 : i32
    %dma_wait3A_66 = tpu.memref_slice %arg5[%dma_wait3A_50, %dma_wait3A_64, %dma_wait3A_65] : memref<4x32x768xf32, #tpu.memory_space<vmem>> -> memref<1x32x768xf32, #tpu.memory_space<vmem>>
    %dma_wait3A_67 = tpu.memref_squeeze %dma_wait3A_66 : memref<1x32x768xf32, #tpu.memory_space<vmem>> -> memref<32x768xf32, #tpu.memory_space<vmem>>
    tpu.wait_dma2 semaphore(%dma_wait3A_60 : memref<!tpu.dma_semaphore, #tpu.memory_space<semaphore_mem>>) src(%dma_wait3A_67 : memref<32x768xf32, #tpu.memory_space<vmem>>) dst(%dma_wait3A_63 : memref<32x768xf32, #tpu.memory_space<hbm>>)
    %dma_wait3A_68 = arith.constant 2 : i32
    %dma_wait3A_69 = arith.constant 2 : i32
    %dma_wait3A_70 = arith.constant 0 : i32
    %dma_wait3A_71 = arith.constant 0 : i32
    %dma_wait3A_72 = tpu.memref_slice %arg5[%dma_wait3A_68, %dma_wait3A_70, %dma_wait3A_71] : memref<4x32x768xf32, #tpu.memory_space<vmem>> -> memref<1x32x768xf32, #tpu.memory_space<vmem>>
    %dma_wait3A_73 = tpu.memref_squeeze %dma_wait3A_72 : memref<1x32x768xf32, #tpu.memory_space<vmem>> -> memref<32x768xf32, #tpu.memory_space<vmem>>
    %dma_wait3A_74 = arith.constant 0 : i32
    %dma_wait3A_75 = arith.constant 0 : i32
    %dma_wait3A_76 = tpu.memref_slice %arg4[%dma_wait3A_74, %dma_wait3A_75] : memref<16384x768xf32, #tpu.memory_space<hbm>> -> memref<32x768xf32, #tpu.memory_space<hbm>>
    %dma_wait3A_77 = tpu.memref_slice %arg8[%dma_wait3A_69] : memref<4x!tpu.dma_semaphore, #tpu.memory_space<semaphore_mem>> -> memref<1x!tpu.dma_semaphore, #tpu.memory_space<semaphore_mem>>
    %dma_wait3A_78 = tpu.memref_squeeze %dma_wait3A_77 : memref<1x!tpu.dma_semaphore, #tpu.memory_space<semaphore_mem>> -> memref<!tpu.dma_semaphore, #tpu.memory_space<semaphore_mem>>
    %dma_wait3A_79 = arith.constant 0 : i32
    %dma_wait3A_80 = arith.constant 0 : i32
    %dma_wait3A_81 = tpu.memref_slice %arg4[%dma_wait3A_79, %dma_wait3A_80] : memref<16384x768xf32, #tpu.memory_space<hbm>> -> memref<32x768xf32, #tpu.memory_space<hbm>>
    %dma_wait3A_82 = arith.constant 0 : i32
    %dma_wait3A_83 = arith.constant 0 : i32
    %dma_wait3A_84 = tpu.memref_slice %arg5[%dma_wait3A_68, %dma_wait3A_82, %dma_wait3A_83] : memref<4x32x768xf32, #tpu.memory_space<vmem>> -> memref<1x32x768xf32, #tpu.memory_space<vmem>>
    %dma_wait3A_85 = tpu.memref_squeeze %dma_wait3A_84 : memref<1x32x768xf32, #tpu.memory_space<vmem>> -> memref<32x768xf32, #tpu.memory_space<vmem>>
    tpu.wait_dma2 semaphore(%dma_wait3A_78 : memref<!tpu.dma_semaphore, #tpu.memory_space<semaphore_mem>>) src(%dma_wait3A_85 : memref<32x768xf32, #tpu.memory_space<vmem>>) dst(%dma_wait3A_81 : memref<32x768xf32, #tpu.memory_space<hbm>>)
    %dma_wait3A_86 = arith.constant 3 : i32
    %dma_wait3A_87 = arith.constant 3 : i32
    %dma_wait3A_88 = arith.constant 0 : i32
    %dma_wait3A_89 = arith.constant 0 : i32
    %dma_wait3A_90 = tpu.memref_slice %arg5[%dma_wait3A_86, %dma_wait3A_88, %dma_wait3A_89] : memref<4x32x768xf32, #tpu.memory_space<vmem>> -> memref<1x32x768xf32, #tpu.memory_space<vmem>>
    %dma_wait3A_91 = tpu.memref_squeeze %dma_wait3A_90 : memref<1x32x768xf32, #tpu.memory_space<vmem>> -> memref<32x768xf32, #tpu.memory_space<vmem>>
    %dma_wait3A_92 = arith.constant 0 : i32
    %dma_wait3A_93 = arith.constant 0 : i32
    %dma_wait3A_94 = tpu.memref_slice %arg4[%dma_wait3A_92, %dma_wait3A_93] : memref<16384x768xf32, #tpu.memory_space<hbm>> -> memref<32x768xf32, #tpu.memory_space<hbm>>
    %dma_wait3A_95 = tpu.memref_slice %arg8[%dma_wait3A_87] : memref<4x!tpu.dma_semaphore, #tpu.memory_space<semaphore_mem>> -> memref<1x!tpu.dma_semaphore, #tpu.memory_space<semaphore_mem>>
    %dma_wait3A_96 = tpu.memref_squeeze %dma_wait3A_95 : memref<1x!tpu.dma_semaphore, #tpu.memory_space<semaphore_mem>> -> memref<!tpu.dma_semaphore, #tpu.memory_space<semaphore_mem>>
    %dma_wait3A_97 = arith.constant 0 : i32
    %dma_wait3A_98 = arith.constant 0 : i32
    %dma_wait3A_99 = tpu.memref_slice %arg4[%dma_wait3A_97, %dma_wait3A_98] : memref<16384x768xf32, #tpu.memory_space<hbm>> -> memref<32x768xf32, #tpu.memory_space<hbm>>
    %dma_wait3A_100 = arith.constant 0 : i32
    %dma_wait3A_101 = arith.constant 0 : i32
    %dma_wait3A_102 = tpu.memref_slice %arg5[%dma_wait3A_86, %dma_wait3A_100, %dma_wait3A_101] : memref<4x32x768xf32, #tpu.memory_space<vmem>> -> memref<1x32x768xf32, #tpu.memory_space<vmem>>
    %dma_wait3A_103 = tpu.memref_squeeze %dma_wait3A_102 : memref<1x32x768xf32, #tpu.memory_space<vmem>> -> memref<32x768xf32, #tpu.memory_space<vmem>>
    tpu.wait_dma2 semaphore(%dma_wait3A_96 : memref<!tpu.dma_semaphore, #tpu.memory_space<semaphore_mem>>) src(%dma_wait3A_103 : memref<32x768xf32, #tpu.memory_space<vmem>>) dst(%dma_wait3A_99 : memref<32x768xf32, #tpu.memory_space<hbm>>)
    return
  }
}

#map = affine_map<(d0, d1) -> (0)>
#map1 = affine_map<(d0, d1) -> (0, 0)>
module attributes {stable_mosaic.version = 14 : i64} {
  func.func @_sc_gather_body(%arg0: i32, %arg1: i32, %arg2: memref<16384xi32, #tpu.memory_space<hbm>>, %arg3: memref<30522x768xf32, #tpu.memory_space<hbm>>, %arg4: memref<16384x768xf32, #tpu.memory_space<hbm>>, %arg5: memref<4x32x768xf32, #tpu.memory_space<vmem>>, %arg6: memref<512xi32, #tpu.memory_space<vmem>>, %arg7: memref<4x!tpu.dma_semaphore, #tpu.memory_space<semaphore_mem>>, %arg8: memref<4x!tpu.dma_semaphore, #tpu.memory_space<semaphore_mem>>) attributes {dimension_semantics = [#tpu.dimension_semantics<core_parallel>, #tpu.dimension_semantics<subcore_parallel>], iteration_bounds = array<i64: 2, 16>, scalar_prefetch = 0 : i64, scratch_operands = 4 : i64, tpu.core_type = #tpu.core_type<sc_vector_subcore>, window_params = [{transform_indices = #map}, {transform_indices = #map1}, {transform_indices = #map1}]} {
    %mul3A = arith.constant 16 : i32
    %mul3A_0 = arith.muli %arg0, %mul3A : i32
    %add3A = arith.addi %mul3A_0, %arg1 : i32
    %mul3A_1 = arith.constant 512 : i32
    %mul3A_2 = arith.muli %add3A, %mul3A_1 : i32
    "tpu.region"() ({
      %run_scoped3A = tpu.sem_alloc : memref<!tpu.dma_semaphore, #tpu.memory_space<semaphore_mem>>
      %dma_start3A_104 = tpu.memref_slice %arg2[%mul3A_2] : memref<16384xi32, #tpu.memory_space<hbm>> -> memref<512xi32, #tpu.memory_space<hbm>>
      %dma_start3A_105 = tpu.memref_slice %arg2[%mul3A_2] : memref<16384xi32, #tpu.memory_space<hbm>> -> memref<512xi32, #tpu.memory_space<hbm>>
      tpu.enqueue_dma source(%dma_start3A_105 : memref<512xi32, #tpu.memory_space<hbm>>) target(%arg6 : memref<512xi32, #tpu.memory_space<vmem>>) target_semaphore(%run_scoped3A : memref<!tpu.dma_semaphore, #tpu.memory_space<semaphore_mem>>)
      %dma_wait3A_106 = tpu.memref_slice %arg2[%mul3A_2] : memref<16384xi32, #tpu.memory_space<hbm>> -> memref<512xi32, #tpu.memory_space<hbm>>
      %dma_wait3A_107 = tpu.memref_slice %arg2[%mul3A_2] : memref<16384xi32, #tpu.memory_space<hbm>> -> memref<512xi32, #tpu.memory_space<hbm>>
      tpu.wait_dma2 semaphore(%run_scoped3A : memref<!tpu.dma_semaphore, #tpu.memory_space<semaphore_mem>>) src(%dma_wait3A_107 : memref<512xi32, #tpu.memory_space<hbm>>) dst(%arg6 : memref<512xi32, #tpu.memory_space<vmem>>)
      tpu.yield
    }) : () -> ()
    %dma_start3A = arith.constant 0 : i32
    %dma_start3A_3 = arith.constant 0 : i32
    %dma_start3A_4 = arith.constant 0 : i32
    %dma_start3A_5 = arith.constant 0 : i32
    %dma_start3A_6 = tpu.memref_slice %arg5[%dma_start3A, %dma_start3A_4, %dma_start3A_5] : memref<4x32x768xf32, #tpu.memory_space<vmem>> -> memref<1x32x768xf32, #tpu.memory_space<vmem>>
    %dma_start3A_7 = tpu.memref_squeeze %dma_start3A_6 : memref<1x32x768xf32, #tpu.memory_space<vmem>> -> memref<32x768xf32, #tpu.memory_space<vmem>>
    %dma_start3A_8 = arith.constant 0 : i32
    %dma_start3A_9 = tpu.memref_slice %arg6[%dma_start3A_8] : memref<512xi32, #tpu.memory_space<vmem>> -> memref<32xi32, #tpu.memory_space<vmem>>
    %dma_start3A_10 = arith.constant 0 : i32
    %dma_start3A_11 = arith.constant 0 : i32
    %dma_start3A_12 = tpu.memref_slice %arg3[%dma_start3A_10, %dma_start3A_11] : memref<30522x768xf32, #tpu.memory_space<hbm>> -> memref<30522x768xf32, #tpu.memory_space<hbm>>
    %dma_start3A_13 = tpu.memref_slice %arg7[%dma_start3A_3] : memref<4x!tpu.dma_semaphore, #tpu.memory_space<semaphore_mem>> -> memref<1x!tpu.dma_semaphore, #tpu.memory_space<semaphore_mem>>
    %dma_start3A_14 = tpu.memref_squeeze %dma_start3A_13 : memref<1x!tpu.dma_semaphore, #tpu.memory_space<semaphore_mem>> -> memref<!tpu.dma_semaphore, #tpu.memory_space<semaphore_mem>>
    tpu.enqueue_indirect_dma source(%dma_start3A_12 : memref<30522x768xf32, #tpu.memory_space<hbm>>) target(%dma_start3A_7 : memref<32x768xf32, #tpu.memory_space<vmem>>) offsets(%dma_start3A_9 : memref<32xi32, #tpu.memory_space<vmem>>) semaphore(%dma_start3A_14 : memref<!tpu.dma_semaphore, #tpu.memory_space<semaphore_mem>>)
    %dma_start3A_15 = arith.constant 1 : i32
    %dma_start3A_16 = arith.constant 1 : i32
    %dma_start3A_17 = arith.constant 0 : i32
    %dma_start3A_18 = arith.constant 0 : i32
    %dma_start3A_19 = tpu.memref_slice %arg5[%dma_start3A_15, %dma_start3A_17, %dma_start3A_18] : memref<4x32x768xf32, #tpu.memory_space<vmem>> -> memref<1x32x768xf32, #tpu.memory_space<vmem>>
    %dma_start3A_20 = tpu.memref_squeeze %dma_start3A_19 : memref<1x32x768xf32, #tpu.memory_space<vmem>> -> memref<32x768xf32, #tpu.memory_space<vmem>>
    %dma_start3A_21 = arith.constant 32 : i32
    %dma_start3A_22 = tpu.memref_slice %arg6[%dma_start3A_21] : memref<512xi32, #tpu.memory_space<vmem>> -> memref<32xi32, #tpu.memory_space<vmem>>
    %dma_start3A_23 = arith.constant 0 : i32
    %dma_start3A_24 = arith.constant 0 : i32
    %dma_start3A_25 = tpu.memref_slice %arg3[%dma_start3A_23, %dma_start3A_24] : memref<30522x768xf32, #tpu.memory_space<hbm>> -> memref<30522x768xf32, #tpu.memory_space<hbm>>
    %dma_start3A_26 = tpu.memref_slice %arg7[%dma_start3A_16] : memref<4x!tpu.dma_semaphore, #tpu.memory_space<semaphore_mem>> -> memref<1x!tpu.dma_semaphore, #tpu.memory_space<semaphore_mem>>
    %dma_start3A_27 = tpu.memref_squeeze %dma_start3A_26 : memref<1x!tpu.dma_semaphore, #tpu.memory_space<semaphore_mem>> -> memref<!tpu.dma_semaphore, #tpu.memory_space<semaphore_mem>>
    tpu.enqueue_indirect_dma source(%dma_start3A_25 : memref<30522x768xf32, #tpu.memory_space<hbm>>) target(%dma_start3A_20 : memref<32x768xf32, #tpu.memory_space<vmem>>) offsets(%dma_start3A_22 : memref<32xi32, #tpu.memory_space<vmem>>) semaphore(%dma_start3A_27 : memref<!tpu.dma_semaphore, #tpu.memory_space<semaphore_mem>>)
    %scan3A = arith.constant 0 : i32
    %scan3A_28 = arith.constant 0 : i32
    %scan3A_29 = arith.constant 4 : i32
    %scan3A_30 = arith.addi %scan3A_28, %scan3A_29 : i32
    %scan3A_31 = arith.constant 1 : i32
    scf.for %scan3A_104 = %scan3A_28 to %scan3A_30 step %scan3A_31  : i32 {
      %mul3A_105 = arith.constant 4 : i32
      %mul3A_106 = arith.muli %scan3A_104, %mul3A_105 : i32
      %add3A_107 = arith.constant 0 : i32
      %add3A_108 = arith.addi %mul3A_106, %add3A_107 : i32
      %gt3A = arith.constant 0 : i32
      %gt3A_109 = arith.cmpi sgt, %scan3A_104, %gt3A : i32
      %convert_element_type3A = arith.extui %gt3A_109 : i1 to i32
      %cond3A = arith.constant 0 : i32
      %cond3A_110 = arith.cmpi ne, %convert_element_type3A, %cond3A : i32
      scf.if %cond3A_110 {
        %dma_wait3A_317 = arith.constant 2 : i32
        %dma_wait3A_318 = arith.constant 2 : i32
        %dma_wait3A_319 = arith.constant 0 : i32
        %dma_wait3A_320 = arith.constant 0 : i32
        %dma_wait3A_321 = tpu.memref_slice %arg5[%dma_wait3A_317, %dma_wait3A_319, %dma_wait3A_320] : memref<4x32x768xf32, #tpu.memory_space<vmem>> -> memref<1x32x768xf32, #tpu.memory_space<vmem>>
        %dma_wait3A_322 = tpu.memref_squeeze %dma_wait3A_321 : memref<1x32x768xf32, #tpu.memory_space<vmem>> -> memref<32x768xf32, #tpu.memory_space<vmem>>
        %dma_wait3A_323 = arith.constant 0 : i32
        %dma_wait3A_324 = arith.constant 0 : i32
        %dma_wait3A_325 = tpu.memref_slice %arg4[%dma_wait3A_323, %dma_wait3A_324] : memref<16384x768xf32, #tpu.memory_space<hbm>> -> memref<32x768xf32, #tpu.memory_space<hbm>>
        %dma_wait3A_326 = tpu.memref_slice %arg8[%dma_wait3A_318] : memref<4x!tpu.dma_semaphore, #tpu.memory_space<semaphore_mem>> -> memref<1x!tpu.dma_semaphore, #tpu.memory_space<semaphore_mem>>
        %dma_wait3A_327 = tpu.memref_squeeze %dma_wait3A_326 : memref<1x!tpu.dma_semaphore, #tpu.memory_space<semaphore_mem>> -> memref<!tpu.dma_semaphore, #tpu.memory_space<semaphore_mem>>
        %dma_wait3A_328 = arith.constant 0 : i32
        %dma_wait3A_329 = arith.constant 0 : i32
        %dma_wait3A_330 = tpu.memref_slice %arg4[%dma_wait3A_328, %dma_wait3A_329] : memref<16384x768xf32, #tpu.memory_space<hbm>> -> memref<32x768xf32, #tpu.memory_space<hbm>>
        %dma_wait3A_331 = arith.constant 0 : i32
        %dma_wait3A_332 = arith.constant 0 : i32
        %dma_wait3A_333 = tpu.memref_slice %arg5[%dma_wait3A_317, %dma_wait3A_331, %dma_wait3A_332] : memref<4x32x768xf32, #tpu.memory_space<vmem>> -> memref<1x32x768xf32, #tpu.memory_space<vmem>>
        %dma_wait3A_334 = tpu.memref_squeeze %dma_wait3A_333 : memref<1x32x768xf32, #tpu.memory_space<vmem>> -> memref<32x768xf32, #tpu.memory_space<vmem>>
        tpu.wait_dma2 semaphore(%dma_wait3A_327 : memref<!tpu.dma_semaphore, #tpu.memory_space<semaphore_mem>>) src(%dma_wait3A_334 : memref<32x768xf32, #tpu.memory_space<vmem>>) dst(%dma_wait3A_330 : memref<32x768xf32, #tpu.memory_space<hbm>>)
      } else {
      }
      %add3A_111 = arith.constant 2 : i32
      %add3A_112 = arith.addi %add3A_108, %add3A_111 : i32
      %mul3A_113 = arith.constant 32 : i32
      %mul3A_114 = arith.muli %add3A_112, %mul3A_113 : i32
      %dma_start3A_115 = arith.constant 2 : i32
      %dma_start3A_116 = arith.constant 2 : i32
      %dma_start3A_117 = arith.constant 0 : i32
      %dma_start3A_118 = arith.constant 0 : i32
      %dma_start3A_119 = tpu.memref_slice %arg5[%dma_start3A_115, %dma_start3A_117, %dma_start3A_118] : memref<4x32x768xf32, #tpu.memory_space<vmem>> -> memref<1x32x768xf32, #tpu.memory_space<vmem>>
      %dma_start3A_120 = tpu.memref_squeeze %dma_start3A_119 : memref<1x32x768xf32, #tpu.memory_space<vmem>> -> memref<32x768xf32, #tpu.memory_space<vmem>>
      %dma_start3A_121 = tpu.memref_slice %arg6[%mul3A_114] : memref<512xi32, #tpu.memory_space<vmem>> -> memref<32xi32, #tpu.memory_space<vmem>>
      %dma_start3A_122 = arith.constant 0 : i32
      %dma_start3A_123 = arith.constant 0 : i32
      %dma_start3A_124 = tpu.memref_slice %arg3[%dma_start3A_122, %dma_start3A_123] : memref<30522x768xf32, #tpu.memory_space<hbm>> -> memref<30522x768xf32, #tpu.memory_space<hbm>>
      %dma_start3A_125 = tpu.memref_slice %arg7[%dma_start3A_116] : memref<4x!tpu.dma_semaphore, #tpu.memory_space<semaphore_mem>> -> memref<1x!tpu.dma_semaphore, #tpu.memory_space<semaphore_mem>>
      %dma_start3A_126 = tpu.memref_squeeze %dma_start3A_125 : memref<1x!tpu.dma_semaphore, #tpu.memory_space<semaphore_mem>> -> memref<!tpu.dma_semaphore, #tpu.memory_space<semaphore_mem>>
      tpu.enqueue_indirect_dma source(%dma_start3A_124 : memref<30522x768xf32, #tpu.memory_space<hbm>>) target(%dma_start3A_120 : memref<32x768xf32, #tpu.memory_space<vmem>>) offsets(%dma_start3A_121 : memref<32xi32, #tpu.memory_space<vmem>>) semaphore(%dma_start3A_126 : memref<!tpu.dma_semaphore, #tpu.memory_space<semaphore_mem>>)
      %dma_wait3A_127 = arith.constant 0 : i32
      %dma_wait3A_128 = arith.constant 0 : i32
      %dma_wait3A_129 = arith.constant 0 : i32
      %dma_wait3A_130 = arith.constant 0 : i32
      %dma_wait3A_131 = tpu.memref_slice %arg5[%dma_wait3A_127, %dma_wait3A_129, %dma_wait3A_130] : memref<4x32x768xf32, #tpu.memory_space<vmem>> -> memref<1x32x768xf32, #tpu.memory_space<vmem>>
      %dma_wait3A_132 = tpu.memref_squeeze %dma_wait3A_131 : memref<1x32x768xf32, #tpu.memory_space<vmem>> -> memref<32x768xf32, #tpu.memory_space<vmem>>
      %dma_wait3A_133 = arith.constant 0 : i32
      %dma_wait3A_134 = arith.constant 0 : i32
      %dma_wait3A_135 = tpu.memref_slice %arg3[%dma_wait3A_133, %dma_wait3A_134] : memref<30522x768xf32, #tpu.memory_space<hbm>> -> memref<32x768xf32, #tpu.memory_space<hbm>>
      %dma_wait3A_136 = tpu.memref_slice %arg7[%dma_wait3A_128] : memref<4x!tpu.dma_semaphore, #tpu.memory_space<semaphore_mem>> -> memref<1x!tpu.dma_semaphore, #tpu.memory_space<semaphore_mem>>
      %dma_wait3A_137 = tpu.memref_squeeze %dma_wait3A_136 : memref<1x!tpu.dma_semaphore, #tpu.memory_space<semaphore_mem>> -> memref<!tpu.dma_semaphore, #tpu.memory_space<semaphore_mem>>
      %dma_wait3A_138 = arith.constant 0 : i32
      %dma_wait3A_139 = arith.constant 0 : i32
      %dma_wait3A_140 = tpu.memref_slice %arg5[%dma_wait3A_127, %dma_wait3A_138, %dma_wait3A_139] : memref<4x32x768xf32, #tpu.memory_space<vmem>> -> memref<1x32x768xf32, #tpu.memory_space<vmem>>
      %dma_wait3A_141 = tpu.memref_squeeze %dma_wait3A_140 : memref<1x32x768xf32, #tpu.memory_space<vmem>> -> memref<32x768xf32, #tpu.memory_space<vmem>>
      %dma_wait3A_142 = arith.constant 0 : i32
      %dma_wait3A_143 = arith.constant 0 : i32
      %dma_wait3A_144 = tpu.memref_slice %arg3[%dma_wait3A_142, %dma_wait3A_143] : memref<30522x768xf32, #tpu.memory_space<hbm>> -> memref<32x768xf32, #tpu.memory_space<hbm>>
      tpu.wait_dma2 semaphore(%dma_wait3A_137 : memref<!tpu.dma_semaphore, #tpu.memory_space<semaphore_mem>>) src(%dma_wait3A_144 : memref<32x768xf32, #tpu.memory_space<hbm>>) dst(%dma_wait3A_141 : memref<32x768xf32, #tpu.memory_space<vmem>>)
      %mul3A_145 = arith.constant 32 : i32
      %mul3A_146 = arith.muli %add3A_108, %mul3A_145 : i32
      %add3A_147 = arith.addi %mul3A_2, %mul3A_146 : i32
      %dma_start3A_148 = arith.constant 0 : i32
      %dma_start3A_149 = arith.constant 0 : i32
      %dma_start3A_150 = arith.constant 0 : i32
      %dma_start3A_151 = arith.constant 0 : i32
      %dma_start3A_152 = tpu.memref_slice %arg5[%dma_start3A_148, %dma_start3A_150, %dma_start3A_151] : memref<4x32x768xf32, #tpu.memory_space<vmem>> -> memref<1x32x768xf32, #tpu.memory_space<vmem>>
      %dma_start3A_153 = tpu.memref_squeeze %dma_start3A_152 : memref<1x32x768xf32, #tpu.memory_space<vmem>> -> memref<32x768xf32, #tpu.memory_space<vmem>>
      %dma_start3A_154 = arith.constant 0 : i32
      %dma_start3A_155 = tpu.memref_slice %arg4[%add3A_147, %dma_start3A_154] : memref<16384x768xf32, #tpu.memory_space<hbm>> -> memref<32x768xf32, #tpu.memory_space<hbm>>
      %dma_start3A_156 = tpu.memref_slice %arg8[%dma_start3A_149] : memref<4x!tpu.dma_semaphore, #tpu.memory_space<semaphore_mem>> -> memref<1x!tpu.dma_semaphore, #tpu.memory_space<semaphore_mem>>
      %dma_start3A_157 = tpu.memref_squeeze %dma_start3A_156 : memref<1x!tpu.dma_semaphore, #tpu.memory_space<semaphore_mem>> -> memref<!tpu.dma_semaphore, #tpu.memory_space<semaphore_mem>>
      %dma_start3A_158 = arith.constant 0 : i32
      %dma_start3A_159 = tpu.memref_slice %arg4[%add3A_147, %dma_start3A_158] : memref<16384x768xf32, #tpu.memory_space<hbm>> -> memref<32x768xf32, #tpu.memory_space<hbm>>
      %dma_start3A_160 = arith.constant 0 : i32
      %dma_start3A_161 = arith.constant 0 : i32
      %dma_start3A_162 = tpu.memref_slice %arg5[%dma_start3A_148, %dma_start3A_160, %dma_start3A_161] : memref<4x32x768xf32, #tpu.memory_space<vmem>> -> memref<1x32x768xf32, #tpu.memory_space<vmem>>
      %dma_start3A_163 = tpu.memref_squeeze %dma_start3A_162 : memref<1x32x768xf32, #tpu.memory_space<vmem>> -> memref<32x768xf32, #tpu.memory_space<vmem>>
      tpu.enqueue_dma source(%dma_start3A_163 : memref<32x768xf32, #tpu.memory_space<vmem>>) target(%dma_start3A_159 : memref<32x768xf32, #tpu.memory_space<hbm>>) target_semaphore(%dma_start3A_157 : memref<!tpu.dma_semaphore, #tpu.memory_space<semaphore_mem>>)
      %mul3A_164 = arith.constant 4 : i32
      %mul3A_165 = arith.muli %scan3A_104, %mul3A_164 : i32
      %add3A_166 = arith.constant 1 : i32
      %add3A_167 = arith.addi %mul3A_165, %add3A_166 : i32
      %gt3A_168 = arith.constant 0 : i32
      %gt3A_169 = arith.cmpi sgt, %scan3A_104, %gt3A_168 : i32
      %convert_element_type3A_170 = arith.extui %gt3A_169 : i1 to i32
      %cond3A_171 = arith.constant 0 : i32
      %cond3A_172 = arith.cmpi ne, %convert_element_type3A_170, %cond3A_171 : i32
      scf.if %cond3A_172 {
        %dma_wait3A_317 = arith.constant 3 : i32
        %dma_wait3A_318 = arith.constant 3 : i32
        %dma_wait3A_319 = arith.constant 0 : i32
        %dma_wait3A_320 = arith.constant 0 : i32
        %dma_wait3A_321 = tpu.memref_slice %arg5[%dma_wait3A_317, %dma_wait3A_319, %dma_wait3A_320] : memref<4x32x768xf32, #tpu.memory_space<vmem>> -> memref<1x32x768xf32, #tpu.memory_space<vmem>>
        %dma_wait3A_322 = tpu.memref_squeeze %dma_wait3A_321 : memref<1x32x768xf32, #tpu.memory_space<vmem>> -> memref<32x768xf32, #tpu.memory_space<vmem>>
        %dma_wait3A_323 = arith.constant 0 : i32
        %dma_wait3A_324 = arith.constant 0 : i32
        %dma_wait3A_325 = tpu.memref_slice %arg4[%dma_wait3A_323, %dma_wait3A_324] : memref<16384x768xf32, #tpu.memory_space<hbm>> -> memref<32x768xf32, #tpu.memory_space<hbm>>
        %dma_wait3A_326 = tpu.memref_slice %arg8[%dma_wait3A_318] : memref<4x!tpu.dma_semaphore, #tpu.memory_space<semaphore_mem>> -> memref<1x!tpu.dma_semaphore, #tpu.memory_space<semaphore_mem>>
        %dma_wait3A_327 = tpu.memref_squeeze %dma_wait3A_326 : memref<1x!tpu.dma_semaphore, #tpu.memory_space<semaphore_mem>> -> memref<!tpu.dma_semaphore, #tpu.memory_space<semaphore_mem>>
        %dma_wait3A_328 = arith.constant 0 : i32
        %dma_wait3A_329 = arith.constant 0 : i32
        %dma_wait3A_330 = tpu.memref_slice %arg4[%dma_wait3A_328, %dma_wait3A_329] : memref<16384x768xf32, #tpu.memory_space<hbm>> -> memref<32x768xf32, #tpu.memory_space<hbm>>
        %dma_wait3A_331 = arith.constant 0 : i32
        %dma_wait3A_332 = arith.constant 0 : i32
        %dma_wait3A_333 = tpu.memref_slice %arg5[%dma_wait3A_317, %dma_wait3A_331, %dma_wait3A_332] : memref<4x32x768xf32, #tpu.memory_space<vmem>> -> memref<1x32x768xf32, #tpu.memory_space<vmem>>
        %dma_wait3A_334 = tpu.memref_squeeze %dma_wait3A_333 : memref<1x32x768xf32, #tpu.memory_space<vmem>> -> memref<32x768xf32, #tpu.memory_space<vmem>>
        tpu.wait_dma2 semaphore(%dma_wait3A_327 : memref<!tpu.dma_semaphore, #tpu.memory_space<semaphore_mem>>) src(%dma_wait3A_334 : memref<32x768xf32, #tpu.memory_space<vmem>>) dst(%dma_wait3A_330 : memref<32x768xf32, #tpu.memory_space<hbm>>)
      } else {
      }
      %add3A_173 = arith.constant 2 : i32
      %add3A_174 = arith.addi %add3A_167, %add3A_173 : i32
      %mul3A_175 = arith.constant 32 : i32
      %mul3A_176 = arith.muli %add3A_174, %mul3A_175 : i32
      %dma_start3A_177 = arith.constant 3 : i32
      %dma_start3A_178 = arith.constant 3 : i32
      %dma_start3A_179 = arith.constant 0 : i32
      %dma_start3A_180 = arith.constant 0 : i32
      %dma_start3A_181 = tpu.memref_slice %arg5[%dma_start3A_177, %dma_start3A_179, %dma_start3A_180] : memref<4x32x768xf32, #tpu.memory_space<vmem>> -> memref<1x32x768xf32, #tpu.memory_space<vmem>>
      %dma_start3A_182 = tpu.memref_squeeze %dma_start3A_181 : memref<1x32x768xf32, #tpu.memory_space<vmem>> -> memref<32x768xf32, #tpu.memory_space<vmem>>
      %dma_start3A_183 = tpu.memref_slice %arg6[%mul3A_176] : memref<512xi32, #tpu.memory_space<vmem>> -> memref<32xi32, #tpu.memory_space<vmem>>
      %dma_start3A_184 = arith.constant 0 : i32
      %dma_start3A_185 = arith.constant 0 : i32
      %dma_start3A_186 = tpu.memref_slice %arg3[%dma_start3A_184, %dma_start3A_185] : memref<30522x768xf32, #tpu.memory_space<hbm>> -> memref<30522x768xf32, #tpu.memory_space<hbm>>
      %dma_start3A_187 = tpu.memref_slice %arg7[%dma_start3A_178] : memref<4x!tpu.dma_semaphore, #tpu.memory_space<semaphore_mem>> -> memref<1x!tpu.dma_semaphore, #tpu.memory_space<semaphore_mem>>
      %dma_start3A_188 = tpu.memref_squeeze %dma_start3A_187 : memref<1x!tpu.dma_semaphore, #tpu.memory_space<semaphore_mem>> -> memref<!tpu.dma_semaphore, #tpu.memory_space<semaphore_mem>>
      tpu.enqueue_indirect_dma source(%dma_start3A_186 : memref<30522x768xf32, #tpu.memory_space<hbm>>) target(%dma_start3A_182 : memref<32x768xf32, #tpu.memory_space<vmem>>) offsets(%dma_start3A_183 : memref<32xi32, #tpu.memory_space<vmem>>) semaphore(%dma_start3A_188 : memref<!tpu.dma_semaphore, #tpu.memory_space<semaphore_mem>>)
      %dma_wait3A_189 = arith.constant 1 : i32
      %dma_wait3A_190 = arith.constant 1 : i32
      %dma_wait3A_191 = arith.constant 0 : i32
      %dma_wait3A_192 = arith.constant 0 : i32
      %dma_wait3A_193 = tpu.memref_slice %arg5[%dma_wait3A_189, %dma_wait3A_191, %dma_wait3A_192] : memref<4x32x768xf32, #tpu.memory_space<vmem>> -> memref<1x32x768xf32, #tpu.memory_space<vmem>>
      %dma_wait3A_194 = tpu.memref_squeeze %dma_wait3A_193 : memref<1x32x768xf32, #tpu.memory_space<vmem>> -> memref<32x768xf32, #tpu.memory_space<vmem>>
      %dma_wait3A_195 = arith.constant 0 : i32
      %dma_wait3A_196 = arith.constant 0 : i32
      %dma_wait3A_197 = tpu.memref_slice %arg3[%dma_wait3A_195, %dma_wait3A_196] : memref<30522x768xf32, #tpu.memory_space<hbm>> -> memref<32x768xf32, #tpu.memory_space<hbm>>
      %dma_wait3A_198 = tpu.memref_slice %arg7[%dma_wait3A_190] : memref<4x!tpu.dma_semaphore, #tpu.memory_space<semaphore_mem>> -> memref<1x!tpu.dma_semaphore, #tpu.memory_space<semaphore_mem>>
      %dma_wait3A_199 = tpu.memref_squeeze %dma_wait3A_198 : memref<1x!tpu.dma_semaphore, #tpu.memory_space<semaphore_mem>> -> memref<!tpu.dma_semaphore, #tpu.memory_space<semaphore_mem>>
      %dma_wait3A_200 = arith.constant 0 : i32
      %dma_wait3A_201 = arith.constant 0 : i32
      %dma_wait3A_202 = tpu.memref_slice %arg5[%dma_wait3A_189, %dma_wait3A_200, %dma_wait3A_201] : memref<4x32x768xf32, #tpu.memory_space<vmem>> -> memref<1x32x768xf32, #tpu.memory_space<vmem>>
      %dma_wait3A_203 = tpu.memref_squeeze %dma_wait3A_202 : memref<1x32x768xf32, #tpu.memory_space<vmem>> -> memref<32x768xf32, #tpu.memory_space<vmem>>
      %dma_wait3A_204 = arith.constant 0 : i32
      %dma_wait3A_205 = arith.constant 0 : i32
      %dma_wait3A_206 = tpu.memref_slice %arg3[%dma_wait3A_204, %dma_wait3A_205] : memref<30522x768xf32, #tpu.memory_space<hbm>> -> memref<32x768xf32, #tpu.memory_space<hbm>>
      tpu.wait_dma2 semaphore(%dma_wait3A_199 : memref<!tpu.dma_semaphore, #tpu.memory_space<semaphore_mem>>) src(%dma_wait3A_206 : memref<32x768xf32, #tpu.memory_space<hbm>>) dst(%dma_wait3A_203 : memref<32x768xf32, #tpu.memory_space<vmem>>)
      %mul3A_207 = arith.constant 32 : i32
      %mul3A_208 = arith.muli %add3A_167, %mul3A_207 : i32
      %add3A_209 = arith.addi %mul3A_2, %mul3A_208 : i32
      %dma_start3A_210 = arith.constant 1 : i32
      %dma_start3A_211 = arith.constant 1 : i32
      %dma_start3A_212 = arith.constant 0 : i32
      %dma_start3A_213 = arith.constant 0 : i32
      %dma_start3A_214 = tpu.memref_slice %arg5[%dma_start3A_210, %dma_start3A_212, %dma_start3A_213] : memref<4x32x768xf32, #tpu.memory_space<vmem>> -> memref<1x32x768xf32, #tpu.memory_space<vmem>>
      %dma_start3A_215 = tpu.memref_squeeze %dma_start3A_214 : memref<1x32x768xf32, #tpu.memory_space<vmem>> -> memref<32x768xf32, #tpu.memory_space<vmem>>
      %dma_start3A_216 = arith.constant 0 : i32
      %dma_start3A_217 = tpu.memref_slice %arg4[%add3A_209, %dma_start3A_216] : memref<16384x768xf32, #tpu.memory_space<hbm>> -> memref<32x768xf32, #tpu.memory_space<hbm>>
      %dma_start3A_218 = tpu.memref_slice %arg8[%dma_start3A_211] : memref<4x!tpu.dma_semaphore, #tpu.memory_space<semaphore_mem>> -> memref<1x!tpu.dma_semaphore, #tpu.memory_space<semaphore_mem>>
      %dma_start3A_219 = tpu.memref_squeeze %dma_start3A_218 : memref<1x!tpu.dma_semaphore, #tpu.memory_space<semaphore_mem>> -> memref<!tpu.dma_semaphore, #tpu.memory_space<semaphore_mem>>
      %dma_start3A_220 = arith.constant 0 : i32
      %dma_start3A_221 = tpu.memref_slice %arg4[%add3A_209, %dma_start3A_220] : memref<16384x768xf32, #tpu.memory_space<hbm>> -> memref<32x768xf32, #tpu.memory_space<hbm>>
      %dma_start3A_222 = arith.constant 0 : i32
      %dma_start3A_223 = arith.constant 0 : i32
      %dma_start3A_224 = tpu.memref_slice %arg5[%dma_start3A_210, %dma_start3A_222, %dma_start3A_223] : memref<4x32x768xf32, #tpu.memory_space<vmem>> -> memref<1x32x768xf32, #tpu.memory_space<vmem>>
      %dma_start3A_225 = tpu.memref_squeeze %dma_start3A_224 : memref<1x32x768xf32, #tpu.memory_space<vmem>> -> memref<32x768xf32, #tpu.memory_space<vmem>>
      tpu.enqueue_dma source(%dma_start3A_225 : memref<32x768xf32, #tpu.memory_space<vmem>>) target(%dma_start3A_221 : memref<32x768xf32, #tpu.memory_space<hbm>>) target_semaphore(%dma_start3A_219 : memref<!tpu.dma_semaphore, #tpu.memory_space<semaphore_mem>>)
      %mul3A_226 = arith.constant 4 : i32
      %mul3A_227 = arith.muli %scan3A_104, %mul3A_226 : i32
      %add3A_228 = arith.constant 2 : i32
      %add3A_229 = arith.addi %mul3A_227, %add3A_228 : i32
      %lt3A = arith.constant 3 : i32
      %lt3A_230 = arith.cmpi slt, %scan3A_104, %lt3A : i32
      %convert_element_type3A_231 = arith.extui %lt3A_230 : i1 to i32
      %cond3A_232 = arith.constant 0 : i32
      %cond3A_233 = arith.cmpi ne, %convert_element_type3A_231, %cond3A_232 : i32
      scf.if %cond3A_233 {
        %dma_wait3A_317 = arith.constant 0 : i32
        %dma_wait3A_318 = arith.constant 0 : i32
        %dma_wait3A_319 = arith.constant 0 : i32
        %dma_wait3A_320 = arith.constant 0 : i32
        %dma_wait3A_321 = tpu.memref_slice %arg5[%dma_wait3A_317, %dma_wait3A_319, %dma_wait3A_320] : memref<4x32x768xf32, #tpu.memory_space<vmem>> -> memref<1x32x768xf32, #tpu.memory_space<vmem>>
        %dma_wait3A_322 = tpu.memref_squeeze %dma_wait3A_321 : memref<1x32x768xf32, #tpu.memory_space<vmem>> -> memref<32x768xf32, #tpu.memory_space<vmem>>
        %dma_wait3A_323 = arith.constant 0 : i32
        %dma_wait3A_324 = arith.constant 0 : i32
        %dma_wait3A_325 = tpu.memref_slice %arg4[%dma_wait3A_323, %dma_wait3A_324] : memref<16384x768xf32, #tpu.memory_space<hbm>> -> memref<32x768xf32, #tpu.memory_space<hbm>>
        %dma_wait3A_326 = tpu.memref_slice %arg8[%dma_wait3A_318] : memref<4x!tpu.dma_semaphore, #tpu.memory_space<semaphore_mem>> -> memref<1x!tpu.dma_semaphore, #tpu.memory_space<semaphore_mem>>
        %dma_wait3A_327 = tpu.memref_squeeze %dma_wait3A_326 : memref<1x!tpu.dma_semaphore, #tpu.memory_space<semaphore_mem>> -> memref<!tpu.dma_semaphore, #tpu.memory_space<semaphore_mem>>
        %dma_wait3A_328 = arith.constant 0 : i32
        %dma_wait3A_329 = arith.constant 0 : i32
        %dma_wait3A_330 = tpu.memref_slice %arg4[%dma_wait3A_328, %dma_wait3A_329] : memref<16384x768xf32, #tpu.memory_space<hbm>> -> memref<32x768xf32, #tpu.memory_space<hbm>>
        %dma_wait3A_331 = arith.constant 0 : i32
        %dma_wait3A_332 = arith.constant 0 : i32
        %dma_wait3A_333 = tpu.memref_slice %arg5[%dma_wait3A_317, %dma_wait3A_331, %dma_wait3A_332] : memref<4x32x768xf32, #tpu.memory_space<vmem>> -> memref<1x32x768xf32, #tpu.memory_space<vmem>>
        %dma_wait3A_334 = tpu.memref_squeeze %dma_wait3A_333 : memref<1x32x768xf32, #tpu.memory_space<vmem>> -> memref<32x768xf32, #tpu.memory_space<vmem>>
        tpu.wait_dma2 semaphore(%dma_wait3A_327 : memref<!tpu.dma_semaphore, #tpu.memory_space<semaphore_mem>>) src(%dma_wait3A_334 : memref<32x768xf32, #tpu.memory_space<vmem>>) dst(%dma_wait3A_330 : memref<32x768xf32, #tpu.memory_space<hbm>>)
        %add3A_335 = arith.constant 2 : i32
        %add3A_336 = arith.addi %add3A_229, %add3A_335 : i32
        %mul3A_337 = arith.constant 32 : i32
        %mul3A_338 = arith.muli %add3A_336, %mul3A_337 : i32
        %dma_start3A_339 = arith.constant 0 : i32
        %dma_start3A_340 = arith.constant 0 : i32
        %dma_start3A_341 = arith.constant 0 : i32
        %dma_start3A_342 = arith.constant 0 : i32
        %dma_start3A_343 = tpu.memref_slice %arg5[%dma_start3A_339, %dma_start3A_341, %dma_start3A_342] : memref<4x32x768xf32, #tpu.memory_space<vmem>> -> memref<1x32x768xf32, #tpu.memory_space<vmem>>
        %dma_start3A_344 = tpu.memref_squeeze %dma_start3A_343 : memref<1x32x768xf32, #tpu.memory_space<vmem>> -> memref<32x768xf32, #tpu.memory_space<vmem>>
        %dma_start3A_345 = tpu.memref_slice %arg6[%mul3A_338] : memref<512xi32, #tpu.memory_space<vmem>> -> memref<32xi32, #tpu.memory_space<vmem>>
        %dma_start3A_346 = arith.constant 0 : i32
        %dma_start3A_347 = arith.constant 0 : i32
        %dma_start3A_348 = tpu.memref_slice %arg3[%dma_start3A_346, %dma_start3A_347] : memref<30522x768xf32, #tpu.memory_space<hbm>> -> memref<30522x768xf32, #tpu.memory_space<hbm>>
        %dma_start3A_349 = tpu.memref_slice %arg7[%dma_start3A_340] : memref<4x!tpu.dma_semaphore, #tpu.memory_space<semaphore_mem>> -> memref<1x!tpu.dma_semaphore, #tpu.memory_space<semaphore_mem>>
        %dma_start3A_350 = tpu.memref_squeeze %dma_start3A_349 : memref<1x!tpu.dma_semaphore, #tpu.memory_space<semaphore_mem>> -> memref<!tpu.dma_semaphore, #tpu.memory_space<semaphore_mem>>
        tpu.enqueue_indirect_dma source(%dma_start3A_348 : memref<30522x768xf32, #tpu.memory_space<hbm>>) target(%dma_start3A_344 : memref<32x768xf32, #tpu.memory_space<vmem>>) offsets(%dma_start3A_345 : memref<32xi32, #tpu.memory_space<vmem>>) semaphore(%dma_start3A_350 : memref<!tpu.dma_semaphore, #tpu.memory_space<semaphore_mem>>)
      } else {
      }
      %dma_wait3A_234 = arith.constant 2 : i32
      %dma_wait3A_235 = arith.constant 2 : i32
      %dma_wait3A_236 = arith.constant 0 : i32
      %dma_wait3A_237 = arith.constant 0 : i32
      %dma_wait3A_238 = tpu.memref_slice %arg5[%dma_wait3A_234, %dma_wait3A_236, %dma_wait3A_237] : memref<4x32x768xf32, #tpu.memory_space<vmem>> -> memref<1x32x768xf32, #tpu.memory_space<vmem>>
      %dma_wait3A_239 = tpu.memref_squeeze %dma_wait3A_238 : memref<1x32x768xf32, #tpu.memory_space<vmem>> -> memref<32x768xf32, #tpu.memory_space<vmem>>
      %dma_wait3A_240 = arith.constant 0 : i32
      %dma_wait3A_241 = arith.constant 0 : i32
      %dma_wait3A_242 = tpu.memref_slice %arg3[%dma_wait3A_240, %dma_wait3A_241] : memref<30522x768xf32, #tpu.memory_space<hbm>> -> memref<32x768xf32, #tpu.memory_space<hbm>>
      %dma_wait3A_243 = tpu.memref_slice %arg7[%dma_wait3A_235] : memref<4x!tpu.dma_semaphore, #tpu.memory_space<semaphore_mem>> -> memref<1x!tpu.dma_semaphore, #tpu.memory_space<semaphore_mem>>
      %dma_wait3A_244 = tpu.memref_squeeze %dma_wait3A_243 : memref<1x!tpu.dma_semaphore, #tpu.memory_space<semaphore_mem>> -> memref<!tpu.dma_semaphore, #tpu.memory_space<semaphore_mem>>
      %dma_wait3A_245 = arith.constant 0 : i32
      %dma_wait3A_246 = arith.constant 0 : i32
      %dma_wait3A_247 = tpu.memref_slice %arg5[%dma_wait3A_234, %dma_wait3A_245, %dma_wait3A_246] : memref<4x32x768xf32, #tpu.memory_space<vmem>> -> memref<1x32x768xf32, #tpu.memory_space<vmem>>
      %dma_wait3A_248 = tpu.memref_squeeze %dma_wait3A_247 : memref<1x32x768xf32, #tpu.memory_space<vmem>> -> memref<32x768xf32, #tpu.memory_space<vmem>>
      %dma_wait3A_249 = arith.constant 0 : i32
      %dma_wait3A_250 = arith.constant 0 : i32
      %dma_wait3A_251 = tpu.memref_slice %arg3[%dma_wait3A_249, %dma_wait3A_250] : memref<30522x768xf32, #tpu.memory_space<hbm>> -> memref<32x768xf32, #tpu.memory_space<hbm>>
      tpu.wait_dma2 semaphore(%dma_wait3A_244 : memref<!tpu.dma_semaphore, #tpu.memory_space<semaphore_mem>>) src(%dma_wait3A_251 : memref<32x768xf32, #tpu.memory_space<hbm>>) dst(%dma_wait3A_248 : memref<32x768xf32, #tpu.memory_space<vmem>>)
      %mul3A_252 = arith.constant 32 : i32
      %mul3A_253 = arith.muli %add3A_229, %mul3A_252 : i32
      %add3A_254 = arith.addi %mul3A_2, %mul3A_253 : i32
      %dma_start3A_255 = arith.constant 2 : i32
      %dma_start3A_256 = arith.constant 2 : i32
      %dma_start3A_257 = arith.constant 0 : i32
      %dma_start3A_258 = arith.constant 0 : i32
      %dma_start3A_259 = tpu.memref_slice %arg5[%dma_start3A_255, %dma_start3A_257, %dma_start3A_258] : memref<4x32x768xf32, #tpu.memory_space<vmem>> -> memref<1x32x768xf32, #tpu.memory_space<vmem>>
      %dma_start3A_260 = tpu.memref_squeeze %dma_start3A_259 : memref<1x32x768xf32, #tpu.memory_space<vmem>> -> memref<32x768xf32, #tpu.memory_space<vmem>>
      %dma_start3A_261 = arith.constant 0 : i32
      %dma_start3A_262 = tpu.memref_slice %arg4[%add3A_254, %dma_start3A_261] : memref<16384x768xf32, #tpu.memory_space<hbm>> -> memref<32x768xf32, #tpu.memory_space<hbm>>
      %dma_start3A_263 = tpu.memref_slice %arg8[%dma_start3A_256] : memref<4x!tpu.dma_semaphore, #tpu.memory_space<semaphore_mem>> -> memref<1x!tpu.dma_semaphore, #tpu.memory_space<semaphore_mem>>
      %dma_start3A_264 = tpu.memref_squeeze %dma_start3A_263 : memref<1x!tpu.dma_semaphore, #tpu.memory_space<semaphore_mem>> -> memref<!tpu.dma_semaphore, #tpu.memory_space<semaphore_mem>>
      %dma_start3A_265 = arith.constant 0 : i32
      %dma_start3A_266 = tpu.memref_slice %arg4[%add3A_254, %dma_start3A_265] : memref<16384x768xf32, #tpu.memory_space<hbm>> -> memref<32x768xf32, #tpu.memory_space<hbm>>
      %dma_start3A_267 = arith.constant 0 : i32
      %dma_start3A_268 = arith.constant 0 : i32
      %dma_start3A_269 = tpu.memref_slice %arg5[%dma_start3A_255, %dma_start3A_267, %dma_start3A_268] : memref<4x32x768xf32, #tpu.memory_space<vmem>> -> memref<1x32x768xf32, #tpu.memory_space<vmem>>
      %dma_start3A_270 = tpu.memref_squeeze %dma_start3A_269 : memref<1x32x768xf32, #tpu.memory_space<vmem>> -> memref<32x768xf32, #tpu.memory_space<vmem>>
      tpu.enqueue_dma source(%dma_start3A_270 : memref<32x768xf32, #tpu.memory_space<vmem>>) target(%dma_start3A_266 : memref<32x768xf32, #tpu.memory_space<hbm>>) target_semaphore(%dma_start3A_264 : memref<!tpu.dma_semaphore, #tpu.memory_space<semaphore_mem>>)
      %mul3A_271 = arith.constant 4 : i32
      %mul3A_272 = arith.muli %scan3A_104, %mul3A_271 : i32
      %add3A_273 = arith.constant 3 : i32
      %add3A_274 = arith.addi %mul3A_272, %add3A_273 : i32
      %lt3A_275 = arith.constant 3 : i32
      %lt3A_276 = arith.cmpi slt, %scan3A_104, %lt3A_275 : i32
      %convert_element_type3A_277 = arith.extui %lt3A_276 : i1 to i32
      %cond3A_278 = arith.constant 0 : i32
      %cond3A_279 = arith.cmpi ne, %convert_element_type3A_277, %cond3A_278 : i32
      scf.if %cond3A_279 {
        %dma_wait3A_317 = arith.constant 1 : i32
        %dma_wait3A_318 = arith.constant 1 : i32
        %dma_wait3A_319 = arith.constant 0 : i32
        %dma_wait3A_320 = arith.constant 0 : i32
        %dma_wait3A_321 = tpu.memref_slice %arg5[%dma_wait3A_317, %dma_wait3A_319, %dma_wait3A_320] : memref<4x32x768xf32, #tpu.memory_space<vmem>> -> memref<1x32x768xf32, #tpu.memory_space<vmem>>
        %dma_wait3A_322 = tpu.memref_squeeze %dma_wait3A_321 : memref<1x32x768xf32, #tpu.memory_space<vmem>> -> memref<32x768xf32, #tpu.memory_space<vmem>>
        %dma_wait3A_323 = arith.constant 0 : i32
        %dma_wait3A_324 = arith.constant 0 : i32
        %dma_wait3A_325 = tpu.memref_slice %arg4[%dma_wait3A_323, %dma_wait3A_324] : memref<16384x768xf32, #tpu.memory_space<hbm>> -> memref<32x768xf32, #tpu.memory_space<hbm>>
        %dma_wait3A_326 = tpu.memref_slice %arg8[%dma_wait3A_318] : memref<4x!tpu.dma_semaphore, #tpu.memory_space<semaphore_mem>> -> memref<1x!tpu.dma_semaphore, #tpu.memory_space<semaphore_mem>>
        %dma_wait3A_327 = tpu.memref_squeeze %dma_wait3A_326 : memref<1x!tpu.dma_semaphore, #tpu.memory_space<semaphore_mem>> -> memref<!tpu.dma_semaphore, #tpu.memory_space<semaphore_mem>>
        %dma_wait3A_328 = arith.constant 0 : i32
        %dma_wait3A_329 = arith.constant 0 : i32
        %dma_wait3A_330 = tpu.memref_slice %arg4[%dma_wait3A_328, %dma_wait3A_329] : memref<16384x768xf32, #tpu.memory_space<hbm>> -> memref<32x768xf32, #tpu.memory_space<hbm>>
        %dma_wait3A_331 = arith.constant 0 : i32
        %dma_wait3A_332 = arith.constant 0 : i32
        %dma_wait3A_333 = tpu.memref_slice %arg5[%dma_wait3A_317, %dma_wait3A_331, %dma_wait3A_332] : memref<4x32x768xf32, #tpu.memory_space<vmem>> -> memref<1x32x768xf32, #tpu.memory_space<vmem>>
        %dma_wait3A_334 = tpu.memref_squeeze %dma_wait3A_333 : memref<1x32x768xf32, #tpu.memory_space<vmem>> -> memref<32x768xf32, #tpu.memory_space<vmem>>
        tpu.wait_dma2 semaphore(%dma_wait3A_327 : memref<!tpu.dma_semaphore, #tpu.memory_space<semaphore_mem>>) src(%dma_wait3A_334 : memref<32x768xf32, #tpu.memory_space<vmem>>) dst(%dma_wait3A_330 : memref<32x768xf32, #tpu.memory_space<hbm>>)
        %add3A_335 = arith.constant 2 : i32
        %add3A_336 = arith.addi %add3A_274, %add3A_335 : i32
        %mul3A_337 = arith.constant 32 : i32
        %mul3A_338 = arith.muli %add3A_336, %mul3A_337 : i32
        %dma_start3A_339 = arith.constant 1 : i32
        %dma_start3A_340 = arith.constant 1 : i32
        %dma_start3A_341 = arith.constant 0 : i32
        %dma_start3A_342 = arith.constant 0 : i32
        %dma_start3A_343 = tpu.memref_slice %arg5[%dma_start3A_339, %dma_start3A_341, %dma_start3A_342] : memref<4x32x768xf32, #tpu.memory_space<vmem>> -> memref<1x32x768xf32, #tpu.memory_space<vmem>>
        %dma_start3A_344 = tpu.memref_squeeze %dma_start3A_343 : memref<1x32x768xf32, #tpu.memory_space<vmem>> -> memref<32x768xf32, #tpu.memory_space<vmem>>
        %dma_start3A_345 = tpu.memref_slice %arg6[%mul3A_338] : memref<512xi32, #tpu.memory_space<vmem>> -> memref<32xi32, #tpu.memory_space<vmem>>
        %dma_start3A_346 = arith.constant 0 : i32
        %dma_start3A_347 = arith.constant 0 : i32
        %dma_start3A_348 = tpu.memref_slice %arg3[%dma_start3A_346, %dma_start3A_347] : memref<30522x768xf32, #tpu.memory_space<hbm>> -> memref<30522x768xf32, #tpu.memory_space<hbm>>
        %dma_start3A_349 = tpu.memref_slice %arg7[%dma_start3A_340] : memref<4x!tpu.dma_semaphore, #tpu.memory_space<semaphore_mem>> -> memref<1x!tpu.dma_semaphore, #tpu.memory_space<semaphore_mem>>
        %dma_start3A_350 = tpu.memref_squeeze %dma_start3A_349 : memref<1x!tpu.dma_semaphore, #tpu.memory_space<semaphore_mem>> -> memref<!tpu.dma_semaphore, #tpu.memory_space<semaphore_mem>>
        tpu.enqueue_indirect_dma source(%dma_start3A_348 : memref<30522x768xf32, #tpu.memory_space<hbm>>) target(%dma_start3A_344 : memref<32x768xf32, #tpu.memory_space<vmem>>) offsets(%dma_start3A_345 : memref<32xi32, #tpu.memory_space<vmem>>) semaphore(%dma_start3A_350 : memref<!tpu.dma_semaphore, #tpu.memory_space<semaphore_mem>>)
      } else {
      }
      %dma_wait3A_280 = arith.constant 3 : i32
      %dma_wait3A_281 = arith.constant 3 : i32
      %dma_wait3A_282 = arith.constant 0 : i32
      %dma_wait3A_283 = arith.constant 0 : i32
      %dma_wait3A_284 = tpu.memref_slice %arg5[%dma_wait3A_280, %dma_wait3A_282, %dma_wait3A_283] : memref<4x32x768xf32, #tpu.memory_space<vmem>> -> memref<1x32x768xf32, #tpu.memory_space<vmem>>
      %dma_wait3A_285 = tpu.memref_squeeze %dma_wait3A_284 : memref<1x32x768xf32, #tpu.memory_space<vmem>> -> memref<32x768xf32, #tpu.memory_space<vmem>>
      %dma_wait3A_286 = arith.constant 0 : i32
      %dma_wait3A_287 = arith.constant 0 : i32
      %dma_wait3A_288 = tpu.memref_slice %arg3[%dma_wait3A_286, %dma_wait3A_287] : memref<30522x768xf32, #tpu.memory_space<hbm>> -> memref<32x768xf32, #tpu.memory_space<hbm>>
      %dma_wait3A_289 = tpu.memref_slice %arg7[%dma_wait3A_281] : memref<4x!tpu.dma_semaphore, #tpu.memory_space<semaphore_mem>> -> memref<1x!tpu.dma_semaphore, #tpu.memory_space<semaphore_mem>>
      %dma_wait3A_290 = tpu.memref_squeeze %dma_wait3A_289 : memref<1x!tpu.dma_semaphore, #tpu.memory_space<semaphore_mem>> -> memref<!tpu.dma_semaphore, #tpu.memory_space<semaphore_mem>>
      %dma_wait3A_291 = arith.constant 0 : i32
      %dma_wait3A_292 = arith.constant 0 : i32
      %dma_wait3A_293 = tpu.memref_slice %arg5[%dma_wait3A_280, %dma_wait3A_291, %dma_wait3A_292] : memref<4x32x768xf32, #tpu.memory_space<vmem>> -> memref<1x32x768xf32, #tpu.memory_space<vmem>>
      %dma_wait3A_294 = tpu.memref_squeeze %dma_wait3A_293 : memref<1x32x768xf32, #tpu.memory_space<vmem>> -> memref<32x768xf32, #tpu.memory_space<vmem>>
      %dma_wait3A_295 = arith.constant 0 : i32
      %dma_wait3A_296 = arith.constant 0 : i32
      %dma_wait3A_297 = tpu.memref_slice %arg3[%dma_wait3A_295, %dma_wait3A_296] : memref<30522x768xf32, #tpu.memory_space<hbm>> -> memref<32x768xf32, #tpu.memory_space<hbm>>
      tpu.wait_dma2 semaphore(%dma_wait3A_290 : memref<!tpu.dma_semaphore, #tpu.memory_space<semaphore_mem>>) src(%dma_wait3A_297 : memref<32x768xf32, #tpu.memory_space<hbm>>) dst(%dma_wait3A_294 : memref<32x768xf32, #tpu.memory_space<vmem>>)
      %mul3A_298 = arith.constant 32 : i32
      %mul3A_299 = arith.muli %add3A_274, %mul3A_298 : i32
      %add3A_300 = arith.addi %mul3A_2, %mul3A_299 : i32
      %dma_start3A_301 = arith.constant 3 : i32
      %dma_start3A_302 = arith.constant 3 : i32
      %dma_start3A_303 = arith.constant 0 : i32
      %dma_start3A_304 = arith.constant 0 : i32
      %dma_start3A_305 = tpu.memref_slice %arg5[%dma_start3A_301, %dma_start3A_303, %dma_start3A_304] : memref<4x32x768xf32, #tpu.memory_space<vmem>> -> memref<1x32x768xf32, #tpu.memory_space<vmem>>
      %dma_start3A_306 = tpu.memref_squeeze %dma_start3A_305 : memref<1x32x768xf32, #tpu.memory_space<vmem>> -> memref<32x768xf32, #tpu.memory_space<vmem>>
      %dma_start3A_307 = arith.constant 0 : i32
      %dma_start3A_308 = tpu.memref_slice %arg4[%add3A_300, %dma_start3A_307] : memref<16384x768xf32, #tpu.memory_space<hbm>> -> memref<32x768xf32, #tpu.memory_space<hbm>>
      %dma_start3A_309 = tpu.memref_slice %arg8[%dma_start3A_302] : memref<4x!tpu.dma_semaphore, #tpu.memory_space<semaphore_mem>> -> memref<1x!tpu.dma_semaphore, #tpu.memory_space<semaphore_mem>>
      %dma_start3A_310 = tpu.memref_squeeze %dma_start3A_309 : memref<1x!tpu.dma_semaphore, #tpu.memory_space<semaphore_mem>> -> memref<!tpu.dma_semaphore, #tpu.memory_space<semaphore_mem>>
      %dma_start3A_311 = arith.constant 0 : i32
      %dma_start3A_312 = tpu.memref_slice %arg4[%add3A_300, %dma_start3A_311] : memref<16384x768xf32, #tpu.memory_space<hbm>> -> memref<32x768xf32, #tpu.memory_space<hbm>>
      %dma_start3A_313 = arith.constant 0 : i32
      %dma_start3A_314 = arith.constant 0 : i32
      %dma_start3A_315 = tpu.memref_slice %arg5[%dma_start3A_301, %dma_start3A_313, %dma_start3A_314] : memref<4x32x768xf32, #tpu.memory_space<vmem>> -> memref<1x32x768xf32, #tpu.memory_space<vmem>>
      %dma_start3A_316 = tpu.memref_squeeze %dma_start3A_315 : memref<1x32x768xf32, #tpu.memory_space<vmem>> -> memref<32x768xf32, #tpu.memory_space<vmem>>
      tpu.enqueue_dma source(%dma_start3A_316 : memref<32x768xf32, #tpu.memory_space<vmem>>) target(%dma_start3A_312 : memref<32x768xf32, #tpu.memory_space<hbm>>) target_semaphore(%dma_start3A_310 : memref<!tpu.dma_semaphore, #tpu.memory_space<semaphore_mem>>)
    }
    %scan3A_32 = arith.constant 4 : i32
    %dma_wait3A = arith.constant 0 : i32
    %dma_wait3A_33 = arith.constant 0 : i32
    %dma_wait3A_34 = arith.constant 0 : i32
    %dma_wait3A_35 = arith.constant 0 : i32
    %dma_wait3A_36 = tpu.memref_slice %arg5[%dma_wait3A, %dma_wait3A_34, %dma_wait3A_35] : memref<4x32x768xf32, #tpu.memory_space<vmem>> -> memref<1x32x768xf32, #tpu.memory_space<vmem>>
    %dma_wait3A_37 = tpu.memref_squeeze %dma_wait3A_36 : memref<1x32x768xf32, #tpu.memory_space<vmem>> -> memref<32x768xf32, #tpu.memory_space<vmem>>
    %dma_wait3A_38 = arith.constant 0 : i32
    %dma_wait3A_39 = arith.constant 0 : i32
    %dma_wait3A_40 = tpu.memref_slice %arg4[%dma_wait3A_38, %dma_wait3A_39] : memref<16384x768xf32, #tpu.memory_space<hbm>> -> memref<32x768xf32, #tpu.memory_space<hbm>>
    %dma_wait3A_41 = tpu.memref_slice %arg8[%dma_wait3A_33] : memref<4x!tpu.dma_semaphore, #tpu.memory_space<semaphore_mem>> -> memref<1x!tpu.dma_semaphore, #tpu.memory_space<semaphore_mem>>
    %dma_wait3A_42 = tpu.memref_squeeze %dma_wait3A_41 : memref<1x!tpu.dma_semaphore, #tpu.memory_space<semaphore_mem>> -> memref<!tpu.dma_semaphore, #tpu.memory_space<semaphore_mem>>
    %dma_wait3A_43 = arith.constant 0 : i32
    %dma_wait3A_44 = arith.constant 0 : i32
    %dma_wait3A_45 = tpu.memref_slice %arg4[%dma_wait3A_43, %dma_wait3A_44] : memref<16384x768xf32, #tpu.memory_space<hbm>> -> memref<32x768xf32, #tpu.memory_space<hbm>>
    %dma_wait3A_46 = arith.constant 0 : i32
    %dma_wait3A_47 = arith.constant 0 : i32
    %dma_wait3A_48 = tpu.memref_slice %arg5[%dma_wait3A, %dma_wait3A_46, %dma_wait3A_47] : memref<4x32x768xf32, #tpu.memory_space<vmem>> -> memref<1x32x768xf32, #tpu.memory_space<vmem>>
    %dma_wait3A_49 = tpu.memref_squeeze %dma_wait3A_48 : memref<1x32x768xf32, #tpu.memory_space<vmem>> -> memref<32x768xf32, #tpu.memory_space<vmem>>
    tpu.wait_dma2 semaphore(%dma_wait3A_42 : memref<!tpu.dma_semaphore, #tpu.memory_space<semaphore_mem>>) src(%dma_wait3A_49 : memref<32x768xf32, #tpu.memory_space<vmem>>) dst(%dma_wait3A_45 : memref<32x768xf32, #tpu.memory_space<hbm>>)
    %dma_wait3A_50 = arith.constant 1 : i32
    %dma_wait3A_51 = arith.constant 1 : i32
    %dma_wait3A_52 = arith.constant 0 : i32
    %dma_wait3A_53 = arith.constant 0 : i32
    %dma_wait3A_54 = tpu.memref_slice %arg5[%dma_wait3A_50, %dma_wait3A_52, %dma_wait3A_53] : memref<4x32x768xf32, #tpu.memory_space<vmem>> -> memref<1x32x768xf32, #tpu.memory_space<vmem>>
    %dma_wait3A_55 = tpu.memref_squeeze %dma_wait3A_54 : memref<1x32x768xf32, #tpu.memory_space<vmem>> -> memref<32x768xf32, #tpu.memory_space<vmem>>
    %dma_wait3A_56 = arith.constant 0 : i32
    %dma_wait3A_57 = arith.constant 0 : i32
    %dma_wait3A_58 = tpu.memref_slice %arg4[%dma_wait3A_56, %dma_wait3A_57] : memref<16384x768xf32, #tpu.memory_space<hbm>> -> memref<32x768xf32, #tpu.memory_space<hbm>>
    %dma_wait3A_59 = tpu.memref_slice %arg8[%dma_wait3A_51] : memref<4x!tpu.dma_semaphore, #tpu.memory_space<semaphore_mem>> -> memref<1x!tpu.dma_semaphore, #tpu.memory_space<semaphore_mem>>
    %dma_wait3A_60 = tpu.memref_squeeze %dma_wait3A_59 : memref<1x!tpu.dma_semaphore, #tpu.memory_space<semaphore_mem>> -> memref<!tpu.dma_semaphore, #tpu.memory_space<semaphore_mem>>
    %dma_wait3A_61 = arith.constant 0 : i32
    %dma_wait3A_62 = arith.constant 0 : i32
    %dma_wait3A_63 = tpu.memref_slice %arg4[%dma_wait3A_61, %dma_wait3A_62] : memref<16384x768xf32, #tpu.memory_space<hbm>> -> memref<32x768xf32, #tpu.memory_space<hbm>>
    %dma_wait3A_64 = arith.constant 0 : i32
    %dma_wait3A_65 = arith.constant 0 : i32
    %dma_wait3A_66 = tpu.memref_slice %arg5[%dma_wait3A_50, %dma_wait3A_64, %dma_wait3A_65] : memref<4x32x768xf32, #tpu.memory_space<vmem>> -> memref<1x32x768xf32, #tpu.memory_space<vmem>>
    %dma_wait3A_67 = tpu.memref_squeeze %dma_wait3A_66 : memref<1x32x768xf32, #tpu.memory_space<vmem>> -> memref<32x768xf32, #tpu.memory_space<vmem>>
    tpu.wait_dma2 semaphore(%dma_wait3A_60 : memref<!tpu.dma_semaphore, #tpu.memory_space<semaphore_mem>>) src(%dma_wait3A_67 : memref<32x768xf32, #tpu.memory_space<vmem>>) dst(%dma_wait3A_63 : memref<32x768xf32, #tpu.memory_space<hbm>>)
    %dma_wait3A_68 = arith.constant 2 : i32
    %dma_wait3A_69 = arith.constant 2 : i32
    %dma_wait3A_70 = arith.constant 0 : i32
    %dma_wait3A_71 = arith.constant 0 : i32
    %dma_wait3A_72 = tpu.memref_slice %arg5[%dma_wait3A_68, %dma_wait3A_70, %dma_wait3A_71] : memref<4x32x768xf32, #tpu.memory_space<vmem>> -> memref<1x32x768xf32, #tpu.memory_space<vmem>>
    %dma_wait3A_73 = tpu.memref_squeeze %dma_wait3A_72 : memref<1x32x768xf32, #tpu.memory_space<vmem>> -> memref<32x768xf32, #tpu.memory_space<vmem>>
    %dma_wait3A_74 = arith.constant 0 : i32
    %dma_wait3A_75 = arith.constant 0 : i32
    %dma_wait3A_76 = tpu.memref_slice %arg4[%dma_wait3A_74, %dma_wait3A_75] : memref<16384x768xf32, #tpu.memory_space<hbm>> -> memref<32x768xf32, #tpu.memory_space<hbm>>
    %dma_wait3A_77 = tpu.memref_slice %arg8[%dma_wait3A_69] : memref<4x!tpu.dma_semaphore, #tpu.memory_space<semaphore_mem>> -> memref<1x!tpu.dma_semaphore, #tpu.memory_space<semaphore_mem>>
    %dma_wait3A_78 = tpu.memref_squeeze %dma_wait3A_77 : memref<1x!tpu.dma_semaphore, #tpu.memory_space<semaphore_mem>> -> memref<!tpu.dma_semaphore, #tpu.memory_space<semaphore_mem>>
    %dma_wait3A_79 = arith.constant 0 : i32
    %dma_wait3A_80 = arith.constant 0 : i32
    %dma_wait3A_81 = tpu.memref_slice %arg4[%dma_wait3A_79, %dma_wait3A_80] : memref<16384x768xf32, #tpu.memory_space<hbm>> -> memref<32x768xf32, #tpu.memory_space<hbm>>
    %dma_wait3A_82 = arith.constant 0 : i32
    %dma_wait3A_83 = arith.constant 0 : i32
    %dma_wait3A_84 = tpu.memref_slice %arg5[%dma_wait3A_68, %dma_wait3A_82, %dma_wait3A_83] : memref<4x32x768xf32, #tpu.memory_space<vmem>> -> memref<1x32x768xf32, #tpu.memory_space<vmem>>
    %dma_wait3A_85 = tpu.memref_squeeze %dma_wait3A_84 : memref<1x32x768xf32, #tpu.memory_space<vmem>> -> memref<32x768xf32, #tpu.memory_space<vmem>>
    tpu.wait_dma2 semaphore(%dma_wait3A_78 : memref<!tpu.dma_semaphore, #tpu.memory_space<semaphore_mem>>) src(%dma_wait3A_85 : memref<32x768xf32, #tpu.memory_space<vmem>>) dst(%dma_wait3A_81 : memref<32x768xf32, #tpu.memory_space<hbm>>)
    %dma_wait3A_86 = arith.constant 3 : i32
    %dma_wait3A_87 = arith.constant 3 : i32
    %dma_wait3A_88 = arith.constant 0 : i32
    %dma_wait3A_89 = arith.constant 0 : i32
    %dma_wait3A_90 = tpu.memref_slice %arg5[%dma_wait3A_86, %dma_wait3A_88, %dma_wait3A_89] : memref<4x32x768xf32, #tpu.memory_space<vmem>> -> memref<1x32x768xf32, #tpu.memory_space<vmem>>
    %dma_wait3A_91 = tpu.memref_squeeze %dma_wait3A_90 : memref<1x32x768xf32, #tpu.memory_space<vmem>> -> memref<32x768xf32, #tpu.memory_space<vmem>>
    %dma_wait3A_92 = arith.constant 0 : i32
    %dma_wait3A_93 = arith.constant 0 : i32
    %dma_wait3A_94 = tpu.memref_slice %arg4[%dma_wait3A_92, %dma_wait3A_93] : memref<16384x768xf32, #tpu.memory_space<hbm>> -> memref<32x768xf32, #tpu.memory_space<hbm>>
    %dma_wait3A_95 = tpu.memref_slice %arg8[%dma_wait3A_87] : memref<4x!tpu.dma_semaphore, #tpu.memory_space<semaphore_mem>> -> memref<1x!tpu.dma_semaphore, #tpu.memory_space<semaphore_mem>>
    %dma_wait3A_96 = tpu.memref_squeeze %dma_wait3A_95 : memref<1x!tpu.dma_semaphore, #tpu.memory_space<semaphore_mem>> -> memref<!tpu.dma_semaphore, #tpu.memory_space<semaphore_mem>>
    %dma_wait3A_97 = arith.constant 0 : i32
    %dma_wait3A_98 = arith.constant 0 : i32
    %dma_wait3A_99 = tpu.memref_slice %arg4[%dma_wait3A_97, %dma_wait3A_98] : memref<16384x768xf32, #tpu.memory_space<hbm>> -> memref<32x768xf32, #tpu.memory_space<hbm>>
    %dma_wait3A_100 = arith.constant 0 : i32
    %dma_wait3A_101 = arith.constant 0 : i32
    %dma_wait3A_102 = tpu.memref_slice %arg5[%dma_wait3A_86, %dma_wait3A_100, %dma_wait3A_101] : memref<4x32x768xf32, #tpu.memory_space<vmem>> -> memref<1x32x768xf32, #tpu.memory_space<vmem>>
    %dma_wait3A_103 = tpu.memref_squeeze %dma_wait3A_102 : memref<1x32x768xf32, #tpu.memory_space<vmem>> -> memref<32x768xf32, #tpu.memory_space<vmem>>
    tpu.wait_dma2 semaphore(%dma_wait3A_96 : memref<!tpu.dma_semaphore, #tpu.memory_space<semaphore_mem>>) src(%dma_wait3A_103 : memref<32x768xf32, #tpu.memory_space<vmem>>) dst(%dma_wait3A_99 : memref<32x768xf32, #tpu.memory_space<hbm>>)
    return
  }
}

#map = affine_map<(d0, d1) -> (0)>
#map1 = affine_map<(d0, d1) -> (0, 0)>
module attributes {stable_mosaic.version = 14 : i64} {
  func.func @_sc_gather_body(%arg0: i32, %arg1: i32, %arg2: memref<16384xi32, #tpu.memory_space<hbm>>, %arg3: memref<30522x768xf32, #tpu.memory_space<hbm>>, %arg4: memref<16384x768xf32, #tpu.memory_space<hbm>>, %arg5: memref<4x32x768xf32, #tpu.memory_space<vmem>>, %arg6: memref<512xi32, #tpu.memory_space<vmem>>, %arg7: memref<4x!tpu.dma_semaphore, #tpu.memory_space<semaphore_mem>>, %arg8: memref<4x!tpu.dma_semaphore, #tpu.memory_space<semaphore_mem>>) attributes {dimension_semantics = [#tpu.dimension_semantics<core_parallel>, #tpu.dimension_semantics<subcore_parallel>], iteration_bounds = array<i64: 2, 16>, scalar_prefetch = 0 : i64, scratch_operands = 4 : i64, tpu.core_type = #tpu.core_type<sc_vector_subcore>, window_params = [{transform_indices = #map}, {transform_indices = #map1}, {transform_indices = #map1}]} {
    %mul3A = arith.constant 16 : i32
    %mul3A_0 = arith.muli %arg0, %mul3A : i32
    %add3A = arith.addi %mul3A_0, %arg1 : i32
    %mul3A_1 = arith.constant 512 : i32
    %mul3A_2 = arith.muli %add3A, %mul3A_1 : i32
    "tpu.region"() ({
      %run_scoped3A = tpu.sem_alloc : memref<!tpu.dma_semaphore, #tpu.memory_space<semaphore_mem>>
      %dma_start3A_104 = tpu.memref_slice %arg2[%mul3A_2] : memref<16384xi32, #tpu.memory_space<hbm>> -> memref<512xi32, #tpu.memory_space<hbm>>
      %dma_start3A_105 = tpu.memref_slice %arg2[%mul3A_2] : memref<16384xi32, #tpu.memory_space<hbm>> -> memref<512xi32, #tpu.memory_space<hbm>>
      tpu.enqueue_dma source(%dma_start3A_105 : memref<512xi32, #tpu.memory_space<hbm>>) target(%arg6 : memref<512xi32, #tpu.memory_space<vmem>>) target_semaphore(%run_scoped3A : memref<!tpu.dma_semaphore, #tpu.memory_space<semaphore_mem>>)
      %dma_wait3A_106 = tpu.memref_slice %arg2[%mul3A_2] : memref<16384xi32, #tpu.memory_space<hbm>> -> memref<512xi32, #tpu.memory_space<hbm>>
      %dma_wait3A_107 = tpu.memref_slice %arg2[%mul3A_2] : memref<16384xi32, #tpu.memory_space<hbm>> -> memref<512xi32, #tpu.memory_space<hbm>>
      tpu.wait_dma2 semaphore(%run_scoped3A : memref<!tpu.dma_semaphore, #tpu.memory_space<semaphore_mem>>) src(%dma_wait3A_107 : memref<512xi32, #tpu.memory_space<hbm>>) dst(%arg6 : memref<512xi32, #tpu.memory_space<vmem>>)
      tpu.yield
    }) : () -> ()
    %dma_start3A = arith.constant 0 : i32
    %dma_start3A_3 = arith.constant 0 : i32
    %dma_start3A_4 = arith.constant 0 : i32
    %dma_start3A_5 = arith.constant 0 : i32
    %dma_start3A_6 = tpu.memref_slice %arg5[%dma_start3A, %dma_start3A_4, %dma_start3A_5] : memref<4x32x768xf32, #tpu.memory_space<vmem>> -> memref<1x32x768xf32, #tpu.memory_space<vmem>>
    %dma_start3A_7 = tpu.memref_squeeze %dma_start3A_6 : memref<1x32x768xf32, #tpu.memory_space<vmem>> -> memref<32x768xf32, #tpu.memory_space<vmem>>
    %dma_start3A_8 = arith.constant 0 : i32
    %dma_start3A_9 = tpu.memref_slice %arg6[%dma_start3A_8] : memref<512xi32, #tpu.memory_space<vmem>> -> memref<32xi32, #tpu.memory_space<vmem>>
    %dma_start3A_10 = arith.constant 0 : i32
    %dma_start3A_11 = arith.constant 0 : i32
    %dma_start3A_12 = tpu.memref_slice %arg3[%dma_start3A_10, %dma_start3A_11] : memref<30522x768xf32, #tpu.memory_space<hbm>> -> memref<30522x768xf32, #tpu.memory_space<hbm>>
    %dma_start3A_13 = tpu.memref_slice %arg7[%dma_start3A_3] : memref<4x!tpu.dma_semaphore, #tpu.memory_space<semaphore_mem>> -> memref<1x!tpu.dma_semaphore, #tpu.memory_space<semaphore_mem>>
    %dma_start3A_14 = tpu.memref_squeeze %dma_start3A_13 : memref<1x!tpu.dma_semaphore, #tpu.memory_space<semaphore_mem>> -> memref<!tpu.dma_semaphore, #tpu.memory_space<semaphore_mem>>
    tpu.enqueue_indirect_dma source(%dma_start3A_12 : memref<30522x768xf32, #tpu.memory_space<hbm>>) target(%dma_start3A_7 : memref<32x768xf32, #tpu.memory_space<vmem>>) offsets(%dma_start3A_9 : memref<32xi32, #tpu.memory_space<vmem>>) semaphore(%dma_start3A_14 : memref<!tpu.dma_semaphore, #tpu.memory_space<semaphore_mem>>)
    %dma_start3A_15 = arith.constant 1 : i32
    %dma_start3A_16 = arith.constant 1 : i32
    %dma_start3A_17 = arith.constant 0 : i32
    %dma_start3A_18 = arith.constant 0 : i32
    %dma_start3A_19 = tpu.memref_slice %arg5[%dma_start3A_15, %dma_start3A_17, %dma_start3A_18] : memref<4x32x768xf32, #tpu.memory_space<vmem>> -> memref<1x32x768xf32, #tpu.memory_space<vmem>>
    %dma_start3A_20 = tpu.memref_squeeze %dma_start3A_19 : memref<1x32x768xf32, #tpu.memory_space<vmem>> -> memref<32x768xf32, #tpu.memory_space<vmem>>
    %dma_start3A_21 = arith.constant 32 : i32
    %dma_start3A_22 = tpu.memref_slice %arg6[%dma_start3A_21] : memref<512xi32, #tpu.memory_space<vmem>> -> memref<32xi32, #tpu.memory_space<vmem>>
    %dma_start3A_23 = arith.constant 0 : i32
    %dma_start3A_24 = arith.constant 0 : i32
    %dma_start3A_25 = tpu.memref_slice %arg3[%dma_start3A_23, %dma_start3A_24] : memref<30522x768xf32, #tpu.memory_space<hbm>> -> memref<30522x768xf32, #tpu.memory_space<hbm>>
    %dma_start3A_26 = tpu.memref_slice %arg7[%dma_start3A_16] : memref<4x!tpu.dma_semaphore, #tpu.memory_space<semaphore_mem>> -> memref<1x!tpu.dma_semaphore, #tpu.memory_space<semaphore_mem>>
    %dma_start3A_27 = tpu.memref_squeeze %dma_start3A_26 : memref<1x!tpu.dma_semaphore, #tpu.memory_space<semaphore_mem>> -> memref<!tpu.dma_semaphore, #tpu.memory_space<semaphore_mem>>
    tpu.enqueue_indirect_dma source(%dma_start3A_25 : memref<30522x768xf32, #tpu.memory_space<hbm>>) target(%dma_start3A_20 : memref<32x768xf32, #tpu.memory_space<vmem>>) offsets(%dma_start3A_22 : memref<32xi32, #tpu.memory_space<vmem>>) semaphore(%dma_start3A_27 : memref<!tpu.dma_semaphore, #tpu.memory_space<semaphore_mem>>)
    %scan3A = arith.constant 0 : i32
    %scan3A_28 = arith.constant 0 : i32
    %scan3A_29 = arith.constant 4 : i32
    %scan3A_30 = arith.addi %scan3A_28, %scan3A_29 : i32
    %scan3A_31 = arith.constant 1 : i32
    scf.for %scan3A_104 = %scan3A_28 to %scan3A_30 step %scan3A_31  : i32 {
      %mul3A_105 = arith.constant 4 : i32
      %mul3A_106 = arith.muli %scan3A_104, %mul3A_105 : i32
      %add3A_107 = arith.constant 0 : i32
      %add3A_108 = arith.addi %mul3A_106, %add3A_107 : i32
      %gt3A = arith.constant 0 : i32
      %gt3A_109 = arith.cmpi sgt, %scan3A_104, %gt3A : i32
      %convert_element_type3A = arith.extui %gt3A_109 : i1 to i32
      %cond3A = arith.constant 0 : i32
      %cond3A_110 = arith.cmpi ne, %convert_element_type3A, %cond3A : i32
      scf.if %cond3A_110 {
        %dma_wait3A_317 = arith.constant 2 : i32
        %dma_wait3A_318 = arith.constant 2 : i32
        %dma_wait3A_319 = arith.constant 0 : i32
        %dma_wait3A_320 = arith.constant 0 : i32
        %dma_wait3A_321 = tpu.memref_slice %arg5[%dma_wait3A_317, %dma_wait3A_319, %dma_wait3A_320] : memref<4x32x768xf32, #tpu.memory_space<vmem>> -> memref<1x32x768xf32, #tpu.memory_space<vmem>>
        %dma_wait3A_322 = tpu.memref_squeeze %dma_wait3A_321 : memref<1x32x768xf32, #tpu.memory_space<vmem>> -> memref<32x768xf32, #tpu.memory_space<vmem>>
        %dma_wait3A_323 = arith.constant 0 : i32
        %dma_wait3A_324 = arith.constant 0 : i32
        %dma_wait3A_325 = tpu.memref_slice %arg4[%dma_wait3A_323, %dma_wait3A_324] : memref<16384x768xf32, #tpu.memory_space<hbm>> -> memref<32x768xf32, #tpu.memory_space<hbm>>
        %dma_wait3A_326 = tpu.memref_slice %arg8[%dma_wait3A_318] : memref<4x!tpu.dma_semaphore, #tpu.memory_space<semaphore_mem>> -> memref<1x!tpu.dma_semaphore, #tpu.memory_space<semaphore_mem>>
        %dma_wait3A_327 = tpu.memref_squeeze %dma_wait3A_326 : memref<1x!tpu.dma_semaphore, #tpu.memory_space<semaphore_mem>> -> memref<!tpu.dma_semaphore, #tpu.memory_space<semaphore_mem>>
        %dma_wait3A_328 = arith.constant 0 : i32
        %dma_wait3A_329 = arith.constant 0 : i32
        %dma_wait3A_330 = tpu.memref_slice %arg4[%dma_wait3A_328, %dma_wait3A_329] : memref<16384x768xf32, #tpu.memory_space<hbm>> -> memref<32x768xf32, #tpu.memory_space<hbm>>
        %dma_wait3A_331 = arith.constant 0 : i32
        %dma_wait3A_332 = arith.constant 0 : i32
        %dma_wait3A_333 = tpu.memref_slice %arg5[%dma_wait3A_317, %dma_wait3A_331, %dma_wait3A_332] : memref<4x32x768xf32, #tpu.memory_space<vmem>> -> memref<1x32x768xf32, #tpu.memory_space<vmem>>
        %dma_wait3A_334 = tpu.memref_squeeze %dma_wait3A_333 : memref<1x32x768xf32, #tpu.memory_space<vmem>> -> memref<32x768xf32, #tpu.memory_space<vmem>>
        tpu.wait_dma2 semaphore(%dma_wait3A_327 : memref<!tpu.dma_semaphore, #tpu.memory_space<semaphore_mem>>) src(%dma_wait3A_334 : memref<32x768xf32, #tpu.memory_space<vmem>>) dst(%dma_wait3A_330 : memref<32x768xf32, #tpu.memory_space<hbm>>)
      } else {
      }
      %add3A_111 = arith.constant 2 : i32
      %add3A_112 = arith.addi %add3A_108, %add3A_111 : i32
      %mul3A_113 = arith.constant 32 : i32
      %mul3A_114 = arith.muli %add3A_112, %mul3A_113 : i32
      %dma_start3A_115 = arith.constant 2 : i32
      %dma_start3A_116 = arith.constant 2 : i32
      %dma_start3A_117 = arith.constant 0 : i32
      %dma_start3A_118 = arith.constant 0 : i32
      %dma_start3A_119 = tpu.memref_slice %arg5[%dma_start3A_115, %dma_start3A_117, %dma_start3A_118] : memref<4x32x768xf32, #tpu.memory_space<vmem>> -> memref<1x32x768xf32, #tpu.memory_space<vmem>>
      %dma_start3A_120 = tpu.memref_squeeze %dma_start3A_119 : memref<1x32x768xf32, #tpu.memory_space<vmem>> -> memref<32x768xf32, #tpu.memory_space<vmem>>
      %dma_start3A_121 = tpu.memref_slice %arg6[%mul3A_114] : memref<512xi32, #tpu.memory_space<vmem>> -> memref<32xi32, #tpu.memory_space<vmem>>
      %dma_start3A_122 = arith.constant 0 : i32
      %dma_start3A_123 = arith.constant 0 : i32
      %dma_start3A_124 = tpu.memref_slice %arg3[%dma_start3A_122, %dma_start3A_123] : memref<30522x768xf32, #tpu.memory_space<hbm>> -> memref<30522x768xf32, #tpu.memory_space<hbm>>
      %dma_start3A_125 = tpu.memref_slice %arg7[%dma_start3A_116] : memref<4x!tpu.dma_semaphore, #tpu.memory_space<semaphore_mem>> -> memref<1x!tpu.dma_semaphore, #tpu.memory_space<semaphore_mem>>
      %dma_start3A_126 = tpu.memref_squeeze %dma_start3A_125 : memref<1x!tpu.dma_semaphore, #tpu.memory_space<semaphore_mem>> -> memref<!tpu.dma_semaphore, #tpu.memory_space<semaphore_mem>>
      tpu.enqueue_indirect_dma source(%dma_start3A_124 : memref<30522x768xf32, #tpu.memory_space<hbm>>) target(%dma_start3A_120 : memref<32x768xf32, #tpu.memory_space<vmem>>) offsets(%dma_start3A_121 : memref<32xi32, #tpu.memory_space<vmem>>) semaphore(%dma_start3A_126 : memref<!tpu.dma_semaphore, #tpu.memory_space<semaphore_mem>>)
      %dma_wait3A_127 = arith.constant 0 : i32
      %dma_wait3A_128 = arith.constant 0 : i32
      %dma_wait3A_129 = arith.constant 0 : i32
      %dma_wait3A_130 = arith.constant 0 : i32
      %dma_wait3A_131 = tpu.memref_slice %arg5[%dma_wait3A_127, %dma_wait3A_129, %dma_wait3A_130] : memref<4x32x768xf32, #tpu.memory_space<vmem>> -> memref<1x32x768xf32, #tpu.memory_space<vmem>>
      %dma_wait3A_132 = tpu.memref_squeeze %dma_wait3A_131 : memref<1x32x768xf32, #tpu.memory_space<vmem>> -> memref<32x768xf32, #tpu.memory_space<vmem>>
      %dma_wait3A_133 = arith.constant 0 : i32
      %dma_wait3A_134 = arith.constant 0 : i32
      %dma_wait3A_135 = tpu.memref_slice %arg3[%dma_wait3A_133, %dma_wait3A_134] : memref<30522x768xf32, #tpu.memory_space<hbm>> -> memref<32x768xf32, #tpu.memory_space<hbm>>
      %dma_wait3A_136 = tpu.memref_slice %arg7[%dma_wait3A_128] : memref<4x!tpu.dma_semaphore, #tpu.memory_space<semaphore_mem>> -> memref<1x!tpu.dma_semaphore, #tpu.memory_space<semaphore_mem>>
      %dma_wait3A_137 = tpu.memref_squeeze %dma_wait3A_136 : memref<1x!tpu.dma_semaphore, #tpu.memory_space<semaphore_mem>> -> memref<!tpu.dma_semaphore, #tpu.memory_space<semaphore_mem>>
      %dma_wait3A_138 = arith.constant 0 : i32
      %dma_wait3A_139 = arith.constant 0 : i32
      %dma_wait3A_140 = tpu.memref_slice %arg5[%dma_wait3A_127, %dma_wait3A_138, %dma_wait3A_139] : memref<4x32x768xf32, #tpu.memory_space<vmem>> -> memref<1x32x768xf32, #tpu.memory_space<vmem>>
      %dma_wait3A_141 = tpu.memref_squeeze %dma_wait3A_140 : memref<1x32x768xf32, #tpu.memory_space<vmem>> -> memref<32x768xf32, #tpu.memory_space<vmem>>
      %dma_wait3A_142 = arith.constant 0 : i32
      %dma_wait3A_143 = arith.constant 0 : i32
      %dma_wait3A_144 = tpu.memref_slice %arg3[%dma_wait3A_142, %dma_wait3A_143] : memref<30522x768xf32, #tpu.memory_space<hbm>> -> memref<32x768xf32, #tpu.memory_space<hbm>>
      tpu.wait_dma2 semaphore(%dma_wait3A_137 : memref<!tpu.dma_semaphore, #tpu.memory_space<semaphore_mem>>) src(%dma_wait3A_144 : memref<32x768xf32, #tpu.memory_space<hbm>>) dst(%dma_wait3A_141 : memref<32x768xf32, #tpu.memory_space<vmem>>)
      %mul3A_145 = arith.constant 32 : i32
      %mul3A_146 = arith.muli %add3A_108, %mul3A_145 : i32
      %add3A_147 = arith.addi %mul3A_2, %mul3A_146 : i32
      %dma_start3A_148 = arith.constant 0 : i32
      %dma_start3A_149 = arith.constant 0 : i32
      %dma_start3A_150 = arith.constant 0 : i32
      %dma_start3A_151 = arith.constant 0 : i32
      %dma_start3A_152 = tpu.memref_slice %arg5[%dma_start3A_148, %dma_start3A_150, %dma_start3A_151] : memref<4x32x768xf32, #tpu.memory_space<vmem>> -> memref<1x32x768xf32, #tpu.memory_space<vmem>>
      %dma_start3A_153 = tpu.memref_squeeze %dma_start3A_152 : memref<1x32x768xf32, #tpu.memory_space<vmem>> -> memref<32x768xf32, #tpu.memory_space<vmem>>
      %dma_start3A_154 = arith.constant 0 : i32
      %dma_start3A_155 = tpu.memref_slice %arg4[%add3A_147, %dma_start3A_154] : memref<16384x768xf32, #tpu.memory_space<hbm>> -> memref<32x768xf32, #tpu.memory_space<hbm>>
      %dma_start3A_156 = tpu.memref_slice %arg8[%dma_start3A_149] : memref<4x!tpu.dma_semaphore, #tpu.memory_space<semaphore_mem>> -> memref<1x!tpu.dma_semaphore, #tpu.memory_space<semaphore_mem>>
      %dma_start3A_157 = tpu.memref_squeeze %dma_start3A_156 : memref<1x!tpu.dma_semaphore, #tpu.memory_space<semaphore_mem>> -> memref<!tpu.dma_semaphore, #tpu.memory_space<semaphore_mem>>
      %dma_start3A_158 = arith.constant 0 : i32
      %dma_start3A_159 = tpu.memref_slice %arg4[%add3A_147, %dma_start3A_158] : memref<16384x768xf32, #tpu.memory_space<hbm>> -> memref<32x768xf32, #tpu.memory_space<hbm>>
      %dma_start3A_160 = arith.constant 0 : i32
      %dma_start3A_161 = arith.constant 0 : i32
      %dma_start3A_162 = tpu.memref_slice %arg5[%dma_start3A_148, %dma_start3A_160, %dma_start3A_161] : memref<4x32x768xf32, #tpu.memory_space<vmem>> -> memref<1x32x768xf32, #tpu.memory_space<vmem>>
      %dma_start3A_163 = tpu.memref_squeeze %dma_start3A_162 : memref<1x32x768xf32, #tpu.memory_space<vmem>> -> memref<32x768xf32, #tpu.memory_space<vmem>>
      tpu.enqueue_dma source(%dma_start3A_163 : memref<32x768xf32, #tpu.memory_space<vmem>>) target(%dma_start3A_159 : memref<32x768xf32, #tpu.memory_space<hbm>>) target_semaphore(%dma_start3A_157 : memref<!tpu.dma_semaphore, #tpu.memory_space<semaphore_mem>>)
      %mul3A_164 = arith.constant 4 : i32
      %mul3A_165 = arith.muli %scan3A_104, %mul3A_164 : i32
      %add3A_166 = arith.constant 1 : i32
      %add3A_167 = arith.addi %mul3A_165, %add3A_166 : i32
      %gt3A_168 = arith.constant 0 : i32
      %gt3A_169 = arith.cmpi sgt, %scan3A_104, %gt3A_168 : i32
      %convert_element_type3A_170 = arith.extui %gt3A_169 : i1 to i32
      %cond3A_171 = arith.constant 0 : i32
      %cond3A_172 = arith.cmpi ne, %convert_element_type3A_170, %cond3A_171 : i32
      scf.if %cond3A_172 {
        %dma_wait3A_317 = arith.constant 3 : i32
        %dma_wait3A_318 = arith.constant 3 : i32
        %dma_wait3A_319 = arith.constant 0 : i32
        %dma_wait3A_320 = arith.constant 0 : i32
        %dma_wait3A_321 = tpu.memref_slice %arg5[%dma_wait3A_317, %dma_wait3A_319, %dma_wait3A_320] : memref<4x32x768xf32, #tpu.memory_space<vmem>> -> memref<1x32x768xf32, #tpu.memory_space<vmem>>
        %dma_wait3A_322 = tpu.memref_squeeze %dma_wait3A_321 : memref<1x32x768xf32, #tpu.memory_space<vmem>> -> memref<32x768xf32, #tpu.memory_space<vmem>>
        %dma_wait3A_323 = arith.constant 0 : i32
        %dma_wait3A_324 = arith.constant 0 : i32
        %dma_wait3A_325 = tpu.memref_slice %arg4[%dma_wait3A_323, %dma_wait3A_324] : memref<16384x768xf32, #tpu.memory_space<hbm>> -> memref<32x768xf32, #tpu.memory_space<hbm>>
        %dma_wait3A_326 = tpu.memref_slice %arg8[%dma_wait3A_318] : memref<4x!tpu.dma_semaphore, #tpu.memory_space<semaphore_mem>> -> memref<1x!tpu.dma_semaphore, #tpu.memory_space<semaphore_mem>>
        %dma_wait3A_327 = tpu.memref_squeeze %dma_wait3A_326 : memref<1x!tpu.dma_semaphore, #tpu.memory_space<semaphore_mem>> -> memref<!tpu.dma_semaphore, #tpu.memory_space<semaphore_mem>>
        %dma_wait3A_328 = arith.constant 0 : i32
        %dma_wait3A_329 = arith.constant 0 : i32
        %dma_wait3A_330 = tpu.memref_slice %arg4[%dma_wait3A_328, %dma_wait3A_329] : memref<16384x768xf32, #tpu.memory_space<hbm>> -> memref<32x768xf32, #tpu.memory_space<hbm>>
        %dma_wait3A_331 = arith.constant 0 : i32
        %dma_wait3A_332 = arith.constant 0 : i32
        %dma_wait3A_333 = tpu.memref_slice %arg5[%dma_wait3A_317, %dma_wait3A_331, %dma_wait3A_332] : memref<4x32x768xf32, #tpu.memory_space<vmem>> -> memref<1x32x768xf32, #tpu.memory_space<vmem>>
        %dma_wait3A_334 = tpu.memref_squeeze %dma_wait3A_333 : memref<1x32x768xf32, #tpu.memory_space<vmem>> -> memref<32x768xf32, #tpu.memory_space<vmem>>
        tpu.wait_dma2 semaphore(%dma_wait3A_327 : memref<!tpu.dma_semaphore, #tpu.memory_space<semaphore_mem>>) src(%dma_wait3A_334 : memref<32x768xf32, #tpu.memory_space<vmem>>) dst(%dma_wait3A_330 : memref<32x768xf32, #tpu.memory_space<hbm>>)
      } else {
      }
      %add3A_173 = arith.constant 2 : i32
      %add3A_174 = arith.addi %add3A_167, %add3A_173 : i32
      %mul3A_175 = arith.constant 32 : i32
      %mul3A_176 = arith.muli %add3A_174, %mul3A_175 : i32
      %dma_start3A_177 = arith.constant 3 : i32
      %dma_start3A_178 = arith.constant 3 : i32
      %dma_start3A_179 = arith.constant 0 : i32
      %dma_start3A_180 = arith.constant 0 : i32
      %dma_start3A_181 = tpu.memref_slice %arg5[%dma_start3A_177, %dma_start3A_179, %dma_start3A_180] : memref<4x32x768xf32, #tpu.memory_space<vmem>> -> memref<1x32x768xf32, #tpu.memory_space<vmem>>
      %dma_start3A_182 = tpu.memref_squeeze %dma_start3A_181 : memref<1x32x768xf32, #tpu.memory_space<vmem>> -> memref<32x768xf32, #tpu.memory_space<vmem>>
      %dma_start3A_183 = tpu.memref_slice %arg6[%mul3A_176] : memref<512xi32, #tpu.memory_space<vmem>> -> memref<32xi32, #tpu.memory_space<vmem>>
      %dma_start3A_184 = arith.constant 0 : i32
      %dma_start3A_185 = arith.constant 0 : i32
      %dma_start3A_186 = tpu.memref_slice %arg3[%dma_start3A_184, %dma_start3A_185] : memref<30522x768xf32, #tpu.memory_space<hbm>> -> memref<30522x768xf32, #tpu.memory_space<hbm>>
      %dma_start3A_187 = tpu.memref_slice %arg7[%dma_start3A_178] : memref<4x!tpu.dma_semaphore, #tpu.memory_space<semaphore_mem>> -> memref<1x!tpu.dma_semaphore, #tpu.memory_space<semaphore_mem>>
      %dma_start3A_188 = tpu.memref_squeeze %dma_start3A_187 : memref<1x!tpu.dma_semaphore, #tpu.memory_space<semaphore_mem>> -> memref<!tpu.dma_semaphore, #tpu.memory_space<semaphore_mem>>
      tpu.enqueue_indirect_dma source(%dma_start3A_186 : memref<30522x768xf32, #tpu.memory_space<hbm>>) target(%dma_start3A_182 : memref<32x768xf32, #tpu.memory_space<vmem>>) offsets(%dma_start3A_183 : memref<32xi32, #tpu.memory_space<vmem>>) semaphore(%dma_start3A_188 : memref<!tpu.dma_semaphore, #tpu.memory_space<semaphore_mem>>)
      %dma_wait3A_189 = arith.constant 1 : i32
      %dma_wait3A_190 = arith.constant 1 : i32
      %dma_wait3A_191 = arith.constant 0 : i32
      %dma_wait3A_192 = arith.constant 0 : i32
      %dma_wait3A_193 = tpu.memref_slice %arg5[%dma_wait3A_189, %dma_wait3A_191, %dma_wait3A_192] : memref<4x32x768xf32, #tpu.memory_space<vmem>> -> memref<1x32x768xf32, #tpu.memory_space<vmem>>
      %dma_wait3A_194 = tpu.memref_squeeze %dma_wait3A_193 : memref<1x32x768xf32, #tpu.memory_space<vmem>> -> memref<32x768xf32, #tpu.memory_space<vmem>>
      %dma_wait3A_195 = arith.constant 0 : i32
      %dma_wait3A_196 = arith.constant 0 : i32
      %dma_wait3A_197 = tpu.memref_slice %arg3[%dma_wait3A_195, %dma_wait3A_196] : memref<30522x768xf32, #tpu.memory_space<hbm>> -> memref<32x768xf32, #tpu.memory_space<hbm>>
      %dma_wait3A_198 = tpu.memref_slice %arg7[%dma_wait3A_190] : memref<4x!tpu.dma_semaphore, #tpu.memory_space<semaphore_mem>> -> memref<1x!tpu.dma_semaphore, #tpu.memory_space<semaphore_mem>>
      %dma_wait3A_199 = tpu.memref_squeeze %dma_wait3A_198 : memref<1x!tpu.dma_semaphore, #tpu.memory_space<semaphore_mem>> -> memref<!tpu.dma_semaphore, #tpu.memory_space<semaphore_mem>>
      %dma_wait3A_200 = arith.constant 0 : i32
      %dma_wait3A_201 = arith.constant 0 : i32
      %dma_wait3A_202 = tpu.memref_slice %arg5[%dma_wait3A_189, %dma_wait3A_200, %dma_wait3A_201] : memref<4x32x768xf32, #tpu.memory_space<vmem>> -> memref<1x32x768xf32, #tpu.memory_space<vmem>>
      %dma_wait3A_203 = tpu.memref_squeeze %dma_wait3A_202 : memref<1x32x768xf32, #tpu.memory_space<vmem>> -> memref<32x768xf32, #tpu.memory_space<vmem>>
      %dma_wait3A_204 = arith.constant 0 : i32
      %dma_wait3A_205 = arith.constant 0 : i32
      %dma_wait3A_206 = tpu.memref_slice %arg3[%dma_wait3A_204, %dma_wait3A_205] : memref<30522x768xf32, #tpu.memory_space<hbm>> -> memref<32x768xf32, #tpu.memory_space<hbm>>
      tpu.wait_dma2 semaphore(%dma_wait3A_199 : memref<!tpu.dma_semaphore, #tpu.memory_space<semaphore_mem>>) src(%dma_wait3A_206 : memref<32x768xf32, #tpu.memory_space<hbm>>) dst(%dma_wait3A_203 : memref<32x768xf32, #tpu.memory_space<vmem>>)
      %mul3A_207 = arith.constant 32 : i32
      %mul3A_208 = arith.muli %add3A_167, %mul3A_207 : i32
      %add3A_209 = arith.addi %mul3A_2, %mul3A_208 : i32
      %dma_start3A_210 = arith.constant 1 : i32
      %dma_start3A_211 = arith.constant 1 : i32
      %dma_start3A_212 = arith.constant 0 : i32
      %dma_start3A_213 = arith.constant 0 : i32
      %dma_start3A_214 = tpu.memref_slice %arg5[%dma_start3A_210, %dma_start3A_212, %dma_start3A_213] : memref<4x32x768xf32, #tpu.memory_space<vmem>> -> memref<1x32x768xf32, #tpu.memory_space<vmem>>
      %dma_start3A_215 = tpu.memref_squeeze %dma_start3A_214 : memref<1x32x768xf32, #tpu.memory_space<vmem>> -> memref<32x768xf32, #tpu.memory_space<vmem>>
      %dma_start3A_216 = arith.constant 0 : i32
      %dma_start3A_217 = tpu.memref_slice %arg4[%add3A_209, %dma_start3A_216] : memref<16384x768xf32, #tpu.memory_space<hbm>> -> memref<32x768xf32, #tpu.memory_space<hbm>>
      %dma_start3A_218 = tpu.memref_slice %arg8[%dma_start3A_211] : memref<4x!tpu.dma_semaphore, #tpu.memory_space<semaphore_mem>> -> memref<1x!tpu.dma_semaphore, #tpu.memory_space<semaphore_mem>>
      %dma_start3A_219 = tpu.memref_squeeze %dma_start3A_218 : memref<1x!tpu.dma_semaphore, #tpu.memory_space<semaphore_mem>> -> memref<!tpu.dma_semaphore, #tpu.memory_space<semaphore_mem>>
      %dma_start3A_220 = arith.constant 0 : i32
      %dma_start3A_221 = tpu.memref_slice %arg4[%add3A_209, %dma_start3A_220] : memref<16384x768xf32, #tpu.memory_space<hbm>> -> memref<32x768xf32, #tpu.memory_space<hbm>>
      %dma_start3A_222 = arith.constant 0 : i32
      %dma_start3A_223 = arith.constant 0 : i32
      %dma_start3A_224 = tpu.memref_slice %arg5[%dma_start3A_210, %dma_start3A_222, %dma_start3A_223] : memref<4x32x768xf32, #tpu.memory_space<vmem>> -> memref<1x32x768xf32, #tpu.memory_space<vmem>>
      %dma_start3A_225 = tpu.memref_squeeze %dma_start3A_224 : memref<1x32x768xf32, #tpu.memory_space<vmem>> -> memref<32x768xf32, #tpu.memory_space<vmem>>
      tpu.enqueue_dma source(%dma_start3A_225 : memref<32x768xf32, #tpu.memory_space<vmem>>) target(%dma_start3A_221 : memref<32x768xf32, #tpu.memory_space<hbm>>) target_semaphore(%dma_start3A_219 : memref<!tpu.dma_semaphore, #tpu.memory_space<semaphore_mem>>)
      %mul3A_226 = arith.constant 4 : i32
      %mul3A_227 = arith.muli %scan3A_104, %mul3A_226 : i32
      %add3A_228 = arith.constant 2 : i32
      %add3A_229 = arith.addi %mul3A_227, %add3A_228 : i32
      %lt3A = arith.constant 3 : i32
      %lt3A_230 = arith.cmpi slt, %scan3A_104, %lt3A : i32
      %convert_element_type3A_231 = arith.extui %lt3A_230 : i1 to i32
      %cond3A_232 = arith.constant 0 : i32
      %cond3A_233 = arith.cmpi ne, %convert_element_type3A_231, %cond3A_232 : i32
      scf.if %cond3A_233 {
        %dma_wait3A_317 = arith.constant 0 : i32
        %dma_wait3A_318 = arith.constant 0 : i32
        %dma_wait3A_319 = arith.constant 0 : i32
        %dma_wait3A_320 = arith.constant 0 : i32
        %dma_wait3A_321 = tpu.memref_slice %arg5[%dma_wait3A_317, %dma_wait3A_319, %dma_wait3A_320] : memref<4x32x768xf32, #tpu.memory_space<vmem>> -> memref<1x32x768xf32, #tpu.memory_space<vmem>>
        %dma_wait3A_322 = tpu.memref_squeeze %dma_wait3A_321 : memref<1x32x768xf32, #tpu.memory_space<vmem>> -> memref<32x768xf32, #tpu.memory_space<vmem>>
        %dma_wait3A_323 = arith.constant 0 : i32
        %dma_wait3A_324 = arith.constant 0 : i32
        %dma_wait3A_325 = tpu.memref_slice %arg4[%dma_wait3A_323, %dma_wait3A_324] : memref<16384x768xf32, #tpu.memory_space<hbm>> -> memref<32x768xf32, #tpu.memory_space<hbm>>
        %dma_wait3A_326 = tpu.memref_slice %arg8[%dma_wait3A_318] : memref<4x!tpu.dma_semaphore, #tpu.memory_space<semaphore_mem>> -> memref<1x!tpu.dma_semaphore, #tpu.memory_space<semaphore_mem>>
        %dma_wait3A_327 = tpu.memref_squeeze %dma_wait3A_326 : memref<1x!tpu.dma_semaphore, #tpu.memory_space<semaphore_mem>> -> memref<!tpu.dma_semaphore, #tpu.memory_space<semaphore_mem>>
        %dma_wait3A_328 = arith.constant 0 : i32
        %dma_wait3A_329 = arith.constant 0 : i32
        %dma_wait3A_330 = tpu.memref_slice %arg4[%dma_wait3A_328, %dma_wait3A_329] : memref<16384x768xf32, #tpu.memory_space<hbm>> -> memref<32x768xf32, #tpu.memory_space<hbm>>
        %dma_wait3A_331 = arith.constant 0 : i32
        %dma_wait3A_332 = arith.constant 0 : i32
        %dma_wait3A_333 = tpu.memref_slice %arg5[%dma_wait3A_317, %dma_wait3A_331, %dma_wait3A_332] : memref<4x32x768xf32, #tpu.memory_space<vmem>> -> memref<1x32x768xf32, #tpu.memory_space<vmem>>
        %dma_wait3A_334 = tpu.memref_squeeze %dma_wait3A_333 : memref<1x32x768xf32, #tpu.memory_space<vmem>> -> memref<32x768xf32, #tpu.memory_space<vmem>>
        tpu.wait_dma2 semaphore(%dma_wait3A_327 : memref<!tpu.dma_semaphore, #tpu.memory_space<semaphore_mem>>) src(%dma_wait3A_334 : memref<32x768xf32, #tpu.memory_space<vmem>>) dst(%dma_wait3A_330 : memref<32x768xf32, #tpu.memory_space<hbm>>)
        %add3A_335 = arith.constant 2 : i32
        %add3A_336 = arith.addi %add3A_229, %add3A_335 : i32
        %mul3A_337 = arith.constant 32 : i32
        %mul3A_338 = arith.muli %add3A_336, %mul3A_337 : i32
        %dma_start3A_339 = arith.constant 0 : i32
        %dma_start3A_340 = arith.constant 0 : i32
        %dma_start3A_341 = arith.constant 0 : i32
        %dma_start3A_342 = arith.constant 0 : i32
        %dma_start3A_343 = tpu.memref_slice %arg5[%dma_start3A_339, %dma_start3A_341, %dma_start3A_342] : memref<4x32x768xf32, #tpu.memory_space<vmem>> -> memref<1x32x768xf32, #tpu.memory_space<vmem>>
        %dma_start3A_344 = tpu.memref_squeeze %dma_start3A_343 : memref<1x32x768xf32, #tpu.memory_space<vmem>> -> memref<32x768xf32, #tpu.memory_space<vmem>>
        %dma_start3A_345 = tpu.memref_slice %arg6[%mul3A_338] : memref<512xi32, #tpu.memory_space<vmem>> -> memref<32xi32, #tpu.memory_space<vmem>>
        %dma_start3A_346 = arith.constant 0 : i32
        %dma_start3A_347 = arith.constant 0 : i32
        %dma_start3A_348 = tpu.memref_slice %arg3[%dma_start3A_346, %dma_start3A_347] : memref<30522x768xf32, #tpu.memory_space<hbm>> -> memref<30522x768xf32, #tpu.memory_space<hbm>>
        %dma_start3A_349 = tpu.memref_slice %arg7[%dma_start3A_340] : memref<4x!tpu.dma_semaphore, #tpu.memory_space<semaphore_mem>> -> memref<1x!tpu.dma_semaphore, #tpu.memory_space<semaphore_mem>>
        %dma_start3A_350 = tpu.memref_squeeze %dma_start3A_349 : memref<1x!tpu.dma_semaphore, #tpu.memory_space<semaphore_mem>> -> memref<!tpu.dma_semaphore, #tpu.memory_space<semaphore_mem>>
        tpu.enqueue_indirect_dma source(%dma_start3A_348 : memref<30522x768xf32, #tpu.memory_space<hbm>>) target(%dma_start3A_344 : memref<32x768xf32, #tpu.memory_space<vmem>>) offsets(%dma_start3A_345 : memref<32xi32, #tpu.memory_space<vmem>>) semaphore(%dma_start3A_350 : memref<!tpu.dma_semaphore, #tpu.memory_space<semaphore_mem>>)
      } else {
      }
      %dma_wait3A_234 = arith.constant 2 : i32
      %dma_wait3A_235 = arith.constant 2 : i32
      %dma_wait3A_236 = arith.constant 0 : i32
      %dma_wait3A_237 = arith.constant 0 : i32
      %dma_wait3A_238 = tpu.memref_slice %arg5[%dma_wait3A_234, %dma_wait3A_236, %dma_wait3A_237] : memref<4x32x768xf32, #tpu.memory_space<vmem>> -> memref<1x32x768xf32, #tpu.memory_space<vmem>>
      %dma_wait3A_239 = tpu.memref_squeeze %dma_wait3A_238 : memref<1x32x768xf32, #tpu.memory_space<vmem>> -> memref<32x768xf32, #tpu.memory_space<vmem>>
      %dma_wait3A_240 = arith.constant 0 : i32
      %dma_wait3A_241 = arith.constant 0 : i32
      %dma_wait3A_242 = tpu.memref_slice %arg3[%dma_wait3A_240, %dma_wait3A_241] : memref<30522x768xf32, #tpu.memory_space<hbm>> -> memref<32x768xf32, #tpu.memory_space<hbm>>
      %dma_wait3A_243 = tpu.memref_slice %arg7[%dma_wait3A_235] : memref<4x!tpu.dma_semaphore, #tpu.memory_space<semaphore_mem>> -> memref<1x!tpu.dma_semaphore, #tpu.memory_space<semaphore_mem>>
      %dma_wait3A_244 = tpu.memref_squeeze %dma_wait3A_243 : memref<1x!tpu.dma_semaphore, #tpu.memory_space<semaphore_mem>> -> memref<!tpu.dma_semaphore, #tpu.memory_space<semaphore_mem>>
      %dma_wait3A_245 = arith.constant 0 : i32
      %dma_wait3A_246 = arith.constant 0 : i32
      %dma_wait3A_247 = tpu.memref_slice %arg5[%dma_wait3A_234, %dma_wait3A_245, %dma_wait3A_246] : memref<4x32x768xf32, #tpu.memory_space<vmem>> -> memref<1x32x768xf32, #tpu.memory_space<vmem>>
      %dma_wait3A_248 = tpu.memref_squeeze %dma_wait3A_247 : memref<1x32x768xf32, #tpu.memory_space<vmem>> -> memref<32x768xf32, #tpu.memory_space<vmem>>
      %dma_wait3A_249 = arith.constant 0 : i32
      %dma_wait3A_250 = arith.constant 0 : i32
      %dma_wait3A_251 = tpu.memref_slice %arg3[%dma_wait3A_249, %dma_wait3A_250] : memref<30522x768xf32, #tpu.memory_space<hbm>> -> memref<32x768xf32, #tpu.memory_space<hbm>>
      tpu.wait_dma2 semaphore(%dma_wait3A_244 : memref<!tpu.dma_semaphore, #tpu.memory_space<semaphore_mem>>) src(%dma_wait3A_251 : memref<32x768xf32, #tpu.memory_space<hbm>>) dst(%dma_wait3A_248 : memref<32x768xf32, #tpu.memory_space<vmem>>)
      %mul3A_252 = arith.constant 32 : i32
      %mul3A_253 = arith.muli %add3A_229, %mul3A_252 : i32
      %add3A_254 = arith.addi %mul3A_2, %mul3A_253 : i32
      %dma_start3A_255 = arith.constant 2 : i32
      %dma_start3A_256 = arith.constant 2 : i32
      %dma_start3A_257 = arith.constant 0 : i32
      %dma_start3A_258 = arith.constant 0 : i32
      %dma_start3A_259 = tpu.memref_slice %arg5[%dma_start3A_255, %dma_start3A_257, %dma_start3A_258] : memref<4x32x768xf32, #tpu.memory_space<vmem>> -> memref<1x32x768xf32, #tpu.memory_space<vmem>>
      %dma_start3A_260 = tpu.memref_squeeze %dma_start3A_259 : memref<1x32x768xf32, #tpu.memory_space<vmem>> -> memref<32x768xf32, #tpu.memory_space<vmem>>
      %dma_start3A_261 = arith.constant 0 : i32
      %dma_start3A_262 = tpu.memref_slice %arg4[%add3A_254, %dma_start3A_261] : memref<16384x768xf32, #tpu.memory_space<hbm>> -> memref<32x768xf32, #tpu.memory_space<hbm>>
      %dma_start3A_263 = tpu.memref_slice %arg8[%dma_start3A_256] : memref<4x!tpu.dma_semaphore, #tpu.memory_space<semaphore_mem>> -> memref<1x!tpu.dma_semaphore, #tpu.memory_space<semaphore_mem>>
      %dma_start3A_264 = tpu.memref_squeeze %dma_start3A_263 : memref<1x!tpu.dma_semaphore, #tpu.memory_space<semaphore_mem>> -> memref<!tpu.dma_semaphore, #tpu.memory_space<semaphore_mem>>
      %dma_start3A_265 = arith.constant 0 : i32
      %dma_start3A_266 = tpu.memref_slice %arg4[%add3A_254, %dma_start3A_265] : memref<16384x768xf32, #tpu.memory_space<hbm>> -> memref<32x768xf32, #tpu.memory_space<hbm>>
      %dma_start3A_267 = arith.constant 0 : i32
      %dma_start3A_268 = arith.constant 0 : i32
      %dma_start3A_269 = tpu.memref_slice %arg5[%dma_start3A_255, %dma_start3A_267, %dma_start3A_268] : memref<4x32x768xf32, #tpu.memory_space<vmem>> -> memref<1x32x768xf32, #tpu.memory_space<vmem>>
      %dma_start3A_270 = tpu.memref_squeeze %dma_start3A_269 : memref<1x32x768xf32, #tpu.memory_space<vmem>> -> memref<32x768xf32, #tpu.memory_space<vmem>>
      tpu.enqueue_dma source(%dma_start3A_270 : memref<32x768xf32, #tpu.memory_space<vmem>>) target(%dma_start3A_266 : memref<32x768xf32, #tpu.memory_space<hbm>>) target_semaphore(%dma_start3A_264 : memref<!tpu.dma_semaphore, #tpu.memory_space<semaphore_mem>>)
      %mul3A_271 = arith.constant 4 : i32
      %mul3A_272 = arith.muli %scan3A_104, %mul3A_271 : i32
      %add3A_273 = arith.constant 3 : i32
      %add3A_274 = arith.addi %mul3A_272, %add3A_273 : i32
      %lt3A_275 = arith.constant 3 : i32
      %lt3A_276 = arith.cmpi slt, %scan3A_104, %lt3A_275 : i32
      %convert_element_type3A_277 = arith.extui %lt3A_276 : i1 to i32
      %cond3A_278 = arith.constant 0 : i32
      %cond3A_279 = arith.cmpi ne, %convert_element_type3A_277, %cond3A_278 : i32
      scf.if %cond3A_279 {
        %dma_wait3A_317 = arith.constant 1 : i32
        %dma_wait3A_318 = arith.constant 1 : i32
        %dma_wait3A_319 = arith.constant 0 : i32
        %dma_wait3A_320 = arith.constant 0 : i32
        %dma_wait3A_321 = tpu.memref_slice %arg5[%dma_wait3A_317, %dma_wait3A_319, %dma_wait3A_320] : memref<4x32x768xf32, #tpu.memory_space<vmem>> -> memref<1x32x768xf32, #tpu.memory_space<vmem>>
        %dma_wait3A_322 = tpu.memref_squeeze %dma_wait3A_321 : memref<1x32x768xf32, #tpu.memory_space<vmem>> -> memref<32x768xf32, #tpu.memory_space<vmem>>
        %dma_wait3A_323 = arith.constant 0 : i32
        %dma_wait3A_324 = arith.constant 0 : i32
        %dma_wait3A_325 = tpu.memref_slice %arg4[%dma_wait3A_323, %dma_wait3A_324] : memref<16384x768xf32, #tpu.memory_space<hbm>> -> memref<32x768xf32, #tpu.memory_space<hbm>>
        %dma_wait3A_326 = tpu.memref_slice %arg8[%dma_wait3A_318] : memref<4x!tpu.dma_semaphore, #tpu.memory_space<semaphore_mem>> -> memref<1x!tpu.dma_semaphore, #tpu.memory_space<semaphore_mem>>
        %dma_wait3A_327 = tpu.memref_squeeze %dma_wait3A_326 : memref<1x!tpu.dma_semaphore, #tpu.memory_space<semaphore_mem>> -> memref<!tpu.dma_semaphore, #tpu.memory_space<semaphore_mem>>
        %dma_wait3A_328 = arith.constant 0 : i32
        %dma_wait3A_329 = arith.constant 0 : i32
        %dma_wait3A_330 = tpu.memref_slice %arg4[%dma_wait3A_328, %dma_wait3A_329] : memref<16384x768xf32, #tpu.memory_space<hbm>> -> memref<32x768xf32, #tpu.memory_space<hbm>>
        %dma_wait3A_331 = arith.constant 0 : i32
        %dma_wait3A_332 = arith.constant 0 : i32
        %dma_wait3A_333 = tpu.memref_slice %arg5[%dma_wait3A_317, %dma_wait3A_331, %dma_wait3A_332] : memref<4x32x768xf32, #tpu.memory_space<vmem>> -> memref<1x32x768xf32, #tpu.memory_space<vmem>>
        %dma_wait3A_334 = tpu.memref_squeeze %dma_wait3A_333 : memref<1x32x768xf32, #tpu.memory_space<vmem>> -> memref<32x768xf32, #tpu.memory_space<vmem>>
        tpu.wait_dma2 semaphore(%dma_wait3A_327 : memref<!tpu.dma_semaphore, #tpu.memory_space<semaphore_mem>>) src(%dma_wait3A_334 : memref<32x768xf32, #tpu.memory_space<vmem>>) dst(%dma_wait3A_330 : memref<32x768xf32, #tpu.memory_space<hbm>>)
        %add3A_335 = arith.constant 2 : i32
        %add3A_336 = arith.addi %add3A_274, %add3A_335 : i32
        %mul3A_337 = arith.constant 32 : i32
        %mul3A_338 = arith.muli %add3A_336, %mul3A_337 : i32
        %dma_start3A_339 = arith.constant 1 : i32
        %dma_start3A_340 = arith.constant 1 : i32
        %dma_start3A_341 = arith.constant 0 : i32
        %dma_start3A_342 = arith.constant 0 : i32
        %dma_start3A_343 = tpu.memref_slice %arg5[%dma_start3A_339, %dma_start3A_341, %dma_start3A_342] : memref<4x32x768xf32, #tpu.memory_space<vmem>> -> memref<1x32x768xf32, #tpu.memory_space<vmem>>
        %dma_start3A_344 = tpu.memref_squeeze %dma_start3A_343 : memref<1x32x768xf32, #tpu.memory_space<vmem>> -> memref<32x768xf32, #tpu.memory_space<vmem>>
        %dma_start3A_345 = tpu.memref_slice %arg6[%mul3A_338] : memref<512xi32, #tpu.memory_space<vmem>> -> memref<32xi32, #tpu.memory_space<vmem>>
        %dma_start3A_346 = arith.constant 0 : i32
        %dma_start3A_347 = arith.constant 0 : i32
        %dma_start3A_348 = tpu.memref_slice %arg3[%dma_start3A_346, %dma_start3A_347] : memref<30522x768xf32, #tpu.memory_space<hbm>> -> memref<30522x768xf32, #tpu.memory_space<hbm>>
        %dma_start3A_349 = tpu.memref_slice %arg7[%dma_start3A_340] : memref<4x!tpu.dma_semaphore, #tpu.memory_space<semaphore_mem>> -> memref<1x!tpu.dma_semaphore, #tpu.memory_space<semaphore_mem>>
        %dma_start3A_350 = tpu.memref_squeeze %dma_start3A_349 : memref<1x!tpu.dma_semaphore, #tpu.memory_space<semaphore_mem>> -> memref<!tpu.dma_semaphore, #tpu.memory_space<semaphore_mem>>
        tpu.enqueue_indirect_dma source(%dma_start3A_348 : memref<30522x768xf32, #tpu.memory_space<hbm>>) target(%dma_start3A_344 : memref<32x768xf32, #tpu.memory_space<vmem>>) offsets(%dma_start3A_345 : memref<32xi32, #tpu.memory_space<vmem>>) semaphore(%dma_start3A_350 : memref<!tpu.dma_semaphore, #tpu.memory_space<semaphore_mem>>)
      } else {
      }
      %dma_wait3A_280 = arith.constant 3 : i32
      %dma_wait3A_281 = arith.constant 3 : i32
      %dma_wait3A_282 = arith.constant 0 : i32
      %dma_wait3A_283 = arith.constant 0 : i32
      %dma_wait3A_284 = tpu.memref_slice %arg5[%dma_wait3A_280, %dma_wait3A_282, %dma_wait3A_283] : memref<4x32x768xf32, #tpu.memory_space<vmem>> -> memref<1x32x768xf32, #tpu.memory_space<vmem>>
      %dma_wait3A_285 = tpu.memref_squeeze %dma_wait3A_284 : memref<1x32x768xf32, #tpu.memory_space<vmem>> -> memref<32x768xf32, #tpu.memory_space<vmem>>
      %dma_wait3A_286 = arith.constant 0 : i32
      %dma_wait3A_287 = arith.constant 0 : i32
      %dma_wait3A_288 = tpu.memref_slice %arg3[%dma_wait3A_286, %dma_wait3A_287] : memref<30522x768xf32, #tpu.memory_space<hbm>> -> memref<32x768xf32, #tpu.memory_space<hbm>>
      %dma_wait3A_289 = tpu.memref_slice %arg7[%dma_wait3A_281] : memref<4x!tpu.dma_semaphore, #tpu.memory_space<semaphore_mem>> -> memref<1x!tpu.dma_semaphore, #tpu.memory_space<semaphore_mem>>
      %dma_wait3A_290 = tpu.memref_squeeze %dma_wait3A_289 : memref<1x!tpu.dma_semaphore, #tpu.memory_space<semaphore_mem>> -> memref<!tpu.dma_semaphore, #tpu.memory_space<semaphore_mem>>
      %dma_wait3A_291 = arith.constant 0 : i32
      %dma_wait3A_292 = arith.constant 0 : i32
      %dma_wait3A_293 = tpu.memref_slice %arg5[%dma_wait3A_280, %dma_wait3A_291, %dma_wait3A_292] : memref<4x32x768xf32, #tpu.memory_space<vmem>> -> memref<1x32x768xf32, #tpu.memory_space<vmem>>
      %dma_wait3A_294 = tpu.memref_squeeze %dma_wait3A_293 : memref<1x32x768xf32, #tpu.memory_space<vmem>> -> memref<32x768xf32, #tpu.memory_space<vmem>>
      %dma_wait3A_295 = arith.constant 0 : i32
      %dma_wait3A_296 = arith.constant 0 : i32
      %dma_wait3A_297 = tpu.memref_slice %arg3[%dma_wait3A_295, %dma_wait3A_296] : memref<30522x768xf32, #tpu.memory_space<hbm>> -> memref<32x768xf32, #tpu.memory_space<hbm>>
      tpu.wait_dma2 semaphore(%dma_wait3A_290 : memref<!tpu.dma_semaphore, #tpu.memory_space<semaphore_mem>>) src(%dma_wait3A_297 : memref<32x768xf32, #tpu.memory_space<hbm>>) dst(%dma_wait3A_294 : memref<32x768xf32, #tpu.memory_space<vmem>>)
      %mul3A_298 = arith.constant 32 : i32
      %mul3A_299 = arith.muli %add3A_274, %mul3A_298 : i32
      %add3A_300 = arith.addi %mul3A_2, %mul3A_299 : i32
      %dma_start3A_301 = arith.constant 3 : i32
      %dma_start3A_302 = arith.constant 3 : i32
      %dma_start3A_303 = arith.constant 0 : i32
      %dma_start3A_304 = arith.constant 0 : i32
      %dma_start3A_305 = tpu.memref_slice %arg5[%dma_start3A_301, %dma_start3A_303, %dma_start3A_304] : memref<4x32x768xf32, #tpu.memory_space<vmem>> -> memref<1x32x768xf32, #tpu.memory_space<vmem>>
      %dma_start3A_306 = tpu.memref_squeeze %dma_start3A_305 : memref<1x32x768xf32, #tpu.memory_space<vmem>> -> memref<32x768xf32, #tpu.memory_space<vmem>>
      %dma_start3A_307 = arith.constant 0 : i32
      %dma_start3A_308 = tpu.memref_slice %arg4[%add3A_300, %dma_start3A_307] : memref<16384x768xf32, #tpu.memory_space<hbm>> -> memref<32x768xf32, #tpu.memory_space<hbm>>
      %dma_start3A_309 = tpu.memref_slice %arg8[%dma_start3A_302] : memref<4x!tpu.dma_semaphore, #tpu.memory_space<semaphore_mem>> -> memref<1x!tpu.dma_semaphore, #tpu.memory_space<semaphore_mem>>
      %dma_start3A_310 = tpu.memref_squeeze %dma_start3A_309 : memref<1x!tpu.dma_semaphore, #tpu.memory_space<semaphore_mem>> -> memref<!tpu.dma_semaphore, #tpu.memory_space<semaphore_mem>>
      %dma_start3A_311 = arith.constant 0 : i32
      %dma_start3A_312 = tpu.memref_slice %arg4[%add3A_300, %dma_start3A_311] : memref<16384x768xf32, #tpu.memory_space<hbm>> -> memref<32x768xf32, #tpu.memory_space<hbm>>
      %dma_start3A_313 = arith.constant 0 : i32
      %dma_start3A_314 = arith.constant 0 : i32
      %dma_start3A_315 = tpu.memref_slice %arg5[%dma_start3A_301, %dma_start3A_313, %dma_start3A_314] : memref<4x32x768xf32, #tpu.memory_space<vmem>> -> memref<1x32x768xf32, #tpu.memory_space<vmem>>
      %dma_start3A_316 = tpu.memref_squeeze %dma_start3A_315 : memref<1x32x768xf32, #tpu.memory_space<vmem>> -> memref<32x768xf32, #tpu.memory_space<vmem>>
      tpu.enqueue_dma source(%dma_start3A_316 : memref<32x768xf32, #tpu.memory_space<vmem>>) target(%dma_start3A_312 : memref<32x768xf32, #tpu.memory_space<hbm>>) target_semaphore(%dma_start3A_310 : memref<!tpu.dma_semaphore, #tpu.memory_space<semaphore_mem>>)
    }
    %scan3A_32 = arith.constant 4 : i32
    %dma_wait3A = arith.constant 0 : i32
    %dma_wait3A_33 = arith.constant 0 : i32
    %dma_wait3A_34 = arith.constant 0 : i32
    %dma_wait3A_35 = arith.constant 0 : i32
    %dma_wait3A_36 = tpu.memref_slice %arg5[%dma_wait3A, %dma_wait3A_34, %dma_wait3A_35] : memref<4x32x768xf32, #tpu.memory_space<vmem>> -> memref<1x32x768xf32, #tpu.memory_space<vmem>>
    %dma_wait3A_37 = tpu.memref_squeeze %dma_wait3A_36 : memref<1x32x768xf32, #tpu.memory_space<vmem>> -> memref<32x768xf32, #tpu.memory_space<vmem>>
    %dma_wait3A_38 = arith.constant 0 : i32
    %dma_wait3A_39 = arith.constant 0 : i32
    %dma_wait3A_40 = tpu.memref_slice %arg4[%dma_wait3A_38, %dma_wait3A_39] : memref<16384x768xf32, #tpu.memory_space<hbm>> -> memref<32x768xf32, #tpu.memory_space<hbm>>
    %dma_wait3A_41 = tpu.memref_slice %arg8[%dma_wait3A_33] : memref<4x!tpu.dma_semaphore, #tpu.memory_space<semaphore_mem>> -> memref<1x!tpu.dma_semaphore, #tpu.memory_space<semaphore_mem>>
    %dma_wait3A_42 = tpu.memref_squeeze %dma_wait3A_41 : memref<1x!tpu.dma_semaphore, #tpu.memory_space<semaphore_mem>> -> memref<!tpu.dma_semaphore, #tpu.memory_space<semaphore_mem>>
    %dma_wait3A_43 = arith.constant 0 : i32
    %dma_wait3A_44 = arith.constant 0 : i32
    %dma_wait3A_45 = tpu.memref_slice %arg4[%dma_wait3A_43, %dma_wait3A_44] : memref<16384x768xf32, #tpu.memory_space<hbm>> -> memref<32x768xf32, #tpu.memory_space<hbm>>
    %dma_wait3A_46 = arith.constant 0 : i32
    %dma_wait3A_47 = arith.constant 0 : i32
    %dma_wait3A_48 = tpu.memref_slice %arg5[%dma_wait3A, %dma_wait3A_46, %dma_wait3A_47] : memref<4x32x768xf32, #tpu.memory_space<vmem>> -> memref<1x32x768xf32, #tpu.memory_space<vmem>>
    %dma_wait3A_49 = tpu.memref_squeeze %dma_wait3A_48 : memref<1x32x768xf32, #tpu.memory_space<vmem>> -> memref<32x768xf32, #tpu.memory_space<vmem>>
    tpu.wait_dma2 semaphore(%dma_wait3A_42 : memref<!tpu.dma_semaphore, #tpu.memory_space<semaphore_mem>>) src(%dma_wait3A_49 : memref<32x768xf32, #tpu.memory_space<vmem>>) dst(%dma_wait3A_45 : memref<32x768xf32, #tpu.memory_space<hbm>>)
    %dma_wait3A_50 = arith.constant 1 : i32
    %dma_wait3A_51 = arith.constant 1 : i32
    %dma_wait3A_52 = arith.constant 0 : i32
    %dma_wait3A_53 = arith.constant 0 : i32
    %dma_wait3A_54 = tpu.memref_slice %arg5[%dma_wait3A_50, %dma_wait3A_52, %dma_wait3A_53] : memref<4x32x768xf32, #tpu.memory_space<vmem>> -> memref<1x32x768xf32, #tpu.memory_space<vmem>>
    %dma_wait3A_55 = tpu.memref_squeeze %dma_wait3A_54 : memref<1x32x768xf32, #tpu.memory_space<vmem>> -> memref<32x768xf32, #tpu.memory_space<vmem>>
    %dma_wait3A_56 = arith.constant 0 : i32
    %dma_wait3A_57 = arith.constant 0 : i32
    %dma_wait3A_58 = tpu.memref_slice %arg4[%dma_wait3A_56, %dma_wait3A_57] : memref<16384x768xf32, #tpu.memory_space<hbm>> -> memref<32x768xf32, #tpu.memory_space<hbm>>
    %dma_wait3A_59 = tpu.memref_slice %arg8[%dma_wait3A_51] : memref<4x!tpu.dma_semaphore, #tpu.memory_space<semaphore_mem>> -> memref<1x!tpu.dma_semaphore, #tpu.memory_space<semaphore_mem>>
    %dma_wait3A_60 = tpu.memref_squeeze %dma_wait3A_59 : memref<1x!tpu.dma_semaphore, #tpu.memory_space<semaphore_mem>> -> memref<!tpu.dma_semaphore, #tpu.memory_space<semaphore_mem>>
    %dma_wait3A_61 = arith.constant 0 : i32
    %dma_wait3A_62 = arith.constant 0 : i32
    %dma_wait3A_63 = tpu.memref_slice %arg4[%dma_wait3A_61, %dma_wait3A_62] : memref<16384x768xf32, #tpu.memory_space<hbm>> -> memref<32x768xf32, #tpu.memory_space<hbm>>
    %dma_wait3A_64 = arith.constant 0 : i32
    %dma_wait3A_65 = arith.constant 0 : i32
    %dma_wait3A_66 = tpu.memref_slice %arg5[%dma_wait3A_50, %dma_wait3A_64, %dma_wait3A_65] : memref<4x32x768xf32, #tpu.memory_space<vmem>> -> memref<1x32x768xf32, #tpu.memory_space<vmem>>
    %dma_wait3A_67 = tpu.memref_squeeze %dma_wait3A_66 : memref<1x32x768xf32, #tpu.memory_space<vmem>> -> memref<32x768xf32, #tpu.memory_space<vmem>>
    tpu.wait_dma2 semaphore(%dma_wait3A_60 : memref<!tpu.dma_semaphore, #tpu.memory_space<semaphore_mem>>) src(%dma_wait3A_67 : memref<32x768xf32, #tpu.memory_space<vmem>>) dst(%dma_wait3A_63 : memref<32x768xf32, #tpu.memory_space<hbm>>)
    %dma_wait3A_68 = arith.constant 2 : i32
    %dma_wait3A_69 = arith.constant 2 : i32
    %dma_wait3A_70 = arith.constant 0 : i32
    %dma_wait3A_71 = arith.constant 0 : i32
    %dma_wait3A_72 = tpu.memref_slice %arg5[%dma_wait3A_68, %dma_wait3A_70, %dma_wait3A_71] : memref<4x32x768xf32, #tpu.memory_space<vmem>> -> memref<1x32x768xf32, #tpu.memory_space<vmem>>
    %dma_wait3A_73 = tpu.memref_squeeze %dma_wait3A_72 : memref<1x32x768xf32, #tpu.memory_space<vmem>> -> memref<32x768xf32, #tpu.memory_space<vmem>>
    %dma_wait3A_74 = arith.constant 0 : i32
    %dma_wait3A_75 = arith.constant 0 : i32
    %dma_wait3A_76 = tpu.memref_slice %arg4[%dma_wait3A_74, %dma_wait3A_75] : memref<16384x768xf32, #tpu.memory_space<hbm>> -> memref<32x768xf32, #tpu.memory_space<hbm>>
    %dma_wait3A_77 = tpu.memref_slice %arg8[%dma_wait3A_69] : memref<4x!tpu.dma_semaphore, #tpu.memory_space<semaphore_mem>> -> memref<1x!tpu.dma_semaphore, #tpu.memory_space<semaphore_mem>>
    %dma_wait3A_78 = tpu.memref_squeeze %dma_wait3A_77 : memref<1x!tpu.dma_semaphore, #tpu.memory_space<semaphore_mem>> -> memref<!tpu.dma_semaphore, #tpu.memory_space<semaphore_mem>>
    %dma_wait3A_79 = arith.constant 0 : i32
    %dma_wait3A_80 = arith.constant 0 : i32
    %dma_wait3A_81 = tpu.memref_slice %arg4[%dma_wait3A_79, %dma_wait3A_80] : memref<16384x768xf32, #tpu.memory_space<hbm>> -> memref<32x768xf32, #tpu.memory_space<hbm>>
    %dma_wait3A_82 = arith.constant 0 : i32
    %dma_wait3A_83 = arith.constant 0 : i32
    %dma_wait3A_84 = tpu.memref_slice %arg5[%dma_wait3A_68, %dma_wait3A_82, %dma_wait3A_83] : memref<4x32x768xf32, #tpu.memory_space<vmem>> -> memref<1x32x768xf32, #tpu.memory_space<vmem>>
    %dma_wait3A_85 = tpu.memref_squeeze %dma_wait3A_84 : memref<1x32x768xf32, #tpu.memory_space<vmem>> -> memref<32x768xf32, #tpu.memory_space<vmem>>
    tpu.wait_dma2 semaphore(%dma_wait3A_78 : memref<!tpu.dma_semaphore, #tpu.memory_space<semaphore_mem>>) src(%dma_wait3A_85 : memref<32x768xf32, #tpu.memory_space<vmem>>) dst(%dma_wait3A_81 : memref<32x768xf32, #tpu.memory_space<hbm>>)
    %dma_wait3A_86 = arith.constant 3 : i32
    %dma_wait3A_87 = arith.constant 3 : i32
    %dma_wait3A_88 = arith.constant 0 : i32
    %dma_wait3A_89 = arith.constant 0 : i32
    %dma_wait3A_90 = tpu.memref_slice %arg5[%dma_wait3A_86, %dma_wait3A_88, %dma_wait3A_89] : memref<4x32x768xf32, #tpu.memory_space<vmem>> -> memref<1x32x768xf32, #tpu.memory_space<vmem>>
    %dma_wait3A_91 = tpu.memref_squeeze %dma_wait3A_90 : memref<1x32x768xf32, #tpu.memory_space<vmem>> -> memref<32x768xf32, #tpu.memory_space<vmem>>
    %dma_wait3A_92 = arith.constant 0 : i32
    %dma_wait3A_93 = arith.constant 0 : i32
    %dma_wait3A_94 = tpu.memref_slice %arg4[%dma_wait3A_92, %dma_wait3A_93] : memref<16384x768xf32, #tpu.memory_space<hbm>> -> memref<32x768xf32, #tpu.memory_space<hbm>>
    %dma_wait3A_95 = tpu.memref_slice %arg8[%dma_wait3A_87] : memref<4x!tpu.dma_semaphore, #tpu.memory_space<semaphore_mem>> -> memref<1x!tpu.dma_semaphore, #tpu.memory_space<semaphore_mem>>
    %dma_wait3A_96 = tpu.memref_squeeze %dma_wait3A_95 : memref<1x!tpu.dma_semaphore, #tpu.memory_space<semaphore_mem>> -> memref<!tpu.dma_semaphore, #tpu.memory_space<semaphore_mem>>
    %dma_wait3A_97 = arith.constant 0 : i32
    %dma_wait3A_98 = arith.constant 0 : i32
    %dma_wait3A_99 = tpu.memref_slice %arg4[%dma_wait3A_97, %dma_wait3A_98] : memref<16384x768xf32, #tpu.memory_space<hbm>> -> memref<32x768xf32, #tpu.memory_space<hbm>>
    %dma_wait3A_100 = arith.constant 0 : i32
    %dma_wait3A_101 = arith.constant 0 : i32
    %dma_wait3A_102 = tpu.memref_slice %arg5[%dma_wait3A_86, %dma_wait3A_100, %dma_wait3A_101] : memref<4x32x768xf32, #tpu.memory_space<vmem>> -> memref<1x32x768xf32, #tpu.memory_space<vmem>>
    %dma_wait3A_103 = tpu.memref_squeeze %dma_wait3A_102 : memref<1x32x768xf32, #tpu.memory_space<vmem>> -> memref<32x768xf32, #tpu.memory_space<vmem>>
    tpu.wait_dma2 semaphore(%dma_wait3A_96 : memref<!tpu.dma_semaphore, #tpu.memory_space<semaphore_mem>>) src(%dma_wait3A_103 : memref<32x768xf32, #tpu.memory_space<vmem>>) dst(%dma_wait3A_99 : memref<32x768xf32, #tpu.memory_space<hbm>>)
    return
  }
}

module attributes {stable_mosaic.version = 14 : i64} {
  func.func @_tc_ln_body(%arg0: i32, %arg1: memref<4x512x768xf32, #tpu.memory_space<vmem>>, %arg2: memref<4x512x1xf32, #tpu.memory_space<vmem>>, %arg3: memref<512x768xf32, #tpu.memory_space<vmem>>, %arg4: memref<1x768xf32, #tpu.memory_space<vmem>>, %arg5: memref<1x768xf32, #tpu.memory_space<vmem>>, %arg6: memref<1x768xf32, #tpu.memory_space<vmem>>, %arg7: memref<4x512x768xf32, #tpu.memory_space<vmem>>) attributes {dimension_semantics = [#tpu.dimension_semantics<arbitrary>], iteration_bounds = array<i64: 8>, scalar_prefetch = 0 : i64, scratch_operands = 0 : i64, tpu.core_type = #tpu.core_type<tc>, window_params = [{transform_indices = @transform_0, window_bounds = array<i64: 4, 512, 768>}, {transform_indices = @transform_1, window_bounds = array<i64: 4, 512, 1>}, {pipeline_mode = #tpu.pipeline_mode<synchronous>, transform_indices = @transform_2, window_bounds = array<i64: 512, 768>}, {pipeline_mode = #tpu.pipeline_mode<synchronous>, transform_indices = @transform_3, window_bounds = array<i64: 1, 768>}, {pipeline_mode = #tpu.pipeline_mode<synchronous>, transform_indices = @transform_4, window_bounds = array<i64: 1, 768>}, {pipeline_mode = #tpu.pipeline_mode<synchronous>, transform_indices = @transform_5, window_bounds = array<i64: 1, 768>}, {transform_indices = @transform_6, window_bounds = array<i64: 4, 512, 768>}]} {
    %get3A = arith.constant 0 : index
    %get3A_0 = arith.constant 0 : index
    %get3A_1 = arith.constant 0 : index
    %get3A_2 = vector.load %arg1[%get3A, %get3A_0, %get3A_1] : memref<4x512x768xf32, #tpu.memory_space<vmem>>, vector<4x512x768xf32>
    %get3A_3 = arith.constant 0 : index
    %get3A_4 = arith.constant 0 : index
    %get3A_5 = vector.load %arg3[%get3A_3, %get3A_4] : memref<512x768xf32, #tpu.memory_space<vmem>>, vector<512x768xf32>
    %broadcast_in_dim3A = vector.shape_cast %get3A_5 : vector<512x768xf32> to vector<1x512x768xf32>
    %add3A = vector.broadcast %broadcast_in_dim3A : vector<1x512x768xf32> to vector<4x512x768xf32>
    %add3A_6 = arith.addf %get3A_2, %add3A : vector<4x512x768xf32>
    %get3A_7 = arith.constant 0 : index
    %get3A_8 = arith.constant 0 : index
    %get3A_9 = arith.constant 0 : index
    %get3A_10 = vector.load %arg2[%get3A_7, %get3A_8, %get3A_9] : memref<4x512x1xf32, #tpu.memory_space<vmem>>, vector<4x512x1xf32>
    %get3A_11 = arith.constant 0 : index
    %get3A_12 = arith.constant 0 : index
    %get3A_13 = vector.load %arg4[%get3A_11, %get3A_12] : memref<1x768xf32, #tpu.memory_space<vmem>>, vector<1x768xf32>
    %broadcast_in_dim3A_14 = vector.shape_cast %get3A_13 : vector<1x768xf32> to vector<1x1x768xf32>
    %mul3A = vector.broadcast %get3A_10 : vector<4x512x1xf32> to vector<4x512x768xf32>
    %mul3A_15 = vector.broadcast %broadcast_in_dim3A_14 : vector<1x1x768xf32> to vector<4x512x768xf32>
    %mul3A_16 = arith.mulf %mul3A, %mul3A_15 : vector<4x512x768xf32>
    %add3A_17 = arith.addf %add3A_6, %mul3A_16 : vector<4x512x768xf32>
    %reduce_sum3A = arith.constant dense<0.000000e+00> : vector<4x512xf32>
    %reduce_sum3A_18 = vector.multi_reduction <add>, %add3A_17, %reduce_sum3A [2] : vector<4x512x768xf32> to vector<4x512xf32>
    %broadcast_in_dim3A_19 = vector.shape_cast %reduce_sum3A_18 : vector<4x512xf32> to vector<4x512x1xf32>
    %div3A = arith.constant 7.680000e+02 : f32
    %div3A_20 = vector.broadcast %div3A : f32 to vector<4x512x1xf32>
    %div3A_21 = arith.divf %broadcast_in_dim3A_19, %div3A_20 : vector<4x512x1xf32>
    %sub3A = vector.broadcast %div3A_21 : vector<4x512x1xf32> to vector<4x512x768xf32>
    %sub3A_22 = arith.subf %add3A_17, %sub3A : vector<4x512x768xf32>
    %mul3A_23 = arith.mulf %sub3A_22, %sub3A_22 : vector<4x512x768xf32>
    %reduce_sum3A_24 = arith.constant dense<0.000000e+00> : vector<4x512xf32>
    %reduce_sum3A_25 = vector.multi_reduction <add>, %mul3A_23, %reduce_sum3A_24 [2] : vector<4x512x768xf32> to vector<4x512xf32>
    %broadcast_in_dim3A_26 = vector.shape_cast %reduce_sum3A_25 : vector<4x512xf32> to vector<4x512x1xf32>
    %div3A_27 = arith.constant 7.680000e+02 : f32
    %div3A_28 = vector.broadcast %div3A_27 : f32 to vector<4x512x1xf32>
    %div3A_29 = arith.divf %broadcast_in_dim3A_26, %div3A_28 : vector<4x512x1xf32>
    %add3A_30 = arith.constant 9.99999996E-13 : f32
    %add3A_31 = vector.broadcast %add3A_30 : f32 to vector<4x512x1xf32>
    %add3A_32 = arith.addf %div3A_29, %add3A_31 : vector<4x512x1xf32>
    %rsqrt3A = math.rsqrt %add3A_32 : vector<4x512x1xf32>
    %mul3A_33 = vector.broadcast %rsqrt3A : vector<4x512x1xf32> to vector<4x512x768xf32>
    %mul3A_34 = arith.mulf %sub3A_22, %mul3A_33 : vector<4x512x768xf32>
    %get3A_35 = arith.constant 0 : index
    %get3A_36 = arith.constant 0 : index
    %get3A_37 = vector.load %arg5[%get3A_35, %get3A_36] : memref<1x768xf32, #tpu.memory_space<vmem>>, vector<1x768xf32>
    %broadcast_in_dim3A_38 = vector.shape_cast %get3A_37 : vector<1x768xf32> to vector<1x1x768xf32>
    %mul3A_39 = vector.broadcast %broadcast_in_dim3A_38 : vector<1x1x768xf32> to vector<4x512x768xf32>
    %mul3A_40 = arith.mulf %mul3A_34, %mul3A_39 : vector<4x512x768xf32>
    %get3A_41 = arith.constant 0 : index
    %get3A_42 = arith.constant 0 : index
    %get3A_43 = vector.load %arg6[%get3A_41, %get3A_42] : memref<1x768xf32, #tpu.memory_space<vmem>>, vector<1x768xf32>
    %broadcast_in_dim3A_44 = vector.shape_cast %get3A_43 : vector<1x768xf32> to vector<1x1x768xf32>
    %add3A_45 = vector.broadcast %broadcast_in_dim3A_44 : vector<1x1x768xf32> to vector<4x512x768xf32>
    %add3A_46 = arith.addf %mul3A_40, %add3A_45 : vector<4x512x768xf32>
    %swap3A = arith.constant 0 : index
    %swap3A_47 = arith.constant 0 : index
    %swap3A_48 = arith.constant 0 : index
    %swap3A_49 = vector.load %arg7[%swap3A, %swap3A_47, %swap3A_48] : memref<4x512x768xf32, #tpu.memory_space<vmem>>, vector<4x512x768xf32>
    tpu.vector_store %arg7[%swap3A, %swap3A_47, %swap3A_48], %add3A_46 {strides = array<i32>} : memref<4x512x768xf32, #tpu.memory_space<vmem>>, vector<4x512x768xf32>,
    return
  }
  func.func @transform_0(%arg0: i32) -> (i32, i32, i32) {
    %c0_i32 = arith.constant 0 : i32
    %c0_i32_0 = arith.constant 0 : i32
    %c0_i32_1 = arith.constant 0 : i32
    return %arg0, %c0_i32, %c0_i32_0 : i32, i32, i32
  }
  func.func @transform_1(%arg0: i32) -> (i32, i32, i32) {
    %c0_i32 = arith.constant 0 : i32
    %c0_i32_0 = arith.constant 0 : i32
    %c0_i32_1 = arith.constant 0 : i32
    return %arg0, %c0_i32, %c0_i32_0 : i32, i32, i32
  }
  func.func @transform_2(%arg0: i32) -> (i32, i32) {
    %c0_i32 = arith.constant 0 : i32
    %c0_i32_0 = arith.constant 0 : i32
    %c0_i32_1 = arith.constant 0 : i32
    return %c0_i32, %c0_i32_0 : i32, i32
  }
  func.func @transform_3(%arg0: i32) -> (i32, i32) {
    %c0_i32 = arith.constant 0 : i32
    %c0_i32_0 = arith.constant 0 : i32
    %c0_i32_1 = arith.constant 0 : i32
    return %c0_i32, %c0_i32_0 : i32, i32
  }
  func.func @transform_4(%arg0: i32) -> (i32, i32) {
    %c0_i32 = arith.constant 0 : i32
    %c0_i32_0 = arith.constant 0 : i32
    %c0_i32_1 = arith.constant 0 : i32
    return %c0_i32, %c0_i32_0 : i32, i32
  }
  func.func @transform_5(%arg0: i32) -> (i32, i32) {
    %c0_i32 = arith.constant 0 : i32
    %c0_i32_0 = arith.constant 0 : i32
    %c0_i32_1 = arith.constant 0 : i32
    return %c0_i32, %c0_i32_0 : i32, i32
  }
  func.func @transform_6(%arg0: i32) -> (i32, i32, i32) {
    %add3A = arith.constant 0 : i32
    %add3A_0 = arith.addi %arg0, %add3A : i32
    %c0_i32 = arith.constant 0 : i32
    %c0_i32_1 = arith.constant 0 : i32
    %c0_i32_2 = arith.constant 0 : i32
    return %add3A_0, %c0_i32, %c0_i32_1 : i32, i32, i32
  }
}

module attributes {stable_mosaic.version = 14 : i64} {
  func.func @_lambda_(%arg0: i32, %arg1: memref<128x512x768xf32, #tpu.memory_space<any>>, %arg2: memref<4x512x768xf32, #tpu.memory_space<vmem>>, %arg3: memref<4x512x1xf32, #tpu.memory_space<vmem>>, %arg4: memref<512x768xf32, #tpu.memory_space<vmem>>, %arg5: memref<1x768xf32, #tpu.memory_space<vmem>>, %arg6: memref<1x768xf32, #tpu.memory_space<vmem>>, %arg7: memref<1x768xf32, #tpu.memory_space<vmem>>, %arg8: memref<4x512x768xf32, #tpu.memory_space<vmem>>) attributes {dimension_semantics = [#tpu.dimension_semantics<arbitrary>], iteration_bounds = array<i64: 8>, scalar_prefetch = 0 : i64, scratch_operands = 0 : i64, tpu.core_type = #tpu.core_type<tc>, window_params = [{}, {transform_indices = @transform_1, window_bounds = array<i64: 4, 512, 768>}, {transform_indices = @transform_2, window_bounds = array<i64: 4, 512, 1>}, {pipeline_mode = #tpu.pipeline_mode<synchronous>, transform_indices = @transform_3, window_bounds = array<i64: 512, 768>}, {pipeline_mode = #tpu.pipeline_mode<synchronous>, transform_indices = @transform_4, window_bounds = array<i64: 1, 768>}, {pipeline_mode = #tpu.pipeline_mode<synchronous>, transform_indices = @transform_5, window_bounds = array<i64: 1, 768>}, {pipeline_mode = #tpu.pipeline_mode<synchronous>, transform_indices = @transform_6, window_bounds = array<i64: 1, 768>}, {transform_indices = @transform_7, window_bounds = array<i64: 4, 512, 768>}]} {
    %get3A = arith.constant 0 : index
    %get3A_0 = arith.constant 0 : index
    %get3A_1 = arith.constant 0 : index
    %get3A_2 = vector.load %arg2[%get3A, %get3A_0, %get3A_1] : memref<4x512x768xf32, #tpu.memory_space<vmem>>, vector<4x512x768xf32>
    %get3A_3 = arith.constant 0 : index
    %get3A_4 = arith.constant 0 : index
    %get3A_5 = vector.load %arg4[%get3A_3, %get3A_4] : memref<512x768xf32, #tpu.memory_space<vmem>>, vector<512x768xf32>
    %broadcast_in_dim3A = vector.shape_cast %get3A_5 : vector<512x768xf32> to vector<1x512x768xf32>
    %add3A = vector.broadcast %broadcast_in_dim3A : vector<1x512x768xf32> to vector<4x512x768xf32>
    %add3A_6 = arith.addf %get3A_2, %add3A : vector<4x512x768xf32>
    %get3A_7 = arith.constant 0 : index
    %get3A_8 = arith.constant 0 : index
    %get3A_9 = arith.constant 0 : index
    %get3A_10 = vector.load %arg3[%get3A_7, %get3A_8, %get3A_9] : memref<4x512x1xf32, #tpu.memory_space<vmem>>, vector<4x512x1xf32>
    %get3A_11 = arith.constant 0 : index
    %get3A_12 = arith.constant 0 : index
    %get3A_13 = vector.load %arg5[%get3A_11, %get3A_12] : memref<1x768xf32, #tpu.memory_space<vmem>>, vector<1x768xf32>
    %broadcast_in_dim3A_14 = vector.shape_cast %get3A_13 : vector<1x768xf32> to vector<1x1x768xf32>
    %mul3A = vector.broadcast %get3A_10 : vector<4x512x1xf32> to vector<4x512x768xf32>
    %mul3A_15 = vector.broadcast %broadcast_in_dim3A_14 : vector<1x1x768xf32> to vector<4x512x768xf32>
    %mul3A_16 = arith.mulf %mul3A, %mul3A_15 : vector<4x512x768xf32>
    %add3A_17 = arith.addf %add3A_6, %mul3A_16 : vector<4x512x768xf32>
    %reduce_sum3A = arith.constant dense<0.000000e+00> : vector<4x512xf32>
    %reduce_sum3A_18 = vector.multi_reduction <add>, %add3A_17, %reduce_sum3A [2] : vector<4x512x768xf32> to vector<4x512xf32>
    %broadcast_in_dim3A_19 = vector.shape_cast %reduce_sum3A_18 : vector<4x512xf32> to vector<4x512x1xf32>
    %div3A = arith.constant 7.680000e+02 : f32
    %div3A_20 = vector.broadcast %div3A : f32 to vector<4x512x1xf32>
    %div3A_21 = arith.divf %broadcast_in_dim3A_19, %div3A_20 : vector<4x512x1xf32>
    %sub3A = vector.broadcast %div3A_21 : vector<4x512x1xf32> to vector<4x512x768xf32>
    %sub3A_22 = arith.subf %add3A_17, %sub3A : vector<4x512x768xf32>
    %mul3A_23 = arith.mulf %sub3A_22, %sub3A_22 : vector<4x512x768xf32>
    %reduce_sum3A_24 = arith.constant dense<0.000000e+00> : vector<4x512xf32>
    %reduce_sum3A_25 = vector.multi_reduction <add>, %mul3A_23, %reduce_sum3A_24 [2] : vector<4x512x768xf32> to vector<4x512xf32>
    %broadcast_in_dim3A_26 = vector.shape_cast %reduce_sum3A_25 : vector<4x512xf32> to vector<4x512x1xf32>
    %div3A_27 = arith.constant 7.680000e+02 : f32
    %div3A_28 = vector.broadcast %div3A_27 : f32 to vector<4x512x1xf32>
    %div3A_29 = arith.divf %broadcast_in_dim3A_26, %div3A_28 : vector<4x512x1xf32>
    %add3A_30 = arith.constant 9.99999996E-13 : f32
    %add3A_31 = vector.broadcast %add3A_30 : f32 to vector<4x512x1xf32>
    %add3A_32 = arith.addf %div3A_29, %add3A_31 : vector<4x512x1xf32>
    %rsqrt3A = math.rsqrt %add3A_32 : vector<4x512x1xf32>
    %mul3A_33 = vector.broadcast %rsqrt3A : vector<4x512x1xf32> to vector<4x512x768xf32>
    %mul3A_34 = arith.mulf %sub3A_22, %mul3A_33 : vector<4x512x768xf32>
    %get3A_35 = arith.constant 0 : index
    %get3A_36 = arith.constant 0 : index
    %get3A_37 = vector.load %arg6[%get3A_35, %get3A_36] : memref<1x768xf32, #tpu.memory_space<vmem>>, vector<1x768xf32>
    %broadcast_in_dim3A_38 = vector.shape_cast %get3A_37 : vector<1x768xf32> to vector<1x1x768xf32>
    %mul3A_39 = vector.broadcast %broadcast_in_dim3A_38 : vector<1x1x768xf32> to vector<4x512x768xf32>
    %mul3A_40 = arith.mulf %mul3A_34, %mul3A_39 : vector<4x512x768xf32>
    %get3A_41 = arith.constant 0 : index
    %get3A_42 = arith.constant 0 : index
    %get3A_43 = vector.load %arg7[%get3A_41, %get3A_42] : memref<1x768xf32, #tpu.memory_space<vmem>>, vector<1x768xf32>
    %broadcast_in_dim3A_44 = vector.shape_cast %get3A_43 : vector<1x768xf32> to vector<1x1x768xf32>
    %add3A_45 = vector.broadcast %broadcast_in_dim3A_44 : vector<1x1x768xf32> to vector<4x512x768xf32>
    %add3A_46 = arith.addf %mul3A_40, %add3A_45 : vector<4x512x768xf32>
    %swap3A = arith.constant 0 : index
    %swap3A_47 = arith.constant 0 : index
    %swap3A_48 = arith.constant 0 : index
    %swap3A_49 = vector.load %arg8[%swap3A, %swap3A_47, %swap3A_48] : memref<4x512x768xf32, #tpu.memory_space<vmem>>, vector<4x512x768xf32>
    tpu.vector_store %arg8[%swap3A, %swap3A_47, %swap3A_48], %add3A_46 {strides = array<i32>} : memref<4x512x768xf32, #tpu.memory_space<vmem>>, vector<4x512x768xf32>,
    return
  }
  func.func @transform_1(%arg0: i32) -> (i32, i32, i32) {
    %c0_i32 = arith.constant 0 : i32
    %c0_i32_0 = arith.constant 0 : i32
    %c0_i32_1 = arith.constant 0 : i32
    return %arg0, %c0_i32, %c0_i32_0 : i32, i32, i32
  }
  func.func @transform_2(%arg0: i32) -> (i32, i32, i32) {
    %c0_i32 = arith.constant 0 : i32
    %c0_i32_0 = arith.constant 0 : i32
    %c0_i32_1 = arith.constant 0 : i32
    return %arg0, %c0_i32, %c0_i32_0 : i32, i32, i32
  }
  func.func @transform_3(%arg0: i32) -> (i32, i32) {
    %c0_i32 = arith.constant 0 : i32
    %c0_i32_0 = arith.constant 0 : i32
    %c0_i32_1 = arith.constant 0 : i32
    return %c0_i32, %c0_i32_0 : i32, i32
  }
  func.func @transform_4(%arg0: i32) -> (i32, i32) {
    %c0_i32 = arith.constant 0 : i32
    %c0_i32_0 = arith.constant 0 : i32
    %c0_i32_1 = arith.constant 0 : i32
    return %c0_i32, %c0_i32_0 : i32, i32
  }
  func.func @transform_5(%arg0: i32) -> (i32, i32) {
    %c0_i32 = arith.constant 0 : i32
    %c0_i32_0 = arith.constant 0 : i32
    %c0_i32_1 = arith.constant 0 : i32
    return %c0_i32, %c0_i32_0 : i32, i32
  }
  func.func @transform_6(%arg0: i32) -> (i32, i32) {
    %c0_i32 = arith.constant 0 : i32
    %c0_i32_0 = arith.constant 0 : i32
    %c0_i32_1 = arith.constant 0 : i32
    return %c0_i32, %c0_i32_0 : i32, i32
  }
  func.func @transform_7(%arg0: i32) -> (i32, i32, i32) {
    %add3A = arith.constant 8 : i32
    %add3A_0 = arith.addi %arg0, %add3A : i32
    %c0_i32 = arith.constant 0 : i32
    %c0_i32_1 = arith.constant 0 : i32
    %c0_i32_2 = arith.constant 0 : i32
    return %add3A_0, %c0_i32, %c0_i32_1 : i32, i32, i32
  }
}

module attributes {stable_mosaic.version = 14 : i64} {
  func.func @_lambda_(%arg0: i32, %arg1: memref<128x512x768xf32, #tpu.memory_space<any>>, %arg2: memref<4x512x768xf32, #tpu.memory_space<vmem>>, %arg3: memref<4x512x1xf32, #tpu.memory_space<vmem>>, %arg4: memref<512x768xf32, #tpu.memory_space<vmem>>, %arg5: memref<1x768xf32, #tpu.memory_space<vmem>>, %arg6: memref<1x768xf32, #tpu.memory_space<vmem>>, %arg7: memref<1x768xf32, #tpu.memory_space<vmem>>, %arg8: memref<4x512x768xf32, #tpu.memory_space<vmem>>) attributes {dimension_semantics = [#tpu.dimension_semantics<arbitrary>], iteration_bounds = array<i64: 8>, scalar_prefetch = 0 : i64, scratch_operands = 0 : i64, tpu.core_type = #tpu.core_type<tc>, window_params = [{}, {transform_indices = @transform_1, window_bounds = array<i64: 4, 512, 768>}, {transform_indices = @transform_2, window_bounds = array<i64: 4, 512, 1>}, {pipeline_mode = #tpu.pipeline_mode<synchronous>, transform_indices = @transform_3, window_bounds = array<i64: 512, 768>}, {pipeline_mode = #tpu.pipeline_mode<synchronous>, transform_indices = @transform_4, window_bounds = array<i64: 1, 768>}, {pipeline_mode = #tpu.pipeline_mode<synchronous>, transform_indices = @transform_5, window_bounds = array<i64: 1, 768>}, {pipeline_mode = #tpu.pipeline_mode<synchronous>, transform_indices = @transform_6, window_bounds = array<i64: 1, 768>}, {transform_indices = @transform_7, window_bounds = array<i64: 4, 512, 768>}]} {
    %get3A = arith.constant 0 : index
    %get3A_0 = arith.constant 0 : index
    %get3A_1 = arith.constant 0 : index
    %get3A_2 = vector.load %arg2[%get3A, %get3A_0, %get3A_1] : memref<4x512x768xf32, #tpu.memory_space<vmem>>, vector<4x512x768xf32>
    %get3A_3 = arith.constant 0 : index
    %get3A_4 = arith.constant 0 : index
    %get3A_5 = vector.load %arg4[%get3A_3, %get3A_4] : memref<512x768xf32, #tpu.memory_space<vmem>>, vector<512x768xf32>
    %broadcast_in_dim3A = vector.shape_cast %get3A_5 : vector<512x768xf32> to vector<1x512x768xf32>
    %add3A = vector.broadcast %broadcast_in_dim3A : vector<1x512x768xf32> to vector<4x512x768xf32>
    %add3A_6 = arith.addf %get3A_2, %add3A : vector<4x512x768xf32>
    %get3A_7 = arith.constant 0 : index
    %get3A_8 = arith.constant 0 : index
    %get3A_9 = arith.constant 0 : index
    %get3A_10 = vector.load %arg3[%get3A_7, %get3A_8, %get3A_9] : memref<4x512x1xf32, #tpu.memory_space<vmem>>, vector<4x512x1xf32>
    %get3A_11 = arith.constant 0 : index
    %get3A_12 = arith.constant 0 : index
    %get3A_13 = vector.load %arg5[%get3A_11, %get3A_12] : memref<1x768xf32, #tpu.memory_space<vmem>>, vector<1x768xf32>
    %broadcast_in_dim3A_14 = vector.shape_cast %get3A_13 : vector<1x768xf32> to vector<1x1x768xf32>
    %mul3A = vector.broadcast %get3A_10 : vector<4x512x1xf32> to vector<4x512x768xf32>
    %mul3A_15 = vector.broadcast %broadcast_in_dim3A_14 : vector<1x1x768xf32> to vector<4x512x768xf32>
    %mul3A_16 = arith.mulf %mul3A, %mul3A_15 : vector<4x512x768xf32>
    %add3A_17 = arith.addf %add3A_6, %mul3A_16 : vector<4x512x768xf32>
    %reduce_sum3A = arith.constant dense<0.000000e+00> : vector<4x512xf32>
    %reduce_sum3A_18 = vector.multi_reduction <add>, %add3A_17, %reduce_sum3A [2] : vector<4x512x768xf32> to vector<4x512xf32>
    %broadcast_in_dim3A_19 = vector.shape_cast %reduce_sum3A_18 : vector<4x512xf32> to vector<4x512x1xf32>
    %div3A = arith.constant 7.680000e+02 : f32
    %div3A_20 = vector.broadcast %div3A : f32 to vector<4x512x1xf32>
    %div3A_21 = arith.divf %broadcast_in_dim3A_19, %div3A_20 : vector<4x512x1xf32>
    %sub3A = vector.broadcast %div3A_21 : vector<4x512x1xf32> to vector<4x512x768xf32>
    %sub3A_22 = arith.subf %add3A_17, %sub3A : vector<4x512x768xf32>
    %mul3A_23 = arith.mulf %sub3A_22, %sub3A_22 : vector<4x512x768xf32>
    %reduce_sum3A_24 = arith.constant dense<0.000000e+00> : vector<4x512xf32>
    %reduce_sum3A_25 = vector.multi_reduction <add>, %mul3A_23, %reduce_sum3A_24 [2] : vector<4x512x768xf32> to vector<4x512xf32>
    %broadcast_in_dim3A_26 = vector.shape_cast %reduce_sum3A_25 : vector<4x512xf32> to vector<4x512x1xf32>
    %div3A_27 = arith.constant 7.680000e+02 : f32
    %div3A_28 = vector.broadcast %div3A_27 : f32 to vector<4x512x1xf32>
    %div3A_29 = arith.divf %broadcast_in_dim3A_26, %div3A_28 : vector<4x512x1xf32>
    %add3A_30 = arith.constant 9.99999996E-13 : f32
    %add3A_31 = vector.broadcast %add3A_30 : f32 to vector<4x512x1xf32>
    %add3A_32 = arith.addf %div3A_29, %add3A_31 : vector<4x512x1xf32>
    %rsqrt3A = math.rsqrt %add3A_32 : vector<4x512x1xf32>
    %mul3A_33 = vector.broadcast %rsqrt3A : vector<4x512x1xf32> to vector<4x512x768xf32>
    %mul3A_34 = arith.mulf %sub3A_22, %mul3A_33 : vector<4x512x768xf32>
    %get3A_35 = arith.constant 0 : index
    %get3A_36 = arith.constant 0 : index
    %get3A_37 = vector.load %arg6[%get3A_35, %get3A_36] : memref<1x768xf32, #tpu.memory_space<vmem>>, vector<1x768xf32>
    %broadcast_in_dim3A_38 = vector.shape_cast %get3A_37 : vector<1x768xf32> to vector<1x1x768xf32>
    %mul3A_39 = vector.broadcast %broadcast_in_dim3A_38 : vector<1x1x768xf32> to vector<4x512x768xf32>
    %mul3A_40 = arith.mulf %mul3A_34, %mul3A_39 : vector<4x512x768xf32>
    %get3A_41 = arith.constant 0 : index
    %get3A_42 = arith.constant 0 : index
    %get3A_43 = vector.load %arg7[%get3A_41, %get3A_42] : memref<1x768xf32, #tpu.memory_space<vmem>>, vector<1x768xf32>
    %broadcast_in_dim3A_44 = vector.shape_cast %get3A_43 : vector<1x768xf32> to vector<1x1x768xf32>
    %add3A_45 = vector.broadcast %broadcast_in_dim3A_44 : vector<1x1x768xf32> to vector<4x512x768xf32>
    %add3A_46 = arith.addf %mul3A_40, %add3A_45 : vector<4x512x768xf32>
    %swap3A = arith.constant 0 : index
    %swap3A_47 = arith.constant 0 : index
    %swap3A_48 = arith.constant 0 : index
    %swap3A_49 = vector.load %arg8[%swap3A, %swap3A_47, %swap3A_48] : memref<4x512x768xf32, #tpu.memory_space<vmem>>, vector<4x512x768xf32>
    tpu.vector_store %arg8[%swap3A, %swap3A_47, %swap3A_48], %add3A_46 {strides = array<i32>} : memref<4x512x768xf32, #tpu.memory_space<vmem>>, vector<4x512x768xf32>,
    return
  }
  func.func @transform_1(%arg0: i32) -> (i32, i32, i32) {
    %c0_i32 = arith.constant 0 : i32
    %c0_i32_0 = arith.constant 0 : i32
    %c0_i32_1 = arith.constant 0 : i32
    return %arg0, %c0_i32, %c0_i32_0 : i32, i32, i32
  }
  func.func @transform_2(%arg0: i32) -> (i32, i32, i32) {
    %c0_i32 = arith.constant 0 : i32
    %c0_i32_0 = arith.constant 0 : i32
    %c0_i32_1 = arith.constant 0 : i32
    return %arg0, %c0_i32, %c0_i32_0 : i32, i32, i32
  }
  func.func @transform_3(%arg0: i32) -> (i32, i32) {
    %c0_i32 = arith.constant 0 : i32
    %c0_i32_0 = arith.constant 0 : i32
    %c0_i32_1 = arith.constant 0 : i32
    return %c0_i32, %c0_i32_0 : i32, i32
  }
  func.func @transform_4(%arg0: i32) -> (i32, i32) {
    %c0_i32 = arith.constant 0 : i32
    %c0_i32_0 = arith.constant 0 : i32
    %c0_i32_1 = arith.constant 0 : i32
    return %c0_i32, %c0_i32_0 : i32, i32
  }
  func.func @transform_5(%arg0: i32) -> (i32, i32) {
    %c0_i32 = arith.constant 0 : i32
    %c0_i32_0 = arith.constant 0 : i32
    %c0_i32_1 = arith.constant 0 : i32
    return %c0_i32, %c0_i32_0 : i32, i32
  }
  func.func @transform_6(%arg0: i32) -> (i32, i32) {
    %c0_i32 = arith.constant 0 : i32
    %c0_i32_0 = arith.constant 0 : i32
    %c0_i32_1 = arith.constant 0 : i32
    return %c0_i32, %c0_i32_0 : i32, i32
  }
  func.func @transform_7(%arg0: i32) -> (i32, i32, i32) {
    %add3A = arith.constant 16 : i32
    %add3A_0 = arith.addi %arg0, %add3A : i32
    %c0_i32 = arith.constant 0 : i32
    %c0_i32_1 = arith.constant 0 : i32
    %c0_i32_2 = arith.constant 0 : i32
    return %add3A_0, %c0_i32, %c0_i32_1 : i32, i32, i32
  }
}

module attributes {stable_mosaic.version = 14 : i64} {
  func.func @_lambda_(%arg0: i32, %arg1: memref<128x512x768xf32, #tpu.memory_space<any>>, %arg2: memref<4x512x768xf32, #tpu.memory_space<vmem>>, %arg3: memref<4x512x1xf32, #tpu.memory_space<vmem>>, %arg4: memref<512x768xf32, #tpu.memory_space<vmem>>, %arg5: memref<1x768xf32, #tpu.memory_space<vmem>>, %arg6: memref<1x768xf32, #tpu.memory_space<vmem>>, %arg7: memref<1x768xf32, #tpu.memory_space<vmem>>, %arg8: memref<4x512x768xf32, #tpu.memory_space<vmem>>) attributes {dimension_semantics = [#tpu.dimension_semantics<arbitrary>], iteration_bounds = array<i64: 8>, scalar_prefetch = 0 : i64, scratch_operands = 0 : i64, tpu.core_type = #tpu.core_type<tc>, window_params = [{}, {transform_indices = @transform_1, window_bounds = array<i64: 4, 512, 768>}, {transform_indices = @transform_2, window_bounds = array<i64: 4, 512, 1>}, {pipeline_mode = #tpu.pipeline_mode<synchronous>, transform_indices = @transform_3, window_bounds = array<i64: 512, 768>}, {pipeline_mode = #tpu.pipeline_mode<synchronous>, transform_indices = @transform_4, window_bounds = array<i64: 1, 768>}, {pipeline_mode = #tpu.pipeline_mode<synchronous>, transform_indices = @transform_5, window_bounds = array<i64: 1, 768>}, {pipeline_mode = #tpu.pipeline_mode<synchronous>, transform_indices = @transform_6, window_bounds = array<i64: 1, 768>}, {transform_indices = @transform_7, window_bounds = array<i64: 4, 512, 768>}]} {
    %get3A = arith.constant 0 : index
    %get3A_0 = arith.constant 0 : index
    %get3A_1 = arith.constant 0 : index
    %get3A_2 = vector.load %arg2[%get3A, %get3A_0, %get3A_1] : memref<4x512x768xf32, #tpu.memory_space<vmem>>, vector<4x512x768xf32>
    %get3A_3 = arith.constant 0 : index
    %get3A_4 = arith.constant 0 : index
    %get3A_5 = vector.load %arg4[%get3A_3, %get3A_4] : memref<512x768xf32, #tpu.memory_space<vmem>>, vector<512x768xf32>
    %broadcast_in_dim3A = vector.shape_cast %get3A_5 : vector<512x768xf32> to vector<1x512x768xf32>
    %add3A = vector.broadcast %broadcast_in_dim3A : vector<1x512x768xf32> to vector<4x512x768xf32>
    %add3A_6 = arith.addf %get3A_2, %add3A : vector<4x512x768xf32>
    %get3A_7 = arith.constant 0 : index
    %get3A_8 = arith.constant 0 : index
    %get3A_9 = arith.constant 0 : index
    %get3A_10 = vector.load %arg3[%get3A_7, %get3A_8, %get3A_9] : memref<4x512x1xf32, #tpu.memory_space<vmem>>, vector<4x512x1xf32>
    %get3A_11 = arith.constant 0 : index
    %get3A_12 = arith.constant 0 : index
    %get3A_13 = vector.load %arg5[%get3A_11, %get3A_12] : memref<1x768xf32, #tpu.memory_space<vmem>>, vector<1x768xf32>
    %broadcast_in_dim3A_14 = vector.shape_cast %get3A_13 : vector<1x768xf32> to vector<1x1x768xf32>
    %mul3A = vector.broadcast %get3A_10 : vector<4x512x1xf32> to vector<4x512x768xf32>
    %mul3A_15 = vector.broadcast %broadcast_in_dim3A_14 : vector<1x1x768xf32> to vector<4x512x768xf32>
    %mul3A_16 = arith.mulf %mul3A, %mul3A_15 : vector<4x512x768xf32>
    %add3A_17 = arith.addf %add3A_6, %mul3A_16 : vector<4x512x768xf32>
    %reduce_sum3A = arith.constant dense<0.000000e+00> : vector<4x512xf32>
    %reduce_sum3A_18 = vector.multi_reduction <add>, %add3A_17, %reduce_sum3A [2] : vector<4x512x768xf32> to vector<4x512xf32>
    %broadcast_in_dim3A_19 = vector.shape_cast %reduce_sum3A_18 : vector<4x512xf32> to vector<4x512x1xf32>
    %div3A = arith.constant 7.680000e+02 : f32
    %div3A_20 = vector.broadcast %div3A : f32 to vector<4x512x1xf32>
    %div3A_21 = arith.divf %broadcast_in_dim3A_19, %div3A_20 : vector<4x512x1xf32>
    %sub3A = vector.broadcast %div3A_21 : vector<4x512x1xf32> to vector<4x512x768xf32>
    %sub3A_22 = arith.subf %add3A_17, %sub3A : vector<4x512x768xf32>
    %mul3A_23 = arith.mulf %sub3A_22, %sub3A_22 : vector<4x512x768xf32>
    %reduce_sum3A_24 = arith.constant dense<0.000000e+00> : vector<4x512xf32>
    %reduce_sum3A_25 = vector.multi_reduction <add>, %mul3A_23, %reduce_sum3A_24 [2] : vector<4x512x768xf32> to vector<4x512xf32>
    %broadcast_in_dim3A_26 = vector.shape_cast %reduce_sum3A_25 : vector<4x512xf32> to vector<4x512x1xf32>
    %div3A_27 = arith.constant 7.680000e+02 : f32
    %div3A_28 = vector.broadcast %div3A_27 : f32 to vector<4x512x1xf32>
    %div3A_29 = arith.divf %broadcast_in_dim3A_26, %div3A_28 : vector<4x512x1xf32>
    %add3A_30 = arith.constant 9.99999996E-13 : f32
    %add3A_31 = vector.broadcast %add3A_30 : f32 to vector<4x512x1xf32>
    %add3A_32 = arith.addf %div3A_29, %add3A_31 : vector<4x512x1xf32>
    %rsqrt3A = math.rsqrt %add3A_32 : vector<4x512x1xf32>
    %mul3A_33 = vector.broadcast %rsqrt3A : vector<4x512x1xf32> to vector<4x512x768xf32>
    %mul3A_34 = arith.mulf %sub3A_22, %mul3A_33 : vector<4x512x768xf32>
    %get3A_35 = arith.constant 0 : index
    %get3A_36 = arith.constant 0 : index
    %get3A_37 = vector.load %arg6[%get3A_35, %get3A_36] : memref<1x768xf32, #tpu.memory_space<vmem>>, vector<1x768xf32>
    %broadcast_in_dim3A_38 = vector.shape_cast %get3A_37 : vector<1x768xf32> to vector<1x1x768xf32>
    %mul3A_39 = vector.broadcast %broadcast_in_dim3A_38 : vector<1x1x768xf32> to vector<4x512x768xf32>
    %mul3A_40 = arith.mulf %mul3A_34, %mul3A_39 : vector<4x512x768xf32>
    %get3A_41 = arith.constant 0 : index
    %get3A_42 = arith.constant 0 : index
    %get3A_43 = vector.load %arg7[%get3A_41, %get3A_42] : memref<1x768xf32, #tpu.memory_space<vmem>>, vector<1x768xf32>
    %broadcast_in_dim3A_44 = vector.shape_cast %get3A_43 : vector<1x768xf32> to vector<1x1x768xf32>
    %add3A_45 = vector.broadcast %broadcast_in_dim3A_44 : vector<1x1x768xf32> to vector<4x512x768xf32>
    %add3A_46 = arith.addf %mul3A_40, %add3A_45 : vector<4x512x768xf32>
    %swap3A = arith.constant 0 : index
    %swap3A_47 = arith.constant 0 : index
    %swap3A_48 = arith.constant 0 : index
    %swap3A_49 = vector.load %arg8[%swap3A, %swap3A_47, %swap3A_48] : memref<4x512x768xf32, #tpu.memory_space<vmem>>, vector<4x512x768xf32>
    tpu.vector_store %arg8[%swap3A, %swap3A_47, %swap3A_48], %add3A_46 {strides = array<i32>} : memref<4x512x768xf32, #tpu.memory_space<vmem>>, vector<4x512x768xf32>,
    return
  }
  func.func @transform_1(%arg0: i32) -> (i32, i32, i32) {
    %c0_i32 = arith.constant 0 : i32
    %c0_i32_0 = arith.constant 0 : i32
    %c0_i32_1 = arith.constant 0 : i32
    return %arg0, %c0_i32, %c0_i32_0 : i32, i32, i32
  }
  func.func @transform_2(%arg0: i32) -> (i32, i32, i32) {
    %c0_i32 = arith.constant 0 : i32
    %c0_i32_0 = arith.constant 0 : i32
    %c0_i32_1 = arith.constant 0 : i32
    return %arg0, %c0_i32, %c0_i32_0 : i32, i32, i32
  }
  func.func @transform_3(%arg0: i32) -> (i32, i32) {
    %c0_i32 = arith.constant 0 : i32
    %c0_i32_0 = arith.constant 0 : i32
    %c0_i32_1 = arith.constant 0 : i32
    return %c0_i32, %c0_i32_0 : i32, i32
  }
  func.func @transform_4(%arg0: i32) -> (i32, i32) {
    %c0_i32 = arith.constant 0 : i32
    %c0_i32_0 = arith.constant 0 : i32
    %c0_i32_1 = arith.constant 0 : i32
    return %c0_i32, %c0_i32_0 : i32, i32
  }
  func.func @transform_5(%arg0: i32) -> (i32, i32) {
    %c0_i32 = arith.constant 0 : i32
    %c0_i32_0 = arith.constant 0 : i32
    %c0_i32_1 = arith.constant 0 : i32
    return %c0_i32, %c0_i32_0 : i32, i32
  }
  func.func @transform_6(%arg0: i32) -> (i32, i32) {
    %c0_i32 = arith.constant 0 : i32
    %c0_i32_0 = arith.constant 0 : i32
    %c0_i32_1 = arith.constant 0 : i32
    return %c0_i32, %c0_i32_0 : i32, i32
  }
  func.func @transform_7(%arg0: i32) -> (i32, i32, i32) {
    %add3A = arith.constant 24 : i32
    %add3A_0 = arith.addi %arg0, %add3A : i32
    %c0_i32 = arith.constant 0 : i32
    %c0_i32_1 = arith.constant 0 : i32
    %c0_i32_2 = arith.constant 0 : i32
    return %add3A_0, %c0_i32, %c0_i32_1 : i32, i32, i32
  }
}

</mosaic_0001>

<sc_bundles>
// kernel: kernel.10.cloned.1.call-start
scs
__scs_entry_jumppad:
0x0: {  	(pc) =	sbr.rel $0x88, $3  }
0x1: {  	(tag) =	ssettag $0x0;
	lr =	simm.s32 $0x1  }
0x2: {  	[smem:$0x3F9A] =	sst lr;
	_ =	strace $0xD0000000  }
0x3: {  	_ = 	snop  }
0x4: {  	_ = 	snop  }
0x5: {  	_ = 	snop  }
0x6: {  	_ = 	snop  }
0x7: {  	_ = 	snop  }
__scs_overlays_trampoline_lowered:
0x8: {  	[smem:$0x3FA9] =	sst s0  }
0x9: {  	[smem:$0x3FAA] =	sst s1  }
0xa: {  	[smem:$0x3FAB] =	sst s2  }
0xb: {  	[smem:$0x3FAC] =	sst s3  }
0xc: {  	[smem:$0x3FAD] =	sst s4  }
0xd: {  	[smem:$0x3FAE] =	sst s5  }
0xe: {  	[smem:$0x3FAF] =	sst s6  }
0xf: {  	[smem:$0x3FB0] =	sst s7  }
0x10: {  	[smem:$0x3FB1] =	sst s8  }
0x11: {  	[smem:$0x3FB2] =	sst s9;
	s0 =	simm.s32 @!p0 $0x0  }
0x12: {  	s1 =	sld [smem:$0x3F98];
	s0 =	simm.s32 @p0 $0x1  }
0x13: {  	[smem:$0x3FB3] =	sst s0;
	s0 =	simm.s32 @!p1 $0x0  }
0x14: {  	s2 =	sld [smem:$0x3F97];
	s0 =	simm.s32 @p1 $0x1  }
0x15: {  	[smem:$0x3FB4] =	sst s0;
	s0 =	simm.s32 @!p2 $0x0  }
0x16: {  	s3 =	sld [smem:$0x3FDB];
	s0 =	simm.s32 @p2 $0x1  }
0x17: {  	s4 =	simm.s32 $0x1BF5;
	[smem:$0x3FB6] =	sst s0  }
0x18: {  	s0 =	sld [smem:$0x3F99];
	_ =	swait.ge [sflag:s4], $0x0  }
0x19: {  	s7 =	sld [smem:$0x3F9A]  }
0x1a: {  	s8 =	sadd.s32 $0xFFFFE003, lr  }
0x1b: {  	s9 =	sadd.s32 $0xFFFFFEF7, lr;
	s5 =	simm.s32 $0xFFFFFFFF;
	p2 =	slt.u32 s8, $0xFFFFF086  }
0x1c: {  	p1 =	slt.u32 s9, $0xF7A;
	s5 =	simm.s32 @!p2 $0x0  }
0x1d: {  	s5 =	simm.s32 @p1 $0x1;
	p0 =	seq.s32 s7, s2  }
0x1e: {  	s7 =	smul.u32 @!p0 $0xF7A, s2;
	p2 =	seq.s32 @!p0 s5, $0x0  }
0x1f: {  	s9 =	smul.u32 $0xF7A, s1;
	s8 =	simm.s32 @!p0 $0x1BF5;
	p2 =	por !p2, p0  }
0x20: {  	[sflag:s8] =	ssyncset.s32 @!p0 $0xFFFFF086;
	s6 =	sadd.s32 @!p0 s3, s7;
	s7 =	simm.s32 @!p0 $0x108  }
0x21: {  	s3 =	sadd.s32 s3, s9;
	s6 =	sadd.s32 @!p0 $0x88, s6;
	s7 =	simm.s32 @p2 $0x1082  }
0x22: {  	[simem:s7], [sflag:s8] =	dma.local @!p0 [hbm:s6], $0xF7A  }
0x23: {  	s9 =	sor.u32 $0xD0000000, s2;
	s6 =	simm.s32 $0x108;
	_ =	swait.ge @!p0 [sflag:s8], $0x0  }
0x24: {  	s3 =	sadd.s32 $0x88, s3;
	s6 =	simm.s32 @!p1 $0x1082;
	[sflag:s4] =	ssyncset.s32 $0xFFFFF086  }
0x25: {  	[simem:s6], [sflag:s4] =	dma.local [hbm:s3], $0xF7A  }
0x26: {  	[smem:$0x3F9A] =	sst s1;
	(tag) =	ssettag s2;
	_ =	strace s9  }
0x27: {  	s1 =	sld [smem:$0x3FAA]  }
0x28: {  	s2 =	sld [smem:$0x3FAB]  }
0x29: {  	s4 =	sld [smem:$0x3FAD]  }
0x2a: {  	p0 =	seq.s32 s5, $0x0;
	s5 =	sld [smem:$0x3FAE]  }
0x2b: {  	s6 =	sld [smem:$0x3FAF]  }
0x2c: {  	s7 =	sld [smem:$0x3FB0]  }
0x2d: {  	s3 =	simm.s32 $0x108;
	s8 =	sld [smem:$0x3FB1]  }
0x2e: {  	s3 =	simm.s32 @!p0 $0x1082;
	s9 =	sld [smem:$0x3FB2]  }
0x2f: {  	lr =	sadd.s32 s0, s3;
	s0 =	sld [smem:$0x3FA9]  }
0x30: {  	s3 =	sld [smem:$0x3FAC]  }
0x31: {  	[smem:$0x3FB5] =	sst s10  }
0x32: {  	s10 =	sld [smem:$0x3FB3];
	_ =	sdelay $0x3  }
0x33: {  	p0 =	seq.s32 s10, $0x1;
	s10 =	sld [smem:$0x3FB5];
	_ =	sdelay $0x3  }
0x34: {  	[smem:$0x3FB5] =	sst s10  }
0x35: {  	s10 =	sld [smem:$0x3FB4];
	_ =	sdelay $0x3  }
0x36: {  	p1 =	seq.s32 s10, $0x1;
	s10 =	sld [smem:$0x3FB5];
	_ =	sdelay $0x3  }
0x37: {  	[smem:$0x3FB5] =	sst s10  }
0x38: {  	s10 =	sld [smem:$0x3FB6]  }
0x39: {  	_ = 	snop;
	(pc) =	sbr.ind lr, $3  }
0x3a: {  	_ = 	snop  }
0x3b: {  	_ = 	snop  }
0x3c: {  	p2 =	seq.s32 s10, $0x1;
	s10 =	sld [smem:$0x3FB5]  }
0x3d: {  	_ =	shalt  }
0x3e: {  	_ =	shalt  }
0x3f: {  	_ =	shalt  }
0x40: {  	_ =	shalt  }
0x41: {  	_ =	shalt  }
0x42: {  	_ =	shalt  }
0x43: {  	_ =	shalt  }
0x44: {  	_ =	shalt  }
0x45: {  	_ =	shalt  }
0x46: {  	_ =	shalt  }
0x47: {  	_ =	shalt  }
0x48: {  	_ =	shalt  }
0x49: {  	_ =	shalt  }
0x4a: {  	_ =	shalt  }
0x4b: {  	_ =	shalt  }
0x4c: {  	_ =	shalt  }
0x4d: {  	_ =	shalt  }
0x4e: {  	_ =	shalt  }
0x4f: {  	_ =	shalt  }
0x50: {  	_ =	shalt  }
0x51: {  	_ =	shalt  }
0x52: {  	_ =	shalt  }
0x53: {  	_ =	shalt  }
0x54: {  	_ =	shalt  }
0x55: {  	_ =	shalt  }
0x56: {  	_ =	shalt  }
0x57: {  	_ =	shalt  }
0x58: {  	_ =	shalt  }
0x59: {  	_ =	shalt  }
0x5a: {  	_ =	shalt  }
0x5b: {  	_ =	shalt  }
0x5c: {  	_ =	shalt  }
0x5d: {  	_ =	shalt  }
0x5e: {  	_ =	shalt  }
0x5f: {  	_ =	shalt  }
0x60: {  	_ =	shalt  }
0x61: {  	_ =	shalt  }
0x62: {  	_ =	shalt  }
0x63: {  	_ =	shalt  }
0x64: {  	_ =	shalt  }
0x65: {  	_ =	shalt  }
0x66: {  	_ =	shalt  }
0x67: {  	_ =	shalt  }
0x68: {  	_ =	shalt  }
0x69: {  	_ =	shalt  }
0x6a: {  	_ =	shalt  }
0x6b: {  	_ =	shalt  }
0x6c: {  	_ =	shalt  }
0x6d: {  	_ =	shalt  }
0x6e: {  	_ =	shalt  }
0x6f: {  	_ =	shalt  }
0x70: {  	_ =	shalt  }
0x71: {  	_ =	shalt  }
0x72: {  	_ =	shalt  }
0x73: {  	_ =	shalt  }
0x74: {  	_ =	shalt  }
0x75: {  	_ =	shalt  }
0x76: {  	_ =	shalt  }
0x77: {  	_ =	shalt  }
0x78: {  	_ =	shalt  }
0x79: {  	_ =	shalt  }
0x7a: {  	_ =	shalt  }
0x7b: {  	_ =	shalt  }
0x7c: {  	_ =	shalt  }
0x7d: {  	_ =	shalt  }
0x7e: {  	_ =	shalt  }
0x7f: {  	_ =	shalt  }
0x80: {  	_ =	shalt  }
0x81: {  	_ =	shalt  }
0x82: {  	_ =	shalt  }
0x83: {  	_ =	shalt  }
0x84: {  	_ =	shalt  }
0x85: {  	_ =	shalt  }
0x86: {  	_ =	shalt  }
0x87: {  	_ =	shalt  }
.Lfunc_end0:
.L_simem_size_0:
called_computation_lowered:
.L_overlay_start_0:
0x88: {  	s2 =	sld [smem:$0x3FD9]  }
0x89: {  	s3 =	sld [smem:$0x3FFE];
	_ =	sdelay $0x1  }
0x8a: {  	s1 =	srdreg.scid  }
0x8b: {  	s0 =	sand.u32 $0x1, s1  }
0x8c: {  	s17 =	sshll.u32 s0, $0xA;
	s2 =	sadd.s32 s3, s2  }
0x8d: {  	s2 =	sadd.s32 s2, s17  }
0x8e: {  	[smem:$0x3FC1] =	sst s2  }
0x8f: {  	_ = 	snop  }
0x90: {  	s2 =	sld [smem:$0x3FD0];
	(tm) =	ssettm $0x1  }
0x91: {  	s18 =	sld [smem:$0x3FFB];
	_ =	sdelay $0x3  }
0x92: {  	_ =	strace s18  }
0x93: {  	s3 =	sld [smem:$0x3FFC];
	_ =	sdelay $0x3  }
0x94: {  	_ =	strace s3  }
0x95: {  	s3 =	sld [smem:$0x3FFD];
	_ =	sdelay $0x3  }
0x96: {  	_ =	strace s3  }
0x97: {  	_ =	strace $0x8FFFFFFF  }
0x98: {  	s19 =	sld [smem:$0x3FDB];
	_ =	sdelay $0x1  }
0x99: {  	s4 =	simm.s32 $_scs_section_size  }
0x9a: {  	s5 =	simm.s32 $_size__tile_overlayer_lowered;
	s6 =	simm.s32 $_tile_overlayer_lowered  }
0x9b: {  	s22 =	simm.s32 $0x1BFF;
	s21 =	sshll.u32 s6, $0x1;
	s3 =	sadd.s32 s4, s19  }
0x9c: {  	s7 =	simm.s32 $0x0;
	s20 =	sshll.u32 s5, $0x1;
	s5 =	sadd.s32 s21, s3  }
0x9d: {  	[timem:s7], [sflag:s22] =	dma.local [hbm:s5], s20  }
0x9e: {  	_ =	swait.ge [sflag:s22], s20  }
0x9f: {  	s4 =	ssub.s32 $0x0, s20;
	[sflag:s22] =	ssyncset.done $0x0  }
0xa0: {  	[sflag:s22] =	ssyncadd.s32 s4;
	_ =	sdelay $0x1  }
0xa1: {  	s23 =	simm.s32 $0x1B8B  }
0xa2: {  	_ =	swait.ge [sflag:s23], $0x1  }
0xa3: {  	[sflag:s23] =	ssyncset.done $0x0  }
0xa4: {  	s25 =	simm.s32 $0x1B8E;
	s24 =	sld [smem:$0x3FFE];
	[sflag:s23] =	ssyncadd.s32 $0xFFFFFFFF  }
0xa5: {  	s26 =	simm.s32 $execute0_lowered;
	[smem:$0x3FD2] =	sst s25  }
0xa6: {  	s5 =	sshll.u32 s26, $0x1;
	_ =	strace $0x80000046;
	[dreg:$0x1] =	wrdreg $0xFFFFFFFF  }
0xa7: {  	s28 =	simm.s32 $_size_execute0_lowered;
	s3 =	sadd.s32 s3, s5;
	[dreg:$0x0] =	wrdreg $0x0  }
0xa8: {  	s5 =	sshll.u32 s28, $0x1;
	[dreg:$0x2] =	wrdreg s3  }
0xa9: {  	[dreg:$0x3] =	wrdreg s5  }
0xaa: {  	[dreg:$0x4] =	wrdreg $0xC0  }
0xab: {  	_ =	task [dreg:s7], $0x5FFFF  }
0xac: {  	[dreg:$0x1] =	wrdreg $0xFFFFFFFF  }
0xad: {  	[dreg:$0x0] =	wrdreg $0x60  }
0xae: {  	[dreg:$0x2] =	wrdreg s24  }
0xaf: {  	[dreg:$0x3] =	wrdreg s2  }
0xb0: {  	[dreg:$0x4] =	wrdreg $0x9  }
0xb1: {  	_ =	task.clear_ibuf [dreg:s7], $0x5FFFF;
	_ =	strace $0x90000046  }
0xb2: {  	s29 =	simm.s32 $0x9;
	_ =	strace $0x80000048  }
0xb3: {  	_ =	swait.ge [sflag:s29], $0x1  }
0xb4: {  	[sflag:s29] =	ssyncadd.s32 $0xFFFFFFFF  }
0xb5: {  	_ =	strace $0x90000048  }
0xb6: {  	_ =	sfence  }
0xb7: {  	s30 =	sld [smem:$0x0];
	_ =	sdelay $0x2  }
0xb8: {  	s31 =	sshll.u32 s1, $0xD;
	s1 =	sshrl.u32 s1, $0x2  }
0xb9: {  	s3 =	sand.u32 $0x4000, s31;
	s1 =	sadd.s32 s1, s30  }
0xba: {  	s0 =	sor.u32 s3, s0;
	s1 =	sshll.u32 s1, $0x11  }
0xbb: {  	s0 =	sor.u32 s1, s0  }
0xbc: {  	s0 =	sadd.s32 $0x8F2B, s0  }
0xbd: {  	[sflag:s0] =	ssyncadd.remote.s32 $0x1  }
0xbe: {  	_ =	sfence.sel $0xFFFF  }
0xbf: {  	[dreg:$0x0] =	wrdreg $0xFFFFFFFF;
	(pc) =	sbr.abs _section_cstart, $3  }
0xc0: {  	[dreg:$0x1] =	wrdreg $0xFFFFFFFF  }
0xc1: {  	_ =	task.clear_ibuf [dreg:s7], $0x2FFFF;
	_ =	strace $0x9FFFFFFF  }
0xc2: {  	(tm) =	ssettm $0x7FFFFFFF  }
0xc3: {  	_ =	shalt  }
tec
execute0_lowered:
.L_overlay_start_1:
0x0: {  	(tag) =	ssettag $0x1  }
0x1: {  	s4 =	rddreg [dreg:$0x0]  }
0x2: {  	s2 =	rddreg [dreg:$0x1]  }
0x3: {  	s3 =	srdreg.scid;
	s0 =	stileid.u32;
	s13 =	simm.s32 $0xC000  }
0x4: {  	s12 =	simm.s32 $0x6000;
	s14 =	simm.s32 $0x12000;
	s15 =	simm.s32 $0x2  }
0x5: {  	s16 =	simm.s32 $0x4;
	s17 =	simm.s32 $0x5;
	s18 =	simm.s32 $0x6  }
0x6: {  	s19 =	simm.s32 $0x7;
	s20 =	simm.s32 $0x8;
	s21 =	simm.s32 $0x0  }
0x7: {  	s5 =	sand.u32 $0x1, s3;
	s3 =	simm.s32 $0x0;
	s7 =	sshll.u32 s0, $0x9  }
0x8: {  	s9 =	sadd.s32 $0x3400, s4;
	s30 =	smul.u32 $0xC000, s0;
	s6 =	sshll.u32 s5, $0xD  }
0x9: {  	[smem:$0x7FF] =	sst s3;
	s8 =	ssub.s32 $0x2, s5;
	s10 =	smul.u32 $0xC0000, s5  }
0xa: {  	s6 =	sor.u32 s7, s6;
	_ =	strace $0x80000047;
	s28 =	sshrl.u32 s8, $0x1  }
0xb: {  	[dreg:$0x3] =	wrdreg s13;
	s13 =	simm.s32 $0x1;
	s7 =	sshrl.u32 s6, $0x3  }
0xc: {  	s6 =	smul.u32 $0x60, s6;
	s29 =	ssub.s32 s8, s28;
	s31 =	sadd.s32 s10, s9  }
0xd: {  	s8 =	simm.s32 $0x18000;
	s10 =	simm.s32 $0x20;
	s7 =	sadd.s32 s7, s4  }
0xe: {  	s5 =	smax.u32 s29, $0x1;
	s4 =	sadd.s32 $0x2C00, s7;
	s6 =	sadd.s32 s9, s6  }
0xf: {  	s7 =	sadd.s32 s30, s31;
	s9 =	simm.s32 $0x9;
	s6 =	sadd.s32 $0xA800, s6  }
.LBB2_1:
0x10: {  	[tilespmem:s8], [sflag:$0x9] =	stream.linear.gather [hbm4b:s4+s3], $0x200, $0x38;
	[tilespmem:$0x18200] =	vst v63  }
0x11: {  	_ =	swait.ge [sflag:s9], $0x200  }
0x12: {  	[sflag:s9] =	ssyncset.done $0x0  }
0x13: {  	p0 =	por $0x1, $0x1;
	[sflag:s9] =	ssyncadd.s32 $0xFFFFFE00  }
0x14: {  	[tilespmem:s3], [sflag:$0x1] =	stream.indirect.gather [hbm4b:s2+s10], $0x300, s8, s10, $0xb8;
	[tilespmem:$0x18200] =	vst v63  }
0x15: {  	s0 =	simm.s32 $0x18020;
	s22 =	simm.s32 @!p0 $0x7  }
0x16: {  	[tilespmem:s12], [sflag:$0x2] =	stream.indirect.gather [hbm4b:s2+s10], $0x300, s0, s10, $0xb8;
	[tilespmem:$0x18200] =	vst v63  }
0x17: {  	_ =	swait.ge @!p0 [sflag:s22], $0x6000  }
0x18: {  	[sflag:s22] =	ssyncset.done @!p0 $0x0  }
0x19: {  	s29 =	simm.s32 $0x18040;
	s23 =	rddreg [dreg:$0x3];
	[sflag:s22] =	ssyncadd.s32 @!p0 $0xFFFFA000  }
0x1a: {  	[tilespmem:s23], [sflag:$0x3] =	stream.indirect.gather [hbm4b:s2+s10], $0x300, s29, s10, $0xb8;
	[tilespmem:$0x18200] =	vst v63  }
0x1b: {  	_ =	swait.ge [sflag:s13], $0x6000  }
0x1c: {  	[sflag:s13] =	ssyncset.done $0x0  }
0x1d: {  	s22 =	simm.s32 @!p0 $0x8;
	[sflag:s13] =	ssyncadd.s32 $0xFFFFA000  }
0x1e: {  	[hbm4b:s7+s3] =	stream.linear.scatter [tilespmem:s3], [sflag:$0x5], $0x6000, $0x38;
	[tilespmem:$0x18200] =	vst v63  }
0x1f: {  	_ =	swait.ge @!p0 [sflag:s22], $0x6000  }
0x20: {  	[sflag:s22] =	ssyncset.done @!p0 $0x0  }
0x21: {  	s30 =	simm.s32 $0x18060;
	[sflag:s22] =	ssyncadd.s32 @!p0 $0xFFFFA000  }
0x22: {  	[tilespmem:s14], [sflag:$0x4] =	stream.indirect.gather [hbm4b:s2+s10], $0x300, s30, s10, $0xb8;
	[tilespmem:$0x18200] =	vst v63  }
0x23: {  	_ =	swait.ge [sflag:s15], $0x6000  }
0x24: {  	p0 =	por $0x0, $0x0;
	[sflag:s15] =	ssyncset.done $0x0  }
0x25: {  	s31 =	sadd.s32 $0xC00, s7;
	s23 =	simm.s32 @p0 $0x3;
	[sflag:s15] =	ssyncadd.s32 $0xFFFFA000  }
0x26: {  	[hbm4b:s31+s3] =	stream.linear.scatter [tilespmem:s12], [sflag:$0x6], $0x6000, $0x38;
	[tilespmem:$0x18200] =	vst v63  }
0x27: {  	_ =	swait.ge @p0 [sflag:s23], $0x6000  }
0x28: {  	s22 =	simm.s32 @p0 $0x0;
	[sflag:s23] =	ssyncset.done @p0 $0x0  }
0x29: {  	s24 =	simm.s32 @p0 $0xC000;
	[sflag:s23] =	ssyncadd.s32 @p0 $0xFFFFA000;
	s23 =	simm.s32 @!p0 $0x5  }
0x2a: {  	[hbm4b:s6+s22] =	stream.linear.scatter @p0 [tilespmem:s24], [sflag:$0x7], $0x6000, $0x38;
	[tilespmem:$0x18200] =	vst v63  }
0x2b: {  	_ =	swait.ge @!p0 [sflag:s23], $0x6000  }
0x2c: {  	s25 =	simm.s32 @!p0 $0x20;
	s22 =	simm.s32 @!p0 $0x18080;
	[sflag:s23] =	ssyncset.done @!p0 $0x0  }
0x2d: {  	s24 =	simm.s32 @!p0 $0x0;
	[sflag:s23] =	ssyncadd.s32 @!p0 $0xFFFFA000;
	s23 =	simm.s32 @!p0 $0x3  }
0x2e: {  	[tilespmem:s24], [sflag:$0x1] =	stream.indirect.gather @!p0 [hbm4b:s2+s25], $0x300, s22, s25, $0xb8;
	[tilespmem:$0x18200] =	vst v63  }
0x2f: {  	_ =	swait.ge @!p0 [sflag:s23], $0x6000  }
0x30: {  	s26 =	simm.s32 @!p0 $0xC000;
	[sflag:s23] =	ssyncset.done @!p0 $0x0  }
0x31: {  	s28 =	simm.s32 @!p0 $0x6;
	s22 =	sadd.s32 @!p0 $0x1800, s7;
	[sflag:s23] =	ssyncadd.s32 @!p0 $0xFFFFA000  }
0x32: {  	[hbm4b:s22+s24] =	stream.linear.scatter @!p0 [tilespmem:s26], [sflag:$0x7], $0x6000, $0x38;
	[tilespmem:$0x18200] =	vst v63  }
0x33: {  	_ =	swait.ge @!p0 [sflag:s28], $0x6000  }
0x34: {  	p1 =	por $0x0, $0x0;
	s23 =	sadd.s32 $0x3000, s7;
	[sflag:s28] =	ssyncset.done @!p0 $0x0  }
0x35: {  	s22 =	simm.s32 @!p0 $0x180A0;
	s26 =	simm.s32 @!p0 $0x6000;
	[sflag:s28] =	ssyncadd.s32 @!p0 $0xFFFFA000  }
0x36: {  	[tilespmem:s26], [sflag:$0x2] =	stream.indirect.gather @!p0 [hbm4b:s2+s25], $0x300, s22, s25, $0xb8;
	[tilespmem:$0x18200] =	vst v63  }
0x37: {  	s24 =	simm.s32 $0x200;
	s28 =	sadd.s32 $0x3000, s23;
	s25 =	sadd.s32 $0x2400, s7  }
0x38: {  	s26 =	simm.s32 $0x400;
	s22 =	sadd.s32 $0x2400, s23;
	_ =	swait.ge [sflag:s16], $0x6000  }
.LBB2_2:
0x39: {  	[sflag:s16] =	ssyncset.done $0x0  }
0x3a: {  	s30 =	simm.s32 @!p1 $0x7;
	[sflag:s16] =	ssyncadd.s32 $0xFFFFA000  }
0x3b: {  	[hbm4b:s25+s3] =	stream.linear.scatter [tilespmem:s14], [sflag:$0x8], $0x6000, $0x38;
	[tilespmem:$0x18200] =	vst v63  }
0x3c: {  	_ =	swait.ge @!p1 [sflag:s30], $0x6000  }
0x3d: {  	s11 =	sshra.s32 s24, $0x2;
	[sflag:s30] =	ssyncset.done @!p1 $0x0  }
0x3e: {  	s1 =	sadd.s32 $0x18040, s11;
	s0 =	rddreg [dreg:$0x3];
	[sflag:s30] =	ssyncadd.s32 @!p1 $0xFFFFA000  }
0x3f: {  	[tilespmem:s0], [sflag:$0x3] =	stream.indirect.gather [hbm4b:s2+s10], $0x300, s1, s10, $0xb8;
	[tilespmem:$0x18200] =	vst v63  }
0x40: {  	_ =	swait.ge [sflag:s13], $0x6000  }
0x41: {  	[sflag:s13] =	ssyncset.done $0x0  }
0x42: {  	s0 =	simm.s32 @!p1 $0x8;
	[sflag:s13] =	ssyncadd.s32 $0xFFFFA000  }
0x43: {  	[hbm4b:s23+s3] =	stream.linear.scatter [tilespmem:s3], [sflag:$0x5], $0x6000, $0x38;
	[tilespmem:$0x18200] =	vst v63  }
0x44: {  	_ =	swait.ge @!p1 [sflag:s0], $0x6000  }
0x45: {  	[sflag:s0] =	ssyncset.done @!p1 $0x0  }
0x46: {  	s11 =	sadd.s32 $0x18060, s11;
	[sflag:s0] =	ssyncadd.s32 @!p1 $0xFFFFA000  }
0x47: {  	[tilespmem:s14], [sflag:$0x4] =	stream.indirect.gather [hbm4b:s2+s10], $0x300, s11, s10, $0xb8;
	[tilespmem:$0x18200] =	vst v63  }
0x48: {  	s31 =	sadd.s32 $0x2400, s28;
	s25 =	smov.u32 s22;
	_ =	swait.ge [sflag:s15], $0x6000  }
0x49: {  	s22 =	smov.u32 s31;
	p1 =	seq.s32 s24, $0x600;
	[sflag:s15] =	ssyncset.done $0x0  }
0x4a: {  	s31 =	sadd.s32 $0xC00, s23;
	s30 =	simm.s32 @p1 $0x3;
	[sflag:s15] =	ssyncadd.s32 $0xFFFFA000  }
0x4b: {  	[hbm4b:s31+s3] =	stream.linear.scatter [tilespmem:s12], [sflag:$0x6], $0x6000, $0x38;
	[tilespmem:$0x18200] =	vst v63  }
0x4c: {  	s29 =	smov.u32 s26;
	_ =	swait.ge @p1 [sflag:s30], $0x6000  }
0x4d: {  	s24 =	sshra.s32 @!p1 s24, $0x2;
	s1 =	simm.s32 @p1 $0x0;
	[sflag:s30] =	ssyncset.done @p1 $0x0  }
0x4e: {  	s11 =	simm.s32 @p1 $0xC000;
	[sflag:s30] =	ssyncadd.s32 @p1 $0xFFFFA000;
	s30 =	simm.s32 @!p1 $0x5  }
0x4f: {  	[hbm4b:s6+s1] =	stream.linear.scatter @p1 [tilespmem:s11], [sflag:$0x7], $0x6000, $0x38;
	[tilespmem:$0x18200] =	vst v63  }
0x50: {  	s0 =	sadd.s32 @!p1 $0x18080, s24;
	s31 =	sadd.s32 @!p1 $0x180A0, s24;
	_ =	swait.ge @!p1 [sflag:s30], $0x6000  }
0x51: {  	s24 =	smov.u32 s29;
	s29 =	simm.s32 @!p1 $0x3;
	[sflag:s30] =	ssyncset.done @!p1 $0x0  }
0x52: {  	s1 =	simm.s32 @!p1 $0x20;
	s11 =	simm.s32 @!p1 $0x0;
	[sflag:s30] =	ssyncadd.s32 @!p1 $0xFFFFA000  }
0x53: {  	[tilespmem:s11], [sflag:$0x1] =	stream.indirect.gather @!p1 [hbm4b:s2+s1], $0x300, s0, s1, $0xb8;
	[tilespmem:$0x18200] =	vst v63  }
0x54: {  	s26 =	sadd.s32 $0x200, s26;
	_ =	swait.ge @!p1 [sflag:s29], $0x6000  }
0x55: {  	p0 =	sne.s32 s26, $0x800;
	s30 =	simm.s32 @!p1 $0xC000;
	[sflag:s29] =	ssyncset.done @!p1 $0x0  }
0x56: {  	s0 =	sadd.s32 @!p1 $0x1800, s23;
	[sflag:s29] =	ssyncadd.s32 @!p1 $0xFFFFA000;
	s29 =	simm.s32 @!p1 $0x6  }
0x57: {  	[hbm4b:s0+s11] =	stream.linear.scatter @!p1 [tilespmem:s30], [sflag:$0x7], $0x6000, $0x38;
	[tilespmem:$0x18200] =	vst v63  }
.Ltmp0:
0x58: {  	_ =	swait.ge @!p1 [sflag:s29], $0x6000;
	(pc) =	sbr.rel @p0 .LBB2_2-.Ltmp0, $4  }
0x59: {  	[sflag:s29] =	ssyncset.done @!p1 $0x0  }
0x5a: {  	s23 =	smov.u32 s28;
	s0 =	simm.s32 @!p1 $0x6000;
	[sflag:s29] =	ssyncadd.s32 @!p1 $0xFFFFA000  }
0x5b: {  	[tilespmem:s0], [sflag:$0x2] =	stream.indirect.gather @!p1 [hbm4b:s2+s1], $0x300, s31, s1, $0xb8;
	[tilespmem:$0x18200] =	vst v63  }
0x5c: {  	s28 =	sadd.s32 $0x3000, s28;
	p1 =	seq.s32 s24, $0x0;
	_ =	swait.ge [sflag:s16], $0x6000  }
0x5d: {  	[sflag:s16] =	ssyncset.done $0x0  }
0x5e: {  	s0 =	simm.s32 @!p1 $0x7;
	[sflag:s16] =	ssyncadd.s32 $0xFFFFA000  }
0x5f: {  	[hbm4b:s25+s3] =	stream.linear.scatter [tilespmem:s14], [sflag:$0x8], $0x6000, $0x38;
	[tilespmem:$0x18200] =	vst v63  }
0x60: {  	_ =	swait.ge @!p1 [sflag:s0], $0x6000  }
0x61: {  	s11 =	sshra.s32 s24, $0x2;
	[sflag:s0] =	ssyncset.done @!p1 $0x0  }
0x62: {  	s29 =	sadd.s32 $0x18040, s11;
	s1 =	rddreg [dreg:$0x3];
	[sflag:s0] =	ssyncadd.s32 @!p1 $0xFFFFA000  }
0x63: {  	[tilespmem:s1], [sflag:$0x3] =	stream.indirect.gather [hbm4b:s2+s10], $0x300, s29, s10, $0xb8;
	[tilespmem:$0x18200] =	vst v63  }
0x64: {  	_ =	swait.ge [sflag:s13], $0x6000  }
0x65: {  	[sflag:s13] =	ssyncset.done $0x0  }
0x66: {  	s0 =	simm.s32 @!p1 $0x8;
	[sflag:s13] =	ssyncadd.s32 $0xFFFFA000  }
0x67: {  	[hbm4b:s23+s3] =	stream.linear.scatter [tilespmem:s3], [sflag:$0x5], $0x6000, $0x38;
	[tilespmem:$0x18200] =	vst v63  }
0x68: {  	_ =	swait.ge @!p1 [sflag:s0], $0x6000  }
0x69: {  	[sflag:s0] =	ssyncset.done @!p1 $0x0  }
0x6a: {  	s30 =	sadd.s32 $0x18060, s11;
	[sflag:s0] =	ssyncadd.s32 @!p1 $0xFFFFA000  }
0x6b: {  	[tilespmem:s14], [sflag:$0x4] =	stream.indirect.gather [hbm4b:s2+s10], $0x300, s30, s10, $0xb8;
	[tilespmem:$0x18200] =	vst v63  }
0x6c: {  	_ =	swait.ge [sflag:s15], $0x6000  }
0x6d: {  	p0 =	seq.s32 s24, $0x600;
	[sflag:s15] =	ssyncset.done $0x0  }
0x6e: {  	s31 =	sadd.s32 $0xC00, s23;
	s1 =	simm.s32 @p0 $0x3;
	[sflag:s15] =	ssyncadd.s32 $0xFFFFA000  }
0x6f: {  	[hbm4b:s31+s3] =	stream.linear.scatter [tilespmem:s12], [sflag:$0x6], $0x6000, $0x38;
	[tilespmem:$0x18200] =	vst v63  }
0x70: {  	_ =	swait.ge @p0 [sflag:s1], $0x6000  }
0x71: {  	s11 =	simm.s32 @p0 $0xC000;
	[sflag:s1] =	ssyncset.done @p0 $0x0  }
0x72: {  	s0 =	simm.s32 @p0 $0x0;
	[sflag:s1] =	ssyncadd.s32 @p0 $0xFFFFA000;
	s1 =	simm.s32 @!p0 $0x5  }
0x73: {  	[hbm4b:s6+s0] =	stream.linear.scatter @p0 [tilespmem:s11], [sflag:$0x7], $0x6000, $0x38;
	[tilespmem:$0x18200] =	vst v63  }
0x74: {  	s25 =	simm.s32 @!p0 $0x0;
	_ =	swait.ge @!p0 [sflag:s1], $0x6000  }
0x75: {  	s0 =	sshra.s32 @!p0 s24, $0x2;
	s24 =	simm.s32 @!p0 $0x20;
	[sflag:s1] =	ssyncset.done @!p0 $0x0  }
0x76: {  	s11 =	sadd.s32 @!p0 $0x18080, s0;
	[sflag:s1] =	ssyncadd.s32 @!p0 $0xFFFFA000;
	s1 =	simm.s32 @!p0 $0x3  }
0x77: {  	[tilespmem:s25], [sflag:$0x1] =	stream.indirect.gather @!p0 [hbm4b:s2+s24], $0x300, s11, s24, $0xb8;
	[tilespmem:$0x18200] =	vst v63  }
0x78: {  	_ =	swait.ge @!p0 [sflag:s1], $0x6000  }
0x79: {  	s11 =	sadd.s32 @!p0 $0x1800, s23;
	[sflag:s1] =	ssyncset.done @!p0 $0x0  }
0x7a: {  	s23 =	simm.s32 @!p0 $0xC000;
	[sflag:s1] =	ssyncadd.s32 @!p0 $0xFFFFA000;
	s1 =	simm.s32 @!p0 $0x6  }
0x7b: {  	[hbm4b:s11+s25] =	stream.linear.scatter @!p0 [tilespmem:s23], [sflag:$0x7], $0x6000, $0x38;
	[tilespmem:$0x18200] =	vst v63  }
0x7c: {  	_ =	swait.ge @!p0 [sflag:s1], $0x6000  }
0x7d: {  	[sflag:s1] =	ssyncset.done @!p0 $0x0  }
0x7e: {  	s0 =	sadd.s32 @!p0 $0x180A0, s0;
	s11 =	simm.s32 @!p0 $0x6000;
	[sflag:s1] =	ssyncadd.s32 @!p0 $0xFFFFA000  }
0x7f: {  	[tilespmem:s11], [sflag:$0x2] =	stream.indirect.gather @!p0 [hbm4b:s2+s24], $0x300, s0, s24, $0xb8;
	[tilespmem:$0x18200] =	vst v63  }
0x80: {  	_ =	swait.ge [sflag:s16], $0x6000  }
0x81: {  	[sflag:s16] =	ssyncset.done $0x0  }
0x82: {  	[sflag:s16] =	ssyncadd.s32 $0xFFFFA000  }
0x83: {  	[hbm4b:s22+s3] =	stream.linear.scatter [tilespmem:s14], [sflag:$0x8], $0x6000, $0x38;
	[tilespmem:$0x18200] =	vst v63  }
0x84: {  	_ =	swait.ge [sflag:s17], $0x6000  }
0x85: {  	[sflag:s17] =	ssyncset.done $0x0  }
0x86: {  	[sflag:s17] =	ssyncadd.s32 $0xFFFFA000  }
0x87: {  	_ =	swait.ge [sflag:s18], $0x6000  }
0x88: {  	[sflag:s18] =	ssyncset.done $0x0  }
0x89: {  	s21 =	sadd.s32 $0x1, s21;
	[sflag:s18] =	ssyncadd.s32 $0xFFFFA000  }
0x8a: {  	p0 =	sne.s32 s21, s5;
	_ =	swait.ge [sflag:s19], $0x6000  }
.Ltmp1:
0x8b: {  	[sflag:s19] =	ssyncset.done $0x0;
	(pc) =	sbr.rel @p0 .LBB2_1-.Ltmp1, $4  }
0x8c: {  	[sflag:s19] =	ssyncadd.s32 $0xFFFFA000  }
0x8d: {  	_ =	swait.ge [sflag:s20], $0x6000  }
0x8e: {  	[sflag:s20] =	ssyncset.done $0x0  }
0x8f: {  	[sflag:s20] =	ssyncadd.s32 $0xFFFFA000  }
0x90: {  	_ =	sfence.sel $0x180000  }
0x91: {  	[bflag:$0x0] =	sbarrier.arrive $0xFFFF  }
0x92: {  	_ =	strace $0x90000047  }
0x93: {  	s0 =	stileid.u32;
	[bflag:$0x2] =	sbarrier.arrive $0xFFFF  }
0x94: {  	p0 =	sne.s32 s0, $0x0;
	s0 =	rddreg [dreg:$0x2]  }
0x95: {  	s0 =	sadd.s32 @!p0 $0x100000, s0  }
0x96: {  	[sflag:s0] =	ssyncadd.tile.s32 @!p0 $0x1;
	_ =	shalt  }
.Lfunc_end2:
_tile_overlayer_lowered:
.L_overlay_start_2:
0x97: {  	(tag) =	ssettag $0x2  }
0x98: {  	s0 =	rddreg [dreg:$0x0];
	s2 =	stileid.u32  }
0x99: {  	s1 =	rddreg [dreg:$0x1];
	p0 =	sne.s32 s2, $0x0  }
0x9a: {  	s3 =	rddreg [dreg:$0x2];
	[bflag:$0x3] =	sbarrier.arrive $0xFFFF;
	s2 =	simm.s32 @!p0 $0x1C09  }
0x9b: {  	[timem:s3], [sflag:s2] =	dma.local @!p0 [hbm:s0], s1  }
0x9c: {  	s0 =	simm.s32 @!p0 $0x9  }
0x9d: {  	_ =	swait.ge @!p0 [sflag:s0], s1  }
0x9e: {  	s1 =	ssub.s32 @!p0 $0x0, s1;
	[sflag:s0] =	ssyncset.done @!p0 $0x0  }
0x9f: {  	[sflag:s0] =	ssyncadd.s32 @!p0 s1  }
0xa0: {  	[bflag:$0x3] =	sbarrier.arrive $0xFFFF  }
0xa1: {  	_ =	shalt  }

// kernel: kernel.13.cloned.1.call-start
scs
__scs_entry_jumppad:
0x0: {  	(pc) =	sbr.rel $0x88, $3  }
0x1: {  	(tag) =	ssettag $0x0;
	lr =	simm.s32 $0x1  }
0x2: {  	[smem:$0x3F9A] =	sst lr;
	_ =	strace $0xD0000000  }
0x3: {  	_ = 	snop  }
0x4: {  	_ = 	snop  }
0x5: {  	_ = 	snop  }
0x6: {  	_ = 	snop  }
0x7: {  	_ = 	snop  }
__scs_overlays_trampoline_lowered:
0x8: {  	[smem:$0x3FA9] =	sst s0  }
0x9: {  	[smem:$0x3FAA] =	sst s1  }
0xa: {  	[smem:$0x3FAB] =	sst s2  }
0xb: {  	[smem:$0x3FAC] =	sst s3  }
0xc: {  	[smem:$0x3FAD] =	sst s4  }
0xd: {  	[smem:$0x3FAE] =	sst s5  }
0xe: {  	[smem:$0x3FAF] =	sst s6  }
0xf: {  	[smem:$0x3FB0] =	sst s7  }
0x10: {  	[smem:$0x3FB1] =	sst s8  }
0x11: {  	[smem:$0x3FB2] =	sst s9;
	s0 =	simm.s32 @!p0 $0x0  }
0x12: {  	s1 =	sld [smem:$0x3F98];
	s0 =	simm.s32 @p0 $0x1  }
0x13: {  	[smem:$0x3FB3] =	sst s0;
	s0 =	simm.s32 @!p1 $0x0  }
0x14: {  	s2 =	sld [smem:$0x3F97];
	s0 =	simm.s32 @p1 $0x1  }
0x15: {  	[smem:$0x3FB4] =	sst s0;
	s0 =	simm.s32 @!p2 $0x0  }
0x16: {  	s3 =	sld [smem:$0x3FDB];
	s0 =	simm.s32 @p2 $0x1  }
0x17: {  	s4 =	simm.s32 $0x1BF5;
	[smem:$0x3FB6] =	sst s0  }
0x18: {  	s0 =	sld [smem:$0x3F99];
	_ =	swait.ge [sflag:s4], $0x0  }
0x19: {  	s7 =	sld [smem:$0x3F9A]  }
0x1a: {  	s8 =	sadd.s32 $0xFFFFE003, lr  }
0x1b: {  	s9 =	sadd.s32 $0xFFFFFEF7, lr;
	s5 =	simm.s32 $0xFFFFFFFF;
	p2 =	slt.u32 s8, $0xFFFFF086  }
0x1c: {  	p1 =	slt.u32 s9, $0xF7A;
	s5 =	simm.s32 @!p2 $0x0  }
0x1d: {  	s5 =	simm.s32 @p1 $0x1;
	p0 =	seq.s32 s7, s2  }
0x1e: {  	s7 =	smul.u32 @!p0 $0xF7A, s2;
	p2 =	seq.s32 @!p0 s5, $0x0  }
0x1f: {  	s9 =	smul.u32 $0xF7A, s1;
	s8 =	simm.s32 @!p0 $0x1BF5;
	p2 =	por !p2, p0  }
0x20: {  	[sflag:s8] =	ssyncset.s32 @!p0 $0xFFFFF086;
	s6 =	sadd.s32 @!p0 s3, s7;
	s7 =	simm.s32 @!p0 $0x108  }
0x21: {  	s3 =	sadd.s32 s3, s9;
	s6 =	sadd.s32 @!p0 $0x88, s6;
	s7 =	simm.s32 @p2 $0x1082  }
0x22: {  	[simem:s7], [sflag:s8] =	dma.local @!p0 [hbm:s6], $0xF7A  }
0x23: {  	s9 =	sor.u32 $0xD0000000, s2;
	s6 =	simm.s32 $0x108;
	_ =	swait.ge @!p0 [sflag:s8], $0x0  }
0x24: {  	s3 =	sadd.s32 $0x88, s3;
	s6 =	simm.s32 @!p1 $0x1082;
	[sflag:s4] =	ssyncset.s32 $0xFFFFF086  }
0x25: {  	[simem:s6], [sflag:s4] =	dma.local [hbm:s3], $0xF7A  }
0x26: {  	[smem:$0x3F9A] =	sst s1;
	(tag) =	ssettag s2;
	_ =	strace s9  }
0x27: {  	s1 =	sld [smem:$0x3FAA]  }
0x28: {  	s2 =	sld [smem:$0x3FAB]  }
0x29: {  	s4 =	sld [smem:$0x3FAD]  }
0x2a: {  	p0 =	seq.s32 s5, $0x0;
	s5 =	sld [smem:$0x3FAE]  }
0x2b: {  	s6 =	sld [smem:$0x3FAF]  }
0x2c: {  	s7 =	sld [smem:$0x3FB0]  }
0x2d: {  	s3 =	simm.s32 $0x108;
	s8 =	sld [smem:$0x3FB1]  }
0x2e: {  	s3 =	simm.s32 @!p0 $0x1082;
	s9 =	sld [smem:$0x3FB2]  }
0x2f: {  	lr =	sadd.s32 s0, s3;
	s0 =	sld [smem:$0x3FA9]  }
0x30: {  	s3 =	sld [smem:$0x3FAC]  }
0x31: {  	[smem:$0x3FB5] =	sst s10  }
0x32: {  	s10 =	sld [smem:$0x3FB3];
	_ =	sdelay $0x3  }
0x33: {  	p0 =	seq.s32 s10, $0x1;
	s10 =	sld [smem:$0x3FB5];
	_ =	sdelay $0x3  }
0x34: {  	[smem:$0x3FB5] =	sst s10  }
0x35: {  	s10 =	sld [smem:$0x3FB4];
	_ =	sdelay $0x3  }
0x36: {  	p1 =	seq.s32 s10, $0x1;
	s10 =	sld [smem:$0x3FB5];
	_ =	sdelay $0x3  }
0x37: {  	[smem:$0x3FB5] =	sst s10  }
0x38: {  	s10 =	sld [smem:$0x3FB6]  }
0x39: {  	_ = 	snop;
	(pc) =	sbr.ind lr, $3  }
0x3a: {  	_ = 	snop  }
0x3b: {  	_ = 	snop  }
0x3c: {  	p2 =	seq.s32 s10, $0x1;
	s10 =	sld [smem:$0x3FB5]  }
0x3d: {  	_ =	shalt  }
0x3e: {  	_ =	shalt  }
0x3f: {  	_ =	shalt  }
0x40: {  	_ =	shalt  }
0x41: {  	_ =	shalt  }
0x42: {  	_ =	shalt  }
0x43: {  	_ =	shalt  }
0x44: {  	_ =	shalt  }
0x45: {  	_ =	shalt  }
0x46: {  	_ =	shalt  }
0x47: {  	_ =	shalt  }
0x48: {  	_ =	shalt  }
0x49: {  	_ =	shalt  }
0x4a: {  	_ =	shalt  }
0x4b: {  	_ =	shalt  }
0x4c: {  	_ =	shalt  }
0x4d: {  	_ =	shalt  }
0x4e: {  	_ =	shalt  }
0x4f: {  	_ =	shalt  }
0x50: {  	_ =	shalt  }
0x51: {  	_ =	shalt  }
0x52: {  	_ =	shalt  }
0x53: {  	_ =	shalt  }
0x54: {  	_ =	shalt  }
0x55: {  	_ =	shalt  }
0x56: {  	_ =	shalt  }
0x57: {  	_ =	shalt  }
0x58: {  	_ =	shalt  }
0x59: {  	_ =	shalt  }
0x5a: {  	_ =	shalt  }
0x5b: {  	_ =	shalt  }
0x5c: {  	_ =	shalt  }
0x5d: {  	_ =	shalt  }
0x5e: {  	_ =	shalt  }
0x5f: {  	_ =	shalt  }
0x60: {  	_ =	shalt  }
0x61: {  	_ =	shalt  }
0x62: {  	_ =	shalt  }
0x63: {  	_ =	shalt  }
0x64: {  	_ =	shalt  }
0x65: {  	_ =	shalt  }
0x66: {  	_ =	shalt  }
0x67: {  	_ =	shalt  }
0x68: {  	_ =	shalt  }
0x69: {  	_ =	shalt  }
0x6a: {  	_ =	shalt  }
0x6b: {  	_ =	shalt  }
0x6c: {  	_ =	shalt  }
0x6d: {  	_ =	shalt  }
0x6e: {  	_ =	shalt  }
0x6f: {  	_ =	shalt  }
0x70: {  	_ =	shalt  }
0x71: {  	_ =	shalt  }
0x72: {  	_ =	shalt  }
0x73: {  	_ =	shalt  }
0x74: {  	_ =	shalt  }
0x75: {  	_ =	shalt  }
0x76: {  	_ =	shalt  }
0x77: {  	_ =	shalt  }
0x78: {  	_ =	shalt  }
0x79: {  	_ =	shalt  }
0x7a: {  	_ =	shalt  }
0x7b: {  	_ =	shalt  }
0x7c: {  	_ =	shalt  }
0x7d: {  	_ =	shalt  }
0x7e: {  	_ =	shalt  }
0x7f: {  	_ =	shalt  }
0x80: {  	_ =	shalt  }
0x81: {  	_ =	shalt  }
0x82: {  	_ =	shalt  }
0x83: {  	_ =	shalt  }
0x84: {  	_ =	shalt  }
0x85: {  	_ =	shalt  }
0x86: {  	_ =	shalt  }
0x87: {  	_ =	shalt  }
.Lfunc_end0:
.L_simem_size_0:
called_computation.1_lowered:
.L_overlay_start_0:
0x88: {  	s2 =	sld [smem:$0x3FD9]  }
0x89: {  	s3 =	sld [smem:$0x3FFE];
	_ =	sdelay $0x1  }
0x8a: {  	s1 =	srdreg.scid  }
0x8b: {  	s0 =	sand.u32 $0x1, s1  }
0x8c: {  	s17 =	sshll.u32 s0, $0xA;
	s2 =	sadd.s32 s3, s2  }
0x8d: {  	s2 =	sadd.s32 s2, s17  }
0x8e: {  	[smem:$0x3FC1] =	sst s2  }
0x8f: {  	_ = 	snop  }
0x90: {  	s18 =	sld [smem:$0x3FD0];
	(tm) =	ssettm $0x1  }
0x91: {  	s19 =	sld [smem:$0x3FFB];
	_ =	sdelay $0x3  }
0x92: {  	_ =	strace s19  }
0x93: {  	s2 =	sld [smem:$0x3FFC];
	_ =	sdelay $0x3  }
0x94: {  	_ =	strace s2  }
0x95: {  	s2 =	sld [smem:$0x3FFD];
	_ =	sdelay $0x3  }
0x96: {  	_ =	strace s2  }
0x97: {  	_ =	strace $0x8FFFFFFF  }
0x98: {  	s20 =	sld [smem:$0x3FDB];
	_ =	sdelay $0x1  }
0x99: {  	s4 =	simm.s32 $_scs_section_size  }
0x9a: {  	s5 =	simm.s32 $_size__tile_overlayer_lowered;
	s6 =	simm.s32 $_tile_overlayer_lowered  }
0x9b: {  	s7 =	simm.s32 $0x1BFF;
	s21 =	sshll.u32 s6, $0x1;
	s4 =	sadd.s32 s4, s20  }
0x9c: {  	s22 =	simm.s32 $0x0;
	s5 =	sshll.u32 s5, $0x1;
	s6 =	sadd.s32 s21, s4  }
0x9d: {  	[timem:s22], [sflag:s7] =	dma.local [hbm:s6], s5  }
0x9e: {  	_ =	swait.ge [sflag:s7], s5  }
0x9f: {  	s5 =	ssub.s32 $0x0, s5;
	[sflag:s7] =	ssyncset.done $0x0  }
0xa0: {  	[sflag:s7] =	ssyncadd.s32 s5;
	_ =	sdelay $0x1  }
0xa1: {  	s23 =	simm.s32 $0x1B8B  }
0xa2: {  	_ =	swait.ge [sflag:s23], $0x1  }
0xa3: {  	[sflag:s23] =	ssyncset.done $0x0  }
0xa4: {  	[sflag:s23] =	ssyncadd.s32 $0xFFFFFFFF  }
0xa5: {  	s5 =	sld [smem:$0x0]  }
0xa6: {  	s6 =	sand.u32 $0xFFFFFFFE, s1  }
0xa7: {  	p0 =	sne.s32 s1, s6  }
0xa8: {  	s6 =	sshll.u32 @p0 s6, $0xE  }
0xa9: {  	s6 =	sadd.s32 @p0 $0x11B8D, s6;
	s7 =	sshll.u32 @p0 s5, $0x11  }
0xaa: {  	s6 =	sor.u32 @p0 s7, s6  }
0xab: {  	[sflag:s6] =	ssyncadd.remote.s32 @p0 $0x1;
	_ =	sdelay $0x1  }
0xac: {  	s6 =	simm.s32 @p0 $0x1B8D  }
0xad: {  	_ =	swait.eq @p0 [sflag:s6], $0x1  }
0xae: {  	[sflag:s6] =	ssyncadd.s32 @p0 $0xFFFFFFFF  }
0xaf: {  	s7 =	sshll.u32 @!p0 s1, $0xE  }
0xb0: {  	s7 =	sor.u32 @!p0 $0x4000, s7;
	s6 =	simm.s32 @!p0 $0x1B8D  }
0xb1: {  	s5 =	sshll.u32 @!p0 s5, $0x11;
	s7 =	sadd.s32 @!p0 $0x11B8D, s7;
	_ =	swait.eq @!p0 [sflag:s6], $0x1  }
0xb2: {  	s5 =	sor.u32 @!p0 s5, s7;
	[sflag:s6] =	ssyncadd.s32 @!p0 $0xFFFFFFFF  }
0xb3: {  	s25 =	simm.s32 $0x1B8E;
	s24 =	sld [smem:$0x3FFE];
	[sflag:s5] =	ssyncadd.remote.s32 @!p0 $0x1  }
0xb4: {  	s26 =	simm.s32 $execute0_lowered;
	[smem:$0x3FD2] =	sst s25  }
0xb5: {  	s6 =	sshll.u32 s26, $0x1;
	_ =	strace $0x80000049;
	[dreg:$0x1] =	wrdreg $0xFFFFFFFF  }
0xb6: {  	s28 =	simm.s32 $_size_execute0_lowered;
	s4 =	sadd.s32 s4, s6;
	[dreg:$0x0] =	wrdreg $0x0  }
0xb7: {  	s6 =	sshll.u32 s28, $0x1;
	[dreg:$0x2] =	wrdreg s4  }
0xb8: {  	[dreg:$0x3] =	wrdreg s6  }
0xb9: {  	[dreg:$0x4] =	wrdreg $0xC0  }
0xba: {  	_ =	task [dreg:s22], $0x5FFFF  }
0xbb: {  	[dreg:$0x1] =	wrdreg $0xFFFFFFFF  }
0xbc: {  	[dreg:$0x0] =	wrdreg $0x60  }
0xbd: {  	[dreg:$0x2] =	wrdreg s24  }
0xbe: {  	[dreg:$0x3] =	wrdreg s18  }
0xbf: {  	[dreg:$0x4] =	wrdreg $0xA  }
0xc0: {  	_ =	task.clear_ibuf [dreg:s22], $0x5FFFF;
	_ =	strace $0x90000049  }
0xc1: {  	s29 =	simm.s32 $0xA;
	_ =	strace $0x8000004B  }
0xc2: {  	_ =	swait.ge [sflag:s29], $0x1  }
0xc3: {  	[sflag:s29] =	ssyncadd.s32 $0xFFFFFFFF  }
0xc4: {  	_ =	strace $0x9000004B  }
0xc5: {  	_ =	sfence  }
0xc6: {  	s30 =	sld [smem:$0x0];
	_ =	sdelay $0x2  }
0xc7: {  	s31 =	sshll.u32 s1, $0xD;
	s1 =	sshrl.u32 s1, $0x2  }
0xc8: {  	s4 =	sand.u32 $0x4000, s31;
	s1 =	sadd.s32 s1, s30  }
0xc9: {  	s0 =	sor.u32 s4, s0;
	s1 =	sshll.u32 s1, $0x11  }
0xca: {  	s0 =	sor.u32 s1, s0  }
0xcb: {  	s0 =	sadd.s32 $0x8F2B, s0  }
0xcc: {  	[sflag:s0] =	ssyncadd.remote.s32 $0x1  }
0xcd: {  	_ =	sfence.sel $0xFFFF  }
0xce: {  	[dreg:$0x0] =	wrdreg $0xFFFFFFFF;
	(pc) =	sbr.abs _section_cstart, $3  }
0xcf: {  	[dreg:$0x1] =	wrdreg $0xFFFFFFFF  }
0xd0: {  	_ =	task.clear_ibuf [dreg:s22], $0x2FFFF;
	_ =	strace $0x9FFFFFFF  }
0xd1: {  	(tm) =	ssettm $0x7FFFFFFF  }
tec
execute0_lowered:
.L_overlay_start_1:
0x0: {  	(tag) =	ssettag $0x1  }
0x1: {  	s4 =	rddreg [dreg:$0x0]  }
0x2: {  	s2 =	rddreg [dreg:$0x1]  }
0x3: {  	s3 =	srdreg.scid;
	s0 =	stileid.u32;
	s13 =	simm.s32 $0xC000  }
0x4: {  	s12 =	simm.s32 $0x6000;
	s14 =	simm.s32 $0x12000;
	s15 =	simm.s32 $0x2  }
0x5: {  	s16 =	simm.s32 $0x4;
	s17 =	simm.s32 $0x5;
	s18 =	simm.s32 $0x6  }
0x6: {  	s19 =	simm.s32 $0x7;
	s20 =	simm.s32 $0x8;
	s21 =	simm.s32 $0x0  }
0x7: {  	s5 =	sand.u32 $0x1, s3;
	s3 =	simm.s32 $0x0;
	s7 =	sshll.u32 s0, $0x9  }
0x8: {  	s9 =	sadd.s32 $0x184C00, s4;
	s30 =	smul.u32 $0xC000, s0;
	s6 =	sshll.u32 s5, $0xD  }
0x9: {  	[smem:$0x7FF] =	sst s3;
	s8 =	ssub.s32 $0x2, s5;
	s10 =	smul.u32 $0xC0000, s5  }
0xa: {  	s6 =	sor.u32 s7, s6;
	_ =	strace $0x8000004A;
	s28 =	sshrl.u32 s8, $0x1  }
0xb: {  	[dreg:$0x3] =	wrdreg s13;
	s13 =	simm.s32 $0x1;
	s7 =	sshrl.u32 s6, $0x3  }
0xc: {  	s6 =	smul.u32 $0x60, s6;
	s29 =	ssub.s32 s8, s28;
	s31 =	sadd.s32 s10, s9  }
0xd: {  	s8 =	simm.s32 $0x18000;
	s10 =	simm.s32 $0x20;
	s7 =	sadd.s32 s7, s4  }
0xe: {  	s5 =	smax.u32 s29, $0x1;
	s4 =	sadd.s32 $0x183400, s7;
	s6 =	sadd.s32 s9, s6  }
0xf: {  	s7 =	sadd.s32 s30, s31;
	s9 =	simm.s32 $0x9;
	s6 =	sadd.s32 $0xA800, s6  }
.LBB2_1:
0x10: {  	[tilespmem:s8], [sflag:$0x9] =	stream.linear.gather [hbm4b:s4+s3], $0x200, $0x38;
	[tilespmem:$0x18200] =	vst v63  }
0x11: {  	_ =	swait.ge [sflag:s9], $0x200  }
0x12: {  	[sflag:s9] =	ssyncset.done $0x0  }
0x13: {  	p0 =	por $0x1, $0x1;
	[sflag:s9] =	ssyncadd.s32 $0xFFFFFE00  }
0x14: {  	[tilespmem:s3], [sflag:$0x1] =	stream.indirect.gather [hbm4b:s2+s10], $0x300, s8, s10, $0xb8;
	[tilespmem:$0x18200] =	vst v63  }
0x15: {  	s0 =	simm.s32 $0x18020;
	s22 =	simm.s32 @!p0 $0x7  }
0x16: {  	[tilespmem:s12], [sflag:$0x2] =	stream.indirect.gather [hbm4b:s2+s10], $0x300, s0, s10, $0xb8;
	[tilespmem:$0x18200] =	vst v63  }
0x17: {  	_ =	swait.ge @!p0 [sflag:s22], $0x6000  }
0x18: {  	[sflag:s22] =	ssyncset.done @!p0 $0x0  }
0x19: {  	s29 =	simm.s32 $0x18040;
	s23 =	rddreg [dreg:$0x3];
	[sflag:s22] =	ssyncadd.s32 @!p0 $0xFFFFA000  }
0x1a: {  	[tilespmem:s23], [sflag:$0x3] =	stream.indirect.gather [hbm4b:s2+s10], $0x300, s29, s10, $0xb8;
	[tilespmem:$0x18200] =	vst v63  }
0x1b: {  	_ =	swait.ge [sflag:s13], $0x6000  }
0x1c: {  	[sflag:s13] =	ssyncset.done $0x0  }
0x1d: {  	s22 =	simm.s32 @!p0 $0x8;
	[sflag:s13] =	ssyncadd.s32 $0xFFFFA000  }
0x1e: {  	[hbm4b:s7+s3] =	stream.linear.scatter [tilespmem:s3], [sflag:$0x5], $0x6000, $0x38;
	[tilespmem:$0x18200] =	vst v63  }
0x1f: {  	_ =	swait.ge @!p0 [sflag:s22], $0x6000  }
0x20: {  	[sflag:s22] =	ssyncset.done @!p0 $0x0  }
0x21: {  	s30 =	simm.s32 $0x18060;
	[sflag:s22] =	ssyncadd.s32 @!p0 $0xFFFFA000  }
0x22: {  	[tilespmem:s14], [sflag:$0x4] =	stream.indirect.gather [hbm4b:s2+s10], $0x300, s30, s10, $0xb8;
	[tilespmem:$0x18200] =	vst v63  }
0x23: {  	_ =	swait.ge [sflag:s15], $0x6000  }
0x24: {  	p0 =	por $0x0, $0x0;
	[sflag:s15] =	ssyncset.done $0x0  }
0x25: {  	s31 =	sadd.s32 $0xC00, s7;
	s23 =	simm.s32 @p0 $0x3;
	[sflag:s15] =	ssyncadd.s32 $0xFFFFA000  }
0x26: {  	[hbm4b:s31+s3] =	stream.linear.scatter [tilespmem:s12], [sflag:$0x6], $0x6000, $0x38;
	[tilespmem:$0x18200] =	vst v63  }
0x27: {  	_ =	swait.ge @p0 [sflag:s23], $0x6000  }
0x28: {  	s22 =	simm.s32 @p0 $0x0;
	[sflag:s23] =	ssyncset.done @p0 $0x0  }
0x29: {  	s24 =	simm.s32 @p0 $0xC000;
	[sflag:s23] =	ssyncadd.s32 @p0 $0xFFFFA000;
	s23 =	simm.s32 @!p0 $0x5  }
0x2a: {  	[hbm4b:s6+s22] =	stream.linear.scatter @p0 [tilespmem:s24], [sflag:$0x7], $0x6000, $0x38;
	[tilespmem:$0x18200] =	vst v63  }
0x2b: {  	_ =	swait.ge @!p0 [sflag:s23], $0x6000  }
0x2c: {  	s25 =	simm.s32 @!p0 $0x20;
	s22 =	simm.s32 @!p0 $0x18080;
	[sflag:s23] =	ssyncset.done @!p0 $0x0  }
0x2d: {  	s24 =	simm.s32 @!p0 $0x0;
	[sflag:s23] =	ssyncadd.s32 @!p0 $0xFFFFA000;
	s23 =	simm.s32 @!p0 $0x3  }
0x2e: {  	[tilespmem:s24], [sflag:$0x1] =	stream.indirect.gather @!p0 [hbm4b:s2+s25], $0x300, s22, s25, $0xb8;
	[tilespmem:$0x18200] =	vst v63  }
0x2f: {  	_ =	swait.ge @!p0 [sflag:s23], $0x6000  }
0x30: {  	s26 =	simm.s32 @!p0 $0xC000;
	[sflag:s23] =	ssyncset.done @!p0 $0x0  }
0x31: {  	s28 =	simm.s32 @!p0 $0x6;
	s22 =	sadd.s32 @!p0 $0x1800, s7;
	[sflag:s23] =	ssyncadd.s32 @!p0 $0xFFFFA000  }
0x32: {  	[hbm4b:s22+s24] =	stream.linear.scatter @!p0 [tilespmem:s26], [sflag:$0x7], $0x6000, $0x38;
	[tilespmem:$0x18200] =	vst v63  }
0x33: {  	_ =	swait.ge @!p0 [sflag:s28], $0x6000  }
0x34: {  	p1 =	por $0x0, $0x0;
	s23 =	sadd.s32 $0x3000, s7;
	[sflag:s28] =	ssyncset.done @!p0 $0x0  }
0x35: {  	s22 =	simm.s32 @!p0 $0x180A0;
	s26 =	simm.s32 @!p0 $0x6000;
	[sflag:s28] =	ssyncadd.s32 @!p0 $0xFFFFA000  }
0x36: {  	[tilespmem:s26], [sflag:$0x2] =	stream.indirect.gather @!p0 [hbm4b:s2+s25], $0x300, s22, s25, $0xb8;
	[tilespmem:$0x18200] =	vst v63  }
0x37: {  	s24 =	simm.s32 $0x200;
	s28 =	sadd.s32 $0x3000, s23;
	s25 =	sadd.s32 $0x2400, s7  }
0x38: {  	s26 =	simm.s32 $0x400;
	s22 =	sadd.s32 $0x2400, s23;
	_ =	swait.ge [sflag:s16], $0x6000  }
.LBB2_2:
0x39: {  	[sflag:s16] =	ssyncset.done $0x0  }
0x3a: {  	s30 =	simm.s32 @!p1 $0x7;
	[sflag:s16] =	ssyncadd.s32 $0xFFFFA000  }
0x3b: {  	[hbm4b:s25+s3] =	stream.linear.scatter [tilespmem:s14], [sflag:$0x8], $0x6000, $0x38;
	[tilespmem:$0x18200] =	vst v63  }
0x3c: {  	_ =	swait.ge @!p1 [sflag:s30], $0x6000  }
0x3d: {  	s11 =	sshra.s32 s24, $0x2;
	[sflag:s30] =	ssyncset.done @!p1 $0x0  }
0x3e: {  	s1 =	sadd.s32 $0x18040, s11;
	s0 =	rddreg [dreg:$0x3];
	[sflag:s30] =	ssyncadd.s32 @!p1 $0xFFFFA000  }
0x3f: {  	[tilespmem:s0], [sflag:$0x3] =	stream.indirect.gather [hbm4b:s2+s10], $0x300, s1, s10, $0xb8;
	[tilespmem:$0x18200] =	vst v63  }
0x40: {  	_ =	swait.ge [sflag:s13], $0x6000  }
0x41: {  	[sflag:s13] =	ssyncset.done $0x0  }
0x42: {  	s0 =	simm.s32 @!p1 $0x8;
	[sflag:s13] =	ssyncadd.s32 $0xFFFFA000  }
0x43: {  	[hbm4b:s23+s3] =	stream.linear.scatter [tilespmem:s3], [sflag:$0x5], $0x6000, $0x38;
	[tilespmem:$0x18200] =	vst v63  }
0x44: {  	_ =	swait.ge @!p1 [sflag:s0], $0x6000  }
0x45: {  	[sflag:s0] =	ssyncset.done @!p1 $0x0  }
0x46: {  	s11 =	sadd.s32 $0x18060, s11;
	[sflag:s0] =	ssyncadd.s32 @!p1 $0xFFFFA000  }
0x47: {  	[tilespmem:s14], [sflag:$0x4] =	stream.indirect.gather [hbm4b:s2+s10], $0x300, s11, s10, $0xb8;
	[tilespmem:$0x18200] =	vst v63  }
0x48: {  	s31 =	sadd.s32 $0x2400, s28;
	s25 =	smov.u32 s22;
	_ =	swait.ge [sflag:s15], $0x6000  }
0x49: {  	s22 =	smov.u32 s31;
	p1 =	seq.s32 s24, $0x600;
	[sflag:s15] =	ssyncset.done $0x0  }
0x4a: {  	s31 =	sadd.s32 $0xC00, s23;
	s30 =	simm.s32 @p1 $0x3;
	[sflag:s15] =	ssyncadd.s32 $0xFFFFA000  }
0x4b: {  	[hbm4b:s31+s3] =	stream.linear.scatter [tilespmem:s12], [sflag:$0x6], $0x6000, $0x38;
	[tilespmem:$0x18200] =	vst v63  }
0x4c: {  	s29 =	smov.u32 s26;
	_ =	swait.ge @p1 [sflag:s30], $0x6000  }
0x4d: {  	s24 =	sshra.s32 @!p1 s24, $0x2;
	s1 =	simm.s32 @p1 $0x0;
	[sflag:s30] =	ssyncset.done @p1 $0x0  }
0x4e: {  	s11 =	simm.s32 @p1 $0xC000;
	[sflag:s30] =	ssyncadd.s32 @p1 $0xFFFFA000;
	s30 =	simm.s32 @!p1 $0x5  }
0x4f: {  	[hbm4b:s6+s1] =	stream.linear.scatter @p1 [tilespmem:s11], [sflag:$0x7], $0x6000, $0x38;
	[tilespmem:$0x18200] =	vst v63  }
0x50: {  	s0 =	sadd.s32 @!p1 $0x18080, s24;
	s31 =	sadd.s32 @!p1 $0x180A0, s24;
	_ =	swait.ge @!p1 [sflag:s30], $0x6000  }
0x51: {  	s24 =	smov.u32 s29;
	s29 =	simm.s32 @!p1 $0x3;
	[sflag:s30] =	ssyncset.done @!p1 $0x0  }
0x52: {  	s1 =	simm.s32 @!p1 $0x20;
	s11 =	simm.s32 @!p1 $0x0;
	[sflag:s30] =	ssyncadd.s32 @!p1 $0xFFFFA000  }
0x53: {  	[tilespmem:s11], [sflag:$0x1] =	stream.indirect.gather @!p1 [hbm4b:s2+s1], $0x300, s0, s1, $0xb8;
	[tilespmem:$0x18200] =	vst v63  }
0x54: {  	s26 =	sadd.s32 $0x200, s26;
	_ =	swait.ge @!p1 [sflag:s29], $0x6000  }
0x55: {  	p0 =	sne.s32 s26, $0x800;
	s30 =	simm.s32 @!p1 $0xC000;
	[sflag:s29] =	ssyncset.done @!p1 $0x0  }
0x56: {  	s0 =	sadd.s32 @!p1 $0x1800, s23;
	[sflag:s29] =	ssyncadd.s32 @!p1 $0xFFFFA000;
	s29 =	simm.s32 @!p1 $0x6  }
0x57: {  	[hbm4b:s0+s11] =	stream.linear.scatter @!p1 [tilespmem:s30], [sflag:$0x7], $0x6000, $0x38;
	[tilespmem:$0x18200] =	vst v63  }
.Ltmp0:
0x58: {  	_ =	swait.ge @!p1 [sflag:s29], $0x6000;
	(pc) =	sbr.rel @p0 .LBB2_2-.Ltmp0, $4  }
0x59: {  	[sflag:s29] =	ssyncset.done @!p1 $0x0  }
0x5a: {  	s23 =	smov.u32 s28;
	s0 =	simm.s32 @!p1 $0x6000;
	[sflag:s29] =	ssyncadd.s32 @!p1 $0xFFFFA000  }
0x5b: {  	[tilespmem:s0], [sflag:$0x2] =	stream.indirect.gather @!p1 [hbm4b:s2+s1], $0x300, s31, s1, $0xb8;
	[tilespmem:$0x18200] =	vst v63  }
0x5c: {  	s28 =	sadd.s32 $0x3000, s28;
	p1 =	seq.s32 s24, $0x0;
	_ =	swait.ge [sflag:s16], $0x6000  }
0x5d: {  	[sflag:s16] =	ssyncset.done $0x0  }
0x5e: {  	s0 =	simm.s32 @!p1 $0x7;
	[sflag:s16] =	ssyncadd.s32 $0xFFFFA000  }
0x5f: {  	[hbm4b:s25+s3] =	stream.linear.scatter [tilespmem:s14], [sflag:$0x8], $0x6000, $0x38;
	[tilespmem:$0x18200] =	vst v63  }
0x60: {  	_ =	swait.ge @!p1 [sflag:s0], $0x6000  }
0x61: {  	s11 =	sshra.s32 s24, $0x2;
	[sflag:s0] =	ssyncset.done @!p1 $0x0  }
0x62: {  	s29 =	sadd.s32 $0x18040, s11;
	s1 =	rddreg [dreg:$0x3];
	[sflag:s0] =	ssyncadd.s32 @!p1 $0xFFFFA000  }
0x63: {  	[tilespmem:s1], [sflag:$0x3] =	stream.indirect.gather [hbm4b:s2+s10], $0x300, s29, s10, $0xb8;
	[tilespmem:$0x18200] =	vst v63  }
0x64: {  	_ =	swait.ge [sflag:s13], $0x6000  }
0x65: {  	[sflag:s13] =	ssyncset.done $0x0  }
0x66: {  	s0 =	simm.s32 @!p1 $0x8;
	[sflag:s13] =	ssyncadd.s32 $0xFFFFA000  }
0x67: {  	[hbm4b:s23+s3] =	stream.linear.scatter [tilespmem:s3], [sflag:$0x5], $0x6000, $0x38;
	[tilespmem:$0x18200] =	vst v63  }
0x68: {  	_ =	swait.ge @!p1 [sflag:s0], $0x6000  }
0x69: {  	[sflag:s0] =	ssyncset.done @!p1 $0x0  }
0x6a: {  	s30 =	sadd.s32 $0x18060, s11;
	[sflag:s0] =	ssyncadd.s32 @!p1 $0xFFFFA000  }
0x6b: {  	[tilespmem:s14], [sflag:$0x4] =	stream.indirect.gather [hbm4b:s2+s10], $0x300, s30, s10, $0xb8;
	[tilespmem:$0x18200] =	vst v63  }
0x6c: {  	_ =	swait.ge [sflag:s15], $0x6000  }
0x6d: {  	p0 =	seq.s32 s24, $0x600;
	[sflag:s15] =	ssyncset.done $0x0  }
0x6e: {  	s31 =	sadd.s32 $0xC00, s23;
	s1 =	simm.s32 @p0 $0x3;
	[sflag:s15] =	ssyncadd.s32 $0xFFFFA000  }
0x6f: {  	[hbm4b:s31+s3] =	stream.linear.scatter [tilespmem:s12], [sflag:$0x6], $0x6000, $0x38;
	[tilespmem:$0x18200] =	vst v63  }
0x70: {  	_ =	swait.ge @p0 [sflag:s1], $0x6000  }
0x71: {  	s11 =	simm.s32 @p0 $0xC000;
	[sflag:s1] =	ssyncset.done @p0 $0x0  }
0x72: {  	s0 =	simm.s32 @p0 $0x0;
	[sflag:s1] =	ssyncadd.s32 @p0 $0xFFFFA000;
	s1 =	simm.s32 @!p0 $0x5  }
0x73: {  	[hbm4b:s6+s0] =	stream.linear.scatter @p0 [tilespmem:s11], [sflag:$0x7], $0x6000, $0x38;
	[tilespmem:$0x18200] =	vst v63  }
0x74: {  	s25 =	simm.s32 @!p0 $0x0;
	_ =	swait.ge @!p0 [sflag:s1], $0x6000  }
0x75: {  	s0 =	sshra.s32 @!p0 s24, $0x2;
	s24 =	simm.s32 @!p0 $0x20;
	[sflag:s1] =	ssyncset.done @!p0 $0x0  }
0x76: {  	s11 =	sadd.s32 @!p0 $0x18080, s0;
	[sflag:s1] =	ssyncadd.s32 @!p0 $0xFFFFA000;
	s1 =	simm.s32 @!p0 $0x3  }
0x77: {  	[tilespmem:s25], [sflag:$0x1] =	stream.indirect.gather @!p0 [hbm4b:s2+s24], $0x300, s11, s24, $0xb8;
	[tilespmem:$0x18200] =	vst v63  }
0x78: {  	_ =	swait.ge @!p0 [sflag:s1], $0x6000  }
0x79: {  	s11 =	sadd.s32 @!p0 $0x1800, s23;
	[sflag:s1] =	ssyncset.done @!p0 $0x0  }
0x7a: {  	s23 =	simm.s32 @!p0 $0xC000;
	[sflag:s1] =	ssyncadd.s32 @!p0 $0xFFFFA000;
	s1 =	simm.s32 @!p0 $0x6  }
0x7b: {  	[hbm4b:s11+s25] =	stream.linear.scatter @!p0 [tilespmem:s23], [sflag:$0x7], $0x6000, $0x38;
	[tilespmem:$0x18200] =	vst v63  }
0x7c: {  	_ =	swait.ge @!p0 [sflag:s1], $0x6000  }
0x7d: {  	[sflag:s1] =	ssyncset.done @!p0 $0x0  }
0x7e: {  	s0 =	sadd.s32 @!p0 $0x180A0, s0;
	s11 =	simm.s32 @!p0 $0x6000;
	[sflag:s1] =	ssyncadd.s32 @!p0 $0xFFFFA000  }
0x7f: {  	[tilespmem:s11], [sflag:$0x2] =	stream.indirect.gather @!p0 [hbm4b:s2+s24], $0x300, s0, s24, $0xb8;
	[tilespmem:$0x18200] =	vst v63  }
0x80: {  	_ =	swait.ge [sflag:s16], $0x6000  }
0x81: {  	[sflag:s16] =	ssyncset.done $0x0  }
0x82: {  	[sflag:s16] =	ssyncadd.s32 $0xFFFFA000  }
0x83: {  	[hbm4b:s22+s3] =	stream.linear.scatter [tilespmem:s14], [sflag:$0x8], $0x6000, $0x38;
	[tilespmem:$0x18200] =	vst v63  }
0x84: {  	_ =	swait.ge [sflag:s17], $0x6000  }
0x85: {  	[sflag:s17] =	ssyncset.done $0x0  }
0x86: {  	[sflag:s17] =	ssyncadd.s32 $0xFFFFA000  }
0x87: {  	_ =	swait.ge [sflag:s18], $0x6000  }
0x88: {  	[sflag:s18] =	ssyncset.done $0x0  }
0x89: {  	s21 =	sadd.s32 $0x1, s21;
	[sflag:s18] =	ssyncadd.s32 $0xFFFFA000  }
0x8a: {  	p0 =	sne.s32 s21, s5;
	_ =	swait.ge [sflag:s19], $0x6000  }
.Ltmp1:
0x8b: {  	[sflag:s19] =	ssyncset.done $0x0;
	(pc) =	sbr.rel @p0 .LBB2_1-.Ltmp1, $4  }
0x8c: {  	[sflag:s19] =	ssyncadd.s32 $0xFFFFA000  }
0x8d: {  	_ =	swait.ge [sflag:s20], $0x6000  }
0x8e: {  	[sflag:s20] =	ssyncset.done $0x0  }
0x8f: {  	[sflag:s20] =	ssyncadd.s32 $0xFFFFA000  }
0x90: {  	_ =	sfence.sel $0x180000  }
0x91: {  	[bflag:$0x0] =	sbarrier.arrive $0xFFFF  }
0x92: {  	_ =	strace $0x9000004A  }
0x93: {  	s0 =	stileid.u32;
	[bflag:$0x2] =	sbarrier.arrive $0xFFFF  }
0x94: {  	p0 =	sne.s32 s0, $0x0;
	s0 =	rddreg [dreg:$0x2]  }
0x95: {  	s0 =	sadd.s32 @!p0 $0x100000, s0  }
0x96: {  	[sflag:s0] =	ssyncadd.tile.s32 @!p0 $0x1;
	_ =	shalt  }
.Lfunc_end2:
_tile_overlayer_lowered:
.L_overlay_start_2:
0x97: {  	(tag) =	ssettag $0x2  }
0x98: {  	s0 =	rddreg [dreg:$0x0];
	s2 =	stileid.u32  }
0x99: {  	s1 =	rddreg [dreg:$0x1];
	p0 =	sne.s32 s2, $0x0  }
0x9a: {  	s3 =	rddreg [dreg:$0x2];
	[bflag:$0x3] =	sbarrier.arrive $0xFFFF;
	s2 =	simm.s32 @!p0 $0x1C09  }
0x9b: {  	[timem:s3], [sflag:s2] =	dma.local @!p0 [hbm:s0], s1  }
0x9c: {  	s0 =	simm.s32 @!p0 $0x9  }
0x9d: {  	_ =	swait.ge @!p0 [sflag:s0], s1  }
0x9e: {  	s1 =	ssub.s32 @!p0 $0x0, s1;
	[sflag:s0] =	ssyncset.done @!p0 $0x0  }
0x9f: {  	[sflag:s0] =	ssyncadd.s32 @!p0 s1  }
0xa0: {  	[bflag:$0x3] =	sbarrier.arrive $0xFFFF  }
0xa1: {  	_ =	shalt  }

// kernel: kernel.16.cloned.1.call-start
scs
__scs_entry_jumppad:
0x0: {  	(pc) =	sbr.rel $0x88, $3  }
0x1: {  	(tag) =	ssettag $0x0;
	lr =	simm.s32 $0x1  }
0x2: {  	[smem:$0x3F9A] =	sst lr;
	_ =	strace $0xD0000000  }
0x3: {  	_ = 	snop  }
0x4: {  	_ = 	snop  }
0x5: {  	_ = 	snop  }
0x6: {  	_ = 	snop  }
0x7: {  	_ = 	snop  }
__scs_overlays_trampoline_lowered:
0x8: {  	[smem:$0x3FA9] =	sst s0  }
0x9: {  	[smem:$0x3FAA] =	sst s1  }
0xa: {  	[smem:$0x3FAB] =	sst s2  }
0xb: {  	[smem:$0x3FAC] =	sst s3  }
0xc: {  	[smem:$0x3FAD] =	sst s4  }
0xd: {  	[smem:$0x3FAE] =	sst s5  }
0xe: {  	[smem:$0x3FAF] =	sst s6  }
0xf: {  	[smem:$0x3FB0] =	sst s7  }
0x10: {  	[smem:$0x3FB1] =	sst s8  }
0x11: {  	[smem:$0x3FB2] =	sst s9;
	s0 =	simm.s32 @!p0 $0x0  }
0x12: {  	s1 =	sld [smem:$0x3F98];
	s0 =	simm.s32 @p0 $0x1  }
0x13: {  	[smem:$0x3FB3] =	sst s0;
	s0 =	simm.s32 @!p1 $0x0  }
0x14: {  	s2 =	sld [smem:$0x3F97];
	s0 =	simm.s32 @p1 $0x1  }
0x15: {  	[smem:$0x3FB4] =	sst s0;
	s0 =	simm.s32 @!p2 $0x0  }
0x16: {  	s3 =	sld [smem:$0x3FDB];
	s0 =	simm.s32 @p2 $0x1  }
0x17: {  	s4 =	simm.s32 $0x1BF5;
	[smem:$0x3FB6] =	sst s0  }
0x18: {  	s0 =	sld [smem:$0x3F99];
	_ =	swait.ge [sflag:s4], $0x0  }
0x19: {  	s7 =	sld [smem:$0x3F9A]  }
0x1a: {  	s8 =	sadd.s32 $0xFFFFE003, lr  }
0x1b: {  	s9 =	sadd.s32 $0xFFFFFEF7, lr;
	s5 =	simm.s32 $0xFFFFFFFF;
	p2 =	slt.u32 s8, $0xFFFFF086  }
0x1c: {  	p1 =	slt.u32 s9, $0xF7A;
	s5 =	simm.s32 @!p2 $0x0  }
0x1d: {  	s5 =	simm.s32 @p1 $0x1;
	p0 =	seq.s32 s7, s2  }
0x1e: {  	s7 =	smul.u32 @!p0 $0xF7A, s2;
	p2 =	seq.s32 @!p0 s5, $0x0  }
0x1f: {  	s9 =	smul.u32 $0xF7A, s1;
	s8 =	simm.s32 @!p0 $0x1BF5;
	p2 =	por !p2, p0  }
0x20: {  	[sflag:s8] =	ssyncset.s32 @!p0 $0xFFFFF086;
	s6 =	sadd.s32 @!p0 s3, s7;
	s7 =	simm.s32 @!p0 $0x108  }
0x21: {  	s3 =	sadd.s32 s3, s9;
	s6 =	sadd.s32 @!p0 $0x88, s6;
	s7 =	simm.s32 @p2 $0x1082  }
0x22: {  	[simem:s7], [sflag:s8] =	dma.local @!p0 [hbm:s6], $0xF7A  }
0x23: {  	s9 =	sor.u32 $0xD0000000, s2;
	s6 =	simm.s32 $0x108;
	_ =	swait.ge @!p0 [sflag:s8], $0x0  }
0x24: {  	s3 =	sadd.s32 $0x88, s3;
	s6 =	simm.s32 @!p1 $0x1082;
	[sflag:s4] =	ssyncset.s32 $0xFFFFF086  }
0x25: {  	[simem:s6], [sflag:s4] =	dma.local [hbm:s3], $0xF7A  }
0x26: {  	[smem:$0x3F9A] =	sst s1;
	(tag) =	ssettag s2;
	_ =	strace s9  }
0x27: {  	s1 =	sld [smem:$0x3FAA]  }
0x28: {  	s2 =	sld [smem:$0x3FAB]  }
0x29: {  	s4 =	sld [smem:$0x3FAD]  }
0x2a: {  	p0 =	seq.s32 s5, $0x0;
	s5 =	sld [smem:$0x3FAE]  }
0x2b: {  	s6 =	sld [smem:$0x3FAF]  }
0x2c: {  	s7 =	sld [smem:$0x3FB0]  }
0x2d: {  	s3 =	simm.s32 $0x108;
	s8 =	sld [smem:$0x3FB1]  }
0x2e: {  	s3 =	simm.s32 @!p0 $0x1082;
	s9 =	sld [smem:$0x3FB2]  }
0x2f: {  	lr =	sadd.s32 s0, s3;
	s0 =	sld [smem:$0x3FA9]  }
0x30: {  	s3 =	sld [smem:$0x3FAC]  }
0x31: {  	[smem:$0x3FB5] =	sst s10  }
0x32: {  	s10 =	sld [smem:$0x3FB3];
	_ =	sdelay $0x3  }
0x33: {  	p0 =	seq.s32 s10, $0x1;
	s10 =	sld [smem:$0x3FB5];
	_ =	sdelay $0x3  }
0x34: {  	[smem:$0x3FB5] =	sst s10  }
0x35: {  	s10 =	sld [smem:$0x3FB4];
	_ =	sdelay $0x3  }
0x36: {  	p1 =	seq.s32 s10, $0x1;
	s10 =	sld [smem:$0x3FB5];
	_ =	sdelay $0x3  }
0x37: {  	[smem:$0x3FB5] =	sst s10  }
0x38: {  	s10 =	sld [smem:$0x3FB6]  }
0x39: {  	_ = 	snop;
	(pc) =	sbr.ind lr, $3  }
0x3a: {  	_ = 	snop  }
0x3b: {  	_ = 	snop  }
0x3c: {  	p2 =	seq.s32 s10, $0x1;
	s10 =	sld [smem:$0x3FB5]  }
0x3d: {  	_ =	shalt  }
0x3e: {  	_ =	shalt  }
0x3f: {  	_ =	shalt  }
0x40: {  	_ =	shalt  }
0x41: {  	_ =	shalt  }
0x42: {  	_ =	shalt  }
0x43: {  	_ =	shalt  }
0x44: {  	_ =	shalt  }
0x45: {  	_ =	shalt  }
0x46: {  	_ =	shalt  }
0x47: {  	_ =	shalt  }
0x48: {  	_ =	shalt  }
0x49: {  	_ =	shalt  }
0x4a: {  	_ =	shalt  }
0x4b: {  	_ =	shalt  }
0x4c: {  	_ =	shalt  }
0x4d: {  	_ =	shalt  }
0x4e: {  	_ =	shalt  }
0x4f: {  	_ =	shalt  }
0x50: {  	_ =	shalt  }
0x51: {  	_ =	shalt  }
0x52: {  	_ =	shalt  }
0x53: {  	_ =	shalt  }
0x54: {  	_ =	shalt  }
0x55: {  	_ =	shalt  }
0x56: {  	_ =	shalt  }
0x57: {  	_ =	shalt  }
0x58: {  	_ =	shalt  }
0x59: {  	_ =	shalt  }
0x5a: {  	_ =	shalt  }
0x5b: {  	_ =	shalt  }
0x5c: {  	_ =	shalt  }
0x5d: {  	_ =	shalt  }
0x5e: {  	_ =	shalt  }
0x5f: {  	_ =	shalt  }
0x60: {  	_ =	shalt  }
0x61: {  	_ =	shalt  }
0x62: {  	_ =	shalt  }
0x63: {  	_ =	shalt  }
0x64: {  	_ =	shalt  }
0x65: {  	_ =	shalt  }
0x66: {  	_ =	shalt  }
0x67: {  	_ =	shalt  }
0x68: {  	_ =	shalt  }
0x69: {  	_ =	shalt  }
0x6a: {  	_ =	shalt  }
0x6b: {  	_ =	shalt  }
0x6c: {  	_ =	shalt  }
0x6d: {  	_ =	shalt  }
0x6e: {  	_ =	shalt  }
0x6f: {  	_ =	shalt  }
0x70: {  	_ =	shalt  }
0x71: {  	_ =	shalt  }
0x72: {  	_ =	shalt  }
0x73: {  	_ =	shalt  }
0x74: {  	_ =	shalt  }
0x75: {  	_ =	shalt  }
0x76: {  	_ =	shalt  }
0x77: {  	_ =	shalt  }
0x78: {  	_ =	shalt  }
0x79: {  	_ =	shalt  }
0x7a: {  	_ =	shalt  }
0x7b: {  	_ =	shalt  }
0x7c: {  	_ =	shalt  }
0x7d: {  	_ =	shalt  }
0x7e: {  	_ =	shalt  }
0x7f: {  	_ =	shalt  }
0x80: {  	_ =	shalt  }
0x81: {  	_ =	shalt  }
0x82: {  	_ =	shalt  }
0x83: {  	_ =	shalt  }
0x84: {  	_ =	shalt  }
0x85: {  	_ =	shalt  }
0x86: {  	_ =	shalt  }
0x87: {  	_ =	shalt  }
.Lfunc_end0:
.L_simem_size_0:
called_computation.2_lowered:
.L_overlay_start_0:
0x88: {  	s2 =	sld [smem:$0x3FD9]  }
0x89: {  	s3 =	sld [smem:$0x3FFE];
	_ =	sdelay $0x1  }
0x8a: {  	s1 =	srdreg.scid  }
0x8b: {  	s0 =	sand.u32 $0x1, s1  }
0x8c: {  	s17 =	sshll.u32 s0, $0xA;
	s2 =	sadd.s32 s3, s2  }
0x8d: {  	s2 =	sadd.s32 s2, s17  }
0x8e: {  	[smem:$0x3FC1] =	sst s2  }
0x8f: {  	_ = 	snop  }
0x90: {  	s18 =	sld [smem:$0x3FD0];
	(tm) =	ssettm $0x1  }
0x91: {  	s19 =	sld [smem:$0x3FFB];
	_ =	sdelay $0x3  }
0x92: {  	_ =	strace s19  }
0x93: {  	s2 =	sld [smem:$0x3FFC];
	_ =	sdelay $0x3  }
0x94: {  	_ =	strace s2  }
0x95: {  	s2 =	sld [smem:$0x3FFD];
	_ =	sdelay $0x3  }
0x96: {  	_ =	strace s2  }
0x97: {  	_ =	strace $0x8FFFFFFF  }
0x98: {  	s20 =	sld [smem:$0x3FDB];
	_ =	sdelay $0x1  }
0x99: {  	s4 =	simm.s32 $_scs_section_size  }
0x9a: {  	s5 =	simm.s32 $_size__tile_overlayer_lowered;
	s6 =	simm.s32 $_tile_overlayer_lowered  }
0x9b: {  	s7 =	simm.s32 $0x1BFF;
	s21 =	sshll.u32 s6, $0x1;
	s4 =	sadd.s32 s4, s20  }
0x9c: {  	s22 =	simm.s32 $0x0;
	s5 =	sshll.u32 s5, $0x1;
	s6 =	sadd.s32 s21, s4  }
0x9d: {  	[timem:s22], [sflag:s7] =	dma.local [hbm:s6], s5  }
0x9e: {  	_ =	swait.ge [sflag:s7], s5  }
0x9f: {  	s5 =	ssub.s32 $0x0, s5;
	[sflag:s7] =	ssyncset.done $0x0  }
0xa0: {  	[sflag:s7] =	ssyncadd.s32 s5;
	_ =	sdelay $0x1  }
0xa1: {  	s23 =	simm.s32 $0x1B8B  }
0xa2: {  	_ =	swait.ge [sflag:s23], $0x1  }
0xa3: {  	[sflag:s23] =	ssyncset.done $0x0  }
0xa4: {  	[sflag:s23] =	ssyncadd.s32 $0xFFFFFFFF  }
0xa5: {  	s5 =	sld [smem:$0x0]  }
0xa6: {  	s6 =	sand.u32 $0xFFFFFFFE, s1  }
0xa7: {  	p0 =	sne.s32 s1, s6  }
0xa8: {  	s6 =	sshll.u32 @p0 s6, $0xE  }
0xa9: {  	s6 =	sadd.s32 @p0 $0x11B8D, s6;
	s7 =	sshll.u32 @p0 s5, $0x11  }
0xaa: {  	s6 =	sor.u32 @p0 s7, s6  }
0xab: {  	[sflag:s6] =	ssyncadd.remote.s32 @p0 $0x1;
	_ =	sdelay $0x1  }
0xac: {  	s6 =	simm.s32 @p0 $0x1B8D  }
0xad: {  	_ =	swait.eq @p0 [sflag:s6], $0x1  }
0xae: {  	[sflag:s6] =	ssyncadd.s32 @p0 $0xFFFFFFFF  }
0xaf: {  	s7 =	sshll.u32 @!p0 s1, $0xE  }
0xb0: {  	s7 =	sor.u32 @!p0 $0x4000, s7;
	s6 =	simm.s32 @!p0 $0x1B8D  }
0xb1: {  	s5 =	sshll.u32 @!p0 s5, $0x11;
	s7 =	sadd.s32 @!p0 $0x11B8D, s7;
	_ =	swait.eq @!p0 [sflag:s6], $0x1  }
0xb2: {  	s5 =	sor.u32 @!p0 s5, s7;
	[sflag:s6] =	ssyncadd.s32 @!p0 $0xFFFFFFFF  }
0xb3: {  	s25 =	simm.s32 $0x1B8E;
	s24 =	sld [smem:$0x3FFE];
	[sflag:s5] =	ssyncadd.remote.s32 @!p0 $0x1  }
0xb4: {  	s26 =	simm.s32 $execute0_lowered;
	[smem:$0x3FD2] =	sst s25  }
0xb5: {  	s6 =	sshll.u32 s26, $0x1;
	_ =	strace $0x8000004C;
	[dreg:$0x1] =	wrdreg $0xFFFFFFFF  }
0xb6: {  	s28 =	simm.s32 $_size_execute0_lowered;
	s4 =	sadd.s32 s4, s6;
	[dreg:$0x0] =	wrdreg $0x0  }
0xb7: {  	s6 =	sshll.u32 s28, $0x1;
	[dreg:$0x2] =	wrdreg s4  }
0xb8: {  	[dreg:$0x3] =	wrdreg s6  }
0xb9: {  	[dreg:$0x4] =	wrdreg $0xC0  }
0xba: {  	_ =	task [dreg:s22], $0x5FFFF  }
0xbb: {  	[dreg:$0x1] =	wrdreg $0xFFFFFFFF  }
0xbc: {  	[dreg:$0x0] =	wrdreg $0x60  }
0xbd: {  	[dreg:$0x2] =	wrdreg s24  }
0xbe: {  	[dreg:$0x3] =	wrdreg s18  }
0xbf: {  	[dreg:$0x4] =	wrdreg $0xB  }
0xc0: {  	_ =	task.clear_ibuf [dreg:s22], $0x5FFFF;
	_ =	strace $0x9000004C  }
0xc1: {  	s29 =	simm.s32 $0xB;
	_ =	strace $0x8000004E  }
0xc2: {  	_ =	swait.ge [sflag:s29], $0x1  }
0xc3: {  	[sflag:s29] =	ssyncadd.s32 $0xFFFFFFFF  }
0xc4: {  	_ =	strace $0x9000004E  }
0xc5: {  	_ =	sfence  }
0xc6: {  	s30 =	sld [smem:$0x0];
	_ =	sdelay $0x2  }
0xc7: {  	s31 =	sshll.u32 s1, $0xD;
	s1 =	sshrl.u32 s1, $0x2  }
0xc8: {  	s4 =	sand.u32 $0x4000, s31;
	s1 =	sadd.s32 s1, s30  }
0xc9: {  	s0 =	sor.u32 s4, s0;
	s1 =	sshll.u32 s1, $0x11  }
0xca: {  	s0 =	sor.u32 s1, s0  }
0xcb: {  	s0 =	sadd.s32 $0x8F2B, s0  }
0xcc: {  	[sflag:s0] =	ssyncadd.remote.s32 $0x1  }
0xcd: {  	_ =	sfence.sel $0xFFFF  }
0xce: {  	[dreg:$0x0] =	wrdreg $0xFFFFFFFF;
	(pc) =	sbr.abs _section_cstart, $3  }
0xcf: {  	[dreg:$0x1] =	wrdreg $0xFFFFFFFF  }
0xd0: {  	_ =	task.clear_ibuf [dreg:s22], $0x2FFFF;
	_ =	strace $0x9FFFFFFF  }
0xd1: {  	(tm) =	ssettm $0x7FFFFFFF  }
tec
execute0_lowered:
.L_overlay_start_1:
0x0: {  	(tag) =	ssettag $0x1  }
0x1: {  	s4 =	rddreg [dreg:$0x0]  }
0x2: {  	s2 =	rddreg [dreg:$0x1]  }
0x3: {  	s3 =	srdreg.scid;
	s0 =	stileid.u32;
	s13 =	simm.s32 $0xC000  }
0x4: {  	s12 =	simm.s32 $0x6000;
	s14 =	simm.s32 $0x12000;
	s15 =	simm.s32 $0x2  }
0x5: {  	s16 =	simm.s32 $0x4;
	s17 =	simm.s32 $0x5;
	s18 =	simm.s32 $0x6  }
0x6: {  	s19 =	simm.s32 $0x7;
	s20 =	simm.s32 $0x8;
	s21 =	simm.s32 $0x0  }
0x7: {  	s5 =	sand.u32 $0x1, s3;
	s3 =	simm.s32 $0x0;
	s7 =	sshll.u32 s0, $0x9  }
0x8: {  	s9 =	sadd.s32 $0x304C00, s4;
	s30 =	smul.u32 $0xC000, s0;
	s6 =	sshll.u32 s5, $0xD  }
0x9: {  	[smem:$0x7FF] =	sst s3;
	s8 =	ssub.s32 $0x2, s5;
	s10 =	smul.u32 $0xC0000, s5  }
0xa: {  	s6 =	sor.u32 s7, s6;
	_ =	strace $0x8000004D;
	s28 =	sshrl.u32 s8, $0x1  }
0xb: {  	[dreg:$0x3] =	wrdreg s13;
	s13 =	simm.s32 $0x1;
	s7 =	sshrl.u32 s6, $0x3  }
0xc: {  	s6 =	smul.u32 $0x60, s6;
	s29 =	ssub.s32 s8, s28;
	s31 =	sadd.s32 s10, s9  }
0xd: {  	s8 =	simm.s32 $0x18000;
	s10 =	simm.s32 $0x20;
	s7 =	sadd.s32 s7, s4  }
0xe: {  	s5 =	smax.u32 s29, $0x1;
	s4 =	sadd.s32 $0x183C00, s7;
	s6 =	sadd.s32 s9, s6  }
0xf: {  	s7 =	sadd.s32 s30, s31;
	s9 =	simm.s32 $0x9;
	s6 =	sadd.s32 $0xA800, s6  }
.LBB2_1:
0x10: {  	[tilespmem:s8], [sflag:$0x9] =	stream.linear.gather [hbm4b:s4+s3], $0x200, $0x38;
	[tilespmem:$0x18200] =	vst v63  }
0x11: {  	_ =	swait.ge [sflag:s9], $0x200  }
0x12: {  	[sflag:s9] =	ssyncset.done $0x0  }
0x13: {  	p0 =	por $0x1, $0x1;
	[sflag:s9] =	ssyncadd.s32 $0xFFFFFE00  }
0x14: {  	[tilespmem:s3], [sflag:$0x1] =	stream.indirect.gather [hbm4b:s2+s10], $0x300, s8, s10, $0xb8;
	[tilespmem:$0x18200] =	vst v63  }
0x15: {  	s0 =	simm.s32 $0x18020;
	s22 =	simm.s32 @!p0 $0x7  }
0x16: {  	[tilespmem:s12], [sflag:$0x2] =	stream.indirect.gather [hbm4b:s2+s10], $0x300, s0, s10, $0xb8;
	[tilespmem:$0x18200] =	vst v63  }
0x17: {  	_ =	swait.ge @!p0 [sflag:s22], $0x6000  }
0x18: {  	[sflag:s22] =	ssyncset.done @!p0 $0x0  }
0x19: {  	s29 =	simm.s32 $0x18040;
	s23 =	rddreg [dreg:$0x3];
	[sflag:s22] =	ssyncadd.s32 @!p0 $0xFFFFA000  }
0x1a: {  	[tilespmem:s23], [sflag:$0x3] =	stream.indirect.gather [hbm4b:s2+s10], $0x300, s29, s10, $0xb8;
	[tilespmem:$0x18200] =	vst v63  }
0x1b: {  	_ =	swait.ge [sflag:s13], $0x6000  }
0x1c: {  	[sflag:s13] =	ssyncset.done $0x0  }
0x1d: {  	s22 =	simm.s32 @!p0 $0x8;
	[sflag:s13] =	ssyncadd.s32 $0xFFFFA000  }
0x1e: {  	[hbm4b:s7+s3] =	stream.linear.scatter [tilespmem:s3], [sflag:$0x5], $0x6000, $0x38;
	[tilespmem:$0x18200] =	vst v63  }
0x1f: {  	_ =	swait.ge @!p0 [sflag:s22], $0x6000  }
0x20: {  	[sflag:s22] =	ssyncset.done @!p0 $0x0  }
0x21: {  	s30 =	simm.s32 $0x18060;
	[sflag:s22] =	ssyncadd.s32 @!p0 $0xFFFFA000  }
0x22: {  	[tilespmem:s14], [sflag:$0x4] =	stream.indirect.gather [hbm4b:s2+s10], $0x300, s30, s10, $0xb8;
	[tilespmem:$0x18200] =	vst v63  }
0x23: {  	_ =	swait.ge [sflag:s15], $0x6000  }
0x24: {  	p0 =	por $0x0, $0x0;
	[sflag:s15] =	ssyncset.done $0x0  }
0x25: {  	s31 =	sadd.s32 $0xC00, s7;
	s23 =	simm.s32 @p0 $0x3;
	[sflag:s15] =	ssyncadd.s32 $0xFFFFA000  }
0x26: {  	[hbm4b:s31+s3] =	stream.linear.scatter [tilespmem:s12], [sflag:$0x6], $0x6000, $0x38;
	[tilespmem:$0x18200] =	vst v63  }
0x27: {  	_ =	swait.ge @p0 [sflag:s23], $0x6000  }
0x28: {  	s22 =	simm.s32 @p0 $0x0;
	[sflag:s23] =	ssyncset.done @p0 $0x0  }
0x29: {  	s24 =	simm.s32 @p0 $0xC000;
	[sflag:s23] =	ssyncadd.s32 @p0 $0xFFFFA000;
	s23 =	simm.s32 @!p0 $0x5  }
0x2a: {  	[hbm4b:s6+s22] =	stream.linear.scatter @p0 [tilespmem:s24], [sflag:$0x7], $0x6000, $0x38;
	[tilespmem:$0x18200] =	vst v63  }
0x2b: {  	_ =	swait.ge @!p0 [sflag:s23], $0x6000  }
0x2c: {  	s25 =	simm.s32 @!p0 $0x20;
	s22 =	simm.s32 @!p0 $0x18080;
	[sflag:s23] =	ssyncset.done @!p0 $0x0  }
0x2d: {  	s24 =	simm.s32 @!p0 $0x0;
	[sflag:s23] =	ssyncadd.s32 @!p0 $0xFFFFA000;
	s23 =	simm.s32 @!p0 $0x3  }
0x2e: {  	[tilespmem:s24], [sflag:$0x1] =	stream.indirect.gather @!p0 [hbm4b:s2+s25], $0x300, s22, s25, $0xb8;
	[tilespmem:$0x18200] =	vst v63  }
0x2f: {  	_ =	swait.ge @!p0 [sflag:s23], $0x6000  }
0x30: {  	s26 =	simm.s32 @!p0 $0xC000;
	[sflag:s23] =	ssyncset.done @!p0 $0x0  }
0x31: {  	s28 =	simm.s32 @!p0 $0x6;
	s22 =	sadd.s32 @!p0 $0x1800, s7;
	[sflag:s23] =	ssyncadd.s32 @!p0 $0xFFFFA000  }
0x32: {  	[hbm4b:s22+s24] =	stream.linear.scatter @!p0 [tilespmem:s26], [sflag:$0x7], $0x6000, $0x38;
	[tilespmem:$0x18200] =	vst v63  }
0x33: {  	_ =	swait.ge @!p0 [sflag:s28], $0x6000  }
0x34: {  	p1 =	por $0x0, $0x0;
	s23 =	sadd.s32 $0x3000, s7;
	[sflag:s28] =	ssyncset.done @!p0 $0x0  }
0x35: {  	s22 =	simm.s32 @!p0 $0x180A0;
	s26 =	simm.s32 @!p0 $0x6000;
	[sflag:s28] =	ssyncadd.s32 @!p0 $0xFFFFA000  }
0x36: {  	[tilespmem:s26], [sflag:$0x2] =	stream.indirect.gather @!p0 [hbm4b:s2+s25], $0x300, s22, s25, $0xb8;
	[tilespmem:$0x18200] =	vst v63  }
0x37: {  	s24 =	simm.s32 $0x200;
	s28 =	sadd.s32 $0x3000, s23;
	s25 =	sadd.s32 $0x2400, s7  }
0x38: {  	s26 =	simm.s32 $0x400;
	s22 =	sadd.s32 $0x2400, s23;
	_ =	swait.ge [sflag:s16], $0x6000  }
.LBB2_2:
0x39: {  	[sflag:s16] =	ssyncset.done $0x0  }
0x3a: {  	s30 =	simm.s32 @!p1 $0x7;
	[sflag:s16] =	ssyncadd.s32 $0xFFFFA000  }
0x3b: {  	[hbm4b:s25+s3] =	stream.linear.scatter [tilespmem:s14], [sflag:$0x8], $0x6000, $0x38;
	[tilespmem:$0x18200] =	vst v63  }
0x3c: {  	_ =	swait.ge @!p1 [sflag:s30], $0x6000  }
0x3d: {  	s11 =	sshra.s32 s24, $0x2;
	[sflag:s30] =	ssyncset.done @!p1 $0x0  }
0x3e: {  	s1 =	sadd.s32 $0x18040, s11;
	s0 =	rddreg [dreg:$0x3];
	[sflag:s30] =	ssyncadd.s32 @!p1 $0xFFFFA000  }
0x3f: {  	[tilespmem:s0], [sflag:$0x3] =	stream.indirect.gather [hbm4b:s2+s10], $0x300, s1, s10, $0xb8;
	[tilespmem:$0x18200] =	vst v63  }
0x40: {  	_ =	swait.ge [sflag:s13], $0x6000  }
0x41: {  	[sflag:s13] =	ssyncset.done $0x0  }
0x42: {  	s0 =	simm.s32 @!p1 $0x8;
	[sflag:s13] =	ssyncadd.s32 $0xFFFFA000  }
0x43: {  	[hbm4b:s23+s3] =	stream.linear.scatter [tilespmem:s3], [sflag:$0x5], $0x6000, $0x38;
	[tilespmem:$0x18200] =	vst v63  }
0x44: {  	_ =	swait.ge @!p1 [sflag:s0], $0x6000  }
0x45: {  	[sflag:s0] =	ssyncset.done @!p1 $0x0  }
0x46: {  	s11 =	sadd.s32 $0x18060, s11;
	[sflag:s0] =	ssyncadd.s32 @!p1 $0xFFFFA000  }
0x47: {  	[tilespmem:s14], [sflag:$0x4] =	stream.indirect.gather [hbm4b:s2+s10], $0x300, s11, s10, $0xb8;
	[tilespmem:$0x18200] =	vst v63  }
0x48: {  	s31 =	sadd.s32 $0x2400, s28;
	s25 =	smov.u32 s22;
	_ =	swait.ge [sflag:s15], $0x6000  }
0x49: {  	s22 =	smov.u32 s31;
	p1 =	seq.s32 s24, $0x600;
	[sflag:s15] =	ssyncset.done $0x0  }
0x4a: {  	s31 =	sadd.s32 $0xC00, s23;
	s30 =	simm.s32 @p1 $0x3;
	[sflag:s15] =	ssyncadd.s32 $0xFFFFA000  }
0x4b: {  	[hbm4b:s31+s3] =	stream.linear.scatter [tilespmem:s12], [sflag:$0x6], $0x6000, $0x38;
	[tilespmem:$0x18200] =	vst v63  }
0x4c: {  	s29 =	smov.u32 s26;
	_ =	swait.ge @p1 [sflag:s30], $0x6000  }
0x4d: {  	s24 =	sshra.s32 @!p1 s24, $0x2;
	s1 =	simm.s32 @p1 $0x0;
	[sflag:s30] =	ssyncset.done @p1 $0x0  }
0x4e: {  	s11 =	simm.s32 @p1 $0xC000;
	[sflag:s30] =	ssyncadd.s32 @p1 $0xFFFFA000;
	s30 =	simm.s32 @!p1 $0x5  }
0x4f: {  	[hbm4b:s6+s1] =	stream.linear.scatter @p1 [tilespmem:s11], [sflag:$0x7], $0x6000, $0x38;
	[tilespmem:$0x18200] =	vst v63  }
0x50: {  	s0 =	sadd.s32 @!p1 $0x18080, s24;
	s31 =	sadd.s32 @!p1 $0x180A0, s24;
	_ =	swait.ge @!p1 [sflag:s30], $0x6000  }
0x51: {  	s24 =	smov.u32 s29;
	s29 =	simm.s32 @!p1 $0x3;
	[sflag:s30] =	ssyncset.done @!p1 $0x0  }
0x52: {  	s1 =	simm.s32 @!p1 $0x20;
	s11 =	simm.s32 @!p1 $0x0;
	[sflag:s30] =	ssyncadd.s32 @!p1 $0xFFFFA000  }
0x53: {  	[tilespmem:s11], [sflag:$0x1] =	stream.indirect.gather @!p1 [hbm4b:s2+s1], $0x300, s0, s1, $0xb8;
	[tilespmem:$0x18200] =	vst v63  }
0x54: {  	s26 =	sadd.s32 $0x200, s26;
	_ =	swait.ge @!p1 [sflag:s29], $0x6000  }
0x55: {  	p0 =	sne.s32 s26, $0x800;
	s30 =	simm.s32 @!p1 $0xC000;
	[sflag:s29] =	ssyncset.done @!p1 $0x0  }
0x56: {  	s0 =	sadd.s32 @!p1 $0x1800, s23;
	[sflag:s29] =	ssyncadd.s32 @!p1 $0xFFFFA000;
	s29 =	simm.s32 @!p1 $0x6  }
0x57: {  	[hbm4b:s0+s11] =	stream.linear.scatter @!p1 [tilespmem:s30], [sflag:$0x7], $0x6000, $0x38;
	[tilespmem:$0x18200] =	vst v63  }
.Ltmp0:
0x58: {  	_ =	swait.ge @!p1 [sflag:s29], $0x6000;
	(pc) =	sbr.rel @p0 .LBB2_2-.Ltmp0, $4  }
0x59: {  	[sflag:s29] =	ssyncset.done @!p1 $0x0  }
0x5a: {  	s23 =	smov.u32 s28;
	s0 =	simm.s32 @!p1 $0x6000;
	[sflag:s29] =	ssyncadd.s32 @!p1 $0xFFFFA000  }
0x5b: {  	[tilespmem:s0], [sflag:$0x2] =	stream.indirect.gather @!p1 [hbm4b:s2+s1], $0x300, s31, s1, $0xb8;
	[tilespmem:$0x18200] =	vst v63  }
0x5c: {  	s28 =	sadd.s32 $0x3000, s28;
	p1 =	seq.s32 s24, $0x0;
	_ =	swait.ge [sflag:s16], $0x6000  }
0x5d: {  	[sflag:s16] =	ssyncset.done $0x0  }
0x5e: {  	s0 =	simm.s32 @!p1 $0x7;
	[sflag:s16] =	ssyncadd.s32 $0xFFFFA000  }
0x5f: {  	[hbm4b:s25+s3] =	stream.linear.scatter [tilespmem:s14], [sflag:$0x8], $0x6000, $0x38;
	[tilespmem:$0x18200] =	vst v63  }
0x60: {  	_ =	swait.ge @!p1 [sflag:s0], $0x6000  }
0x61: {  	s11 =	sshra.s32 s24, $0x2;
	[sflag:s0] =	ssyncset.done @!p1 $0x0  }
0x62: {  	s29 =	sadd.s32 $0x18040, s11;
	s1 =	rddreg [dreg:$0x3];
	[sflag:s0] =	ssyncadd.s32 @!p1 $0xFFFFA000  }
0x63: {  	[tilespmem:s1], [sflag:$0x3] =	stream.indirect.gather [hbm4b:s2+s10], $0x300, s29, s10, $0xb8;
	[tilespmem:$0x18200] =	vst v63  }
0x64: {  	_ =	swait.ge [sflag:s13], $0x6000  }
0x65: {  	[sflag:s13] =	ssyncset.done $0x0  }
0x66: {  	s0 =	simm.s32 @!p1 $0x8;
	[sflag:s13] =	ssyncadd.s32 $0xFFFFA000  }
0x67: {  	[hbm4b:s23+s3] =	stream.linear.scatter [tilespmem:s3], [sflag:$0x5], $0x6000, $0x38;
	[tilespmem:$0x18200] =	vst v63  }
0x68: {  	_ =	swait.ge @!p1 [sflag:s0], $0x6000  }
0x69: {  	[sflag:s0] =	ssyncset.done @!p1 $0x0  }
0x6a: {  	s30 =	sadd.s32 $0x18060, s11;
	[sflag:s0] =	ssyncadd.s32 @!p1 $0xFFFFA000  }
0x6b: {  	[tilespmem:s14], [sflag:$0x4] =	stream.indirect.gather [hbm4b:s2+s10], $0x300, s30, s10, $0xb8;
	[tilespmem:$0x18200] =	vst v63  }
0x6c: {  	_ =	swait.ge [sflag:s15], $0x6000  }
0x6d: {  	p0 =	seq.s32 s24, $0x600;
	[sflag:s15] =	ssyncset.done $0x0  }
0x6e: {  	s31 =	sadd.s32 $0xC00, s23;
	s1 =	simm.s32 @p0 $0x3;
	[sflag:s15] =	ssyncadd.s32 $0xFFFFA000  }
0x6f: {  	[hbm4b:s31+s3] =	stream.linear.scatter [tilespmem:s12], [sflag:$0x6], $0x6000, $0x38;
	[tilespmem:$0x18200] =	vst v63  }
0x70: {  	_ =	swait.ge @p0 [sflag:s1], $0x6000  }
0x71: {  	s11 =	simm.s32 @p0 $0xC000;
	[sflag:s1] =	ssyncset.done @p0 $0x0  }
0x72: {  	s0 =	simm.s32 @p0 $0x0;
	[sflag:s1] =	ssyncadd.s32 @p0 $0xFFFFA000;
	s1 =	simm.s32 @!p0 $0x5  }
0x73: {  	[hbm4b:s6+s0] =	stream.linear.scatter @p0 [tilespmem:s11], [sflag:$0x7], $0x6000, $0x38;
	[tilespmem:$0x18200] =	vst v63  }
0x74: {  	s25 =	simm.s32 @!p0 $0x0;
	_ =	swait.ge @!p0 [sflag:s1], $0x6000  }
0x75: {  	s0 =	sshra.s32 @!p0 s24, $0x2;
	s24 =	simm.s32 @!p0 $0x20;
	[sflag:s1] =	ssyncset.done @!p0 $0x0  }
0x76: {  	s11 =	sadd.s32 @!p0 $0x18080, s0;
	[sflag:s1] =	ssyncadd.s32 @!p0 $0xFFFFA000;
	s1 =	simm.s32 @!p0 $0x3  }
0x77: {  	[tilespmem:s25], [sflag:$0x1] =	stream.indirect.gather @!p0 [hbm4b:s2+s24], $0x300, s11, s24, $0xb8;
	[tilespmem:$0x18200] =	vst v63  }
0x78: {  	_ =	swait.ge @!p0 [sflag:s1], $0x6000  }
0x79: {  	s11 =	sadd.s32 @!p0 $0x1800, s23;
	[sflag:s1] =	ssyncset.done @!p0 $0x0  }
0x7a: {  	s23 =	simm.s32 @!p0 $0xC000;
	[sflag:s1] =	ssyncadd.s32 @!p0 $0xFFFFA000;
	s1 =	simm.s32 @!p0 $0x6  }
0x7b: {  	[hbm4b:s11+s25] =	stream.linear.scatter @!p0 [tilespmem:s23], [sflag:$0x7], $0x6000, $0x38;
	[tilespmem:$0x18200] =	vst v63  }
0x7c: {  	_ =	swait.ge @!p0 [sflag:s1], $0x6000  }
0x7d: {  	[sflag:s1] =	ssyncset.done @!p0 $0x0  }
0x7e: {  	s0 =	sadd.s32 @!p0 $0x180A0, s0;
	s11 =	simm.s32 @!p0 $0x6000;
	[sflag:s1] =	ssyncadd.s32 @!p0 $0xFFFFA000  }
0x7f: {  	[tilespmem:s11], [sflag:$0x2] =	stream.indirect.gather @!p0 [hbm4b:s2+s24], $0x300, s0, s24, $0xb8;
	[tilespmem:$0x18200] =	vst v63  }
0x80: {  	_ =	swait.ge [sflag:s16], $0x6000  }
0x81: {  	[sflag:s16] =	ssyncset.done $0x0  }
0x82: {  	[sflag:s16] =	ssyncadd.s32 $0xFFFFA000  }
0x83: {  	[hbm4b:s22+s3] =	stream.linear.scatter [tilespmem:s14], [sflag:$0x8], $0x6000, $0x38;
	[tilespmem:$0x18200] =	vst v63  }
0x84: {  	_ =	swait.ge [sflag:s17], $0x6000  }
0x85: {  	[sflag:s17] =	ssyncset.done $0x0  }
0x86: {  	[sflag:s17] =	ssyncadd.s32 $0xFFFFA000  }
0x87: {  	_ =	swait.ge [sflag:s18], $0x6000  }
0x88: {  	[sflag:s18] =	ssyncset.done $0x0  }
0x89: {  	s21 =	sadd.s32 $0x1, s21;
	[sflag:s18] =	ssyncadd.s32 $0xFFFFA000  }
0x8a: {  	p0 =	sne.s32 s21, s5;
	_ =	swait.ge [sflag:s19], $0x6000  }
.Ltmp1:
0x8b: {  	[sflag:s19] =	ssyncset.done $0x0;
	(pc) =	sbr.rel @p0 .LBB2_1-.Ltmp1, $4  }
0x8c: {  	[sflag:s19] =	ssyncadd.s32 $0xFFFFA000  }
0x8d: {  	_ =	swait.ge [sflag:s20], $0x6000  }
0x8e: {  	[sflag:s20] =	ssyncset.done $0x0  }
0x8f: {  	[sflag:s20] =	ssyncadd.s32 $0xFFFFA000  }
0x90: {  	_ =	sfence.sel $0x180000  }
0x91: {  	[bflag:$0x0] =	sbarrier.arrive $0xFFFF  }
0x92: {  	_ =	strace $0x9000004D  }
0x93: {  	s0 =	stileid.u32;
	[bflag:$0x2] =	sbarrier.arrive $0xFFFF  }
0x94: {  	p0 =	sne.s32 s0, $0x0;
	s0 =	rddreg [dreg:$0x2]  }
0x95: {  	s0 =	sadd.s32 @!p0 $0x100000, s0  }
0x96: {  	[sflag:s0] =	ssyncadd.tile.s32 @!p0 $0x1;
	_ =	shalt  }
.Lfunc_end2:
_tile_overlayer_lowered:
.L_overlay_start_2:
0x97: {  	(tag) =	ssettag $0x2  }
0x98: {  	s0 =	rddreg [dreg:$0x0];
	s2 =	stileid.u32  }
0x99: {  	s1 =	rddreg [dreg:$0x1];
	p0 =	sne.s32 s2, $0x0  }
0x9a: {  	s3 =	rddreg [dreg:$0x2];
	[bflag:$0x3] =	sbarrier.arrive $0xFFFF;
	s2 =	simm.s32 @!p0 $0x1C09  }
0x9b: {  	[timem:s3], [sflag:s2] =	dma.local @!p0 [hbm:s0], s1  }
0x9c: {  	s0 =	simm.s32 @!p0 $0x9  }
0x9d: {  	_ =	swait.ge @!p0 [sflag:s0], s1  }
0x9e: {  	s1 =	ssub.s32 @!p0 $0x0, s1;
	[sflag:s0] =	ssyncset.done @!p0 $0x0  }
0x9f: {  	[sflag:s0] =	ssyncadd.s32 @!p0 s1  }
0xa0: {  	[bflag:$0x3] =	sbarrier.arrive $0xFFFF  }
0xa1: {  	_ =	shalt  }

// kernel: kernel.19.cloned.1.call-start
scs
__scs_entry_jumppad:
0x0: {  	(pc) =	sbr.rel $0x88, $3  }
0x1: {  	(tag) =	ssettag $0x0;
	lr =	simm.s32 $0x1  }
0x2: {  	[smem:$0x3F9A] =	sst lr;
	_ =	strace $0xD0000000  }
0x3: {  	_ = 	snop  }
0x4: {  	_ = 	snop  }
0x5: {  	_ = 	snop  }
0x6: {  	_ = 	snop  }
0x7: {  	_ = 	snop  }
__scs_overlays_trampoline_lowered:
0x8: {  	[smem:$0x3FA9] =	sst s0  }
0x9: {  	[smem:$0x3FAA] =	sst s1  }
0xa: {  	[smem:$0x3FAB] =	sst s2  }
0xb: {  	[smem:$0x3FAC] =	sst s3  }
0xc: {  	[smem:$0x3FAD] =	sst s4  }
0xd: {  	[smem:$0x3FAE] =	sst s5  }
0xe: {  	[smem:$0x3FAF] =	sst s6  }
0xf: {  	[smem:$0x3FB0] =	sst s7  }
0x10: {  	[smem:$0x3FB1] =	sst s8  }
0x11: {  	[smem:$0x3FB2] =	sst s9;
	s0 =	simm.s32 @!p0 $0x0  }
0x12: {  	s1 =	sld [smem:$0x3F98];
	s0 =	simm.s32 @p0 $0x1  }
0x13: {  	[smem:$0x3FB3] =	sst s0;
	s0 =	simm.s32 @!p1 $0x0  }
0x14: {  	s2 =	sld [smem:$0x3F97];
	s0 =	simm.s32 @p1 $0x1  }
0x15: {  	[smem:$0x3FB4] =	sst s0;
	s0 =	simm.s32 @!p2 $0x0  }
0x16: {  	s3 =	sld [smem:$0x3FDB];
	s0 =	simm.s32 @p2 $0x1  }
0x17: {  	s4 =	simm.s32 $0x1BF5;
	[smem:$0x3FB6] =	sst s0  }
0x18: {  	s0 =	sld [smem:$0x3F99];
	_ =	swait.ge [sflag:s4], $0x0  }
0x19: {  	s7 =	sld [smem:$0x3F9A]  }
0x1a: {  	s8 =	sadd.s32 $0xFFFFE003, lr  }
0x1b: {  	s9 =	sadd.s32 $0xFFFFFEF7, lr;
	s5 =	simm.s32 $0xFFFFFFFF;
	p2 =	slt.u32 s8, $0xFFFFF086  }
0x1c: {  	p1 =	slt.u32 s9, $0xF7A;
	s5 =	simm.s32 @!p2 $0x0  }
0x1d: {  	s5 =	simm.s32 @p1 $0x1;
	p0 =	seq.s32 s7, s2  }
0x1e: {  	s7 =	smul.u32 @!p0 $0xF7A, s2;
	p2 =	seq.s32 @!p0 s5, $0x0  }
0x1f: {  	s9 =	smul.u32 $0xF7A, s1;
	s8 =	simm.s32 @!p0 $0x1BF5;
	p2 =	por !p2, p0  }
0x20: {  	[sflag:s8] =	ssyncset.s32 @!p0 $0xFFFFF086;
	s6 =	sadd.s32 @!p0 s3, s7;
	s7 =	simm.s32 @!p0 $0x108  }
0x21: {  	s3 =	sadd.s32 s3, s9;
	s6 =	sadd.s32 @!p0 $0x88, s6;
	s7 =	simm.s32 @p2 $0x1082  }
0x22: {  	[simem:s7], [sflag:s8] =	dma.local @!p0 [hbm:s6], $0xF7A  }
0x23: {  	s9 =	sor.u32 $0xD0000000, s2;
	s6 =	simm.s32 $0x108;
	_ =	swait.ge @!p0 [sflag:s8], $0x0  }
0x24: {  	s3 =	sadd.s32 $0x88, s3;
	s6 =	simm.s32 @!p1 $0x1082;
	[sflag:s4] =	ssyncset.s32 $0xFFFFF086  }
0x25: {  	[simem:s6], [sflag:s4] =	dma.local [hbm:s3], $0xF7A  }
0x26: {  	[smem:$0x3F9A] =	sst s1;
	(tag) =	ssettag s2;
	_ =	strace s9  }
0x27: {  	s1 =	sld [smem:$0x3FAA]  }
0x28: {  	s2 =	sld [smem:$0x3FAB]  }
0x29: {  	s4 =	sld [smem:$0x3FAD]  }
0x2a: {  	p0 =	seq.s32 s5, $0x0;
	s5 =	sld [smem:$0x3FAE]  }
0x2b: {  	s6 =	sld [smem:$0x3FAF]  }
0x2c: {  	s7 =	sld [smem:$0x3FB0]  }
0x2d: {  	s3 =	simm.s32 $0x108;
	s8 =	sld [smem:$0x3FB1]  }
0x2e: {  	s3 =	simm.s32 @!p0 $0x1082;
	s9 =	sld [smem:$0x3FB2]  }
0x2f: {  	lr =	sadd.s32 s0, s3;
	s0 =	sld [smem:$0x3FA9]  }
0x30: {  	s3 =	sld [smem:$0x3FAC]  }
0x31: {  	[smem:$0x3FB5] =	sst s10  }
0x32: {  	s10 =	sld [smem:$0x3FB3];
	_ =	sdelay $0x3  }
0x33: {  	p0 =	seq.s32 s10, $0x1;
	s10 =	sld [smem:$0x3FB5];
	_ =	sdelay $0x3  }
0x34: {  	[smem:$0x3FB5] =	sst s10  }
0x35: {  	s10 =	sld [smem:$0x3FB4];
	_ =	sdelay $0x3  }
0x36: {  	p1 =	seq.s32 s10, $0x1;
	s10 =	sld [smem:$0x3FB5];
	_ =	sdelay $0x3  }
0x37: {  	[smem:$0x3FB5] =	sst s10  }
0x38: {  	s10 =	sld [smem:$0x3FB6]  }
0x39: {  	_ = 	snop;
	(pc) =	sbr.ind lr, $3  }
0x3a: {  	_ = 	snop  }
0x3b: {  	_ = 	snop  }
0x3c: {  	p2 =	seq.s32 s10, $0x1;
	s10 =	sld [smem:$0x3FB5]  }
0x3d: {  	_ =	shalt  }
0x3e: {  	_ =	shalt  }
0x3f: {  	_ =	shalt  }
0x40: {  	_ =	shalt  }
0x41: {  	_ =	shalt  }
0x42: {  	_ =	shalt  }
0x43: {  	_ =	shalt  }
0x44: {  	_ =	shalt  }
0x45: {  	_ =	shalt  }
0x46: {  	_ =	shalt  }
0x47: {  	_ =	shalt  }
0x48: {  	_ =	shalt  }
0x49: {  	_ =	shalt  }
0x4a: {  	_ =	shalt  }
0x4b: {  	_ =	shalt  }
0x4c: {  	_ =	shalt  }
0x4d: {  	_ =	shalt  }
0x4e: {  	_ =	shalt  }
0x4f: {  	_ =	shalt  }
0x50: {  	_ =	shalt  }
0x51: {  	_ =	shalt  }
0x52: {  	_ =	shalt  }
0x53: {  	_ =	shalt  }
0x54: {  	_ =	shalt  }
0x55: {  	_ =	shalt  }
0x56: {  	_ =	shalt  }
0x57: {  	_ =	shalt  }
0x58: {  	_ =	shalt  }
0x59: {  	_ =	shalt  }
0x5a: {  	_ =	shalt  }
0x5b: {  	_ =	shalt  }
0x5c: {  	_ =	shalt  }
0x5d: {  	_ =	shalt  }
0x5e: {  	_ =	shalt  }
0x5f: {  	_ =	shalt  }
0x60: {  	_ =	shalt  }
0x61: {  	_ =	shalt  }
0x62: {  	_ =	shalt  }
0x63: {  	_ =	shalt  }
0x64: {  	_ =	shalt  }
0x65: {  	_ =	shalt  }
0x66: {  	_ =	shalt  }
0x67: {  	_ =	shalt  }
0x68: {  	_ =	shalt  }
0x69: {  	_ =	shalt  }
0x6a: {  	_ =	shalt  }
0x6b: {  	_ =	shalt  }
0x6c: {  	_ =	shalt  }
0x6d: {  	_ =	shalt  }
0x6e: {  	_ =	shalt  }
0x6f: {  	_ =	shalt  }
0x70: {  	_ =	shalt  }
0x71: {  	_ =	shalt  }
0x72: {  	_ =	shalt  }
0x73: {  	_ =	shalt  }
0x74: {  	_ =	shalt  }
0x75: {  	_ =	shalt  }
0x76: {  	_ =	shalt  }
0x77: {  	_ =	shalt  }
0x78: {  	_ =	shalt  }
0x79: {  	_ =	shalt  }
0x7a: {  	_ =	shalt  }
0x7b: {  	_ =	shalt  }
0x7c: {  	_ =	shalt  }
0x7d: {  	_ =	shalt  }
0x7e: {  	_ =	shalt  }
0x7f: {  	_ =	shalt  }
0x80: {  	_ =	shalt  }
0x81: {  	_ =	shalt  }
0x82: {  	_ =	shalt  }
0x83: {  	_ =	shalt  }
0x84: {  	_ =	shalt  }
0x85: {  	_ =	shalt  }
0x86: {  	_ =	shalt  }
0x87: {  	_ =	shalt  }
.Lfunc_end0:
.L_simem_size_0:
called_computation.3_lowered:
.L_overlay_start_0:
0x88: {  	s2 =	sld [smem:$0x3FD9]  }
0x89: {  	s3 =	sld [smem:$0x3FFE];
	_ =	sdelay $0x1  }
0x8a: {  	s1 =	srdreg.scid  }
0x8b: {  	s0 =	sand.u32 $0x1, s1  }
0x8c: {  	s17 =	sshll.u32 s0, $0xA;
	s2 =	sadd.s32 s3, s2  }
0x8d: {  	s2 =	sadd.s32 s2, s17  }
0x8e: {  	[smem:$0x3FC1] =	sst s2  }
0x8f: {  	_ = 	snop  }
0x90: {  	s18 =	sld [smem:$0x3FD0];
	(tm) =	ssettm $0x1  }
0x91: {  	s19 =	sld [smem:$0x3FFB];
	_ =	sdelay $0x3  }
0x92: {  	_ =	strace s19  }
0x93: {  	s2 =	sld [smem:$0x3FFC];
	_ =	sdelay $0x3  }
0x94: {  	_ =	strace s2  }
0x95: {  	s2 =	sld [smem:$0x3FFD];
	_ =	sdelay $0x3  }
0x96: {  	_ =	strace s2  }
0x97: {  	_ =	strace $0x8FFFFFFF  }
0x98: {  	s20 =	sld [smem:$0x3FDB];
	_ =	sdelay $0x1  }
0x99: {  	s4 =	simm.s32 $_scs_section_size  }
0x9a: {  	s5 =	simm.s32 $_size__tile_overlayer_lowered;
	s6 =	simm.s32 $_tile_overlayer_lowered  }
0x9b: {  	s7 =	simm.s32 $0x1BFF;
	s21 =	sshll.u32 s6, $0x1;
	s4 =	sadd.s32 s4, s20  }
0x9c: {  	s22 =	simm.s32 $0x0;
	s5 =	sshll.u32 s5, $0x1;
	s6 =	sadd.s32 s21, s4  }
0x9d: {  	[timem:s22], [sflag:s7] =	dma.local [hbm:s6], s5  }
0x9e: {  	_ =	swait.ge [sflag:s7], s5  }
0x9f: {  	s5 =	ssub.s32 $0x0, s5;
	[sflag:s7] =	ssyncset.done $0x0  }
0xa0: {  	[sflag:s7] =	ssyncadd.s32 s5;
	_ =	sdelay $0x1  }
0xa1: {  	s23 =	simm.s32 $0x1B8B  }
0xa2: {  	_ =	swait.ge [sflag:s23], $0x1  }
0xa3: {  	[sflag:s23] =	ssyncset.done $0x0  }
0xa4: {  	[sflag:s23] =	ssyncadd.s32 $0xFFFFFFFF  }
0xa5: {  	s5 =	sld [smem:$0x0]  }
0xa6: {  	s6 =	sand.u32 $0xFFFFFFFE, s1  }
0xa7: {  	p0 =	sne.s32 s1, s6  }
0xa8: {  	s6 =	sshll.u32 @p0 s6, $0xE  }
0xa9: {  	s6 =	sadd.s32 @p0 $0x11B8D, s6;
	s7 =	sshll.u32 @p0 s5, $0x11  }
0xaa: {  	s6 =	sor.u32 @p0 s7, s6  }
0xab: {  	[sflag:s6] =	ssyncadd.remote.s32 @p0 $0x1;
	_ =	sdelay $0x1  }
0xac: {  	s6 =	simm.s32 @p0 $0x1B8D  }
0xad: {  	_ =	swait.eq @p0 [sflag:s6], $0x1  }
0xae: {  	[sflag:s6] =	ssyncadd.s32 @p0 $0xFFFFFFFF  }
0xaf: {  	s7 =	sshll.u32 @!p0 s1, $0xE  }
0xb0: {  	s7 =	sor.u32 @!p0 $0x4000, s7;
	s6 =	simm.s32 @!p0 $0x1B8D  }
0xb1: {  	s5 =	sshll.u32 @!p0 s5, $0x11;
	s7 =	sadd.s32 @!p0 $0x11B8D, s7;
	_ =	swait.eq @!p0 [sflag:s6], $0x1  }
0xb2: {  	s5 =	sor.u32 @!p0 s5, s7;
	[sflag:s6] =	ssyncadd.s32 @!p0 $0xFFFFFFFF  }
0xb3: {  	s25 =	simm.s32 $0x1B8E;
	s24 =	sld [smem:$0x3FFE];
	[sflag:s5] =	ssyncadd.remote.s32 @!p0 $0x1  }
0xb4: {  	s26 =	simm.s32 $execute0_lowered;
	[smem:$0x3FD2] =	sst s25  }
0xb5: {  	s6 =	sshll.u32 s26, $0x1;
	_ =	strace $0x8000004F;
	[dreg:$0x1] =	wrdreg $0xFFFFFFFF  }
0xb6: {  	s28 =	simm.s32 $_size_execute0_lowered;
	s4 =	sadd.s32 s4, s6;
	[dreg:$0x0] =	wrdreg $0x0  }
0xb7: {  	s6 =	sshll.u32 s28, $0x1;
	[dreg:$0x2] =	wrdreg s4  }
0xb8: {  	[dreg:$0x3] =	wrdreg s6  }
0xb9: {  	[dreg:$0x4] =	wrdreg $0xC0  }
0xba: {  	_ =	task [dreg:s22], $0x5FFFF  }
0xbb: {  	[dreg:$0x1] =	wrdreg $0xFFFFFFFF  }
0xbc: {  	[dreg:$0x0] =	wrdreg $0x60  }
0xbd: {  	[dreg:$0x2] =	wrdreg s24  }
0xbe: {  	[dreg:$0x3] =	wrdreg s18  }
0xbf: {  	[dreg:$0x4] =	wrdreg $0xC  }
0xc0: {  	_ =	task.clear_ibuf [dreg:s22], $0x5FFFF;
	_ =	strace $0x9000004F  }
0xc1: {  	s29 =	simm.s32 $0xC;
	_ =	strace $0x80000051  }
0xc2: {  	_ =	swait.ge [sflag:s29], $0x1  }
0xc3: {  	[sflag:s29] =	ssyncadd.s32 $0xFFFFFFFF  }
0xc4: {  	_ =	strace $0x90000051  }
0xc5: {  	_ =	sfence  }
0xc6: {  	s30 =	sld [smem:$0x0];
	_ =	sdelay $0x2  }
0xc7: {  	s31 =	sshll.u32 s1, $0xD;
	s1 =	sshrl.u32 s1, $0x2  }
0xc8: {  	s4 =	sand.u32 $0x4000, s31;
	s1 =	sadd.s32 s1, s30  }
0xc9: {  	s0 =	sor.u32 s4, s0;
	s1 =	sshll.u32 s1, $0x11  }
0xca: {  	s0 =	sor.u32 s1, s0  }
0xcb: {  	s0 =	sadd.s32 $0x8F2B, s0  }
0xcc: {  	[sflag:s0] =	ssyncadd.remote.s32 $0x1  }
0xcd: {  	_ =	sfence.sel $0xFFFF  }
0xce: {  	[dreg:$0x0] =	wrdreg $0xFFFFFFFF;
	(pc) =	sbr.abs _section_cstart, $3  }
0xcf: {  	[dreg:$0x1] =	wrdreg $0xFFFFFFFF  }
0xd0: {  	_ =	task.clear_ibuf [dreg:s22], $0x2FFFF;
	_ =	strace $0x9FFFFFFF  }
0xd1: {  	(tm) =	ssettm $0x7FFFFFFF  }
tec
execute0_lowered:
.L_overlay_start_1:
0x0: {  	(tag) =	ssettag $0x1  }
0x1: {  	s4 =	rddreg [dreg:$0x0]  }
0x2: {  	s2 =	rddreg [dreg:$0x1]  }
0x3: {  	s3 =	srdreg.scid;
	s0 =	stileid.u32;
	s13 =	simm.s32 $0xC000  }
0x4: {  	s12 =	simm.s32 $0x6000;
	s14 =	simm.s32 $0x12000;
	s15 =	simm.s32 $0x2  }
0x5: {  	s16 =	simm.s32 $0x4;
	s17 =	simm.s32 $0x5;
	s18 =	simm.s32 $0x6  }
0x6: {  	s19 =	simm.s32 $0x7;
	s20 =	simm.s32 $0x8;
	s21 =	simm.s32 $0x0  }
0x7: {  	s5 =	sand.u32 $0x1, s3;
	s3 =	simm.s32 $0x0;
	s7 =	sshll.u32 s0, $0x9  }
0x8: {  	s9 =	sadd.s32 $0x484C00, s4;
	s30 =	smul.u32 $0xC000, s0;
	s6 =	sshll.u32 s5, $0xD  }
0x9: {  	[smem:$0x7FF] =	sst s3;
	s8 =	ssub.s32 $0x2, s5;
	s10 =	smul.u32 $0xC0000, s5  }
0xa: {  	s6 =	sor.u32 s7, s6;
	_ =	strace $0x80000050;
	s28 =	sshrl.u32 s8, $0x1  }
0xb: {  	[dreg:$0x3] =	wrdreg s13;
	s13 =	simm.s32 $0x1;
	s7 =	sshrl.u32 s6, $0x3  }
0xc: {  	s6 =	smul.u32 $0x60, s6;
	s29 =	ssub.s32 s8, s28;
	s31 =	sadd.s32 s10, s9  }
0xd: {  	s8 =	simm.s32 $0x18000;
	s10 =	simm.s32 $0x20;
	s7 =	sadd.s32 s7, s4  }
0xe: {  	s5 =	smax.u32 s29, $0x1;
	s4 =	sadd.s32 $0x184400, s7;
	s6 =	sadd.s32 s9, s6  }
0xf: {  	s7 =	sadd.s32 s30, s31;
	s9 =	simm.s32 $0x9;
	s6 =	sadd.s32 $0xA800, s6  }
.LBB2_1:
0x10: {  	[tilespmem:s8], [sflag:$0x9] =	stream.linear.gather [hbm4b:s4+s3], $0x200, $0x38;
	[tilespmem:$0x18200] =	vst v63  }
0x11: {  	_ =	swait.ge [sflag:s9], $0x200  }
0x12: {  	[sflag:s9] =	ssyncset.done $0x0  }
0x13: {  	p0 =	por $0x1, $0x1;
	[sflag:s9] =	ssyncadd.s32 $0xFFFFFE00  }
0x14: {  	[tilespmem:s3], [sflag:$0x1] =	stream.indirect.gather [hbm4b:s2+s10], $0x300, s8, s10, $0xb8;
	[tilespmem:$0x18200] =	vst v63  }
0x15: {  	s0 =	simm.s32 $0x18020;
	s22 =	simm.s32 @!p0 $0x7  }
0x16: {  	[tilespmem:s12], [sflag:$0x2] =	stream.indirect.gather [hbm4b:s2+s10], $0x300, s0, s10, $0xb8;
	[tilespmem:$0x18200] =	vst v63  }
0x17: {  	_ =	swait.ge @!p0 [sflag:s22], $0x6000  }
0x18: {  	[sflag:s22] =	ssyncset.done @!p0 $0x0  }
0x19: {  	s29 =	simm.s32 $0x18040;
	s23 =	rddreg [dreg:$0x3];
	[sflag:s22] =	ssyncadd.s32 @!p0 $0xFFFFA000  }
0x1a: {  	[tilespmem:s23], [sflag:$0x3] =	stream.indirect.gather [hbm4b:s2+s10], $0x300, s29, s10, $0xb8;
	[tilespmem:$0x18200] =	vst v63  }
0x1b: {  	_ =	swait.ge [sflag:s13], $0x6000  }
0x1c: {  	[sflag:s13] =	ssyncset.done $0x0  }
0x1d: {  	s22 =	simm.s32 @!p0 $0x8;
	[sflag:s13] =	ssyncadd.s32 $0xFFFFA000  }
0x1e: {  	[hbm4b:s7+s3] =	stream.linear.scatter [tilespmem:s3], [sflag:$0x5], $0x6000, $0x38;
	[tilespmem:$0x18200] =	vst v63  }
0x1f: {  	_ =	swait.ge @!p0 [sflag:s22], $0x6000  }
0x20: {  	[sflag:s22] =	ssyncset.done @!p0 $0x0  }
0x21: {  	s30 =	simm.s32 $0x18060;
	[sflag:s22] =	ssyncadd.s32 @!p0 $0xFFFFA000  }
0x22: {  	[tilespmem:s14], [sflag:$0x4] =	stream.indirect.gather [hbm4b:s2+s10], $0x300, s30, s10, $0xb8;
	[tilespmem:$0x18200] =	vst v63  }
0x23: {  	_ =	swait.ge [sflag:s15], $0x6000  }
0x24: {  	p0 =	por $0x0, $0x0;
	[sflag:s15] =	ssyncset.done $0x0  }
0x25: {  	s31 =	sadd.s32 $0xC00, s7;
	s23 =	simm.s32 @p0 $0x3;
	[sflag:s15] =	ssyncadd.s32 $0xFFFFA000  }
0x26: {  	[hbm4b:s31+s3] =	stream.linear.scatter [tilespmem:s12], [sflag:$0x6], $0x6000, $0x38;
	[tilespmem:$0x18200] =	vst v63  }
0x27: {  	_ =	swait.ge @p0 [sflag:s23], $0x6000  }
0x28: {  	s22 =	simm.s32 @p0 $0x0;
	[sflag:s23] =	ssyncset.done @p0 $0x0  }
0x29: {  	s24 =	simm.s32 @p0 $0xC000;
	[sflag:s23] =	ssyncadd.s32 @p0 $0xFFFFA000;
	s23 =	simm.s32 @!p0 $0x5  }
0x2a: {  	[hbm4b:s6+s22] =	stream.linear.scatter @p0 [tilespmem:s24], [sflag:$0x7], $0x6000, $0x38;
	[tilespmem:$0x18200] =	vst v63  }
0x2b: {  	_ =	swait.ge @!p0 [sflag:s23], $0x6000  }
0x2c: {  	s25 =	simm.s32 @!p0 $0x20;
	s22 =	simm.s32 @!p0 $0x18080;
	[sflag:s23] =	ssyncset.done @!p0 $0x0  }
0x2d: {  	s24 =	simm.s32 @!p0 $0x0;
	[sflag:s23] =	ssyncadd.s32 @!p0 $0xFFFFA000;
	s23 =	simm.s32 @!p0 $0x3  }
0x2e: {  	[tilespmem:s24], [sflag:$0x1] =	stream.indirect.gather @!p0 [hbm4b:s2+s25], $0x300, s22, s25, $0xb8;
	[tilespmem:$0x18200] =	vst v63  }
0x2f: {  	_ =	swait.ge @!p0 [sflag:s23], $0x6000  }
0x30: {  	s26 =	simm.s32 @!p0 $0xC000;
	[sflag:s23] =	ssyncset.done @!p0 $0x0  }
0x31: {  	s28 =	simm.s32 @!p0 $0x6;
	s22 =	sadd.s32 @!p0 $0x1800, s7;
	[sflag:s23] =	ssyncadd.s32 @!p0 $0xFFFFA000  }
0x32: {  	[hbm4b:s22+s24] =	stream.linear.scatter @!p0 [tilespmem:s26], [sflag:$0x7], $0x6000, $0x38;
	[tilespmem:$0x18200] =	vst v63  }
0x33: {  	_ =	swait.ge @!p0 [sflag:s28], $0x6000  }
0x34: {  	p1 =	por $0x0, $0x0;
	s23 =	sadd.s32 $0x3000, s7;
	[sflag:s28] =	ssyncset.done @!p0 $0x0  }
0x35: {  	s22 =	simm.s32 @!p0 $0x180A0;
	s26 =	simm.s32 @!p0 $0x6000;
	[sflag:s28] =	ssyncadd.s32 @!p0 $0xFFFFA000  }
0x36: {  	[tilespmem:s26], [sflag:$0x2] =	stream.indirect.gather @!p0 [hbm4b:s2+s25], $0x300, s22, s25, $0xb8;
	[tilespmem:$0x18200] =	vst v63  }
0x37: {  	s24 =	simm.s32 $0x200;
	s28 =	sadd.s32 $0x3000, s23;
	s25 =	sadd.s32 $0x2400, s7  }
0x38: {  	s26 =	simm.s32 $0x400;
	s22 =	sadd.s32 $0x2400, s23;
	_ =	swait.ge [sflag:s16], $0x6000  }
.LBB2_2:
0x39: {  	[sflag:s16] =	ssyncset.done $0x0  }
0x3a: {  	s30 =	simm.s32 @!p1 $0x7;
	[sflag:s16] =	ssyncadd.s32 $0xFFFFA000  }
0x3b: {  	[hbm4b:s25+s3] =	stream.linear.scatter [tilespmem:s14], [sflag:$0x8], $0x6000, $0x38;
	[tilespmem:$0x18200] =	vst v63  }
0x3c: {  	_ =	swait.ge @!p1 [sflag:s30], $0x6000  }
0x3d: {  	s11 =	sshra.s32 s24, $0x2;
	[sflag:s30] =	ssyncset.done @!p1 $0x0  }
0x3e: {  	s1 =	sadd.s32 $0x18040, s11;
	s0 =	rddreg [dreg:$0x3];
	[sflag:s30] =	ssyncadd.s32 @!p1 $0xFFFFA000  }
0x3f: {  	[tilespmem:s0], [sflag:$0x3] =	stream.indirect.gather [hbm4b:s2+s10], $0x300, s1, s10, $0xb8;
	[tilespmem:$0x18200] =	vst v63  }
0x40: {  	_ =	swait.ge [sflag:s13], $0x6000  }
0x41: {  	[sflag:s13] =	ssyncset.done $0x0  }
0x42: {  	s0 =	simm.s32 @!p1 $0x8;
	[sflag:s13] =	ssyncadd.s32 $0xFFFFA000  }
0x43: {  	[hbm4b:s23+s3] =	stream.linear.scatter [tilespmem:s3], [sflag:$0x5], $0x6000, $0x38;
	[tilespmem:$0x18200] =	vst v63  }
0x44: {  	_ =	swait.ge @!p1 [sflag:s0], $0x6000  }
0x45: {  	[sflag:s0] =	ssyncset.done @!p1 $0x0  }
0x46: {  	s11 =	sadd.s32 $0x18060, s11;
	[sflag:s0] =	ssyncadd.s32 @!p1 $0xFFFFA000  }
0x47: {  	[tilespmem:s14], [sflag:$0x4] =	stream.indirect.gather [hbm4b:s2+s10], $0x300, s11, s10, $0xb8;
	[tilespmem:$0x18200] =	vst v63  }
0x48: {  	s31 =	sadd.s32 $0x2400, s28;
	s25 =	smov.u32 s22;
	_ =	swait.ge [sflag:s15], $0x6000  }
0x49: {  	s22 =	smov.u32 s31;
	p1 =	seq.s32 s24, $0x600;
	[sflag:s15] =	ssyncset.done $0x0  }
0x4a: {  	s31 =	sadd.s32 $0xC00, s23;
	s30 =	simm.s32 @p1 $0x3;
	[sflag:s15] =	ssyncadd.s32 $0xFFFFA000  }
0x4b: {  	[hbm4b:s31+s3] =	stream.linear.scatter [tilespmem:s12], [sflag:$0x6], $0x6000, $0x38;
	[tilespmem:$0x18200] =	vst v63  }
0x4c: {  	s29 =	smov.u32 s26;
	_ =	swait.ge @p1 [sflag:s30], $0x6000  }
0x4d: {  	s24 =	sshra.s32 @!p1 s24, $0x2;
	s1 =	simm.s32 @p1 $0x0;
	[sflag:s30] =	ssyncset.done @p1 $0x0  }
0x4e: {  	s11 =	simm.s32 @p1 $0xC000;
	[sflag:s30] =	ssyncadd.s32 @p1 $0xFFFFA000;
	s30 =	simm.s32 @!p1 $0x5  }
0x4f: {  	[hbm4b:s6+s1] =	stream.linear.scatter @p1 [tilespmem:s11], [sflag:$0x7], $0x6000, $0x38;
	[tilespmem:$0x18200] =	vst v63  }
0x50: {  	s0 =	sadd.s32 @!p1 $0x18080, s24;
	s31 =	sadd.s32 @!p1 $0x180A0, s24;
	_ =	swait.ge @!p1 [sflag:s30], $0x6000  }
0x51: {  	s24 =	smov.u32 s29;
	s29 =	simm.s32 @!p1 $0x3;
	[sflag:s30] =	ssyncset.done @!p1 $0x0  }
0x52: {  	s1 =	simm.s32 @!p1 $0x20;
	s11 =	simm.s32 @!p1 $0x0;
	[sflag:s30] =	ssyncadd.s32 @!p1 $0xFFFFA000  }
0x53: {  	[tilespmem:s11], [sflag:$0x1] =	stream.indirect.gather @!p1 [hbm4b:s2+s1], $0x300, s0, s1, $0xb8;
	[tilespmem:$0x18200] =	vst v63  }
0x54: {  	s26 =	sadd.s32 $0x200, s26;
	_ =	swait.ge @!p1 [sflag:s29], $0x6000  }
0x55: {  	p0 =	sne.s32 s26, $0x800;
	s30 =	simm.s32 @!p1 $0xC000;
	[sflag:s29] =	ssyncset.done @!p1 $0x0  }
0x56: {  	s0 =	sadd.s32 @!p1 $0x1800, s23;
	[sflag:s29] =	ssyncadd.s32 @!p1 $0xFFFFA000;
	s29 =	simm.s32 @!p1 $0x6  }
0x57: {  	[hbm4b:s0+s11] =	stream.linear.scatter @!p1 [tilespmem:s30], [sflag:$0x7], $0x6000, $0x38;
	[tilespmem:$0x18200] =	vst v63  }
.Ltmp0:
0x58: {  	_ =	swait.ge @!p1 [sflag:s29], $0x6000;
	(pc) =	sbr.rel @p0 .LBB2_2-.Ltmp0, $4  }
0x59: {  	[sflag:s29] =	ssyncset.done @!p1 $0x0  }
0x5a: {  	s23 =	smov.u32 s28;
	s0 =	simm.s32 @!p1 $0x6000;
	[sflag:s29] =	ssyncadd.s32 @!p1 $0xFFFFA000  }
0x5b: {  	[tilespmem:s0], [sflag:$0x2] =	stream.indirect.gather @!p1 [hbm4b:s2+s1], $0x300, s31, s1, $0xb8;
	[tilespmem:$0x18200] =	vst v63  }
0x5c: {  	s28 =	sadd.s32 $0x3000, s28;
	p1 =	seq.s32 s24, $0x0;
	_ =	swait.ge [sflag:s16], $0x6000  }
0x5d: {  	[sflag:s16] =	ssyncset.done $0x0  }
0x5e: {  	s0 =	simm.s32 @!p1 $0x7;
	[sflag:s16] =	ssyncadd.s32 $0xFFFFA000  }
0x5f: {  	[hbm4b:s25+s3] =	stream.linear.scatter [tilespmem:s14], [sflag:$0x8], $0x6000, $0x38;
	[tilespmem:$0x18200] =	vst v63  }
0x60: {  	_ =	swait.ge @!p1 [sflag:s0], $0x6000  }
0x61: {  	s11 =	sshra.s32 s24, $0x2;
	[sflag:s0] =	ssyncset.done @!p1 $0x0  }
0x62: {  	s29 =	sadd.s32 $0x18040, s11;
	s1 =	rddreg [dreg:$0x3];
	[sflag:s0] =	ssyncadd.s32 @!p1 $0xFFFFA000  }
0x63: {  	[tilespmem:s1], [sflag:$0x3] =	stream.indirect.gather [hbm4b:s2+s10], $0x300, s29, s10, $0xb8;
	[tilespmem:$0x18200] =	vst v63  }
0x64: {  	_ =	swait.ge [sflag:s13], $0x6000  }
0x65: {  	[sflag:s13] =	ssyncset.done $0x0  }
0x66: {  	s0 =	simm.s32 @!p1 $0x8;
	[sflag:s13] =	ssyncadd.s32 $0xFFFFA000  }
0x67: {  	[hbm4b:s23+s3] =	stream.linear.scatter [tilespmem:s3], [sflag:$0x5], $0x6000, $0x38;
	[tilespmem:$0x18200] =	vst v63  }
0x68: {  	_ =	swait.ge @!p1 [sflag:s0], $0x6000  }
0x69: {  	[sflag:s0] =	ssyncset.done @!p1 $0x0  }
0x6a: {  	s30 =	sadd.s32 $0x18060, s11;
	[sflag:s0] =	ssyncadd.s32 @!p1 $0xFFFFA000  }
0x6b: {  	[tilespmem:s14], [sflag:$0x4] =	stream.indirect.gather [hbm4b:s2+s10], $0x300, s30, s10, $0xb8;
	[tilespmem:$0x18200] =	vst v63  }
0x6c: {  	_ =	swait.ge [sflag:s15], $0x6000  }
0x6d: {  	p0 =	seq.s32 s24, $0x600;
	[sflag:s15] =	ssyncset.done $0x0  }
0x6e: {  	s31 =	sadd.s32 $0xC00, s23;
	s1 =	simm.s32 @p0 $0x3;
	[sflag:s15] =	ssyncadd.s32 $0xFFFFA000  }
0x6f: {  	[hbm4b:s31+s3] =	stream.linear.scatter [tilespmem:s12], [sflag:$0x6], $0x6000, $0x38;
	[tilespmem:$0x18200] =	vst v63  }
0x70: {  	_ =	swait.ge @p0 [sflag:s1], $0x6000  }
0x71: {  	s11 =	simm.s32 @p0 $0xC000;
	[sflag:s1] =	ssyncset.done @p0 $0x0  }
0x72: {  	s0 =	simm.s32 @p0 $0x0;
	[sflag:s1] =	ssyncadd.s32 @p0 $0xFFFFA000;
	s1 =	simm.s32 @!p0 $0x5  }
0x73: {  	[hbm4b:s6+s0] =	stream.linear.scatter @p0 [tilespmem:s11], [sflag:$0x7], $0x6000, $0x38;
	[tilespmem:$0x18200] =	vst v63  }
0x74: {  	s25 =	simm.s32 @!p0 $0x0;
	_ =	swait.ge @!p0 [sflag:s1], $0x6000  }
0x75: {  	s0 =	sshra.s32 @!p0 s24, $0x2;
	s24 =	simm.s32 @!p0 $0x20;
	[sflag:s1] =	ssyncset.done @!p0 $0x0  }
0x76: {  	s11 =	sadd.s32 @!p0 $0x18080, s0;
	[sflag:s1] =	ssyncadd.s32 @!p0 $0xFFFFA000;
	s1 =	simm.s32 @!p0 $0x3  }
0x77: {  	[tilespmem:s25], [sflag:$0x1] =	stream.indirect.gather @!p0 [hbm4b:s2+s24], $0x300, s11, s24, $0xb8;
	[tilespmem:$0x18200] =	vst v63  }
0x78: {  	_ =	swait.ge @!p0 [sflag:s1], $0x6000  }
0x79: {  	s11 =	sadd.s32 @!p0 $0x1800, s23;
	[sflag:s1] =	ssyncset.done @!p0 $0x0  }
0x7a: {  	s23 =	simm.s32 @!p0 $0xC000;
	[sflag:s1] =	ssyncadd.s32 @!p0 $0xFFFFA000;
	s1 =	simm.s32 @!p0 $0x6  }
0x7b: {  	[hbm4b:s11+s25] =	stream.linear.scatter @!p0 [tilespmem:s23], [sflag:$0x7], $0x6000, $0x38;
	[tilespmem:$0x18200] =	vst v63  }
0x7c: {  	_ =	swait.ge @!p0 [sflag:s1], $0x6000  }
0x7d: {  	[sflag:s1] =	ssyncset.done @!p0 $0x0  }
0x7e: {  	s0 =	sadd.s32 @!p0 $0x180A0, s0;
	s11 =	simm.s32 @!p0 $0x6000;
	[sflag:s1] =	ssyncadd.s32 @!p0 $0xFFFFA000  }
0x7f: {  	[tilespmem:s11], [sflag:$0x2] =	stream.indirect.gather @!p0 [hbm4b:s2+s24], $0x300, s0, s24, $0xb8;
	[tilespmem:$0x18200] =	vst v63  }
0x80: {  	_ =	swait.ge [sflag:s16], $0x6000  }
0x81: {  	[sflag:s16] =	ssyncset.done $0x0  }
0x82: {  	[sflag:s16] =	ssyncadd.s32 $0xFFFFA000  }
0x83: {  	[hbm4b:s22+s3] =	stream.linear.scatter [tilespmem:s14], [sflag:$0x8], $0x6000, $0x38;
	[tilespmem:$0x18200] =	vst v63  }
0x84: {  	_ =	swait.ge [sflag:s17], $0x6000  }
0x85: {  	[sflag:s17] =	ssyncset.done $0x0  }
0x86: {  	[sflag:s17] =	ssyncadd.s32 $0xFFFFA000  }
0x87: {  	_ =	swait.ge [sflag:s18], $0x6000  }
0x88: {  	[sflag:s18] =	ssyncset.done $0x0  }
0x89: {  	s21 =	sadd.s32 $0x1, s21;
	[sflag:s18] =	ssyncadd.s32 $0xFFFFA000  }
0x8a: {  	p0 =	sne.s32 s21, s5;
	_ =	swait.ge [sflag:s19], $0x6000  }
.Ltmp1:
0x8b: {  	[sflag:s19] =	ssyncset.done $0x0;
	(pc) =	sbr.rel @p0 .LBB2_1-.Ltmp1, $4  }
0x8c: {  	[sflag:s19] =	ssyncadd.s32 $0xFFFFA000  }
0x8d: {  	_ =	swait.ge [sflag:s20], $0x6000  }
0x8e: {  	[sflag:s20] =	ssyncset.done $0x0  }
0x8f: {  	[sflag:s20] =	ssyncadd.s32 $0xFFFFA000  }
0x90: {  	_ =	sfence.sel $0x180000  }
0x91: {  	[bflag:$0x0] =	sbarrier.arrive $0xFFFF  }
0x92: {  	_ =	strace $0x90000050  }
0x93: {  	s0 =	stileid.u32;
	[bflag:$0x2] =	sbarrier.arrive $0xFFFF  }
0x94: {  	p0 =	sne.s32 s0, $0x0;
	s0 =	rddreg [dreg:$0x2]  }
0x95: {  	s0 =	sadd.s32 @!p0 $0x100000, s0  }
0x96: {  	[sflag:s0] =	ssyncadd.tile.s32 @!p0 $0x1;
	_ =	shalt  }
.Lfunc_end2:
_tile_overlayer_lowered:
.L_overlay_start_2:
0x97: {  	(tag) =	ssettag $0x2  }
0x98: {  	s0 =	rddreg [dreg:$0x0];
	s2 =	stileid.u32  }
0x99: {  	s1 =	rddreg [dreg:$0x1];
	p0 =	sne.s32 s2, $0x0  }
0x9a: {  	s3 =	rddreg [dreg:$0x2];
	[bflag:$0x3] =	sbarrier.arrive $0xFFFF;
	s2 =	simm.s32 @!p0 $0x1C09  }
0x9b: {  	[timem:s3], [sflag:s2] =	dma.local @!p0 [hbm:s0], s1  }
0x9c: {  	s0 =	simm.s32 @!p0 $0x9  }
0x9d: {  	_ =	swait.ge @!p0 [sflag:s0], s1  }
0x9e: {  	s1 =	ssub.s32 @!p0 $0x0, s1;
	[sflag:s0] =	ssyncset.done @!p0 $0x0  }
0x9f: {  	[sflag:s0] =	ssyncadd.s32 @!p0 s1  }
0xa0: {  	[bflag:$0x3] =	sbarrier.arrive $0xFFFF  }
0xa1: {  	_ =	shalt  }

</sc_bundles>
